<compile_context>
chip_gen: v7x
topology: tpu7x:2x2x1
jax: 0.10.2.dev20260603
libtpu: 0.0.44.dev20260713+nightly
codegen_flags: <defaults>
</compile_context>

<pallas_src>
import functools

import jax
import jax.numpy as jnp
from jax import lax
from jax.experimental import pallas as pl
from jax.experimental.pallas import tpu as pltpu
from jax.experimental.pallas import tpu_sc as plsc

_SIZE = 4096
_NC = 2
_NS = 16
_NW = _NC * _NS
_L = 16
_R = 4
_NBUF = 4


def _bspline_call(x, a_t, b_t):
    b_dim, one, h, w = x.shape
    rows = b_dim * h
    rows_w = rows // _NW
    nch = rows_w // _R
    mesh = plsc.VectorSubcoreMesh(core_axis_name="c", subcore_axis_name="s")

    @functools.partial(
        pl.kernel,
        out_type=jax.ShapeDtypeStruct(x.shape, jnp.float32),
        mesh=mesh,
        scratch_types=[
            pltpu.VMEM((_SIZE,), jnp.float32),
            pltpu.VMEM((_SIZE,), jnp.float32),
            pltpu.VMEM((_NBUF, _R, 2048), jnp.float32),
            pltpu.VMEM((_NBUF, _R, 2048), jnp.float32),
        ] + [pltpu.SemaphoreType.DMA] * (2 * _NBUF),
        compiler_params=pltpu.CompilerParams(
            needs_layout_passes=False, use_tc_tiling_on_sc=True),
    )
    def k(x_hbm, a_hbm, b_hbm, out_hbm, a_v, b_v, in_v, out_v, *sems):
        wid = lax.axis_index("s") * _NC + lax.axis_index("c")
        row0 = wid * rows_w
        batch = row0 // h
        brow0 = row0 % h
        sems_in = sems[:_NBUF]
        sems_out = sems[_NBUF:]

        pltpu.sync_copy(a_hbm, a_v)
        pltpu.sync_copy(b_hbm, b_v)

        def in_cp(g, b):
            return pltpu.make_async_copy(
                x_hbm.at[batch, 0, pl.ds(brow0 + g * _R, _R), :],
                in_v.at[b], sems_in[b])

        def out_cp(g, b):
            return pltpu.make_async_copy(
                out_v.at[b],
                out_hbm.at[batch, 0, pl.ds(brow0 + g * _R, _R), :],
                sems_out[b])

        def compute(b):
            @plsc.parallel_loop(0, w, step=_L, unroll=8)
            def _vec(j):
                for r in range(_R):
                    xv = in_v[b, r, pl.ds(j, _L)]
                    t = xv * 1000.0 + 2048.0
                    t = jnp.minimum(jnp.maximum(t, 0.0), 4095.0)
                    i = t.astype(jnp.int32)
                    a = plsc.load_gather(a_v, [i])
                    bb = plsc.load_gather(b_v, [i])
                    out_v[b, r, pl.ds(j, _L)] = a * t + bb

        for b in range(_NBUF):
            in_cp(b, b).start()

        def ring(p, carry):
            for b in range(_NBUF):
                g = p * _NBUF + b
                in_cp(g, b).wait()

                @pl.when(g >= _NBUF)
                def _wait_out():
                    out_cp(g - _NBUF, b).wait()

                compute(b)
                out_cp(g, b).start()

                @pl.when(g + _NBUF < nch)
                def _next_in():
                    in_cp(g + _NBUF, b).start()

            return carry

        lax.fori_loop(0, nch // _NBUF, ring, 0)
        for b in range(_NBUF):
            out_cp(nch - _NBUF + b, b).wait()

    return k(x, a_t, b_t)


def kernel(x, coefficients_vect):
    c = coefficients_vect
    lo_t = jnp.roll(c, 2048)
    d_t = jnp.roll(c, 2047) - lo_t
    b_t = lo_t - jnp.arange(_SIZE, dtype=jnp.float32) * d_t
    return _bspline_call(x, d_t, b_t)

# --- scband reference (transcript-rebuilt; emitter-appended) ---
"""Pipeline reference for scband-single-bspline-9689446220060 (READ-ONLY COPY).

The authoritative reference and input builder live on the scoring server;
editing this copy changes nothing except your own understanding.
"""

import jax, jax.numpy as jnp
import numpy as np

SIZE = 4096
GRID = 0.001

def setup_inputs(seed: int = 0) -> dict:
    key = jax.random.key(seed)
    k1, k2 = jax.random.split(key)
    x = jax.random.normal(k1, (4, 1, 4096, 2048), dtype=jnp.float32)
    coefficients_vect = jax.random.normal(k2, (SIZE,), dtype=jnp.float32)
    return {"x": x, "coefficients_vect": coefficients_vect}

def reference(x, coefficients_vect):
    grid = jnp.float32(GRID)
    half = SIZE // 2
    # x_clamped = x.clamp(min=-(grid*(size//2)), max=grid*(size//2-1))
    x_clamped = jnp.clip(x, -grid * half, grid * (half - 1))
    floored_x = jnp.floor(x_clamped / grid)
    fracs = x_clamped / grid - floored_x
    # zero_knot_indexes.view(1,-1,1,1) with num_activations=1, value 0
    zero_knot = jnp.zeros((1, 1, 1, 1), dtype=jnp.float32)
    indexes = (zero_knot + floored_x).astype(jnp.int32)
    # torch indexing with negative indices wraps; match with mode='wrap'
    c_hi = jnp.take(coefficients_vect, indexes + 1, mode='wrap')
    c_lo = jnp.take(coefficients_vect, indexes, mode='wrap')
    activation_output = c_hi * fracs + c_lo * (1.0 - fracs)
    return activation_output

if __name__ == "__main__":
    import jax
    _d = setup_inputs()
    print(jax.jit(kernel)(*tuple(_d.values())))

</pallas_src>

<mosaic_0001>
#map = affine_map<(d0, d1) -> (0, 0, 0, 0)>
#map1 = affine_map<(d0, d1) -> (0)>
module attributes {stable_mosaic.version = 14 : i64} {
  func.func @k(%arg0: i32, %arg1: i32, %arg2: memref<4x1x4096x2048xf32, #tpu.memory_space<hbm>>, %arg3: memref<4096xf32, #tpu.memory_space<hbm>>, %arg4: memref<4096xf32, #tpu.memory_space<hbm>>, %arg5: memref<4x1x4096x2048xf32, #tpu.memory_space<hbm>>, %arg6: memref<4096xf32, #tpu.memory_space<vmem>>, %arg7: memref<4096xf32, #tpu.memory_space<vmem>>, %arg8: memref<4x4x2048xf32, #tpu.memory_space<vmem>>, %arg9: memref<4x4x2048xf32, #tpu.memory_space<vmem>>, %arg10: memref<!tpu.dma_semaphore, #tpu.memory_space<semaphore_mem>>, %arg11: memref<!tpu.dma_semaphore, #tpu.memory_space<semaphore_mem>>, %arg12: memref<!tpu.dma_semaphore, #tpu.memory_space<semaphore_mem>>, %arg13: memref<!tpu.dma_semaphore, #tpu.memory_space<semaphore_mem>>, %arg14: memref<!tpu.dma_semaphore, #tpu.memory_space<semaphore_mem>>, %arg15: memref<!tpu.dma_semaphore, #tpu.memory_space<semaphore_mem>>, %arg16: memref<!tpu.dma_semaphore, #tpu.memory_space<semaphore_mem>>, %arg17: memref<!tpu.dma_semaphore, #tpu.memory_space<semaphore_mem>>) attributes {dimension_semantics = [#tpu.dimension_semantics<core_parallel>, #tpu.dimension_semantics<subcore_parallel>], iteration_bounds = array<i64: 2, 16>, scalar_prefetch = 0 : i64, scratch_operands = 12 : i64, tpu.core_type = #tpu.core_type<sc_vector_subcore>, window_params = [{transform_indices = #map}, {transform_indices = #map1}, {transform_indices = #map1}, {transform_indices = #map}]} {
    %mul3A = arith.constant 2 : i32
    %mul3A_0 = arith.muli %arg1, %mul3A : i32
    %add3A = arith.addi %mul3A_0, %arg0 : i32
    %mul3A_1 = arith.constant 512 : i32
    %mul3A_2 = arith.muli %add3A, %mul3A_1 : i32
    %jit3A = arith.constant 4096 : i32
    %div3A = arith.divsi %mul3A_2, %jit3A : i32
    %sign3A = arith.constant 0 : i32
    %sign3A_3 = arith.cmpi sgt, %mul3A_2, %sign3A : i32
    %sign3A_4 = arith.extui %sign3A_3 : i1 to i32
    %sign3A_5 = arith.constant 0 : i32
    %sign3A_6 = arith.cmpi slt, %mul3A_2, %sign3A_5 : i32
    %sign3A_7 = arith.extui %sign3A_6 : i1 to i32
    %sign3A_8 = arith.subi %sign3A_4, %sign3A_7 : i32
    %sign3A_9 = arith.constant 0 : i32
    %sign3A_10 = arith.cmpi sgt, %jit3A, %sign3A_9 : i32
    %sign3A_11 = arith.extui %sign3A_10 : i1 to i32
    %sign3A_12 = arith.constant 0 : i32
    %sign3A_13 = arith.cmpi slt, %jit3A, %sign3A_12 : i32
    %sign3A_14 = arith.extui %sign3A_13 : i1 to i32
    %sign3A_15 = arith.subi %sign3A_11, %sign3A_14 : i32
    %ne3A = arith.cmpi ne, %sign3A_8, %sign3A_15 : i32
    %rem3A = arith.remsi %mul3A_2, %jit3A : i32
    %ne3A_16 = arith.constant 0 : i32
    %ne3A_17 = arith.cmpi ne, %rem3A, %ne3A_16 : i32
    %and3A = arith.andi %ne3A, %ne3A_17 : i1
    %sub3A = arith.constant 1 : i32
    %sub3A_18 = arith.subi %div3A, %sub3A : i32
    %select_n3A = arith.select %and3A, %sub3A_18, %div3A : i32
    %jit3A_19 = arith.constant 4096 : i32
    %eq3A = arith.constant 0 : i32
    %eq3A_20 = arith.cmpi eq, %jit3A_19, %eq3A : i32
    %jit3A_21 = arith.constant 1 : i32
    %select_n3A_22 = arith.select %eq3A_20, %jit3A_21, %jit3A_19 : i32
    %rem3A_23 = arith.remsi %mul3A_2, %select_n3A_22 : i32
    %ne3A_24 = arith.constant 0 : i32
    %ne3A_25 = arith.cmpi ne, %rem3A_23, %ne3A_24 : i32
    %lt3A = arith.constant 0 : i32
    %lt3A_26 = arith.cmpi slt, %rem3A_23, %lt3A : i32
    %lt3A_27 = arith.constant 0 : i32
    %lt3A_28 = arith.cmpi slt, %select_n3A_22, %lt3A_27 : i32
    %ne3A_29 = arith.xori %lt3A_26, %lt3A_28 : i1
    %and3A_30 = arith.andi %ne3A_29, %ne3A_25 : i1
    %add3A_31 = arith.addi %rem3A_23, %select_n3A_22 : i32
    %select_n3A_32 = arith.select %and3A_30, %add3A_31, %rem3A_23 : i32
    "tpu.region"() ({
      %run_scoped3A = tpu.sem_alloc : memref<!tpu.dma_semaphore, #tpu.memory_space<semaphore_mem>>
      tpu.enqueue_dma source(%arg3 : memref<4096xf32, #tpu.memory_space<hbm>>) target(%arg6 : memref<4096xf32, #tpu.memory_space<vmem>>) target_semaphore(%run_scoped3A : memref<!tpu.dma_semaphore, #tpu.memory_space<semaphore_mem>>)
      tpu.wait_dma2 semaphore(%run_scoped3A : memref<!tpu.dma_semaphore, #tpu.memory_space<semaphore_mem>>) src(%arg3 : memref<4096xf32, #tpu.memory_space<hbm>>) dst(%arg6 : memref<4096xf32, #tpu.memory_space<vmem>>)
      tpu.yield
    }) : () -> ()
    "tpu.region"() ({
      %run_scoped3A = tpu.sem_alloc : memref<!tpu.dma_semaphore, #tpu.memory_space<semaphore_mem>>
      tpu.enqueue_dma source(%arg4 : memref<4096xf32, #tpu.memory_space<hbm>>) target(%arg7 : memref<4096xf32, #tpu.memory_space<vmem>>) target_semaphore(%run_scoped3A : memref<!tpu.dma_semaphore, #tpu.memory_space<semaphore_mem>>)
      tpu.wait_dma2 semaphore(%run_scoped3A : memref<!tpu.dma_semaphore, #tpu.memory_space<semaphore_mem>>) src(%arg4 : memref<4096xf32, #tpu.memory_space<hbm>>) dst(%arg7 : memref<4096xf32, #tpu.memory_space<vmem>>)
      tpu.yield
    }) : () -> ()
    %add3A_33 = arith.constant 0 : i32
    %add3A_34 = arith.addi %select_n3A_32, %add3A_33 : i32
    %dma_start3A = arith.constant 0 : i32
    %dma_start3A_35 = arith.constant 0 : i32
    %dma_start3A_36 = arith.constant 0 : i32
    %dma_start3A_37 = arith.constant 0 : i32
    %dma_start3A_38 = tpu.memref_slice %arg8[%dma_start3A_35, %dma_start3A_36, %dma_start3A_37] : memref<4x4x2048xf32, #tpu.memory_space<vmem>> -> memref<1x4x2048xf32, #tpu.memory_space<vmem>>
    %dma_start3A_39 = tpu.memref_squeeze %dma_start3A_38 : memref<1x4x2048xf32, #tpu.memory_space<vmem>> -> memref<4x2048xf32, #tpu.memory_space<vmem>>
    %dma_start3A_40 = arith.constant 0 : i32
    %dma_start3A_41 = tpu.memref_slice %arg2[%select_n3A, %dma_start3A, %add3A_34, %dma_start3A_40] : memref<4x1x4096x2048xf32, #tpu.memory_space<hbm>> -> memref<1x1x4x2048xf32, #tpu.memory_space<hbm>>
    %dma_start3A_42 = tpu.memref_squeeze %dma_start3A_41 : memref<1x1x4x2048xf32, #tpu.memory_space<hbm>> -> memref<4x2048xf32, #tpu.memory_space<hbm>>
    %dma_start3A_43 = arith.constant 0 : i32
    %dma_start3A_44 = arith.constant 0 : i32
    %dma_start3A_45 = tpu.memref_slice %arg8[%dma_start3A_35, %dma_start3A_43, %dma_start3A_44] : memref<4x4x2048xf32, #tpu.memory_space<vmem>> -> memref<1x4x2048xf32, #tpu.memory_space<vmem>>
    %dma_start3A_46 = tpu.memref_squeeze %dma_start3A_45 : memref<1x4x2048xf32, #tpu.memory_space<vmem>> -> memref<4x2048xf32, #tpu.memory_space<vmem>>
    %dma_start3A_47 = arith.constant 0 : i32
    %dma_start3A_48 = tpu.memref_slice %arg2[%select_n3A, %dma_start3A, %add3A_34, %dma_start3A_47] : memref<4x1x4096x2048xf32, #tpu.memory_space<hbm>> -> memref<1x1x4x2048xf32, #tpu.memory_space<hbm>>
    %dma_start3A_49 = tpu.memref_squeeze %dma_start3A_48 : memref<1x1x4x2048xf32, #tpu.memory_space<hbm>> -> memref<4x2048xf32, #tpu.memory_space<hbm>>
    tpu.enqueue_dma source(%dma_start3A_49 : memref<4x2048xf32, #tpu.memory_space<hbm>>) target(%dma_start3A_46 : memref<4x2048xf32, #tpu.memory_space<vmem>>) target_semaphore(%arg10 : memref<!tpu.dma_semaphore, #tpu.memory_space<semaphore_mem>>)
    %add3A_50 = arith.constant 4 : i32
    %add3A_51 = arith.addi %select_n3A_32, %add3A_50 : i32
    %dma_start3A_52 = arith.constant 0 : i32
    %dma_start3A_53 = arith.constant 1 : i32
    %dma_start3A_54 = arith.constant 0 : i32
    %dma_start3A_55 = arith.constant 0 : i32
    %dma_start3A_56 = tpu.memref_slice %arg8[%dma_start3A_53, %dma_start3A_54, %dma_start3A_55] : memref<4x4x2048xf32, #tpu.memory_space<vmem>> -> memref<1x4x2048xf32, #tpu.memory_space<vmem>>
    %dma_start3A_57 = tpu.memref_squeeze %dma_start3A_56 : memref<1x4x2048xf32, #tpu.memory_space<vmem>> -> memref<4x2048xf32, #tpu.memory_space<vmem>>
    %dma_start3A_58 = arith.constant 0 : i32
    %dma_start3A_59 = tpu.memref_slice %arg2[%select_n3A, %dma_start3A_52, %add3A_51, %dma_start3A_58] : memref<4x1x4096x2048xf32, #tpu.memory_space<hbm>> -> memref<1x1x4x2048xf32, #tpu.memory_space<hbm>>
    %dma_start3A_60 = tpu.memref_squeeze %dma_start3A_59 : memref<1x1x4x2048xf32, #tpu.memory_space<hbm>> -> memref<4x2048xf32, #tpu.memory_space<hbm>>
    %dma_start3A_61 = arith.constant 0 : i32
    %dma_start3A_62 = arith.constant 0 : i32
    %dma_start3A_63 = tpu.memref_slice %arg8[%dma_start3A_53, %dma_start3A_61, %dma_start3A_62] : memref<4x4x2048xf32, #tpu.memory_space<vmem>> -> memref<1x4x2048xf32, #tpu.memory_space<vmem>>
    %dma_start3A_64 = tpu.memref_squeeze %dma_start3A_63 : memref<1x4x2048xf32, #tpu.memory_space<vmem>> -> memref<4x2048xf32, #tpu.memory_space<vmem>>
    %dma_start3A_65 = arith.constant 0 : i32
    %dma_start3A_66 = tpu.memref_slice %arg2[%select_n3A, %dma_start3A_52, %add3A_51, %dma_start3A_65] : memref<4x1x4096x2048xf32, #tpu.memory_space<hbm>> -> memref<1x1x4x2048xf32, #tpu.memory_space<hbm>>
    %dma_start3A_67 = tpu.memref_squeeze %dma_start3A_66 : memref<1x1x4x2048xf32, #tpu.memory_space<hbm>> -> memref<4x2048xf32, #tpu.memory_space<hbm>>
    tpu.enqueue_dma source(%dma_start3A_67 : memref<4x2048xf32, #tpu.memory_space<hbm>>) target(%dma_start3A_64 : memref<4x2048xf32, #tpu.memory_space<vmem>>) target_semaphore(%arg11 : memref<!tpu.dma_semaphore, #tpu.memory_space<semaphore_mem>>)
    %add3A_68 = arith.constant 8 : i32
    %add3A_69 = arith.addi %select_n3A_32, %add3A_68 : i32
    %dma_start3A_70 = arith.constant 0 : i32
    %dma_start3A_71 = arith.constant 2 : i32
    %dma_start3A_72 = arith.constant 0 : i32
    %dma_start3A_73 = arith.constant 0 : i32
    %dma_start3A_74 = tpu.memref_slice %arg8[%dma_start3A_71, %dma_start3A_72, %dma_start3A_73] : memref<4x4x2048xf32, #tpu.memory_space<vmem>> -> memref<1x4x2048xf32, #tpu.memory_space<vmem>>
    %dma_start3A_75 = tpu.memref_squeeze %dma_start3A_74 : memref<1x4x2048xf32, #tpu.memory_space<vmem>> -> memref<4x2048xf32, #tpu.memory_space<vmem>>
    %dma_start3A_76 = arith.constant 0 : i32
    %dma_start3A_77 = tpu.memref_slice %arg2[%select_n3A, %dma_start3A_70, %add3A_69, %dma_start3A_76] : memref<4x1x4096x2048xf32, #tpu.memory_space<hbm>> -> memref<1x1x4x2048xf32, #tpu.memory_space<hbm>>
    %dma_start3A_78 = tpu.memref_squeeze %dma_start3A_77 : memref<1x1x4x2048xf32, #tpu.memory_space<hbm>> -> memref<4x2048xf32, #tpu.memory_space<hbm>>
    %dma_start3A_79 = arith.constant 0 : i32
    %dma_start3A_80 = arith.constant 0 : i32
    %dma_start3A_81 = tpu.memref_slice %arg8[%dma_start3A_71, %dma_start3A_79, %dma_start3A_80] : memref<4x4x2048xf32, #tpu.memory_space<vmem>> -> memref<1x4x2048xf32, #tpu.memory_space<vmem>>
    %dma_start3A_82 = tpu.memref_squeeze %dma_start3A_81 : memref<1x4x2048xf32, #tpu.memory_space<vmem>> -> memref<4x2048xf32, #tpu.memory_space<vmem>>
    %dma_start3A_83 = arith.constant 0 : i32
    %dma_start3A_84 = tpu.memref_slice %arg2[%select_n3A, %dma_start3A_70, %add3A_69, %dma_start3A_83] : memref<4x1x4096x2048xf32, #tpu.memory_space<hbm>> -> memref<1x1x4x2048xf32, #tpu.memory_space<hbm>>
    %dma_start3A_85 = tpu.memref_squeeze %dma_start3A_84 : memref<1x1x4x2048xf32, #tpu.memory_space<hbm>> -> memref<4x2048xf32, #tpu.memory_space<hbm>>
    tpu.enqueue_dma source(%dma_start3A_85 : memref<4x2048xf32, #tpu.memory_space<hbm>>) target(%dma_start3A_82 : memref<4x2048xf32, #tpu.memory_space<vmem>>) target_semaphore(%arg12 : memref<!tpu.dma_semaphore, #tpu.memory_space<semaphore_mem>>)
    %add3A_86 = arith.constant 12 : i32
    %add3A_87 = arith.addi %select_n3A_32, %add3A_86 : i32
    %dma_start3A_88 = arith.constant 0 : i32
    %dma_start3A_89 = arith.constant 3 : i32
    %dma_start3A_90 = arith.constant 0 : i32
    %dma_start3A_91 = arith.constant 0 : i32
    %dma_start3A_92 = tpu.memref_slice %arg8[%dma_start3A_89, %dma_start3A_90, %dma_start3A_91] : memref<4x4x2048xf32, #tpu.memory_space<vmem>> -> memref<1x4x2048xf32, #tpu.memory_space<vmem>>
    %dma_start3A_93 = tpu.memref_squeeze %dma_start3A_92 : memref<1x4x2048xf32, #tpu.memory_space<vmem>> -> memref<4x2048xf32, #tpu.memory_space<vmem>>
    %dma_start3A_94 = arith.constant 0 : i32
    %dma_start3A_95 = tpu.memref_slice %arg2[%select_n3A, %dma_start3A_88, %add3A_87, %dma_start3A_94] : memref<4x1x4096x2048xf32, #tpu.memory_space<hbm>> -> memref<1x1x4x2048xf32, #tpu.memory_space<hbm>>
    %dma_start3A_96 = tpu.memref_squeeze %dma_start3A_95 : memref<1x1x4x2048xf32, #tpu.memory_space<hbm>> -> memref<4x2048xf32, #tpu.memory_space<hbm>>
    %dma_start3A_97 = arith.constant 0 : i32
    %dma_start3A_98 = arith.constant 0 : i32
    %dma_start3A_99 = tpu.memref_slice %arg8[%dma_start3A_89, %dma_start3A_97, %dma_start3A_98] : memref<4x4x2048xf32, #tpu.memory_space<vmem>> -> memref<1x4x2048xf32, #tpu.memory_space<vmem>>
    %dma_start3A_100 = tpu.memref_squeeze %dma_start3A_99 : memref<1x4x2048xf32, #tpu.memory_space<vmem>> -> memref<4x2048xf32, #tpu.memory_space<vmem>>
    %dma_start3A_101 = arith.constant 0 : i32
    %dma_start3A_102 = tpu.memref_slice %arg2[%select_n3A, %dma_start3A_88, %add3A_87, %dma_start3A_101] : memref<4x1x4096x2048xf32, #tpu.memory_space<hbm>> -> memref<1x1x4x2048xf32, #tpu.memory_space<hbm>>
    %dma_start3A_103 = tpu.memref_squeeze %dma_start3A_102 : memref<1x1x4x2048xf32, #tpu.memory_space<hbm>> -> memref<4x2048xf32, #tpu.memory_space<hbm>>
    tpu.enqueue_dma source(%dma_start3A_103 : memref<4x2048xf32, #tpu.memory_space<hbm>>) target(%dma_start3A_100 : memref<4x2048xf32, #tpu.memory_space<vmem>>) target_semaphore(%arg13 : memref<!tpu.dma_semaphore, #tpu.memory_space<semaphore_mem>>)
    %scan3A = arith.constant 0 : i32
    %scan3A_104 = arith.constant 0 : i32
    %scan3A_105 = arith.constant 32 : i32
    %scan3A_106 = arith.addi %scan3A_104, %scan3A_105 : i32
    %scan3A_107 = arith.constant 1 : i32
    scf.for %scan3A_180 = %scan3A_104 to %scan3A_106 step %scan3A_107  : i32 {
      %mul3A_181 = arith.constant 4 : i32
      %mul3A_182 = arith.muli %scan3A_180, %mul3A_181 : i32
      %add3A_183 = arith.constant 0 : i32
      %add3A_184 = arith.addi %mul3A_182, %add3A_183 : i32
      %mul3A_185 = arith.constant 4 : i32
      %mul3A_186 = arith.muli %add3A_184, %mul3A_185 : i32
      %add3A_187 = arith.addi %select_n3A_32, %mul3A_186 : i32
      %dma_wait3A_188 = arith.constant 0 : i32
      %dma_wait3A_189 = arith.constant 0 : i32
      %dma_wait3A_190 = arith.constant 0 : i32
      %dma_wait3A_191 = arith.constant 0 : i32
      %dma_wait3A_192 = tpu.memref_slice %arg8[%dma_wait3A_189, %dma_wait3A_190, %dma_wait3A_191] : memref<4x4x2048xf32, #tpu.memory_space<vmem>> -> memref<1x4x2048xf32, #tpu.memory_space<vmem>>
      %dma_wait3A_193 = tpu.memref_squeeze %dma_wait3A_192 : memref<1x4x2048xf32, #tpu.memory_space<vmem>> -> memref<4x2048xf32, #tpu.memory_space<vmem>>
      %dma_wait3A_194 = arith.constant 0 : i32
      %dma_wait3A_195 = tpu.memref_slice %arg2[%select_n3A, %dma_wait3A_188, %add3A_187, %dma_wait3A_194] : memref<4x1x4096x2048xf32, #tpu.memory_space<hbm>> -> memref<1x1x4x2048xf32, #tpu.memory_space<hbm>>
      %dma_wait3A_196 = tpu.memref_squeeze %dma_wait3A_195 : memref<1x1x4x2048xf32, #tpu.memory_space<hbm>> -> memref<4x2048xf32, #tpu.memory_space<hbm>>
      %dma_wait3A_197 = arith.constant 0 : i32
      %dma_wait3A_198 = arith.constant 0 : i32
      %dma_wait3A_199 = tpu.memref_slice %arg8[%dma_wait3A_189, %dma_wait3A_197, %dma_wait3A_198] : memref<4x4x2048xf32, #tpu.memory_space<vmem>> -> memref<1x4x2048xf32, #tpu.memory_space<vmem>>
      %dma_wait3A_200 = tpu.memref_squeeze %dma_wait3A_199 : memref<1x4x2048xf32, #tpu.memory_space<vmem>> -> memref<4x2048xf32, #tpu.memory_space<vmem>>
      %dma_wait3A_201 = arith.constant 0 : i32
      %dma_wait3A_202 = tpu.memref_slice %arg2[%select_n3A, %dma_wait3A_188, %add3A_187, %dma_wait3A_201] : memref<4x1x4096x2048xf32, #tpu.memory_space<hbm>> -> memref<1x1x4x2048xf32, #tpu.memory_space<hbm>>
      %dma_wait3A_203 = tpu.memref_squeeze %dma_wait3A_202 : memref<1x1x4x2048xf32, #tpu.memory_space<hbm>> -> memref<4x2048xf32, #tpu.memory_space<hbm>>
      tpu.wait_dma2 semaphore(%arg10 : memref<!tpu.dma_semaphore, #tpu.memory_space<semaphore_mem>>) src(%dma_wait3A_203 : memref<4x2048xf32, #tpu.memory_space<hbm>>) dst(%dma_wait3A_200 : memref<4x2048xf32, #tpu.memory_space<vmem>>)
      %ge3A = arith.constant 4 : i32
      %ge3A_204 = arith.cmpi sge, %add3A_184, %ge3A : i32
      %convert_element_type3A = arith.extui %ge3A_204 : i1 to i32
      %cond3A = arith.constant 0 : i32
      %cond3A_205 = arith.cmpi ne, %convert_element_type3A, %cond3A : i32
      scf.if %cond3A_205 {
        %sub3A_405 = arith.constant 4 : i32
        %sub3A_406 = arith.subi %add3A_184, %sub3A_405 : i32
        %mul3A_407 = arith.constant 4 : i32
        %mul3A_408 = arith.muli %sub3A_406, %mul3A_407 : i32
        %add3A_409 = arith.addi %select_n3A_32, %mul3A_408 : i32
        %dma_wait3A_410 = arith.constant 0 : i32
        %dma_wait3A_411 = arith.constant 0 : i32
        %dma_wait3A_412 = arith.constant 0 : i32
        %dma_wait3A_413 = arith.constant 0 : i32
        %dma_wait3A_414 = tpu.memref_slice %arg9[%dma_wait3A_410, %dma_wait3A_412, %dma_wait3A_413] : memref<4x4x2048xf32, #tpu.memory_space<vmem>> -> memref<1x4x2048xf32, #tpu.memory_space<vmem>>
        %dma_wait3A_415 = tpu.memref_squeeze %dma_wait3A_414 : memref<1x4x2048xf32, #tpu.memory_space<vmem>> -> memref<4x2048xf32, #tpu.memory_space<vmem>>
        %dma_wait3A_416 = arith.constant 0 : i32
        %dma_wait3A_417 = tpu.memref_slice %arg5[%select_n3A, %dma_wait3A_411, %add3A_409, %dma_wait3A_416] : memref<4x1x4096x2048xf32, #tpu.memory_space<hbm>> -> memref<1x1x4x2048xf32, #tpu.memory_space<hbm>>
        %dma_wait3A_418 = tpu.memref_squeeze %dma_wait3A_417 : memref<1x1x4x2048xf32, #tpu.memory_space<hbm>> -> memref<4x2048xf32, #tpu.memory_space<hbm>>
        %dma_wait3A_419 = arith.constant 0 : i32
        %dma_wait3A_420 = tpu.memref_slice %arg5[%select_n3A, %dma_wait3A_411, %add3A_409, %dma_wait3A_419] : memref<4x1x4096x2048xf32, #tpu.memory_space<hbm>> -> memref<1x1x4x2048xf32, #tpu.memory_space<hbm>>
        %dma_wait3A_421 = tpu.memref_squeeze %dma_wait3A_420 : memref<1x1x4x2048xf32, #tpu.memory_space<hbm>> -> memref<4x2048xf32, #tpu.memory_space<hbm>>
        %dma_wait3A_422 = arith.constant 0 : i32
        %dma_wait3A_423 = arith.constant 0 : i32
        %dma_wait3A_424 = tpu.memref_slice %arg9[%dma_wait3A_410, %dma_wait3A_422, %dma_wait3A_423] : memref<4x4x2048xf32, #tpu.memory_space<vmem>> -> memref<1x4x2048xf32, #tpu.memory_space<vmem>>
        %dma_wait3A_425 = tpu.memref_squeeze %dma_wait3A_424 : memref<1x4x2048xf32, #tpu.memory_space<vmem>> -> memref<4x2048xf32, #tpu.memory_space<vmem>>
        tpu.wait_dma2 semaphore(%arg14 : memref<!tpu.dma_semaphore, #tpu.memory_space<semaphore_mem>>) src(%dma_wait3A_425 : memref<4x2048xf32, #tpu.memory_space<vmem>>) dst(%dma_wait3A_421 : memref<4x2048xf32, #tpu.memory_space<hbm>>)
      } else {
      }
      %parallel_loop3A = arith.constant 0 : i32
      %parallel_loop3A_206 = arith.constant 2048 : i32
      %parallel_loop3A_207 = arith.constant 16 : i32
      scf.for %parallel_loop3A_405 = %parallel_loop3A to %parallel_loop3A_206 step %parallel_loop3A_207  : i32 {
        %parallel_loop3A_406 = arith.constant 0 : i32
        %parallel_loop3A_407 = arith.constant 0 : i32
        %parallel_loop3A_408 = arith.index_cast %parallel_loop3A_406 : i32 to index
        %parallel_loop3A_409 = arith.index_cast %parallel_loop3A_407 : i32 to index
        %parallel_loop3A_410 = arith.index_cast %parallel_loop3A_405 : i32 to index
        %parallel_loop3A_411 = tpu.vector_load %arg8[%parallel_loop3A_408, %parallel_loop3A_409, %parallel_loop3A_410] {strides = array<i32>} : memref<4x4x2048xf32, #tpu.memory_space<vmem>>, vector<16xf32>,
        %parallel_loop3A_412 = arith.constant 1.000000e+03 : f32
        %parallel_loop3A_413 = vector.broadcast %parallel_loop3A_412 : f32 to vector<16xf32>
        %parallel_loop3A_414 = arith.mulf %parallel_loop3A_411, %parallel_loop3A_413 : vector<16xf32>
        %parallel_loop3A_415 = arith.constant 2.048000e+03 : f32
        %parallel_loop3A_416 = vector.broadcast %parallel_loop3A_415 : f32 to vector<16xf32>
        %parallel_loop3A_417 = arith.addf %parallel_loop3A_414, %parallel_loop3A_416 : vector<16xf32>
        %parallel_loop3A_418 = arith.constant 0.000000e+00 : f32
        %parallel_loop3A_419 = vector.broadcast %parallel_loop3A_418 : f32 to vector<16xf32>
        %parallel_loop3A_420 = arith.maximumf %parallel_loop3A_417, %parallel_loop3A_419 : vector<16xf32>
        %parallel_loop3A_421 = arith.constant 4.095000e+03 : f32
        %parallel_loop3A_422 = vector.broadcast %parallel_loop3A_421 : f32 to vector<16xf32>
        %parallel_loop3A_423 = arith.minimumf %parallel_loop3A_420, %parallel_loop3A_422 : vector<16xf32>
        %parallel_loop3A_424 = arith.fptosi %parallel_loop3A_423 : vector<16xf32> to vector<16xi32>
        %parallel_loop3A_425 = tpu.vector_load_idx %arg6[%parallel_loop3A_424] : memref<4096xf32, #tpu.memory_space<vmem>>[vector<16xi32>], vector<16xf32>,
        %parallel_loop3A_426 = tpu.vector_load_idx %arg7[%parallel_loop3A_424] : memref<4096xf32, #tpu.memory_space<vmem>>[vector<16xi32>], vector<16xf32>,
        %parallel_loop3A_427 = arith.mulf %parallel_loop3A_425, %parallel_loop3A_423 : vector<16xf32>
        %parallel_loop3A_428 = arith.addf %parallel_loop3A_427, %parallel_loop3A_426 : vector<16xf32>
        %parallel_loop3A_429 = arith.constant 0 : i32
        %parallel_loop3A_430 = arith.constant 0 : i32
        %parallel_loop3A_431 = arith.index_cast %parallel_loop3A_429 : i32 to index
        %parallel_loop3A_432 = arith.index_cast %parallel_loop3A_430 : i32 to index
        %parallel_loop3A_433 = arith.index_cast %parallel_loop3A_405 : i32 to index
        %parallel_loop3A_434 = tpu.vector_load %arg9[%parallel_loop3A_431, %parallel_loop3A_432, %parallel_loop3A_433] {strides = array<i32>} : memref<4x4x2048xf32, #tpu.memory_space<vmem>>, vector<16xf32>,
        tpu.vector_store %arg9[%parallel_loop3A_431, %parallel_loop3A_432, %parallel_loop3A_433], %parallel_loop3A_428 {strides = array<i32>} : memref<4x4x2048xf32, #tpu.memory_space<vmem>>, vector<16xf32>,
        %parallel_loop3A_435 = arith.constant 0 : i32
        %parallel_loop3A_436 = arith.constant 1 : i32
        %parallel_loop3A_437 = arith.index_cast %parallel_loop3A_435 : i32 to index
        %parallel_loop3A_438 = arith.index_cast %parallel_loop3A_436 : i32 to index
        %parallel_loop3A_439 = arith.index_cast %parallel_loop3A_405 : i32 to index
        %parallel_loop3A_440 = tpu.vector_load %arg8[%parallel_loop3A_437, %parallel_loop3A_438, %parallel_loop3A_439] {strides = array<i32>} : memref<4x4x2048xf32, #tpu.memory_space<vmem>>, vector<16xf32>,
        %parallel_loop3A_441 = arith.constant 1.000000e+03 : f32
        %parallel_loop3A_442 = vector.broadcast %parallel_loop3A_441 : f32 to vector<16xf32>
        %parallel_loop3A_443 = arith.mulf %parallel_loop3A_440, %parallel_loop3A_442 : vector<16xf32>
        %parallel_loop3A_444 = arith.constant 2.048000e+03 : f32
        %parallel_loop3A_445 = vector.broadcast %parallel_loop3A_444 : f32 to vector<16xf32>
        %parallel_loop3A_446 = arith.addf %parallel_loop3A_443, %parallel_loop3A_445 : vector<16xf32>
        %parallel_loop3A_447 = arith.constant 0.000000e+00 : f32
        %parallel_loop3A_448 = vector.broadcast %parallel_loop3A_447 : f32 to vector<16xf32>
        %parallel_loop3A_449 = arith.maximumf %parallel_loop3A_446, %parallel_loop3A_448 : vector<16xf32>
        %parallel_loop3A_450 = arith.constant 4.095000e+03 : f32
        %parallel_loop3A_451 = vector.broadcast %parallel_loop3A_450 : f32 to vector<16xf32>
        %parallel_loop3A_452 = arith.minimumf %parallel_loop3A_449, %parallel_loop3A_451 : vector<16xf32>
        %parallel_loop3A_453 = arith.fptosi %parallel_loop3A_452 : vector<16xf32> to vector<16xi32>
        %parallel_loop3A_454 = tpu.vector_load_idx %arg6[%parallel_loop3A_453] : memref<4096xf32, #tpu.memory_space<vmem>>[vector<16xi32>], vector<16xf32>,
        %parallel_loop3A_455 = tpu.vector_load_idx %arg7[%parallel_loop3A_453] : memref<4096xf32, #tpu.memory_space<vmem>>[vector<16xi32>], vector<16xf32>,
        %parallel_loop3A_456 = arith.mulf %parallel_loop3A_454, %parallel_loop3A_452 : vector<16xf32>
        %parallel_loop3A_457 = arith.addf %parallel_loop3A_456, %parallel_loop3A_455 : vector<16xf32>
        %parallel_loop3A_458 = arith.constant 0 : i32
        %parallel_loop3A_459 = arith.constant 1 : i32
        %parallel_loop3A_460 = arith.index_cast %parallel_loop3A_458 : i32 to index
        %parallel_loop3A_461 = arith.index_cast %parallel_loop3A_459 : i32 to index
        %parallel_loop3A_462 = arith.index_cast %parallel_loop3A_405 : i32 to index
        %parallel_loop3A_463 = tpu.vector_load %arg9[%parallel_loop3A_460, %parallel_loop3A_461, %parallel_loop3A_462] {strides = array<i32>} : memref<4x4x2048xf32, #tpu.memory_space<vmem>>, vector<16xf32>,
        tpu.vector_store %arg9[%parallel_loop3A_460, %parallel_loop3A_461, %parallel_loop3A_462], %parallel_loop3A_457 {strides = array<i32>} : memref<4x4x2048xf32, #tpu.memory_space<vmem>>, vector<16xf32>,
        %parallel_loop3A_464 = arith.constant 0 : i32
        %parallel_loop3A_465 = arith.constant 2 : i32
        %parallel_loop3A_466 = arith.index_cast %parallel_loop3A_464 : i32 to index
        %parallel_loop3A_467 = arith.index_cast %parallel_loop3A_465 : i32 to index
        %parallel_loop3A_468 = arith.index_cast %parallel_loop3A_405 : i32 to index
        %parallel_loop3A_469 = tpu.vector_load %arg8[%parallel_loop3A_466, %parallel_loop3A_467, %parallel_loop3A_468] {strides = array<i32>} : memref<4x4x2048xf32, #tpu.memory_space<vmem>>, vector<16xf32>,
        %parallel_loop3A_470 = arith.constant 1.000000e+03 : f32
        %parallel_loop3A_471 = vector.broadcast %parallel_loop3A_470 : f32 to vector<16xf32>
        %parallel_loop3A_472 = arith.mulf %parallel_loop3A_469, %parallel_loop3A_471 : vector<16xf32>
        %parallel_loop3A_473 = arith.constant 2.048000e+03 : f32
        %parallel_loop3A_474 = vector.broadcast %parallel_loop3A_473 : f32 to vector<16xf32>
        %parallel_loop3A_475 = arith.addf %parallel_loop3A_472, %parallel_loop3A_474 : vector<16xf32>
        %parallel_loop3A_476 = arith.constant 0.000000e+00 : f32
        %parallel_loop3A_477 = vector.broadcast %parallel_loop3A_476 : f32 to vector<16xf32>
        %parallel_loop3A_478 = arith.maximumf %parallel_loop3A_475, %parallel_loop3A_477 : vector<16xf32>
        %parallel_loop3A_479 = arith.constant 4.095000e+03 : f32
        %parallel_loop3A_480 = vector.broadcast %parallel_loop3A_479 : f32 to vector<16xf32>
        %parallel_loop3A_481 = arith.minimumf %parallel_loop3A_478, %parallel_loop3A_480 : vector<16xf32>
        %parallel_loop3A_482 = arith.fptosi %parallel_loop3A_481 : vector<16xf32> to vector<16xi32>
        %parallel_loop3A_483 = tpu.vector_load_idx %arg6[%parallel_loop3A_482] : memref<4096xf32, #tpu.memory_space<vmem>>[vector<16xi32>], vector<16xf32>,
        %parallel_loop3A_484 = tpu.vector_load_idx %arg7[%parallel_loop3A_482] : memref<4096xf32, #tpu.memory_space<vmem>>[vector<16xi32>], vector<16xf32>,
        %parallel_loop3A_485 = arith.mulf %parallel_loop3A_483, %parallel_loop3A_481 : vector<16xf32>
        %parallel_loop3A_486 = arith.addf %parallel_loop3A_485, %parallel_loop3A_484 : vector<16xf32>
        %parallel_loop3A_487 = arith.constant 0 : i32
        %parallel_loop3A_488 = arith.constant 2 : i32
        %parallel_loop3A_489 = arith.index_cast %parallel_loop3A_487 : i32 to index
        %parallel_loop3A_490 = arith.index_cast %parallel_loop3A_488 : i32 to index
        %parallel_loop3A_491 = arith.index_cast %parallel_loop3A_405 : i32 to index
        %parallel_loop3A_492 = tpu.vector_load %arg9[%parallel_loop3A_489, %parallel_loop3A_490, %parallel_loop3A_491] {strides = array<i32>} : memref<4x4x2048xf32, #tpu.memory_space<vmem>>, vector<16xf32>,
        tpu.vector_store %arg9[%parallel_loop3A_489, %parallel_loop3A_490, %parallel_loop3A_491], %parallel_loop3A_486 {strides = array<i32>} : memref<4x4x2048xf32, #tpu.memory_space<vmem>>, vector<16xf32>,
        %parallel_loop3A_493 = arith.constant 0 : i32
        %parallel_loop3A_494 = arith.constant 3 : i32
        %parallel_loop3A_495 = arith.index_cast %parallel_loop3A_493 : i32 to index
        %parallel_loop3A_496 = arith.index_cast %parallel_loop3A_494 : i32 to index
        %parallel_loop3A_497 = arith.index_cast %parallel_loop3A_405 : i32 to index
        %parallel_loop3A_498 = tpu.vector_load %arg8[%parallel_loop3A_495, %parallel_loop3A_496, %parallel_loop3A_497] {strides = array<i32>} : memref<4x4x2048xf32, #tpu.memory_space<vmem>>, vector<16xf32>,
        %parallel_loop3A_499 = arith.constant 1.000000e+03 : f32
        %parallel_loop3A_500 = vector.broadcast %parallel_loop3A_499 : f32 to vector<16xf32>
        %parallel_loop3A_501 = arith.mulf %parallel_loop3A_498, %parallel_loop3A_500 : vector<16xf32>
        %parallel_loop3A_502 = arith.constant 2.048000e+03 : f32
        %parallel_loop3A_503 = vector.broadcast %parallel_loop3A_502 : f32 to vector<16xf32>
        %parallel_loop3A_504 = arith.addf %parallel_loop3A_501, %parallel_loop3A_503 : vector<16xf32>
        %parallel_loop3A_505 = arith.constant 0.000000e+00 : f32
        %parallel_loop3A_506 = vector.broadcast %parallel_loop3A_505 : f32 to vector<16xf32>
        %parallel_loop3A_507 = arith.maximumf %parallel_loop3A_504, %parallel_loop3A_506 : vector<16xf32>
        %parallel_loop3A_508 = arith.constant 4.095000e+03 : f32
        %parallel_loop3A_509 = vector.broadcast %parallel_loop3A_508 : f32 to vector<16xf32>
        %parallel_loop3A_510 = arith.minimumf %parallel_loop3A_507, %parallel_loop3A_509 : vector<16xf32>
        %parallel_loop3A_511 = arith.fptosi %parallel_loop3A_510 : vector<16xf32> to vector<16xi32>
        %parallel_loop3A_512 = tpu.vector_load_idx %arg6[%parallel_loop3A_511] : memref<4096xf32, #tpu.memory_space<vmem>>[vector<16xi32>], vector<16xf32>,
        %parallel_loop3A_513 = tpu.vector_load_idx %arg7[%parallel_loop3A_511] : memref<4096xf32, #tpu.memory_space<vmem>>[vector<16xi32>], vector<16xf32>,
        %parallel_loop3A_514 = arith.mulf %parallel_loop3A_512, %parallel_loop3A_510 : vector<16xf32>
        %parallel_loop3A_515 = arith.addf %parallel_loop3A_514, %parallel_loop3A_513 : vector<16xf32>
        %parallel_loop3A_516 = arith.constant 0 : i32
        %parallel_loop3A_517 = arith.constant 3 : i32
        %parallel_loop3A_518 = arith.index_cast %parallel_loop3A_516 : i32 to index
        %parallel_loop3A_519 = arith.index_cast %parallel_loop3A_517 : i32 to index
        %parallel_loop3A_520 = arith.index_cast %parallel_loop3A_405 : i32 to index
        %parallel_loop3A_521 = tpu.vector_load %arg9[%parallel_loop3A_518, %parallel_loop3A_519, %parallel_loop3A_520] {strides = array<i32>} : memref<4x4x2048xf32, #tpu.memory_space<vmem>>, vector<16xf32>,
        tpu.vector_store %arg9[%parallel_loop3A_518, %parallel_loop3A_519, %parallel_loop3A_520], %parallel_loop3A_515 {strides = array<i32>} : memref<4x4x2048xf32, #tpu.memory_space<vmem>>, vector<16xf32>,
      } {sc.loop_unroll_factor = 8 : i64, sc.parallel_access}
      %mul3A_208 = arith.constant 4 : i32
      %mul3A_209 = arith.muli %add3A_184, %mul3A_208 : i32
      %add3A_210 = arith.addi %select_n3A_32, %mul3A_209 : i32
      %dma_start3A_211 = arith.constant 0 : i32
      %dma_start3A_212 = arith.constant 0 : i32
      %dma_start3A_213 = arith.constant 0 : i32
      %dma_start3A_214 = arith.constant 0 : i32
      %dma_start3A_215 = tpu.memref_slice %arg9[%dma_start3A_211, %dma_start3A_213, %dma_start3A_214] : memref<4x4x2048xf32, #tpu.memory_space<vmem>> -> memref<1x4x2048xf32, #tpu.memory_space<vmem>>
      %dma_start3A_216 = tpu.memref_squeeze %dma_start3A_215 : memref<1x4x2048xf32, #tpu.memory_space<vmem>> -> memref<4x2048xf32, #tpu.memory_space<vmem>>
      %dma_start3A_217 = arith.constant 0 : i32
      %dma_start3A_218 = tpu.memref_slice %arg5[%select_n3A, %dma_start3A_212, %add3A_210, %dma_start3A_217] : memref<4x1x4096x2048xf32, #tpu.memory_space<hbm>> -> memref<1x1x4x2048xf32, #tpu.memory_space<hbm>>
      %dma_start3A_219 = tpu.memref_squeeze %dma_start3A_218 : memref<1x1x4x2048xf32, #tpu.memory_space<hbm>> -> memref<4x2048xf32, #tpu.memory_space<hbm>>
      %dma_start3A_220 = arith.constant 0 : i32
      %dma_start3A_221 = tpu.memref_slice %arg5[%select_n3A, %dma_start3A_212, %add3A_210, %dma_start3A_220] : memref<4x1x4096x2048xf32, #tpu.memory_space<hbm>> -> memref<1x1x4x2048xf32, #tpu.memory_space<hbm>>
      %dma_start3A_222 = tpu.memref_squeeze %dma_start3A_221 : memref<1x1x4x2048xf32, #tpu.memory_space<hbm>> -> memref<4x2048xf32, #tpu.memory_space<hbm>>
      %dma_start3A_223 = arith.constant 0 : i32
      %dma_start3A_224 = arith.constant 0 : i32
      %dma_start3A_225 = tpu.memref_slice %arg9[%dma_start3A_211, %dma_start3A_223, %dma_start3A_224] : memref<4x4x2048xf32, #tpu.memory_space<vmem>> -> memref<1x4x2048xf32, #tpu.memory_space<vmem>>
      %dma_start3A_226 = tpu.memref_squeeze %dma_start3A_225 : memref<1x4x2048xf32, #tpu.memory_space<vmem>> -> memref<4x2048xf32, #tpu.memory_space<vmem>>
      tpu.enqueue_dma source(%dma_start3A_226 : memref<4x2048xf32, #tpu.memory_space<vmem>>) target(%dma_start3A_222 : memref<4x2048xf32, #tpu.memory_space<hbm>>) target_semaphore(%arg14 : memref<!tpu.dma_semaphore, #tpu.memory_space<semaphore_mem>>)
      %add3A_227 = arith.constant 4 : i32
      %add3A_228 = arith.addi %add3A_184, %add3A_227 : i32
      %lt3A_229 = arith.constant 128 : i32
      %lt3A_230 = arith.cmpi slt, %add3A_228, %lt3A_229 : i32
      %convert_element_type3A_231 = arith.extui %lt3A_230 : i1 to i32
      %cond3A_232 = arith.constant 0 : i32
      %cond3A_233 = arith.cmpi ne, %convert_element_type3A_231, %cond3A_232 : i32
      scf.if %cond3A_233 {
        %add3A_405 = arith.constant 4 : i32
        %add3A_406 = arith.addi %add3A_184, %add3A_405 : i32
        %mul3A_407 = arith.constant 4 : i32
        %mul3A_408 = arith.muli %add3A_406, %mul3A_407 : i32
        %add3A_409 = arith.addi %select_n3A_32, %mul3A_408 : i32
        %dma_start3A_410 = arith.constant 0 : i32
        %dma_start3A_411 = arith.constant 0 : i32
        %dma_start3A_412 = arith.constant 0 : i32
        %dma_start3A_413 = arith.constant 0 : i32
        %dma_start3A_414 = tpu.memref_slice %arg8[%dma_start3A_411, %dma_start3A_412, %dma_start3A_413] : memref<4x4x2048xf32, #tpu.memory_space<vmem>> -> memref<1x4x2048xf32, #tpu.memory_space<vmem>>
        %dma_start3A_415 = tpu.memref_squeeze %dma_start3A_414 : memref<1x4x2048xf32, #tpu.memory_space<vmem>> -> memref<4x2048xf32, #tpu.memory_space<vmem>>
        %dma_start3A_416 = arith.constant 0 : i32
        %dma_start3A_417 = tpu.memref_slice %arg2[%select_n3A, %dma_start3A_410, %add3A_409, %dma_start3A_416] : memref<4x1x4096x2048xf32, #tpu.memory_space<hbm>> -> memref<1x1x4x2048xf32, #tpu.memory_space<hbm>>
        %dma_start3A_418 = tpu.memref_squeeze %dma_start3A_417 : memref<1x1x4x2048xf32, #tpu.memory_space<hbm>> -> memref<4x2048xf32, #tpu.memory_space<hbm>>
        %dma_start3A_419 = arith.constant 0 : i32
        %dma_start3A_420 = arith.constant 0 : i32
        %dma_start3A_421 = tpu.memref_slice %arg8[%dma_start3A_411, %dma_start3A_419, %dma_start3A_420] : memref<4x4x2048xf32, #tpu.memory_space<vmem>> -> memref<1x4x2048xf32, #tpu.memory_space<vmem>>
        %dma_start3A_422 = tpu.memref_squeeze %dma_start3A_421 : memref<1x4x2048xf32, #tpu.memory_space<vmem>> -> memref<4x2048xf32, #tpu.memory_space<vmem>>
        %dma_start3A_423 = arith.constant 0 : i32
        %dma_start3A_424 = tpu.memref_slice %arg2[%select_n3A, %dma_start3A_410, %add3A_409, %dma_start3A_423] : memref<4x1x4096x2048xf32, #tpu.memory_space<hbm>> -> memref<1x1x4x2048xf32, #tpu.memory_space<hbm>>
        %dma_start3A_425 = tpu.memref_squeeze %dma_start3A_424 : memref<1x1x4x2048xf32, #tpu.memory_space<hbm>> -> memref<4x2048xf32, #tpu.memory_space<hbm>>
        tpu.enqueue_dma source(%dma_start3A_425 : memref<4x2048xf32, #tpu.memory_space<hbm>>) target(%dma_start3A_422 : memref<4x2048xf32, #tpu.memory_space<vmem>>) target_semaphore(%arg10 : memref<!tpu.dma_semaphore, #tpu.memory_space<semaphore_mem>>)
      } else {
      }
      %mul3A_234 = arith.constant 4 : i32
      %mul3A_235 = arith.muli %scan3A_180, %mul3A_234 : i32
      %add3A_236 = arith.constant 1 : i32
      %add3A_237 = arith.addi %mul3A_235, %add3A_236 : i32
      %mul3A_238 = arith.constant 4 : i32
      %mul3A_239 = arith.muli %add3A_237, %mul3A_238 : i32
      %add3A_240 = arith.addi %select_n3A_32, %mul3A_239 : i32
      %dma_wait3A_241 = arith.constant 0 : i32
      %dma_wait3A_242 = arith.constant 1 : i32
      %dma_wait3A_243 = arith.constant 0 : i32
      %dma_wait3A_244 = arith.constant 0 : i32
      %dma_wait3A_245 = tpu.memref_slice %arg8[%dma_wait3A_242, %dma_wait3A_243, %dma_wait3A_244] : memref<4x4x2048xf32, #tpu.memory_space<vmem>> -> memref<1x4x2048xf32, #tpu.memory_space<vmem>>
      %dma_wait3A_246 = tpu.memref_squeeze %dma_wait3A_245 : memref<1x4x2048xf32, #tpu.memory_space<vmem>> -> memref<4x2048xf32, #tpu.memory_space<vmem>>
      %dma_wait3A_247 = arith.constant 0 : i32
      %dma_wait3A_248 = tpu.memref_slice %arg2[%select_n3A, %dma_wait3A_241, %add3A_240, %dma_wait3A_247] : memref<4x1x4096x2048xf32, #tpu.memory_space<hbm>> -> memref<1x1x4x2048xf32, #tpu.memory_space<hbm>>
      %dma_wait3A_249 = tpu.memref_squeeze %dma_wait3A_248 : memref<1x1x4x2048xf32, #tpu.memory_space<hbm>> -> memref<4x2048xf32, #tpu.memory_space<hbm>>
      %dma_wait3A_250 = arith.constant 0 : i32
      %dma_wait3A_251 = arith.constant 0 : i32
      %dma_wait3A_252 = tpu.memref_slice %arg8[%dma_wait3A_242, %dma_wait3A_250, %dma_wait3A_251] : memref<4x4x2048xf32, #tpu.memory_space<vmem>> -> memref<1x4x2048xf32, #tpu.memory_space<vmem>>
      %dma_wait3A_253 = tpu.memref_squeeze %dma_wait3A_252 : memref<1x4x2048xf32, #tpu.memory_space<vmem>> -> memref<4x2048xf32, #tpu.memory_space<vmem>>
      %dma_wait3A_254 = arith.constant 0 : i32
      %dma_wait3A_255 = tpu.memref_slice %arg2[%select_n3A, %dma_wait3A_241, %add3A_240, %dma_wait3A_254] : memref<4x1x4096x2048xf32, #tpu.memory_space<hbm>> -> memref<1x1x4x2048xf32, #tpu.memory_space<hbm>>
      %dma_wait3A_256 = tpu.memref_squeeze %dma_wait3A_255 : memref<1x1x4x2048xf32, #tpu.memory_space<hbm>> -> memref<4x2048xf32, #tpu.memory_space<hbm>>
      tpu.wait_dma2 semaphore(%arg11 : memref<!tpu.dma_semaphore, #tpu.memory_space<semaphore_mem>>) src(%dma_wait3A_256 : memref<4x2048xf32, #tpu.memory_space<hbm>>) dst(%dma_wait3A_253 : memref<4x2048xf32, #tpu.memory_space<vmem>>)
      %ge3A_257 = arith.constant 4 : i32
      %ge3A_258 = arith.cmpi sge, %add3A_237, %ge3A_257 : i32
      %convert_element_type3A_259 = arith.extui %ge3A_258 : i1 to i32
      %cond3A_260 = arith.constant 0 : i32
      %cond3A_261 = arith.cmpi ne, %convert_element_type3A_259, %cond3A_260 : i32
      scf.if %cond3A_261 {
        %sub3A_405 = arith.constant 4 : i32
        %sub3A_406 = arith.subi %add3A_237, %sub3A_405 : i32
        %mul3A_407 = arith.constant 4 : i32
        %mul3A_408 = arith.muli %sub3A_406, %mul3A_407 : i32
        %add3A_409 = arith.addi %select_n3A_32, %mul3A_408 : i32
        %dma_wait3A_410 = arith.constant 1 : i32
        %dma_wait3A_411 = arith.constant 0 : i32
        %dma_wait3A_412 = arith.constant 0 : i32
        %dma_wait3A_413 = arith.constant 0 : i32
        %dma_wait3A_414 = tpu.memref_slice %arg9[%dma_wait3A_410, %dma_wait3A_412, %dma_wait3A_413] : memref<4x4x2048xf32, #tpu.memory_space<vmem>> -> memref<1x4x2048xf32, #tpu.memory_space<vmem>>
        %dma_wait3A_415 = tpu.memref_squeeze %dma_wait3A_414 : memref<1x4x2048xf32, #tpu.memory_space<vmem>> -> memref<4x2048xf32, #tpu.memory_space<vmem>>
        %dma_wait3A_416 = arith.constant 0 : i32
        %dma_wait3A_417 = tpu.memref_slice %arg5[%select_n3A, %dma_wait3A_411, %add3A_409, %dma_wait3A_416] : memref<4x1x4096x2048xf32, #tpu.memory_space<hbm>> -> memref<1x1x4x2048xf32, #tpu.memory_space<hbm>>
        %dma_wait3A_418 = tpu.memref_squeeze %dma_wait3A_417 : memref<1x1x4x2048xf32, #tpu.memory_space<hbm>> -> memref<4x2048xf32, #tpu.memory_space<hbm>>
        %dma_wait3A_419 = arith.constant 0 : i32
        %dma_wait3A_420 = tpu.memref_slice %arg5[%select_n3A, %dma_wait3A_411, %add3A_409, %dma_wait3A_419] : memref<4x1x4096x2048xf32, #tpu.memory_space<hbm>> -> memref<1x1x4x2048xf32, #tpu.memory_space<hbm>>
        %dma_wait3A_421 = tpu.memref_squeeze %dma_wait3A_420 : memref<1x1x4x2048xf32, #tpu.memory_space<hbm>> -> memref<4x2048xf32, #tpu.memory_space<hbm>>
        %dma_wait3A_422 = arith.constant 0 : i32
        %dma_wait3A_423 = arith.constant 0 : i32
        %dma_wait3A_424 = tpu.memref_slice %arg9[%dma_wait3A_410, %dma_wait3A_422, %dma_wait3A_423] : memref<4x4x2048xf32, #tpu.memory_space<vmem>> -> memref<1x4x2048xf32, #tpu.memory_space<vmem>>
        %dma_wait3A_425 = tpu.memref_squeeze %dma_wait3A_424 : memref<1x4x2048xf32, #tpu.memory_space<vmem>> -> memref<4x2048xf32, #tpu.memory_space<vmem>>
        tpu.wait_dma2 semaphore(%arg15 : memref<!tpu.dma_semaphore, #tpu.memory_space<semaphore_mem>>) src(%dma_wait3A_425 : memref<4x2048xf32, #tpu.memory_space<vmem>>) dst(%dma_wait3A_421 : memref<4x2048xf32, #tpu.memory_space<hbm>>)
      } else {
      }
      %parallel_loop3A_262 = arith.constant 0 : i32
      %parallel_loop3A_263 = arith.constant 2048 : i32
      %parallel_loop3A_264 = arith.constant 16 : i32
      scf.for %parallel_loop3A_405 = %parallel_loop3A_262 to %parallel_loop3A_263 step %parallel_loop3A_264  : i32 {
        %parallel_loop3A_406 = arith.constant 1 : i32
        %parallel_loop3A_407 = arith.constant 0 : i32
        %parallel_loop3A_408 = arith.index_cast %parallel_loop3A_406 : i32 to index
        %parallel_loop3A_409 = arith.index_cast %parallel_loop3A_407 : i32 to index
        %parallel_loop3A_410 = arith.index_cast %parallel_loop3A_405 : i32 to index
        %parallel_loop3A_411 = tpu.vector_load %arg8[%parallel_loop3A_408, %parallel_loop3A_409, %parallel_loop3A_410] {strides = array<i32>} : memref<4x4x2048xf32, #tpu.memory_space<vmem>>, vector<16xf32>,
        %parallel_loop3A_412 = arith.constant 1.000000e+03 : f32
        %parallel_loop3A_413 = vector.broadcast %parallel_loop3A_412 : f32 to vector<16xf32>
        %parallel_loop3A_414 = arith.mulf %parallel_loop3A_411, %parallel_loop3A_413 : vector<16xf32>
        %parallel_loop3A_415 = arith.constant 2.048000e+03 : f32
        %parallel_loop3A_416 = vector.broadcast %parallel_loop3A_415 : f32 to vector<16xf32>
        %parallel_loop3A_417 = arith.addf %parallel_loop3A_414, %parallel_loop3A_416 : vector<16xf32>
        %parallel_loop3A_418 = arith.constant 0.000000e+00 : f32
        %parallel_loop3A_419 = vector.broadcast %parallel_loop3A_418 : f32 to vector<16xf32>
        %parallel_loop3A_420 = arith.maximumf %parallel_loop3A_417, %parallel_loop3A_419 : vector<16xf32>
        %parallel_loop3A_421 = arith.constant 4.095000e+03 : f32
        %parallel_loop3A_422 = vector.broadcast %parallel_loop3A_421 : f32 to vector<16xf32>
        %parallel_loop3A_423 = arith.minimumf %parallel_loop3A_420, %parallel_loop3A_422 : vector<16xf32>
        %parallel_loop3A_424 = arith.fptosi %parallel_loop3A_423 : vector<16xf32> to vector<16xi32>
        %parallel_loop3A_425 = tpu.vector_load_idx %arg6[%parallel_loop3A_424] : memref<4096xf32, #tpu.memory_space<vmem>>[vector<16xi32>], vector<16xf32>,
        %parallel_loop3A_426 = tpu.vector_load_idx %arg7[%parallel_loop3A_424] : memref<4096xf32, #tpu.memory_space<vmem>>[vector<16xi32>], vector<16xf32>,
        %parallel_loop3A_427 = arith.mulf %parallel_loop3A_425, %parallel_loop3A_423 : vector<16xf32>
        %parallel_loop3A_428 = arith.addf %parallel_loop3A_427, %parallel_loop3A_426 : vector<16xf32>
        %parallel_loop3A_429 = arith.constant 1 : i32
        %parallel_loop3A_430 = arith.constant 0 : i32
        %parallel_loop3A_431 = arith.index_cast %parallel_loop3A_429 : i32 to index
        %parallel_loop3A_432 = arith.index_cast %parallel_loop3A_430 : i32 to index
        %parallel_loop3A_433 = arith.index_cast %parallel_loop3A_405 : i32 to index
        %parallel_loop3A_434 = tpu.vector_load %arg9[%parallel_loop3A_431, %parallel_loop3A_432, %parallel_loop3A_433] {strides = array<i32>} : memref<4x4x2048xf32, #tpu.memory_space<vmem>>, vector<16xf32>,
        tpu.vector_store %arg9[%parallel_loop3A_431, %parallel_loop3A_432, %parallel_loop3A_433], %parallel_loop3A_428 {strides = array<i32>} : memref<4x4x2048xf32, #tpu.memory_space<vmem>>, vector<16xf32>,
        %parallel_loop3A_435 = arith.constant 1 : i32
        %parallel_loop3A_436 = arith.constant 1 : i32
        %parallel_loop3A_437 = arith.index_cast %parallel_loop3A_435 : i32 to index
        %parallel_loop3A_438 = arith.index_cast %parallel_loop3A_436 : i32 to index
        %parallel_loop3A_439 = arith.index_cast %parallel_loop3A_405 : i32 to index
        %parallel_loop3A_440 = tpu.vector_load %arg8[%parallel_loop3A_437, %parallel_loop3A_438, %parallel_loop3A_439] {strides = array<i32>} : memref<4x4x2048xf32, #tpu.memory_space<vmem>>, vector<16xf32>,
        %parallel_loop3A_441 = arith.constant 1.000000e+03 : f32
        %parallel_loop3A_442 = vector.broadcast %parallel_loop3A_441 : f32 to vector<16xf32>
        %parallel_loop3A_443 = arith.mulf %parallel_loop3A_440, %parallel_loop3A_442 : vector<16xf32>
        %parallel_loop3A_444 = arith.constant 2.048000e+03 : f32
        %parallel_loop3A_445 = vector.broadcast %parallel_loop3A_444 : f32 to vector<16xf32>
        %parallel_loop3A_446 = arith.addf %parallel_loop3A_443, %parallel_loop3A_445 : vector<16xf32>
        %parallel_loop3A_447 = arith.constant 0.000000e+00 : f32
        %parallel_loop3A_448 = vector.broadcast %parallel_loop3A_447 : f32 to vector<16xf32>
        %parallel_loop3A_449 = arith.maximumf %parallel_loop3A_446, %parallel_loop3A_448 : vector<16xf32>
        %parallel_loop3A_450 = arith.constant 4.095000e+03 : f32
        %parallel_loop3A_451 = vector.broadcast %parallel_loop3A_450 : f32 to vector<16xf32>
        %parallel_loop3A_452 = arith.minimumf %parallel_loop3A_449, %parallel_loop3A_451 : vector<16xf32>
        %parallel_loop3A_453 = arith.fptosi %parallel_loop3A_452 : vector<16xf32> to vector<16xi32>
        %parallel_loop3A_454 = tpu.vector_load_idx %arg6[%parallel_loop3A_453] : memref<4096xf32, #tpu.memory_space<vmem>>[vector<16xi32>], vector<16xf32>,
        %parallel_loop3A_455 = tpu.vector_load_idx %arg7[%parallel_loop3A_453] : memref<4096xf32, #tpu.memory_space<vmem>>[vector<16xi32>], vector<16xf32>,
        %parallel_loop3A_456 = arith.mulf %parallel_loop3A_454, %parallel_loop3A_452 : vector<16xf32>
        %parallel_loop3A_457 = arith.addf %parallel_loop3A_456, %parallel_loop3A_455 : vector<16xf32>
        %parallel_loop3A_458 = arith.constant 1 : i32
        %parallel_loop3A_459 = arith.constant 1 : i32
        %parallel_loop3A_460 = arith.index_cast %parallel_loop3A_458 : i32 to index
        %parallel_loop3A_461 = arith.index_cast %parallel_loop3A_459 : i32 to index
        %parallel_loop3A_462 = arith.index_cast %parallel_loop3A_405 : i32 to index
        %parallel_loop3A_463 = tpu.vector_load %arg9[%parallel_loop3A_460, %parallel_loop3A_461, %parallel_loop3A_462] {strides = array<i32>} : memref<4x4x2048xf32, #tpu.memory_space<vmem>>, vector<16xf32>,
        tpu.vector_store %arg9[%parallel_loop3A_460, %parallel_loop3A_461, %parallel_loop3A_462], %parallel_loop3A_457 {strides = array<i32>} : memref<4x4x2048xf32, #tpu.memory_space<vmem>>, vector<16xf32>,
        %parallel_loop3A_464 = arith.constant 1 : i32
        %parallel_loop3A_465 = arith.constant 2 : i32
        %parallel_loop3A_466 = arith.index_cast %parallel_loop3A_464 : i32 to index
        %parallel_loop3A_467 = arith.index_cast %parallel_loop3A_465 : i32 to index
        %parallel_loop3A_468 = arith.index_cast %parallel_loop3A_405 : i32 to index
        %parallel_loop3A_469 = tpu.vector_load %arg8[%parallel_loop3A_466, %parallel_loop3A_467, %parallel_loop3A_468] {strides = array<i32>} : memref<4x4x2048xf32, #tpu.memory_space<vmem>>, vector<16xf32>,
        %parallel_loop3A_470 = arith.constant 1.000000e+03 : f32
        %parallel_loop3A_471 = vector.broadcast %parallel_loop3A_470 : f32 to vector<16xf32>
        %parallel_loop3A_472 = arith.mulf %parallel_loop3A_469, %parallel_loop3A_471 : vector<16xf32>
        %parallel_loop3A_473 = arith.constant 2.048000e+03 : f32
        %parallel_loop3A_474 = vector.broadcast %parallel_loop3A_473 : f32 to vector<16xf32>
        %parallel_loop3A_475 = arith.addf %parallel_loop3A_472, %parallel_loop3A_474 : vector<16xf32>
        %parallel_loop3A_476 = arith.constant 0.000000e+00 : f32
        %parallel_loop3A_477 = vector.broadcast %parallel_loop3A_476 : f32 to vector<16xf32>
        %parallel_loop3A_478 = arith.maximumf %parallel_loop3A_475, %parallel_loop3A_477 : vector<16xf32>
        %parallel_loop3A_479 = arith.constant 4.095000e+03 : f32
        %parallel_loop3A_480 = vector.broadcast %parallel_loop3A_479 : f32 to vector<16xf32>
        %parallel_loop3A_481 = arith.minimumf %parallel_loop3A_478, %parallel_loop3A_480 : vector<16xf32>
        %parallel_loop3A_482 = arith.fptosi %parallel_loop3A_481 : vector<16xf32> to vector<16xi32>
        %parallel_loop3A_483 = tpu.vector_load_idx %arg6[%parallel_loop3A_482] : memref<4096xf32, #tpu.memory_space<vmem>>[vector<16xi32>], vector<16xf32>,
        %parallel_loop3A_484 = tpu.vector_load_idx %arg7[%parallel_loop3A_482] : memref<4096xf32, #tpu.memory_space<vmem>>[vector<16xi32>], vector<16xf32>,
        %parallel_loop3A_485 = arith.mulf %parallel_loop3A_483, %parallel_loop3A_481 : vector<16xf32>
        %parallel_loop3A_486 = arith.addf %parallel_loop3A_485, %parallel_loop3A_484 : vector<16xf32>
        %parallel_loop3A_487 = arith.constant 1 : i32
        %parallel_loop3A_488 = arith.constant 2 : i32
        %parallel_loop3A_489 = arith.index_cast %parallel_loop3A_487 : i32 to index
        %parallel_loop3A_490 = arith.index_cast %parallel_loop3A_488 : i32 to index
        %parallel_loop3A_491 = arith.index_cast %parallel_loop3A_405 : i32 to index
        %parallel_loop3A_492 = tpu.vector_load %arg9[%parallel_loop3A_489, %parallel_loop3A_490, %parallel_loop3A_491] {strides = array<i32>} : memref<4x4x2048xf32, #tpu.memory_space<vmem>>, vector<16xf32>,
        tpu.vector_store %arg9[%parallel_loop3A_489, %parallel_loop3A_490, %parallel_loop3A_491], %parallel_loop3A_486 {strides = array<i32>} : memref<4x4x2048xf32, #tpu.memory_space<vmem>>, vector<16xf32>,
        %parallel_loop3A_493 = arith.constant 1 : i32
        %parallel_loop3A_494 = arith.constant 3 : i32
        %parallel_loop3A_495 = arith.index_cast %parallel_loop3A_493 : i32 to index
        %parallel_loop3A_496 = arith.index_cast %parallel_loop3A_494 : i32 to index
        %parallel_loop3A_497 = arith.index_cast %parallel_loop3A_405 : i32 to index
        %parallel_loop3A_498 = tpu.vector_load %arg8[%parallel_loop3A_495, %parallel_loop3A_496, %parallel_loop3A_497] {strides = array<i32>} : memref<4x4x2048xf32, #tpu.memory_space<vmem>>, vector<16xf32>,
        %parallel_loop3A_499 = arith.constant 1.000000e+03 : f32
        %parallel_loop3A_500 = vector.broadcast %parallel_loop3A_499 : f32 to vector<16xf32>
        %parallel_loop3A_501 = arith.mulf %parallel_loop3A_498, %parallel_loop3A_500 : vector<16xf32>
        %parallel_loop3A_502 = arith.constant 2.048000e+03 : f32
        %parallel_loop3A_503 = vector.broadcast %parallel_loop3A_502 : f32 to vector<16xf32>
        %parallel_loop3A_504 = arith.addf %parallel_loop3A_501, %parallel_loop3A_503 : vector<16xf32>
        %parallel_loop3A_505 = arith.constant 0.000000e+00 : f32
        %parallel_loop3A_506 = vector.broadcast %parallel_loop3A_505 : f32 to vector<16xf32>
        %parallel_loop3A_507 = arith.maximumf %parallel_loop3A_504, %parallel_loop3A_506 : vector<16xf32>
        %parallel_loop3A_508 = arith.constant 4.095000e+03 : f32
        %parallel_loop3A_509 = vector.broadcast %parallel_loop3A_508 : f32 to vector<16xf32>
        %parallel_loop3A_510 = arith.minimumf %parallel_loop3A_507, %parallel_loop3A_509 : vector<16xf32>
        %parallel_loop3A_511 = arith.fptosi %parallel_loop3A_510 : vector<16xf32> to vector<16xi32>
        %parallel_loop3A_512 = tpu.vector_load_idx %arg6[%parallel_loop3A_511] : memref<4096xf32, #tpu.memory_space<vmem>>[vector<16xi32>], vector<16xf32>,
        %parallel_loop3A_513 = tpu.vector_load_idx %arg7[%parallel_loop3A_511] : memref<4096xf32, #tpu.memory_space<vmem>>[vector<16xi32>], vector<16xf32>,
        %parallel_loop3A_514 = arith.mulf %parallel_loop3A_512, %parallel_loop3A_510 : vector<16xf32>
        %parallel_loop3A_515 = arith.addf %parallel_loop3A_514, %parallel_loop3A_513 : vector<16xf32>
        %parallel_loop3A_516 = arith.constant 1 : i32
        %parallel_loop3A_517 = arith.constant 3 : i32
        %parallel_loop3A_518 = arith.index_cast %parallel_loop3A_516 : i32 to index
        %parallel_loop3A_519 = arith.index_cast %parallel_loop3A_517 : i32 to index
        %parallel_loop3A_520 = arith.index_cast %parallel_loop3A_405 : i32 to index
        %parallel_loop3A_521 = tpu.vector_load %arg9[%parallel_loop3A_518, %parallel_loop3A_519, %parallel_loop3A_520] {strides = array<i32>} : memref<4x4x2048xf32, #tpu.memory_space<vmem>>, vector<16xf32>,
        tpu.vector_store %arg9[%parallel_loop3A_518, %parallel_loop3A_519, %parallel_loop3A_520], %parallel_loop3A_515 {strides = array<i32>} : memref<4x4x2048xf32, #tpu.memory_space<vmem>>, vector<16xf32>,
      } {sc.loop_unroll_factor = 8 : i64, sc.parallel_access}
      %mul3A_265 = arith.constant 4 : i32
      %mul3A_266 = arith.muli %add3A_237, %mul3A_265 : i32
      %add3A_267 = arith.addi %select_n3A_32, %mul3A_266 : i32
      %dma_start3A_268 = arith.constant 1 : i32
      %dma_start3A_269 = arith.constant 0 : i32
      %dma_start3A_270 = arith.constant 0 : i32
      %dma_start3A_271 = arith.constant 0 : i32
      %dma_start3A_272 = tpu.memref_slice %arg9[%dma_start3A_268, %dma_start3A_270, %dma_start3A_271] : memref<4x4x2048xf32, #tpu.memory_space<vmem>> -> memref<1x4x2048xf32, #tpu.memory_space<vmem>>
      %dma_start3A_273 = tpu.memref_squeeze %dma_start3A_272 : memref<1x4x2048xf32, #tpu.memory_space<vmem>> -> memref<4x2048xf32, #tpu.memory_space<vmem>>
      %dma_start3A_274 = arith.constant 0 : i32
      %dma_start3A_275 = tpu.memref_slice %arg5[%select_n3A, %dma_start3A_269, %add3A_267, %dma_start3A_274] : memref<4x1x4096x2048xf32, #tpu.memory_space<hbm>> -> memref<1x1x4x2048xf32, #tpu.memory_space<hbm>>
      %dma_start3A_276 = tpu.memref_squeeze %dma_start3A_275 : memref<1x1x4x2048xf32, #tpu.memory_space<hbm>> -> memref<4x2048xf32, #tpu.memory_space<hbm>>
      %dma_start3A_277 = arith.constant 0 : i32
      %dma_start3A_278 = tpu.memref_slice %arg5[%select_n3A, %dma_start3A_269, %add3A_267, %dma_start3A_277] : memref<4x1x4096x2048xf32, #tpu.memory_space<hbm>> -> memref<1x1x4x2048xf32, #tpu.memory_space<hbm>>
      %dma_start3A_279 = tpu.memref_squeeze %dma_start3A_278 : memref<1x1x4x2048xf32, #tpu.memory_space<hbm>> -> memref<4x2048xf32, #tpu.memory_space<hbm>>
      %dma_start3A_280 = arith.constant 0 : i32
      %dma_start3A_281 = arith.constant 0 : i32
      %dma_start3A_282 = tpu.memref_slice %arg9[%dma_start3A_268, %dma_start3A_280, %dma_start3A_281] : memref<4x4x2048xf32, #tpu.memory_space<vmem>> -> memref<1x4x2048xf32, #tpu.memory_space<vmem>>
      %dma_start3A_283 = tpu.memref_squeeze %dma_start3A_282 : memref<1x4x2048xf32, #tpu.memory_space<vmem>> -> memref<4x2048xf32, #tpu.memory_space<vmem>>
      tpu.enqueue_dma source(%dma_start3A_283 : memref<4x2048xf32, #tpu.memory_space<vmem>>) target(%dma_start3A_279 : memref<4x2048xf32, #tpu.memory_space<hbm>>) target_semaphore(%arg15 : memref<!tpu.dma_semaphore, #tpu.memory_space<semaphore_mem>>)
      %add3A_284 = arith.constant 4 : i32
      %add3A_285 = arith.addi %add3A_237, %add3A_284 : i32
      %lt3A_286 = arith.constant 128 : i32
      %lt3A_287 = arith.cmpi slt, %add3A_285, %lt3A_286 : i32
      %convert_element_type3A_288 = arith.extui %lt3A_287 : i1 to i32
      %cond3A_289 = arith.constant 0 : i32
      %cond3A_290 = arith.cmpi ne, %convert_element_type3A_288, %cond3A_289 : i32
      scf.if %cond3A_290 {
        %add3A_405 = arith.constant 4 : i32
        %add3A_406 = arith.addi %add3A_237, %add3A_405 : i32
        %mul3A_407 = arith.constant 4 : i32
        %mul3A_408 = arith.muli %add3A_406, %mul3A_407 : i32
        %add3A_409 = arith.addi %select_n3A_32, %mul3A_408 : i32
        %dma_start3A_410 = arith.constant 0 : i32
        %dma_start3A_411 = arith.constant 1 : i32
        %dma_start3A_412 = arith.constant 0 : i32
        %dma_start3A_413 = arith.constant 0 : i32
        %dma_start3A_414 = tpu.memref_slice %arg8[%dma_start3A_411, %dma_start3A_412, %dma_start3A_413] : memref<4x4x2048xf32, #tpu.memory_space<vmem>> -> memref<1x4x2048xf32, #tpu.memory_space<vmem>>
        %dma_start3A_415 = tpu.memref_squeeze %dma_start3A_414 : memref<1x4x2048xf32, #tpu.memory_space<vmem>> -> memref<4x2048xf32, #tpu.memory_space<vmem>>
        %dma_start3A_416 = arith.constant 0 : i32
        %dma_start3A_417 = tpu.memref_slice %arg2[%select_n3A, %dma_start3A_410, %add3A_409, %dma_start3A_416] : memref<4x1x4096x2048xf32, #tpu.memory_space<hbm>> -> memref<1x1x4x2048xf32, #tpu.memory_space<hbm>>
        %dma_start3A_418 = tpu.memref_squeeze %dma_start3A_417 : memref<1x1x4x2048xf32, #tpu.memory_space<hbm>> -> memref<4x2048xf32, #tpu.memory_space<hbm>>
        %dma_start3A_419 = arith.constant 0 : i32
        %dma_start3A_420 = arith.constant 0 : i32
        %dma_start3A_421 = tpu.memref_slice %arg8[%dma_start3A_411, %dma_start3A_419, %dma_start3A_420] : memref<4x4x2048xf32, #tpu.memory_space<vmem>> -> memref<1x4x2048xf32, #tpu.memory_space<vmem>>
        %dma_start3A_422 = tpu.memref_squeeze %dma_start3A_421 : memref<1x4x2048xf32, #tpu.memory_space<vmem>> -> memref<4x2048xf32, #tpu.memory_space<vmem>>
        %dma_start3A_423 = arith.constant 0 : i32
        %dma_start3A_424 = tpu.memref_slice %arg2[%select_n3A, %dma_start3A_410, %add3A_409, %dma_start3A_423] : memref<4x1x4096x2048xf32, #tpu.memory_space<hbm>> -> memref<1x1x4x2048xf32, #tpu.memory_space<hbm>>
        %dma_start3A_425 = tpu.memref_squeeze %dma_start3A_424 : memref<1x1x4x2048xf32, #tpu.memory_space<hbm>> -> memref<4x2048xf32, #tpu.memory_space<hbm>>
        tpu.enqueue_dma source(%dma_start3A_425 : memref<4x2048xf32, #tpu.memory_space<hbm>>) target(%dma_start3A_422 : memref<4x2048xf32, #tpu.memory_space<vmem>>) target_semaphore(%arg11 : memref<!tpu.dma_semaphore, #tpu.memory_space<semaphore_mem>>)
      } else {
      }
      %mul3A_291 = arith.constant 4 : i32
      %mul3A_292 = arith.muli %scan3A_180, %mul3A_291 : i32
      %add3A_293 = arith.constant 2 : i32
      %add3A_294 = arith.addi %mul3A_292, %add3A_293 : i32
      %mul3A_295 = arith.constant 4 : i32
      %mul3A_296 = arith.muli %add3A_294, %mul3A_295 : i32
      %add3A_297 = arith.addi %select_n3A_32, %mul3A_296 : i32
      %dma_wait3A_298 = arith.constant 0 : i32
      %dma_wait3A_299 = arith.constant 2 : i32
      %dma_wait3A_300 = arith.constant 0 : i32
      %dma_wait3A_301 = arith.constant 0 : i32
      %dma_wait3A_302 = tpu.memref_slice %arg8[%dma_wait3A_299, %dma_wait3A_300, %dma_wait3A_301] : memref<4x4x2048xf32, #tpu.memory_space<vmem>> -> memref<1x4x2048xf32, #tpu.memory_space<vmem>>
      %dma_wait3A_303 = tpu.memref_squeeze %dma_wait3A_302 : memref<1x4x2048xf32, #tpu.memory_space<vmem>> -> memref<4x2048xf32, #tpu.memory_space<vmem>>
      %dma_wait3A_304 = arith.constant 0 : i32
      %dma_wait3A_305 = tpu.memref_slice %arg2[%select_n3A, %dma_wait3A_298, %add3A_297, %dma_wait3A_304] : memref<4x1x4096x2048xf32, #tpu.memory_space<hbm>> -> memref<1x1x4x2048xf32, #tpu.memory_space<hbm>>
      %dma_wait3A_306 = tpu.memref_squeeze %dma_wait3A_305 : memref<1x1x4x2048xf32, #tpu.memory_space<hbm>> -> memref<4x2048xf32, #tpu.memory_space<hbm>>
      %dma_wait3A_307 = arith.constant 0 : i32
      %dma_wait3A_308 = arith.constant 0 : i32
      %dma_wait3A_309 = tpu.memref_slice %arg8[%dma_wait3A_299, %dma_wait3A_307, %dma_wait3A_308] : memref<4x4x2048xf32, #tpu.memory_space<vmem>> -> memref<1x4x2048xf32, #tpu.memory_space<vmem>>
      %dma_wait3A_310 = tpu.memref_squeeze %dma_wait3A_309 : memref<1x4x2048xf32, #tpu.memory_space<vmem>> -> memref<4x2048xf32, #tpu.memory_space<vmem>>
      %dma_wait3A_311 = arith.constant 0 : i32
      %dma_wait3A_312 = tpu.memref_slice %arg2[%select_n3A, %dma_wait3A_298, %add3A_297, %dma_wait3A_311] : memref<4x1x4096x2048xf32, #tpu.memory_space<hbm>> -> memref<1x1x4x2048xf32, #tpu.memory_space<hbm>>
      %dma_wait3A_313 = tpu.memref_squeeze %dma_wait3A_312 : memref<1x1x4x2048xf32, #tpu.memory_space<hbm>> -> memref<4x2048xf32, #tpu.memory_space<hbm>>
      tpu.wait_dma2 semaphore(%arg12 : memref<!tpu.dma_semaphore, #tpu.memory_space<semaphore_mem>>) src(%dma_wait3A_313 : memref<4x2048xf32, #tpu.memory_space<hbm>>) dst(%dma_wait3A_310 : memref<4x2048xf32, #tpu.memory_space<vmem>>)
      %ge3A_314 = arith.constant 4 : i32
      %ge3A_315 = arith.cmpi sge, %add3A_294, %ge3A_314 : i32
      %convert_element_type3A_316 = arith.extui %ge3A_315 : i1 to i32
      %cond3A_317 = arith.constant 0 : i32
      %cond3A_318 = arith.cmpi ne, %convert_element_type3A_316, %cond3A_317 : i32
      scf.if %cond3A_318 {
        %sub3A_405 = arith.constant 4 : i32
        %sub3A_406 = arith.subi %add3A_294, %sub3A_405 : i32
        %mul3A_407 = arith.constant 4 : i32
        %mul3A_408 = arith.muli %sub3A_406, %mul3A_407 : i32
        %add3A_409 = arith.addi %select_n3A_32, %mul3A_408 : i32
        %dma_wait3A_410 = arith.constant 2 : i32
        %dma_wait3A_411 = arith.constant 0 : i32
        %dma_wait3A_412 = arith.constant 0 : i32
        %dma_wait3A_413 = arith.constant 0 : i32
        %dma_wait3A_414 = tpu.memref_slice %arg9[%dma_wait3A_410, %dma_wait3A_412, %dma_wait3A_413] : memref<4x4x2048xf32, #tpu.memory_space<vmem>> -> memref<1x4x2048xf32, #tpu.memory_space<vmem>>
        %dma_wait3A_415 = tpu.memref_squeeze %dma_wait3A_414 : memref<1x4x2048xf32, #tpu.memory_space<vmem>> -> memref<4x2048xf32, #tpu.memory_space<vmem>>
        %dma_wait3A_416 = arith.constant 0 : i32
        %dma_wait3A_417 = tpu.memref_slice %arg5[%select_n3A, %dma_wait3A_411, %add3A_409, %dma_wait3A_416] : memref<4x1x4096x2048xf32, #tpu.memory_space<hbm>> -> memref<1x1x4x2048xf32, #tpu.memory_space<hbm>>
        %dma_wait3A_418 = tpu.memref_squeeze %dma_wait3A_417 : memref<1x1x4x2048xf32, #tpu.memory_space<hbm>> -> memref<4x2048xf32, #tpu.memory_space<hbm>>
        %dma_wait3A_419 = arith.constant 0 : i32
        %dma_wait3A_420 = tpu.memref_slice %arg5[%select_n3A, %dma_wait3A_411, %add3A_409, %dma_wait3A_419] : memref<4x1x4096x2048xf32, #tpu.memory_space<hbm>> -> memref<1x1x4x2048xf32, #tpu.memory_space<hbm>>
        %dma_wait3A_421 = tpu.memref_squeeze %dma_wait3A_420 : memref<1x1x4x2048xf32, #tpu.memory_space<hbm>> -> memref<4x2048xf32, #tpu.memory_space<hbm>>
        %dma_wait3A_422 = arith.constant 0 : i32
        %dma_wait3A_423 = arith.constant 0 : i32
        %dma_wait3A_424 = tpu.memref_slice %arg9[%dma_wait3A_410, %dma_wait3A_422, %dma_wait3A_423] : memref<4x4x2048xf32, #tpu.memory_space<vmem>> -> memref<1x4x2048xf32, #tpu.memory_space<vmem>>
        %dma_wait3A_425 = tpu.memref_squeeze %dma_wait3A_424 : memref<1x4x2048xf32, #tpu.memory_space<vmem>> -> memref<4x2048xf32, #tpu.memory_space<vmem>>
        tpu.wait_dma2 semaphore(%arg16 : memref<!tpu.dma_semaphore, #tpu.memory_space<semaphore_mem>>) src(%dma_wait3A_425 : memref<4x2048xf32, #tpu.memory_space<vmem>>) dst(%dma_wait3A_421 : memref<4x2048xf32, #tpu.memory_space<hbm>>)
      } else {
      }
      %parallel_loop3A_319 = arith.constant 0 : i32
      %parallel_loop3A_320 = arith.constant 2048 : i32
      %parallel_loop3A_321 = arith.constant 16 : i32
      scf.for %parallel_loop3A_405 = %parallel_loop3A_319 to %parallel_loop3A_320 step %parallel_loop3A_321  : i32 {
        %parallel_loop3A_406 = arith.constant 2 : i32
        %parallel_loop3A_407 = arith.constant 0 : i32
        %parallel_loop3A_408 = arith.index_cast %parallel_loop3A_406 : i32 to index
        %parallel_loop3A_409 = arith.index_cast %parallel_loop3A_407 : i32 to index
        %parallel_loop3A_410 = arith.index_cast %parallel_loop3A_405 : i32 to index
        %parallel_loop3A_411 = tpu.vector_load %arg8[%parallel_loop3A_408, %parallel_loop3A_409, %parallel_loop3A_410] {strides = array<i32>} : memref<4x4x2048xf32, #tpu.memory_space<vmem>>, vector<16xf32>,
        %parallel_loop3A_412 = arith.constant 1.000000e+03 : f32
        %parallel_loop3A_413 = vector.broadcast %parallel_loop3A_412 : f32 to vector<16xf32>
        %parallel_loop3A_414 = arith.mulf %parallel_loop3A_411, %parallel_loop3A_413 : vector<16xf32>
        %parallel_loop3A_415 = arith.constant 2.048000e+03 : f32
        %parallel_loop3A_416 = vector.broadcast %parallel_loop3A_415 : f32 to vector<16xf32>
        %parallel_loop3A_417 = arith.addf %parallel_loop3A_414, %parallel_loop3A_416 : vector<16xf32>
        %parallel_loop3A_418 = arith.constant 0.000000e+00 : f32
        %parallel_loop3A_419 = vector.broadcast %parallel_loop3A_418 : f32 to vector<16xf32>
        %parallel_loop3A_420 = arith.maximumf %parallel_loop3A_417, %parallel_loop3A_419 : vector<16xf32>
        %parallel_loop3A_421 = arith.constant 4.095000e+03 : f32
        %parallel_loop3A_422 = vector.broadcast %parallel_loop3A_421 : f32 to vector<16xf32>
        %parallel_loop3A_423 = arith.minimumf %parallel_loop3A_420, %parallel_loop3A_422 : vector<16xf32>
        %parallel_loop3A_424 = arith.fptosi %parallel_loop3A_423 : vector<16xf32> to vector<16xi32>
        %parallel_loop3A_425 = tpu.vector_load_idx %arg6[%parallel_loop3A_424] : memref<4096xf32, #tpu.memory_space<vmem>>[vector<16xi32>], vector<16xf32>,
        %parallel_loop3A_426 = tpu.vector_load_idx %arg7[%parallel_loop3A_424] : memref<4096xf32, #tpu.memory_space<vmem>>[vector<16xi32>], vector<16xf32>,
        %parallel_loop3A_427 = arith.mulf %parallel_loop3A_425, %parallel_loop3A_423 : vector<16xf32>
        %parallel_loop3A_428 = arith.addf %parallel_loop3A_427, %parallel_loop3A_426 : vector<16xf32>
        %parallel_loop3A_429 = arith.constant 2 : i32
        %parallel_loop3A_430 = arith.constant 0 : i32
        %parallel_loop3A_431 = arith.index_cast %parallel_loop3A_429 : i32 to index
        %parallel_loop3A_432 = arith.index_cast %parallel_loop3A_430 : i32 to index
        %parallel_loop3A_433 = arith.index_cast %parallel_loop3A_405 : i32 to index
        %parallel_loop3A_434 = tpu.vector_load %arg9[%parallel_loop3A_431, %parallel_loop3A_432, %parallel_loop3A_433] {strides = array<i32>} : memref<4x4x2048xf32, #tpu.memory_space<vmem>>, vector<16xf32>,
        tpu.vector_store %arg9[%parallel_loop3A_431, %parallel_loop3A_432, %parallel_loop3A_433], %parallel_loop3A_428 {strides = array<i32>} : memref<4x4x2048xf32, #tpu.memory_space<vmem>>, vector<16xf32>,
        %parallel_loop3A_435 = arith.constant 2 : i32
        %parallel_loop3A_436 = arith.constant 1 : i32
        %parallel_loop3A_437 = arith.index_cast %parallel_loop3A_435 : i32 to index
        %parallel_loop3A_438 = arith.index_cast %parallel_loop3A_436 : i32 to index
        %parallel_loop3A_439 = arith.index_cast %parallel_loop3A_405 : i32 to index
        %parallel_loop3A_440 = tpu.vector_load %arg8[%parallel_loop3A_437, %parallel_loop3A_438, %parallel_loop3A_439] {strides = array<i32>} : memref<4x4x2048xf32, #tpu.memory_space<vmem>>, vector<16xf32>,
        %parallel_loop3A_441 = arith.constant 1.000000e+03 : f32
        %parallel_loop3A_442 = vector.broadcast %parallel_loop3A_441 : f32 to vector<16xf32>
        %parallel_loop3A_443 = arith.mulf %parallel_loop3A_440, %parallel_loop3A_442 : vector<16xf32>
        %parallel_loop3A_444 = arith.constant 2.048000e+03 : f32
        %parallel_loop3A_445 = vector.broadcast %parallel_loop3A_444 : f32 to vector<16xf32>
        %parallel_loop3A_446 = arith.addf %parallel_loop3A_443, %parallel_loop3A_445 : vector<16xf32>
        %parallel_loop3A_447 = arith.constant 0.000000e+00 : f32
        %parallel_loop3A_448 = vector.broadcast %parallel_loop3A_447 : f32 to vector<16xf32>
        %parallel_loop3A_449 = arith.maximumf %parallel_loop3A_446, %parallel_loop3A_448 : vector<16xf32>
        %parallel_loop3A_450 = arith.constant 4.095000e+03 : f32
        %parallel_loop3A_451 = vector.broadcast %parallel_loop3A_450 : f32 to vector<16xf32>
        %parallel_loop3A_452 = arith.minimumf %parallel_loop3A_449, %parallel_loop3A_451 : vector<16xf32>
        %parallel_loop3A_453 = arith.fptosi %parallel_loop3A_452 : vector<16xf32> to vector<16xi32>
        %parallel_loop3A_454 = tpu.vector_load_idx %arg6[%parallel_loop3A_453] : memref<4096xf32, #tpu.memory_space<vmem>>[vector<16xi32>], vector<16xf32>,
        %parallel_loop3A_455 = tpu.vector_load_idx %arg7[%parallel_loop3A_453] : memref<4096xf32, #tpu.memory_space<vmem>>[vector<16xi32>], vector<16xf32>,
        %parallel_loop3A_456 = arith.mulf %parallel_loop3A_454, %parallel_loop3A_452 : vector<16xf32>
        %parallel_loop3A_457 = arith.addf %parallel_loop3A_456, %parallel_loop3A_455 : vector<16xf32>
        %parallel_loop3A_458 = arith.constant 2 : i32
        %parallel_loop3A_459 = arith.constant 1 : i32
        %parallel_loop3A_460 = arith.index_cast %parallel_loop3A_458 : i32 to index
        %parallel_loop3A_461 = arith.index_cast %parallel_loop3A_459 : i32 to index
        %parallel_loop3A_462 = arith.index_cast %parallel_loop3A_405 : i32 to index
        %parallel_loop3A_463 = tpu.vector_load %arg9[%parallel_loop3A_460, %parallel_loop3A_461, %parallel_loop3A_462] {strides = array<i32>} : memref<4x4x2048xf32, #tpu.memory_space<vmem>>, vector<16xf32>,
        tpu.vector_store %arg9[%parallel_loop3A_460, %parallel_loop3A_461, %parallel_loop3A_462], %parallel_loop3A_457 {strides = array<i32>} : memref<4x4x2048xf32, #tpu.memory_space<vmem>>, vector<16xf32>,
        %parallel_loop3A_464 = arith.constant 2 : i32
        %parallel_loop3A_465 = arith.constant 2 : i32
        %parallel_loop3A_466 = arith.index_cast %parallel_loop3A_464 : i32 to index
        %parallel_loop3A_467 = arith.index_cast %parallel_loop3A_465 : i32 to index
        %parallel_loop3A_468 = arith.index_cast %parallel_loop3A_405 : i32 to index
        %parallel_loop3A_469 = tpu.vector_load %arg8[%parallel_loop3A_466, %parallel_loop3A_467, %parallel_loop3A_468] {strides = array<i32>} : memref<4x4x2048xf32, #tpu.memory_space<vmem>>, vector<16xf32>,
        %parallel_loop3A_470 = arith.constant 1.000000e+03 : f32
        %parallel_loop3A_471 = vector.broadcast %parallel_loop3A_470 : f32 to vector<16xf32>
        %parallel_loop3A_472 = arith.mulf %parallel_loop3A_469, %parallel_loop3A_471 : vector<16xf32>
        %parallel_loop3A_473 = arith.constant 2.048000e+03 : f32
        %parallel_loop3A_474 = vector.broadcast %parallel_loop3A_473 : f32 to vector<16xf32>
        %parallel_loop3A_475 = arith.addf %parallel_loop3A_472, %parallel_loop3A_474 : vector<16xf32>
        %parallel_loop3A_476 = arith.constant 0.000000e+00 : f32
        %parallel_loop3A_477 = vector.broadcast %parallel_loop3A_476 : f32 to vector<16xf32>
        %parallel_loop3A_478 = arith.maximumf %parallel_loop3A_475, %parallel_loop3A_477 : vector<16xf32>
        %parallel_loop3A_479 = arith.constant 4.095000e+03 : f32
        %parallel_loop3A_480 = vector.broadcast %parallel_loop3A_479 : f32 to vector<16xf32>
        %parallel_loop3A_481 = arith.minimumf %parallel_loop3A_478, %parallel_loop3A_480 : vector<16xf32>
        %parallel_loop3A_482 = arith.fptosi %parallel_loop3A_481 : vector<16xf32> to vector<16xi32>
        %parallel_loop3A_483 = tpu.vector_load_idx %arg6[%parallel_loop3A_482] : memref<4096xf32, #tpu.memory_space<vmem>>[vector<16xi32>], vector<16xf32>,
        %parallel_loop3A_484 = tpu.vector_load_idx %arg7[%parallel_loop3A_482] : memref<4096xf32, #tpu.memory_space<vmem>>[vector<16xi32>], vector<16xf32>,
        %parallel_loop3A_485 = arith.mulf %parallel_loop3A_483, %parallel_loop3A_481 : vector<16xf32>
        %parallel_loop3A_486 = arith.addf %parallel_loop3A_485, %parallel_loop3A_484 : vector<16xf32>
        %parallel_loop3A_487 = arith.constant 2 : i32
        %parallel_loop3A_488 = arith.constant 2 : i32
        %parallel_loop3A_489 = arith.index_cast %parallel_loop3A_487 : i32 to index
        %parallel_loop3A_490 = arith.index_cast %parallel_loop3A_488 : i32 to index
        %parallel_loop3A_491 = arith.index_cast %parallel_loop3A_405 : i32 to index
        %parallel_loop3A_492 = tpu.vector_load %arg9[%parallel_loop3A_489, %parallel_loop3A_490, %parallel_loop3A_491] {strides = array<i32>} : memref<4x4x2048xf32, #tpu.memory_space<vmem>>, vector<16xf32>,
        tpu.vector_store %arg9[%parallel_loop3A_489, %parallel_loop3A_490, %parallel_loop3A_491], %parallel_loop3A_486 {strides = array<i32>} : memref<4x4x2048xf32, #tpu.memory_space<vmem>>, vector<16xf32>,
        %parallel_loop3A_493 = arith.constant 2 : i32
        %parallel_loop3A_494 = arith.constant 3 : i32
        %parallel_loop3A_495 = arith.index_cast %parallel_loop3A_493 : i32 to index
        %parallel_loop3A_496 = arith.index_cast %parallel_loop3A_494 : i32 to index
        %parallel_loop3A_497 = arith.index_cast %parallel_loop3A_405 : i32 to index
        %parallel_loop3A_498 = tpu.vector_load %arg8[%parallel_loop3A_495, %parallel_loop3A_496, %parallel_loop3A_497] {strides = array<i32>} : memref<4x4x2048xf32, #tpu.memory_space<vmem>>, vector<16xf32>,
        %parallel_loop3A_499 = arith.constant 1.000000e+03 : f32
        %parallel_loop3A_500 = vector.broadcast %parallel_loop3A_499 : f32 to vector<16xf32>
        %parallel_loop3A_501 = arith.mulf %parallel_loop3A_498, %parallel_loop3A_500 : vector<16xf32>
        %parallel_loop3A_502 = arith.constant 2.048000e+03 : f32
        %parallel_loop3A_503 = vector.broadcast %parallel_loop3A_502 : f32 to vector<16xf32>
        %parallel_loop3A_504 = arith.addf %parallel_loop3A_501, %parallel_loop3A_503 : vector<16xf32>
        %parallel_loop3A_505 = arith.constant 0.000000e+00 : f32
        %parallel_loop3A_506 = vector.broadcast %parallel_loop3A_505 : f32 to vector<16xf32>
        %parallel_loop3A_507 = arith.maximumf %parallel_loop3A_504, %parallel_loop3A_506 : vector<16xf32>
        %parallel_loop3A_508 = arith.constant 4.095000e+03 : f32
        %parallel_loop3A_509 = vector.broadcast %parallel_loop3A_508 : f32 to vector<16xf32>
        %parallel_loop3A_510 = arith.minimumf %parallel_loop3A_507, %parallel_loop3A_509 : vector<16xf32>
        %parallel_loop3A_511 = arith.fptosi %parallel_loop3A_510 : vector<16xf32> to vector<16xi32>
        %parallel_loop3A_512 = tpu.vector_load_idx %arg6[%parallel_loop3A_511] : memref<4096xf32, #tpu.memory_space<vmem>>[vector<16xi32>], vector<16xf32>,
        %parallel_loop3A_513 = tpu.vector_load_idx %arg7[%parallel_loop3A_511] : memref<4096xf32, #tpu.memory_space<vmem>>[vector<16xi32>], vector<16xf32>,
        %parallel_loop3A_514 = arith.mulf %parallel_loop3A_512, %parallel_loop3A_510 : vector<16xf32>
        %parallel_loop3A_515 = arith.addf %parallel_loop3A_514, %parallel_loop3A_513 : vector<16xf32>
        %parallel_loop3A_516 = arith.constant 2 : i32
        %parallel_loop3A_517 = arith.constant 3 : i32
        %parallel_loop3A_518 = arith.index_cast %parallel_loop3A_516 : i32 to index
        %parallel_loop3A_519 = arith.index_cast %parallel_loop3A_517 : i32 to index
        %parallel_loop3A_520 = arith.index_cast %parallel_loop3A_405 : i32 to index
        %parallel_loop3A_521 = tpu.vector_load %arg9[%parallel_loop3A_518, %parallel_loop3A_519, %parallel_loop3A_520] {strides = array<i32>} : memref<4x4x2048xf32, #tpu.memory_space<vmem>>, vector<16xf32>,
        tpu.vector_store %arg9[%parallel_loop3A_518, %parallel_loop3A_519, %parallel_loop3A_520], %parallel_loop3A_515 {strides = array<i32>} : memref<4x4x2048xf32, #tpu.memory_space<vmem>>, vector<16xf32>,
      } {sc.loop_unroll_factor = 8 : i64, sc.parallel_access}
      %mul3A_322 = arith.constant 4 : i32
      %mul3A_323 = arith.muli %add3A_294, %mul3A_322 : i32
      %add3A_324 = arith.addi %select_n3A_32, %mul3A_323 : i32
      %dma_start3A_325 = arith.constant 2 : i32
      %dma_start3A_326 = arith.constant 0 : i32
      %dma_start3A_327 = arith.constant 0 : i32
      %dma_start3A_328 = arith.constant 0 : i32
      %dma_start3A_329 = tpu.memref_slice %arg9[%dma_start3A_325, %dma_start3A_327, %dma_start3A_328] : memref<4x4x2048xf32, #tpu.memory_space<vmem>> -> memref<1x4x2048xf32, #tpu.memory_space<vmem>>
      %dma_start3A_330 = tpu.memref_squeeze %dma_start3A_329 : memref<1x4x2048xf32, #tpu.memory_space<vmem>> -> memref<4x2048xf32, #tpu.memory_space<vmem>>
      %dma_start3A_331 = arith.constant 0 : i32
      %dma_start3A_332 = tpu.memref_slice %arg5[%select_n3A, %dma_start3A_326, %add3A_324, %dma_start3A_331] : memref<4x1x4096x2048xf32, #tpu.memory_space<hbm>> -> memref<1x1x4x2048xf32, #tpu.memory_space<hbm>>
      %dma_start3A_333 = tpu.memref_squeeze %dma_start3A_332 : memref<1x1x4x2048xf32, #tpu.memory_space<hbm>> -> memref<4x2048xf32, #tpu.memory_space<hbm>>
      %dma_start3A_334 = arith.constant 0 : i32
      %dma_start3A_335 = tpu.memref_slice %arg5[%select_n3A, %dma_start3A_326, %add3A_324, %dma_start3A_334] : memref<4x1x4096x2048xf32, #tpu.memory_space<hbm>> -> memref<1x1x4x2048xf32, #tpu.memory_space<hbm>>
      %dma_start3A_336 = tpu.memref_squeeze %dma_start3A_335 : memref<1x1x4x2048xf32, #tpu.memory_space<hbm>> -> memref<4x2048xf32, #tpu.memory_space<hbm>>
      %dma_start3A_337 = arith.constant 0 : i32
      %dma_start3A_338 = arith.constant 0 : i32
      %dma_start3A_339 = tpu.memref_slice %arg9[%dma_start3A_325, %dma_start3A_337, %dma_start3A_338] : memref<4x4x2048xf32, #tpu.memory_space<vmem>> -> memref<1x4x2048xf32, #tpu.memory_space<vmem>>
      %dma_start3A_340 = tpu.memref_squeeze %dma_start3A_339 : memref<1x4x2048xf32, #tpu.memory_space<vmem>> -> memref<4x2048xf32, #tpu.memory_space<vmem>>
      tpu.enqueue_dma source(%dma_start3A_340 : memref<4x2048xf32, #tpu.memory_space<vmem>>) target(%dma_start3A_336 : memref<4x2048xf32, #tpu.memory_space<hbm>>) target_semaphore(%arg16 : memref<!tpu.dma_semaphore, #tpu.memory_space<semaphore_mem>>)
      %add3A_341 = arith.constant 4 : i32
      %add3A_342 = arith.addi %add3A_294, %add3A_341 : i32
      %lt3A_343 = arith.constant 128 : i32
      %lt3A_344 = arith.cmpi slt, %add3A_342, %lt3A_343 : i32
      %convert_element_type3A_345 = arith.extui %lt3A_344 : i1 to i32
      %cond3A_346 = arith.constant 0 : i32
      %cond3A_347 = arith.cmpi ne, %convert_element_type3A_345, %cond3A_346 : i32
      scf.if %cond3A_347 {
        %add3A_405 = arith.constant 4 : i32
        %add3A_406 = arith.addi %add3A_294, %add3A_405 : i32
        %mul3A_407 = arith.constant 4 : i32
        %mul3A_408 = arith.muli %add3A_406, %mul3A_407 : i32
        %add3A_409 = arith.addi %select_n3A_32, %mul3A_408 : i32
        %dma_start3A_410 = arith.constant 0 : i32
        %dma_start3A_411 = arith.constant 2 : i32
        %dma_start3A_412 = arith.constant 0 : i32
        %dma_start3A_413 = arith.constant 0 : i32
        %dma_start3A_414 = tpu.memref_slice %arg8[%dma_start3A_411, %dma_start3A_412, %dma_start3A_413] : memref<4x4x2048xf32, #tpu.memory_space<vmem>> -> memref<1x4x2048xf32, #tpu.memory_space<vmem>>
        %dma_start3A_415 = tpu.memref_squeeze %dma_start3A_414 : memref<1x4x2048xf32, #tpu.memory_space<vmem>> -> memref<4x2048xf32, #tpu.memory_space<vmem>>
        %dma_start3A_416 = arith.constant 0 : i32
        %dma_start3A_417 = tpu.memref_slice %arg2[%select_n3A, %dma_start3A_410, %add3A_409, %dma_start3A_416] : memref<4x1x4096x2048xf32, #tpu.memory_space<hbm>> -> memref<1x1x4x2048xf32, #tpu.memory_space<hbm>>
        %dma_start3A_418 = tpu.memref_squeeze %dma_start3A_417 : memref<1x1x4x2048xf32, #tpu.memory_space<hbm>> -> memref<4x2048xf32, #tpu.memory_space<hbm>>
        %dma_start3A_419 = arith.constant 0 : i32
        %dma_start3A_420 = arith.constant 0 : i32
        %dma_start3A_421 = tpu.memref_slice %arg8[%dma_start3A_411, %dma_start3A_419, %dma_start3A_420] : memref<4x4x2048xf32, #tpu.memory_space<vmem>> -> memref<1x4x2048xf32, #tpu.memory_space<vmem>>
        %dma_start3A_422 = tpu.memref_squeeze %dma_start3A_421 : memref<1x4x2048xf32, #tpu.memory_space<vmem>> -> memref<4x2048xf32, #tpu.memory_space<vmem>>
        %dma_start3A_423 = arith.constant 0 : i32
        %dma_start3A_424 = tpu.memref_slice %arg2[%select_n3A, %dma_start3A_410, %add3A_409, %dma_start3A_423] : memref<4x1x4096x2048xf32, #tpu.memory_space<hbm>> -> memref<1x1x4x2048xf32, #tpu.memory_space<hbm>>
        %dma_start3A_425 = tpu.memref_squeeze %dma_start3A_424 : memref<1x1x4x2048xf32, #tpu.memory_space<hbm>> -> memref<4x2048xf32, #tpu.memory_space<hbm>>
        tpu.enqueue_dma source(%dma_start3A_425 : memref<4x2048xf32, #tpu.memory_space<hbm>>) target(%dma_start3A_422 : memref<4x2048xf32, #tpu.memory_space<vmem>>) target_semaphore(%arg12 : memref<!tpu.dma_semaphore, #tpu.memory_space<semaphore_mem>>)
      } else {
      }
      %mul3A_348 = arith.constant 4 : i32
      %mul3A_349 = arith.muli %scan3A_180, %mul3A_348 : i32
      %add3A_350 = arith.constant 3 : i32
      %add3A_351 = arith.addi %mul3A_349, %add3A_350 : i32
      %mul3A_352 = arith.constant 4 : i32
      %mul3A_353 = arith.muli %add3A_351, %mul3A_352 : i32
      %add3A_354 = arith.addi %select_n3A_32, %mul3A_353 : i32
      %dma_wait3A_355 = arith.constant 0 : i32
      %dma_wait3A_356 = arith.constant 3 : i32
      %dma_wait3A_357 = arith.constant 0 : i32
      %dma_wait3A_358 = arith.constant 0 : i32
      %dma_wait3A_359 = tpu.memref_slice %arg8[%dma_wait3A_356, %dma_wait3A_357, %dma_wait3A_358] : memref<4x4x2048xf32, #tpu.memory_space<vmem>> -> memref<1x4x2048xf32, #tpu.memory_space<vmem>>
      %dma_wait3A_360 = tpu.memref_squeeze %dma_wait3A_359 : memref<1x4x2048xf32, #tpu.memory_space<vmem>> -> memref<4x2048xf32, #tpu.memory_space<vmem>>
      %dma_wait3A_361 = arith.constant 0 : i32
      %dma_wait3A_362 = tpu.memref_slice %arg2[%select_n3A, %dma_wait3A_355, %add3A_354, %dma_wait3A_361] : memref<4x1x4096x2048xf32, #tpu.memory_space<hbm>> -> memref<1x1x4x2048xf32, #tpu.memory_space<hbm>>
      %dma_wait3A_363 = tpu.memref_squeeze %dma_wait3A_362 : memref<1x1x4x2048xf32, #tpu.memory_space<hbm>> -> memref<4x2048xf32, #tpu.memory_space<hbm>>
      %dma_wait3A_364 = arith.constant 0 : i32
      %dma_wait3A_365 = arith.constant 0 : i32
      %dma_wait3A_366 = tpu.memref_slice %arg8[%dma_wait3A_356, %dma_wait3A_364, %dma_wait3A_365] : memref<4x4x2048xf32, #tpu.memory_space<vmem>> -> memref<1x4x2048xf32, #tpu.memory_space<vmem>>
      %dma_wait3A_367 = tpu.memref_squeeze %dma_wait3A_366 : memref<1x4x2048xf32, #tpu.memory_space<vmem>> -> memref<4x2048xf32, #tpu.memory_space<vmem>>
      %dma_wait3A_368 = arith.constant 0 : i32
      %dma_wait3A_369 = tpu.memref_slice %arg2[%select_n3A, %dma_wait3A_355, %add3A_354, %dma_wait3A_368] : memref<4x1x4096x2048xf32, #tpu.memory_space<hbm>> -> memref<1x1x4x2048xf32, #tpu.memory_space<hbm>>
      %dma_wait3A_370 = tpu.memref_squeeze %dma_wait3A_369 : memref<1x1x4x2048xf32, #tpu.memory_space<hbm>> -> memref<4x2048xf32, #tpu.memory_space<hbm>>
      tpu.wait_dma2 semaphore(%arg13 : memref<!tpu.dma_semaphore, #tpu.memory_space<semaphore_mem>>) src(%dma_wait3A_370 : memref<4x2048xf32, #tpu.memory_space<hbm>>) dst(%dma_wait3A_367 : memref<4x2048xf32, #tpu.memory_space<vmem>>)
      %ge3A_371 = arith.constant 4 : i32
      %ge3A_372 = arith.cmpi sge, %add3A_351, %ge3A_371 : i32
      %convert_element_type3A_373 = arith.extui %ge3A_372 : i1 to i32
      %cond3A_374 = arith.constant 0 : i32
      %cond3A_375 = arith.cmpi ne, %convert_element_type3A_373, %cond3A_374 : i32
      scf.if %cond3A_375 {
        %sub3A_405 = arith.constant 4 : i32
        %sub3A_406 = arith.subi %add3A_351, %sub3A_405 : i32
        %mul3A_407 = arith.constant 4 : i32
        %mul3A_408 = arith.muli %sub3A_406, %mul3A_407 : i32
        %add3A_409 = arith.addi %select_n3A_32, %mul3A_408 : i32
        %dma_wait3A_410 = arith.constant 3 : i32
        %dma_wait3A_411 = arith.constant 0 : i32
        %dma_wait3A_412 = arith.constant 0 : i32
        %dma_wait3A_413 = arith.constant 0 : i32
        %dma_wait3A_414 = tpu.memref_slice %arg9[%dma_wait3A_410, %dma_wait3A_412, %dma_wait3A_413] : memref<4x4x2048xf32, #tpu.memory_space<vmem>> -> memref<1x4x2048xf32, #tpu.memory_space<vmem>>
        %dma_wait3A_415 = tpu.memref_squeeze %dma_wait3A_414 : memref<1x4x2048xf32, #tpu.memory_space<vmem>> -> memref<4x2048xf32, #tpu.memory_space<vmem>>
        %dma_wait3A_416 = arith.constant 0 : i32
        %dma_wait3A_417 = tpu.memref_slice %arg5[%select_n3A, %dma_wait3A_411, %add3A_409, %dma_wait3A_416] : memref<4x1x4096x2048xf32, #tpu.memory_space<hbm>> -> memref<1x1x4x2048xf32, #tpu.memory_space<hbm>>
        %dma_wait3A_418 = tpu.memref_squeeze %dma_wait3A_417 : memref<1x1x4x2048xf32, #tpu.memory_space<hbm>> -> memref<4x2048xf32, #tpu.memory_space<hbm>>
        %dma_wait3A_419 = arith.constant 0 : i32
        %dma_wait3A_420 = tpu.memref_slice %arg5[%select_n3A, %dma_wait3A_411, %add3A_409, %dma_wait3A_419] : memref<4x1x4096x2048xf32, #tpu.memory_space<hbm>> -> memref<1x1x4x2048xf32, #tpu.memory_space<hbm>>
        %dma_wait3A_421 = tpu.memref_squeeze %dma_wait3A_420 : memref<1x1x4x2048xf32, #tpu.memory_space<hbm>> -> memref<4x2048xf32, #tpu.memory_space<hbm>>
        %dma_wait3A_422 = arith.constant 0 : i32
        %dma_wait3A_423 = arith.constant 0 : i32
        %dma_wait3A_424 = tpu.memref_slice %arg9[%dma_wait3A_410, %dma_wait3A_422, %dma_wait3A_423] : memref<4x4x2048xf32, #tpu.memory_space<vmem>> -> memref<1x4x2048xf32, #tpu.memory_space<vmem>>
        %dma_wait3A_425 = tpu.memref_squeeze %dma_wait3A_424 : memref<1x4x2048xf32, #tpu.memory_space<vmem>> -> memref<4x2048xf32, #tpu.memory_space<vmem>>
        tpu.wait_dma2 semaphore(%arg17 : memref<!tpu.dma_semaphore, #tpu.memory_space<semaphore_mem>>) src(%dma_wait3A_425 : memref<4x2048xf32, #tpu.memory_space<vmem>>) dst(%dma_wait3A_421 : memref<4x2048xf32, #tpu.memory_space<hbm>>)
      } else {
      }
      %parallel_loop3A_376 = arith.constant 0 : i32
      %parallel_loop3A_377 = arith.constant 2048 : i32
      %parallel_loop3A_378 = arith.constant 16 : i32
      scf.for %parallel_loop3A_405 = %parallel_loop3A_376 to %parallel_loop3A_377 step %parallel_loop3A_378  : i32 {
        %parallel_loop3A_406 = arith.constant 3 : i32
        %parallel_loop3A_407 = arith.constant 0 : i32
        %parallel_loop3A_408 = arith.index_cast %parallel_loop3A_406 : i32 to index
        %parallel_loop3A_409 = arith.index_cast %parallel_loop3A_407 : i32 to index
        %parallel_loop3A_410 = arith.index_cast %parallel_loop3A_405 : i32 to index
        %parallel_loop3A_411 = tpu.vector_load %arg8[%parallel_loop3A_408, %parallel_loop3A_409, %parallel_loop3A_410] {strides = array<i32>} : memref<4x4x2048xf32, #tpu.memory_space<vmem>>, vector<16xf32>,
        %parallel_loop3A_412 = arith.constant 1.000000e+03 : f32
        %parallel_loop3A_413 = vector.broadcast %parallel_loop3A_412 : f32 to vector<16xf32>
        %parallel_loop3A_414 = arith.mulf %parallel_loop3A_411, %parallel_loop3A_413 : vector<16xf32>
        %parallel_loop3A_415 = arith.constant 2.048000e+03 : f32
        %parallel_loop3A_416 = vector.broadcast %parallel_loop3A_415 : f32 to vector<16xf32>
        %parallel_loop3A_417 = arith.addf %parallel_loop3A_414, %parallel_loop3A_416 : vector<16xf32>
        %parallel_loop3A_418 = arith.constant 0.000000e+00 : f32
        %parallel_loop3A_419 = vector.broadcast %parallel_loop3A_418 : f32 to vector<16xf32>
        %parallel_loop3A_420 = arith.maximumf %parallel_loop3A_417, %parallel_loop3A_419 : vector<16xf32>
        %parallel_loop3A_421 = arith.constant 4.095000e+03 : f32
        %parallel_loop3A_422 = vector.broadcast %parallel_loop3A_421 : f32 to vector<16xf32>
        %parallel_loop3A_423 = arith.minimumf %parallel_loop3A_420, %parallel_loop3A_422 : vector<16xf32>
        %parallel_loop3A_424 = arith.fptosi %parallel_loop3A_423 : vector<16xf32> to vector<16xi32>
        %parallel_loop3A_425 = tpu.vector_load_idx %arg6[%parallel_loop3A_424] : memref<4096xf32, #tpu.memory_space<vmem>>[vector<16xi32>], vector<16xf32>,
        %parallel_loop3A_426 = tpu.vector_load_idx %arg7[%parallel_loop3A_424] : memref<4096xf32, #tpu.memory_space<vmem>>[vector<16xi32>], vector<16xf32>,
        %parallel_loop3A_427 = arith.mulf %parallel_loop3A_425, %parallel_loop3A_423 : vector<16xf32>
        %parallel_loop3A_428 = arith.addf %parallel_loop3A_427, %parallel_loop3A_426 : vector<16xf32>
        %parallel_loop3A_429 = arith.constant 3 : i32
        %parallel_loop3A_430 = arith.constant 0 : i32
        %parallel_loop3A_431 = arith.index_cast %parallel_loop3A_429 : i32 to index
        %parallel_loop3A_432 = arith.index_cast %parallel_loop3A_430 : i32 to index
        %parallel_loop3A_433 = arith.index_cast %parallel_loop3A_405 : i32 to index
        %parallel_loop3A_434 = tpu.vector_load %arg9[%parallel_loop3A_431, %parallel_loop3A_432, %parallel_loop3A_433] {strides = array<i32>} : memref<4x4x2048xf32, #tpu.memory_space<vmem>>, vector<16xf32>,
        tpu.vector_store %arg9[%parallel_loop3A_431, %parallel_loop3A_432, %parallel_loop3A_433], %parallel_loop3A_428 {strides = array<i32>} : memref<4x4x2048xf32, #tpu.memory_space<vmem>>, vector<16xf32>,
        %parallel_loop3A_435 = arith.constant 3 : i32
        %parallel_loop3A_436 = arith.constant 1 : i32
        %parallel_loop3A_437 = arith.index_cast %parallel_loop3A_435 : i32 to index
        %parallel_loop3A_438 = arith.index_cast %parallel_loop3A_436 : i32 to index
        %parallel_loop3A_439 = arith.index_cast %parallel_loop3A_405 : i32 to index
        %parallel_loop3A_440 = tpu.vector_load %arg8[%parallel_loop3A_437, %parallel_loop3A_438, %parallel_loop3A_439] {strides = array<i32>} : memref<4x4x2048xf32, #tpu.memory_space<vmem>>, vector<16xf32>,
        %parallel_loop3A_441 = arith.constant 1.000000e+03 : f32
        %parallel_loop3A_442 = vector.broadcast %parallel_loop3A_441 : f32 to vector<16xf32>
        %parallel_loop3A_443 = arith.mulf %parallel_loop3A_440, %parallel_loop3A_442 : vector<16xf32>
        %parallel_loop3A_444 = arith.constant 2.048000e+03 : f32
        %parallel_loop3A_445 = vector.broadcast %parallel_loop3A_444 : f32 to vector<16xf32>
        %parallel_loop3A_446 = arith.addf %parallel_loop3A_443, %parallel_loop3A_445 : vector<16xf32>
        %parallel_loop3A_447 = arith.constant 0.000000e+00 : f32
        %parallel_loop3A_448 = vector.broadcast %parallel_loop3A_447 : f32 to vector<16xf32>
        %parallel_loop3A_449 = arith.maximumf %parallel_loop3A_446, %parallel_loop3A_448 : vector<16xf32>
        %parallel_loop3A_450 = arith.constant 4.095000e+03 : f32
        %parallel_loop3A_451 = vector.broadcast %parallel_loop3A_450 : f32 to vector<16xf32>
        %parallel_loop3A_452 = arith.minimumf %parallel_loop3A_449, %parallel_loop3A_451 : vector<16xf32>
        %parallel_loop3A_453 = arith.fptosi %parallel_loop3A_452 : vector<16xf32> to vector<16xi32>
        %parallel_loop3A_454 = tpu.vector_load_idx %arg6[%parallel_loop3A_453] : memref<4096xf32, #tpu.memory_space<vmem>>[vector<16xi32>], vector<16xf32>,
        %parallel_loop3A_455 = tpu.vector_load_idx %arg7[%parallel_loop3A_453] : memref<4096xf32, #tpu.memory_space<vmem>>[vector<16xi32>], vector<16xf32>,
        %parallel_loop3A_456 = arith.mulf %parallel_loop3A_454, %parallel_loop3A_452 : vector<16xf32>
        %parallel_loop3A_457 = arith.addf %parallel_loop3A_456, %parallel_loop3A_455 : vector<16xf32>
        %parallel_loop3A_458 = arith.constant 3 : i32
        %parallel_loop3A_459 = arith.constant 1 : i32
        %parallel_loop3A_460 = arith.index_cast %parallel_loop3A_458 : i32 to index
        %parallel_loop3A_461 = arith.index_cast %parallel_loop3A_459 : i32 to index
        %parallel_loop3A_462 = arith.index_cast %parallel_loop3A_405 : i32 to index
        %parallel_loop3A_463 = tpu.vector_load %arg9[%parallel_loop3A_460, %parallel_loop3A_461, %parallel_loop3A_462] {strides = array<i32>} : memref<4x4x2048xf32, #tpu.memory_space<vmem>>, vector<16xf32>,
        tpu.vector_store %arg9[%parallel_loop3A_460, %parallel_loop3A_461, %parallel_loop3A_462], %parallel_loop3A_457 {strides = array<i32>} : memref<4x4x2048xf32, #tpu.memory_space<vmem>>, vector<16xf32>,
        %parallel_loop3A_464 = arith.constant 3 : i32
        %parallel_loop3A_465 = arith.constant 2 : i32
        %parallel_loop3A_466 = arith.index_cast %parallel_loop3A_464 : i32 to index
        %parallel_loop3A_467 = arith.index_cast %parallel_loop3A_465 : i32 to index
        %parallel_loop3A_468 = arith.index_cast %parallel_loop3A_405 : i32 to index
        %parallel_loop3A_469 = tpu.vector_load %arg8[%parallel_loop3A_466, %parallel_loop3A_467, %parallel_loop3A_468] {strides = array<i32>} : memref<4x4x2048xf32, #tpu.memory_space<vmem>>, vector<16xf32>,
        %parallel_loop3A_470 = arith.constant 1.000000e+03 : f32
        %parallel_loop3A_471 = vector.broadcast %parallel_loop3A_470 : f32 to vector<16xf32>
        %parallel_loop3A_472 = arith.mulf %parallel_loop3A_469, %parallel_loop3A_471 : vector<16xf32>
        %parallel_loop3A_473 = arith.constant 2.048000e+03 : f32
        %parallel_loop3A_474 = vector.broadcast %parallel_loop3A_473 : f32 to vector<16xf32>
        %parallel_loop3A_475 = arith.addf %parallel_loop3A_472, %parallel_loop3A_474 : vector<16xf32>
        %parallel_loop3A_476 = arith.constant 0.000000e+00 : f32
        %parallel_loop3A_477 = vector.broadcast %parallel_loop3A_476 : f32 to vector<16xf32>
        %parallel_loop3A_478 = arith.maximumf %parallel_loop3A_475, %parallel_loop3A_477 : vector<16xf32>
        %parallel_loop3A_479 = arith.constant 4.095000e+03 : f32
        %parallel_loop3A_480 = vector.broadcast %parallel_loop3A_479 : f32 to vector<16xf32>
        %parallel_loop3A_481 = arith.minimumf %parallel_loop3A_478, %parallel_loop3A_480 : vector<16xf32>
        %parallel_loop3A_482 = arith.fptosi %parallel_loop3A_481 : vector<16xf32> to vector<16xi32>
        %parallel_loop3A_483 = tpu.vector_load_idx %arg6[%parallel_loop3A_482] : memref<4096xf32, #tpu.memory_space<vmem>>[vector<16xi32>], vector<16xf32>,
        %parallel_loop3A_484 = tpu.vector_load_idx %arg7[%parallel_loop3A_482] : memref<4096xf32, #tpu.memory_space<vmem>>[vector<16xi32>], vector<16xf32>,
        %parallel_loop3A_485 = arith.mulf %parallel_loop3A_483, %parallel_loop3A_481 : vector<16xf32>
        %parallel_loop3A_486 = arith.addf %parallel_loop3A_485, %parallel_loop3A_484 : vector<16xf32>
        %parallel_loop3A_487 = arith.constant 3 : i32
        %parallel_loop3A_488 = arith.constant 2 : i32
        %parallel_loop3A_489 = arith.index_cast %parallel_loop3A_487 : i32 to index
        %parallel_loop3A_490 = arith.index_cast %parallel_loop3A_488 : i32 to index
        %parallel_loop3A_491 = arith.index_cast %parallel_loop3A_405 : i32 to index
        %parallel_loop3A_492 = tpu.vector_load %arg9[%parallel_loop3A_489, %parallel_loop3A_490, %parallel_loop3A_491] {strides = array<i32>} : memref<4x4x2048xf32, #tpu.memory_space<vmem>>, vector<16xf32>,
        tpu.vector_store %arg9[%parallel_loop3A_489, %parallel_loop3A_490, %parallel_loop3A_491], %parallel_loop3A_486 {strides = array<i32>} : memref<4x4x2048xf32, #tpu.memory_space<vmem>>, vector<16xf32>,
        %parallel_loop3A_493 = arith.constant 3 : i32
        %parallel_loop3A_494 = arith.constant 3 : i32
        %parallel_loop3A_495 = arith.index_cast %parallel_loop3A_493 : i32 to index
        %parallel_loop3A_496 = arith.index_cast %parallel_loop3A_494 : i32 to index
        %parallel_loop3A_497 = arith.index_cast %parallel_loop3A_405 : i32 to index
        %parallel_loop3A_498 = tpu.vector_load %arg8[%parallel_loop3A_495, %parallel_loop3A_496, %parallel_loop3A_497] {strides = array<i32>} : memref<4x4x2048xf32, #tpu.memory_space<vmem>>, vector<16xf32>,
        %parallel_loop3A_499 = arith.constant 1.000000e+03 : f32
        %parallel_loop3A_500 = vector.broadcast %parallel_loop3A_499 : f32 to vector<16xf32>
        %parallel_loop3A_501 = arith.mulf %parallel_loop3A_498, %parallel_loop3A_500 : vector<16xf32>
        %parallel_loop3A_502 = arith.constant 2.048000e+03 : f32
        %parallel_loop3A_503 = vector.broadcast %parallel_loop3A_502 : f32 to vector<16xf32>
        %parallel_loop3A_504 = arith.addf %parallel_loop3A_501, %parallel_loop3A_503 : vector<16xf32>
        %parallel_loop3A_505 = arith.constant 0.000000e+00 : f32
        %parallel_loop3A_506 = vector.broadcast %parallel_loop3A_505 : f32 to vector<16xf32>
        %parallel_loop3A_507 = arith.maximumf %parallel_loop3A_504, %parallel_loop3A_506 : vector<16xf32>
        %parallel_loop3A_508 = arith.constant 4.095000e+03 : f32
        %parallel_loop3A_509 = vector.broadcast %parallel_loop3A_508 : f32 to vector<16xf32>
        %parallel_loop3A_510 = arith.minimumf %parallel_loop3A_507, %parallel_loop3A_509 : vector<16xf32>
        %parallel_loop3A_511 = arith.fptosi %parallel_loop3A_510 : vector<16xf32> to vector<16xi32>
        %parallel_loop3A_512 = tpu.vector_load_idx %arg6[%parallel_loop3A_511] : memref<4096xf32, #tpu.memory_space<vmem>>[vector<16xi32>], vector<16xf32>,
        %parallel_loop3A_513 = tpu.vector_load_idx %arg7[%parallel_loop3A_511] : memref<4096xf32, #tpu.memory_space<vmem>>[vector<16xi32>], vector<16xf32>,
        %parallel_loop3A_514 = arith.mulf %parallel_loop3A_512, %parallel_loop3A_510 : vector<16xf32>
        %parallel_loop3A_515 = arith.addf %parallel_loop3A_514, %parallel_loop3A_513 : vector<16xf32>
        %parallel_loop3A_516 = arith.constant 3 : i32
        %parallel_loop3A_517 = arith.constant 3 : i32
        %parallel_loop3A_518 = arith.index_cast %parallel_loop3A_516 : i32 to index
        %parallel_loop3A_519 = arith.index_cast %parallel_loop3A_517 : i32 to index
        %parallel_loop3A_520 = arith.index_cast %parallel_loop3A_405 : i32 to index
        %parallel_loop3A_521 = tpu.vector_load %arg9[%parallel_loop3A_518, %parallel_loop3A_519, %parallel_loop3A_520] {strides = array<i32>} : memref<4x4x2048xf32, #tpu.memory_space<vmem>>, vector<16xf32>,
        tpu.vector_store %arg9[%parallel_loop3A_518, %parallel_loop3A_519, %parallel_loop3A_520], %parallel_loop3A_515 {strides = array<i32>} : memref<4x4x2048xf32, #tpu.memory_space<vmem>>, vector<16xf32>,
      } {sc.loop_unroll_factor = 8 : i64, sc.parallel_access}
      %mul3A_379 = arith.constant 4 : i32
      %mul3A_380 = arith.muli %add3A_351, %mul3A_379 : i32
      %add3A_381 = arith.addi %select_n3A_32, %mul3A_380 : i32
      %dma_start3A_382 = arith.constant 3 : i32
      %dma_start3A_383 = arith.constant 0 : i32
      %dma_start3A_384 = arith.constant 0 : i32
      %dma_start3A_385 = arith.constant 0 : i32
      %dma_start3A_386 = tpu.memref_slice %arg9[%dma_start3A_382, %dma_start3A_384, %dma_start3A_385] : memref<4x4x2048xf32, #tpu.memory_space<vmem>> -> memref<1x4x2048xf32, #tpu.memory_space<vmem>>
      %dma_start3A_387 = tpu.memref_squeeze %dma_start3A_386 : memref<1x4x2048xf32, #tpu.memory_space<vmem>> -> memref<4x2048xf32, #tpu.memory_space<vmem>>
      %dma_start3A_388 = arith.constant 0 : i32
      %dma_start3A_389 = tpu.memref_slice %arg5[%select_n3A, %dma_start3A_383, %add3A_381, %dma_start3A_388] : memref<4x1x4096x2048xf32, #tpu.memory_space<hbm>> -> memref<1x1x4x2048xf32, #tpu.memory_space<hbm>>
      %dma_start3A_390 = tpu.memref_squeeze %dma_start3A_389 : memref<1x1x4x2048xf32, #tpu.memory_space<hbm>> -> memref<4x2048xf32, #tpu.memory_space<hbm>>
      %dma_start3A_391 = arith.constant 0 : i32
      %dma_start3A_392 = tpu.memref_slice %arg5[%select_n3A, %dma_start3A_383, %add3A_381, %dma_start3A_391] : memref<4x1x4096x2048xf32, #tpu.memory_space<hbm>> -> memref<1x1x4x2048xf32, #tpu.memory_space<hbm>>
      %dma_start3A_393 = tpu.memref_squeeze %dma_start3A_392 : memref<1x1x4x2048xf32, #tpu.memory_space<hbm>> -> memref<4x2048xf32, #tpu.memory_space<hbm>>
      %dma_start3A_394 = arith.constant 0 : i32
      %dma_start3A_395 = arith.constant 0 : i32
      %dma_start3A_396 = tpu.memref_slice %arg9[%dma_start3A_382, %dma_start3A_394, %dma_start3A_395] : memref<4x4x2048xf32, #tpu.memory_space<vmem>> -> memref<1x4x2048xf32, #tpu.memory_space<vmem>>
      %dma_start3A_397 = tpu.memref_squeeze %dma_start3A_396 : memref<1x4x2048xf32, #tpu.memory_space<vmem>> -> memref<4x2048xf32, #tpu.memory_space<vmem>>
      tpu.enqueue_dma source(%dma_start3A_397 : memref<4x2048xf32, #tpu.memory_space<vmem>>) target(%dma_start3A_393 : memref<4x2048xf32, #tpu.memory_space<hbm>>) target_semaphore(%arg17 : memref<!tpu.dma_semaphore, #tpu.memory_space<semaphore_mem>>)
      %add3A_398 = arith.constant 4 : i32
      %add3A_399 = arith.addi %add3A_351, %add3A_398 : i32
      %lt3A_400 = arith.constant 128 : i32
      %lt3A_401 = arith.cmpi slt, %add3A_399, %lt3A_400 : i32
      %convert_element_type3A_402 = arith.extui %lt3A_401 : i1 to i32
      %cond3A_403 = arith.constant 0 : i32
      %cond3A_404 = arith.cmpi ne, %convert_element_type3A_402, %cond3A_403 : i32
      scf.if %cond3A_404 {
        %add3A_405 = arith.constant 4 : i32
        %add3A_406 = arith.addi %add3A_351, %add3A_405 : i32
        %mul3A_407 = arith.constant 4 : i32
        %mul3A_408 = arith.muli %add3A_406, %mul3A_407 : i32
        %add3A_409 = arith.addi %select_n3A_32, %mul3A_408 : i32
        %dma_start3A_410 = arith.constant 0 : i32
        %dma_start3A_411 = arith.constant 3 : i32
        %dma_start3A_412 = arith.constant 0 : i32
        %dma_start3A_413 = arith.constant 0 : i32
        %dma_start3A_414 = tpu.memref_slice %arg8[%dma_start3A_411, %dma_start3A_412, %dma_start3A_413] : memref<4x4x2048xf32, #tpu.memory_space<vmem>> -> memref<1x4x2048xf32, #tpu.memory_space<vmem>>
        %dma_start3A_415 = tpu.memref_squeeze %dma_start3A_414 : memref<1x4x2048xf32, #tpu.memory_space<vmem>> -> memref<4x2048xf32, #tpu.memory_space<vmem>>
        %dma_start3A_416 = arith.constant 0 : i32
        %dma_start3A_417 = tpu.memref_slice %arg2[%select_n3A, %dma_start3A_410, %add3A_409, %dma_start3A_416] : memref<4x1x4096x2048xf32, #tpu.memory_space<hbm>> -> memref<1x1x4x2048xf32, #tpu.memory_space<hbm>>
        %dma_start3A_418 = tpu.memref_squeeze %dma_start3A_417 : memref<1x1x4x2048xf32, #tpu.memory_space<hbm>> -> memref<4x2048xf32, #tpu.memory_space<hbm>>
        %dma_start3A_419 = arith.constant 0 : i32
        %dma_start3A_420 = arith.constant 0 : i32
        %dma_start3A_421 = tpu.memref_slice %arg8[%dma_start3A_411, %dma_start3A_419, %dma_start3A_420] : memref<4x4x2048xf32, #tpu.memory_space<vmem>> -> memref<1x4x2048xf32, #tpu.memory_space<vmem>>
        %dma_start3A_422 = tpu.memref_squeeze %dma_start3A_421 : memref<1x4x2048xf32, #tpu.memory_space<vmem>> -> memref<4x2048xf32, #tpu.memory_space<vmem>>
        %dma_start3A_423 = arith.constant 0 : i32
        %dma_start3A_424 = tpu.memref_slice %arg2[%select_n3A, %dma_start3A_410, %add3A_409, %dma_start3A_423] : memref<4x1x4096x2048xf32, #tpu.memory_space<hbm>> -> memref<1x1x4x2048xf32, #tpu.memory_space<hbm>>
        %dma_start3A_425 = tpu.memref_squeeze %dma_start3A_424 : memref<1x1x4x2048xf32, #tpu.memory_space<hbm>> -> memref<4x2048xf32, #tpu.memory_space<hbm>>
        tpu.enqueue_dma source(%dma_start3A_425 : memref<4x2048xf32, #tpu.memory_space<hbm>>) target(%dma_start3A_422 : memref<4x2048xf32, #tpu.memory_space<vmem>>) target_semaphore(%arg13 : memref<!tpu.dma_semaphore, #tpu.memory_space<semaphore_mem>>)
      } else {
      }
    }
    %scan3A_108 = arith.constant 32 : i32
    %add3A_109 = arith.constant 496 : i32
    %add3A_110 = arith.addi %select_n3A_32, %add3A_109 : i32
    %dma_wait3A = arith.constant 0 : i32
    %dma_wait3A_111 = arith.constant 0 : i32
    %dma_wait3A_112 = arith.constant 0 : i32
    %dma_wait3A_113 = arith.constant 0 : i32
    %dma_wait3A_114 = tpu.memref_slice %arg9[%dma_wait3A, %dma_wait3A_112, %dma_wait3A_113] : memref<4x4x2048xf32, #tpu.memory_space<vmem>> -> memref<1x4x2048xf32, #tpu.memory_space<vmem>>
    %dma_wait3A_115 = tpu.memref_squeeze %dma_wait3A_114 : memref<1x4x2048xf32, #tpu.memory_space<vmem>> -> memref<4x2048xf32, #tpu.memory_space<vmem>>
    %dma_wait3A_116 = arith.constant 0 : i32
    %dma_wait3A_117 = tpu.memref_slice %arg5[%select_n3A, %dma_wait3A_111, %add3A_110, %dma_wait3A_116] : memref<4x1x4096x2048xf32, #tpu.memory_space<hbm>> -> memref<1x1x4x2048xf32, #tpu.memory_space<hbm>>
    %dma_wait3A_118 = tpu.memref_squeeze %dma_wait3A_117 : memref<1x1x4x2048xf32, #tpu.memory_space<hbm>> -> memref<4x2048xf32, #tpu.memory_space<hbm>>
    %dma_wait3A_119 = arith.constant 0 : i32
    %dma_wait3A_120 = tpu.memref_slice %arg5[%select_n3A, %dma_wait3A_111, %add3A_110, %dma_wait3A_119] : memref<4x1x4096x2048xf32, #tpu.memory_space<hbm>> -> memref<1x1x4x2048xf32, #tpu.memory_space<hbm>>
    %dma_wait3A_121 = tpu.memref_squeeze %dma_wait3A_120 : memref<1x1x4x2048xf32, #tpu.memory_space<hbm>> -> memref<4x2048xf32, #tpu.memory_space<hbm>>
    %dma_wait3A_122 = arith.constant 0 : i32
    %dma_wait3A_123 = arith.constant 0 : i32
    %dma_wait3A_124 = tpu.memref_slice %arg9[%dma_wait3A, %dma_wait3A_122, %dma_wait3A_123] : memref<4x4x2048xf32, #tpu.memory_space<vmem>> -> memref<1x4x2048xf32, #tpu.memory_space<vmem>>
    %dma_wait3A_125 = tpu.memref_squeeze %dma_wait3A_124 : memref<1x4x2048xf32, #tpu.memory_space<vmem>> -> memref<4x2048xf32, #tpu.memory_space<vmem>>
    tpu.wait_dma2 semaphore(%arg14 : memref<!tpu.dma_semaphore, #tpu.memory_space<semaphore_mem>>) src(%dma_wait3A_125 : memref<4x2048xf32, #tpu.memory_space<vmem>>) dst(%dma_wait3A_121 : memref<4x2048xf32, #tpu.memory_space<hbm>>)
    %add3A_126 = arith.constant 500 : i32
    %add3A_127 = arith.addi %select_n3A_32, %add3A_126 : i32
    %dma_wait3A_128 = arith.constant 1 : i32
    %dma_wait3A_129 = arith.constant 0 : i32
    %dma_wait3A_130 = arith.constant 0 : i32
    %dma_wait3A_131 = arith.constant 0 : i32
    %dma_wait3A_132 = tpu.memref_slice %arg9[%dma_wait3A_128, %dma_wait3A_130, %dma_wait3A_131] : memref<4x4x2048xf32, #tpu.memory_space<vmem>> -> memref<1x4x2048xf32, #tpu.memory_space<vmem>>
    %dma_wait3A_133 = tpu.memref_squeeze %dma_wait3A_132 : memref<1x4x2048xf32, #tpu.memory_space<vmem>> -> memref<4x2048xf32, #tpu.memory_space<vmem>>
    %dma_wait3A_134 = arith.constant 0 : i32
    %dma_wait3A_135 = tpu.memref_slice %arg5[%select_n3A, %dma_wait3A_129, %add3A_127, %dma_wait3A_134] : memref<4x1x4096x2048xf32, #tpu.memory_space<hbm>> -> memref<1x1x4x2048xf32, #tpu.memory_space<hbm>>
    %dma_wait3A_136 = tpu.memref_squeeze %dma_wait3A_135 : memref<1x1x4x2048xf32, #tpu.memory_space<hbm>> -> memref<4x2048xf32, #tpu.memory_space<hbm>>
    %dma_wait3A_137 = arith.constant 0 : i32
    %dma_wait3A_138 = tpu.memref_slice %arg5[%select_n3A, %dma_wait3A_129, %add3A_127, %dma_wait3A_137] : memref<4x1x4096x2048xf32, #tpu.memory_space<hbm>> -> memref<1x1x4x2048xf32, #tpu.memory_space<hbm>>
    %dma_wait3A_139 = tpu.memref_squeeze %dma_wait3A_138 : memref<1x1x4x2048xf32, #tpu.memory_space<hbm>> -> memref<4x2048xf32, #tpu.memory_space<hbm>>
    %dma_wait3A_140 = arith.constant 0 : i32
    %dma_wait3A_141 = arith.constant 0 : i32
    %dma_wait3A_142 = tpu.memref_slice %arg9[%dma_wait3A_128, %dma_wait3A_140, %dma_wait3A_141] : memref<4x4x2048xf32, #tpu.memory_space<vmem>> -> memref<1x4x2048xf32, #tpu.memory_space<vmem>>
    %dma_wait3A_143 = tpu.memref_squeeze %dma_wait3A_142 : memref<1x4x2048xf32, #tpu.memory_space<vmem>> -> memref<4x2048xf32, #tpu.memory_space<vmem>>
    tpu.wait_dma2 semaphore(%arg15 : memref<!tpu.dma_semaphore, #tpu.memory_space<semaphore_mem>>) src(%dma_wait3A_143 : memref<4x2048xf32, #tpu.memory_space<vmem>>) dst(%dma_wait3A_139 : memref<4x2048xf32, #tpu.memory_space<hbm>>)
    %add3A_144 = arith.constant 504 : i32
    %add3A_145 = arith.addi %select_n3A_32, %add3A_144 : i32
    %dma_wait3A_146 = arith.constant 2 : i32
    %dma_wait3A_147 = arith.constant 0 : i32
    %dma_wait3A_148 = arith.constant 0 : i32
    %dma_wait3A_149 = arith.constant 0 : i32
    %dma_wait3A_150 = tpu.memref_slice %arg9[%dma_wait3A_146, %dma_wait3A_148, %dma_wait3A_149] : memref<4x4x2048xf32, #tpu.memory_space<vmem>> -> memref<1x4x2048xf32, #tpu.memory_space<vmem>>
    %dma_wait3A_151 = tpu.memref_squeeze %dma_wait3A_150 : memref<1x4x2048xf32, #tpu.memory_space<vmem>> -> memref<4x2048xf32, #tpu.memory_space<vmem>>
    %dma_wait3A_152 = arith.constant 0 : i32
    %dma_wait3A_153 = tpu.memref_slice %arg5[%select_n3A, %dma_wait3A_147, %add3A_145, %dma_wait3A_152] : memref<4x1x4096x2048xf32, #tpu.memory_space<hbm>> -> memref<1x1x4x2048xf32, #tpu.memory_space<hbm>>
    %dma_wait3A_154 = tpu.memref_squeeze %dma_wait3A_153 : memref<1x1x4x2048xf32, #tpu.memory_space<hbm>> -> memref<4x2048xf32, #tpu.memory_space<hbm>>
    %dma_wait3A_155 = arith.constant 0 : i32
    %dma_wait3A_156 = tpu.memref_slice %arg5[%select_n3A, %dma_wait3A_147, %add3A_145, %dma_wait3A_155] : memref<4x1x4096x2048xf32, #tpu.memory_space<hbm>> -> memref<1x1x4x2048xf32, #tpu.memory_space<hbm>>
    %dma_wait3A_157 = tpu.memref_squeeze %dma_wait3A_156 : memref<1x1x4x2048xf32, #tpu.memory_space<hbm>> -> memref<4x2048xf32, #tpu.memory_space<hbm>>
    %dma_wait3A_158 = arith.constant 0 : i32
    %dma_wait3A_159 = arith.constant 0 : i32
    %dma_wait3A_160 = tpu.memref_slice %arg9[%dma_wait3A_146, %dma_wait3A_158, %dma_wait3A_159] : memref<4x4x2048xf32, #tpu.memory_space<vmem>> -> memref<1x4x2048xf32, #tpu.memory_space<vmem>>
    %dma_wait3A_161 = tpu.memref_squeeze %dma_wait3A_160 : memref<1x4x2048xf32, #tpu.memory_space<vmem>> -> memref<4x2048xf32, #tpu.memory_space<vmem>>
    tpu.wait_dma2 semaphore(%arg16 : memref<!tpu.dma_semaphore, #tpu.memory_space<semaphore_mem>>) src(%dma_wait3A_161 : memref<4x2048xf32, #tpu.memory_space<vmem>>) dst(%dma_wait3A_157 : memref<4x2048xf32, #tpu.memory_space<hbm>>)
    %add3A_162 = arith.constant 508 : i32
    %add3A_163 = arith.addi %select_n3A_32, %add3A_162 : i32
    %dma_wait3A_164 = arith.constant 3 : i32
    %dma_wait3A_165 = arith.constant 0 : i32
    %dma_wait3A_166 = arith.constant 0 : i32
    %dma_wait3A_167 = arith.constant 0 : i32
    %dma_wait3A_168 = tpu.memref_slice %arg9[%dma_wait3A_164, %dma_wait3A_166, %dma_wait3A_167] : memref<4x4x2048xf32, #tpu.memory_space<vmem>> -> memref<1x4x2048xf32, #tpu.memory_space<vmem>>
    %dma_wait3A_169 = tpu.memref_squeeze %dma_wait3A_168 : memref<1x4x2048xf32, #tpu.memory_space<vmem>> -> memref<4x2048xf32, #tpu.memory_space<vmem>>
    %dma_wait3A_170 = arith.constant 0 : i32
    %dma_wait3A_171 = tpu.memref_slice %arg5[%select_n3A, %dma_wait3A_165, %add3A_163, %dma_wait3A_170] : memref<4x1x4096x2048xf32, #tpu.memory_space<hbm>> -> memref<1x1x4x2048xf32, #tpu.memory_space<hbm>>
    %dma_wait3A_172 = tpu.memref_squeeze %dma_wait3A_171 : memref<1x1x4x2048xf32, #tpu.memory_space<hbm>> -> memref<4x2048xf32, #tpu.memory_space<hbm>>
    %dma_wait3A_173 = arith.constant 0 : i32
    %dma_wait3A_174 = tpu.memref_slice %arg5[%select_n3A, %dma_wait3A_165, %add3A_163, %dma_wait3A_173] : memref<4x1x4096x2048xf32, #tpu.memory_space<hbm>> -> memref<1x1x4x2048xf32, #tpu.memory_space<hbm>>
    %dma_wait3A_175 = tpu.memref_squeeze %dma_wait3A_174 : memref<1x1x4x2048xf32, #tpu.memory_space<hbm>> -> memref<4x2048xf32, #tpu.memory_space<hbm>>
    %dma_wait3A_176 = arith.constant 0 : i32
    %dma_wait3A_177 = arith.constant 0 : i32
    %dma_wait3A_178 = tpu.memref_slice %arg9[%dma_wait3A_164, %dma_wait3A_176, %dma_wait3A_177] : memref<4x4x2048xf32, #tpu.memory_space<vmem>> -> memref<1x4x2048xf32, #tpu.memory_space<vmem>>
    %dma_wait3A_179 = tpu.memref_squeeze %dma_wait3A_178 : memref<1x4x2048xf32, #tpu.memory_space<vmem>> -> memref<4x2048xf32, #tpu.memory_space<vmem>>
    tpu.wait_dma2 semaphore(%arg17 : memref<!tpu.dma_semaphore, #tpu.memory_space<semaphore_mem>>) src(%dma_wait3A_179 : memref<4x2048xf32, #tpu.memory_space<vmem>>) dst(%dma_wait3A_175 : memref<4x2048xf32, #tpu.memory_space<hbm>>)
    return
  }
}

</mosaic_0001>

<sc_bundles>
// kernel: kernel.3.cloned.1.call-start
scs
__scs_entry_jumppad:
0x0: {  	(pc) =	sbr.rel $0x88, $3  }
0x1: {  	(tag) =	ssettag $0x0;
	lr =	simm.s32 $0x1  }
0x2: {  	[smem:$0x3F9F] =	sst lr;
	_ =	strace $0xD0000000  }
0x3: {  	_ = 	snop  }
0x4: {  	_ = 	snop  }
0x5: {  	_ = 	snop  }
0x6: {  	_ = 	snop  }
0x7: {  	_ = 	snop  }
__scs_overlays_trampoline_lowered:
0x8: {  	[smem:$0x3FAE] =	sst s0  }
0x9: {  	[smem:$0x3FAF] =	sst s1  }
0xa: {  	[smem:$0x3FB0] =	sst s2  }
0xb: {  	[smem:$0x3FB1] =	sst s3  }
0xc: {  	[smem:$0x3FB2] =	sst s4  }
0xd: {  	[smem:$0x3FB3] =	sst s5  }
0xe: {  	[smem:$0x3FB4] =	sst s6  }
0xf: {  	[smem:$0x3FB5] =	sst s7  }
0x10: {  	[smem:$0x3FB6] =	sst s8  }
0x11: {  	[smem:$0x3FB7] =	sst s9;
	s0 =	simm.s32 @!p0 $0x0  }
0x12: {  	s1 =	sld [smem:$0x3F9D];
	s0 =	simm.s32 @p0 $0x1  }
0x13: {  	[smem:$0x3FB8] =	sst s0;
	s0 =	simm.s32 @!p1 $0x0  }
0x14: {  	s2 =	sld [smem:$0x3F9C];
	s0 =	simm.s32 @p1 $0x1  }
0x15: {  	[smem:$0x3FB9] =	sst s0;
	s0 =	simm.s32 @!p2 $0x0  }
0x16: {  	s3 =	sld [smem:$0x3FDB];
	s0 =	simm.s32 @p2 $0x1  }
0x17: {  	s4 =	simm.s32 $0x1BF5;
	[smem:$0x3FBB] =	sst s0  }
0x18: {  	s0 =	sld [smem:$0x3F9E];
	_ =	swait.ge [sflag:s4], $0x0  }
0x19: {  	s7 =	sld [smem:$0x3F9F]  }
0x1a: {  	s8 =	sadd.s32 $0xFFFFE003, lr  }
0x1b: {  	s9 =	sadd.s32 $0xFFFFFEF7, lr;
	s5 =	simm.s32 $0xFFFFFFFF;
	p2 =	slt.u32 s8, $0xFFFFF086  }
0x1c: {  	p1 =	slt.u32 s9, $0xF7A;
	s5 =	simm.s32 @!p2 $0x0  }
0x1d: {  	s5 =	simm.s32 @p1 $0x1;
	p0 =	seq.s32 s7, s2  }
0x1e: {  	s7 =	smul.u32 @!p0 $0xF7A, s2;
	p2 =	seq.s32 @!p0 s5, $0x0  }
0x1f: {  	s9 =	smul.u32 $0xF7A, s1;
	s8 =	simm.s32 @!p0 $0x1BF5;
	p2 =	por !p2, p0  }
0x20: {  	[sflag:s8] =	ssyncset.s32 @!p0 $0xFFFFF086;
	s6 =	sadd.s32 @!p0 s3, s7;
	s7 =	simm.s32 @!p0 $0x108  }
0x21: {  	s3 =	sadd.s32 s3, s9;
	s6 =	sadd.s32 @!p0 $0x88, s6;
	s7 =	simm.s32 @p2 $0x1082  }
0x22: {  	[simem:s7], [sflag:s8] =	dma.local @!p0 [hbm:s6], $0xF7A  }
0x23: {  	s9 =	sor.u32 $0xD0000000, s2;
	s6 =	simm.s32 $0x108;
	_ =	swait.ge @!p0 [sflag:s8], $0x0  }
0x24: {  	s3 =	sadd.s32 $0x88, s3;
	s6 =	simm.s32 @!p1 $0x1082;
	[sflag:s4] =	ssyncset.s32 $0xFFFFF086  }
0x25: {  	[simem:s6], [sflag:s4] =	dma.local [hbm:s3], $0xF7A  }
0x26: {  	[smem:$0x3F9F] =	sst s1;
	(tag) =	ssettag s2;
	_ =	strace s9  }
0x27: {  	s1 =	sld [smem:$0x3FAF]  }
0x28: {  	s2 =	sld [smem:$0x3FB0]  }
0x29: {  	s4 =	sld [smem:$0x3FB2]  }
0x2a: {  	p0 =	seq.s32 s5, $0x0;
	s5 =	sld [smem:$0x3FB3]  }
0x2b: {  	s6 =	sld [smem:$0x3FB4]  }
0x2c: {  	s7 =	sld [smem:$0x3FB5]  }
0x2d: {  	s3 =	simm.s32 $0x108;
	s8 =	sld [smem:$0x3FB6]  }
0x2e: {  	s3 =	simm.s32 @!p0 $0x1082;
	s9 =	sld [smem:$0x3FB7]  }
0x2f: {  	lr =	sadd.s32 s0, s3;
	s0 =	sld [smem:$0x3FAE]  }
0x30: {  	s3 =	sld [smem:$0x3FB1]  }
0x31: {  	[smem:$0x3FBA] =	sst s10  }
0x32: {  	s10 =	sld [smem:$0x3FB8];
	_ =	sdelay $0x3  }
0x33: {  	p0 =	seq.s32 s10, $0x1;
	s10 =	sld [smem:$0x3FBA];
	_ =	sdelay $0x3  }
0x34: {  	[smem:$0x3FBA] =	sst s10  }
0x35: {  	s10 =	sld [smem:$0x3FB9];
	_ =	sdelay $0x3  }
0x36: {  	p1 =	seq.s32 s10, $0x1;
	s10 =	sld [smem:$0x3FBA];
	_ =	sdelay $0x3  }
0x37: {  	[smem:$0x3FBA] =	sst s10  }
0x38: {  	s10 =	sld [smem:$0x3FBB]  }
0x39: {  	_ = 	snop;
	(pc) =	sbr.ind lr, $3  }
0x3a: {  	_ = 	snop  }
0x3b: {  	_ = 	snop  }
0x3c: {  	p2 =	seq.s32 s10, $0x1;
	s10 =	sld [smem:$0x3FBA]  }
0x3d: {  	_ =	shalt  }
0x3e: {  	_ =	shalt  }
0x3f: {  	_ =	shalt  }
0x40: {  	_ =	shalt  }
0x41: {  	_ =	shalt  }
0x42: {  	_ =	shalt  }
0x43: {  	_ =	shalt  }
0x44: {  	_ =	shalt  }
0x45: {  	_ =	shalt  }
0x46: {  	_ =	shalt  }
0x47: {  	_ =	shalt  }
0x48: {  	_ =	shalt  }
0x49: {  	_ =	shalt  }
0x4a: {  	_ =	shalt  }
0x4b: {  	_ =	shalt  }
0x4c: {  	_ =	shalt  }
0x4d: {  	_ =	shalt  }
0x4e: {  	_ =	shalt  }
0x4f: {  	_ =	shalt  }
0x50: {  	_ =	shalt  }
0x51: {  	_ =	shalt  }
0x52: {  	_ =	shalt  }
0x53: {  	_ =	shalt  }
0x54: {  	_ =	shalt  }
0x55: {  	_ =	shalt  }
0x56: {  	_ =	shalt  }
0x57: {  	_ =	shalt  }
0x58: {  	_ =	shalt  }
0x59: {  	_ =	shalt  }
0x5a: {  	_ =	shalt  }
0x5b: {  	_ =	shalt  }
0x5c: {  	_ =	shalt  }
0x5d: {  	_ =	shalt  }
0x5e: {  	_ =	shalt  }
0x5f: {  	_ =	shalt  }
0x60: {  	_ =	shalt  }
0x61: {  	_ =	shalt  }
0x62: {  	_ =	shalt  }
0x63: {  	_ =	shalt  }
0x64: {  	_ =	shalt  }
0x65: {  	_ =	shalt  }
0x66: {  	_ =	shalt  }
0x67: {  	_ =	shalt  }
0x68: {  	_ =	shalt  }
0x69: {  	_ =	shalt  }
0x6a: {  	_ =	shalt  }
0x6b: {  	_ =	shalt  }
0x6c: {  	_ =	shalt  }
0x6d: {  	_ =	shalt  }
0x6e: {  	_ =	shalt  }
0x6f: {  	_ =	shalt  }
0x70: {  	_ =	shalt  }
0x71: {  	_ =	shalt  }
0x72: {  	_ =	shalt  }
0x73: {  	_ =	shalt  }
0x74: {  	_ =	shalt  }
0x75: {  	_ =	shalt  }
0x76: {  	_ =	shalt  }
0x77: {  	_ =	shalt  }
0x78: {  	_ =	shalt  }
0x79: {  	_ =	shalt  }
0x7a: {  	_ =	shalt  }
0x7b: {  	_ =	shalt  }
0x7c: {  	_ =	shalt  }
0x7d: {  	_ =	shalt  }
0x7e: {  	_ =	shalt  }
0x7f: {  	_ =	shalt  }
0x80: {  	_ =	shalt  }
0x81: {  	_ =	shalt  }
0x82: {  	_ =	shalt  }
0x83: {  	_ =	shalt  }
0x84: {  	_ =	shalt  }
0x85: {  	_ =	shalt  }
0x86: {  	_ =	shalt  }
0x87: {  	_ =	shalt  }
.Lfunc_end0:
.L_simem_size_0:
called_computation_lowered:
.L_overlay_start_0:
0x88: {  	s2 =	sld [smem:$0x3FD9]  }
0x89: {  	s3 =	sld [smem:$0x3FFE];
	_ =	sdelay $0x1  }
0x8a: {  	s1 =	srdreg.scid  }
0x8b: {  	s0 =	sand.u32 $0x1, s1  }
0x8c: {  	s17 =	sshll.u32 s0, $0xA;
	s2 =	sadd.s32 s3, s2  }
0x8d: {  	s2 =	sadd.s32 s2, s17  }
0x8e: {  	[smem:$0x3FC6] =	sst s2  }
0x8f: {  	_ = 	snop  }
0x90: {  	s2 =	sld [smem:$0x3FC9]  }
0x91: {  	s18 =	sld [smem:$0x3FD0];
	(tm) =	ssettm $0x1  }
0x92: {  	s4 =	sld [smem:$0x3FFB];
	_ =	sdelay $0x3  }
0x93: {  	_ =	strace s4  }
0x94: {  	s4 =	sld [smem:$0x3FFC];
	_ =	sdelay $0x3  }
0x95: {  	_ =	strace s4  }
0x96: {  	s4 =	sld [smem:$0x3FFD];
	_ =	sdelay $0x3  }
0x97: {  	_ =	strace s4  }
0x98: {  	_ =	strace $0x8FFFFFFF  }
0x99: {  	s19 =	sld [smem:$0x3FDB];
	_ =	sdelay $0x1  }
0x9a: {  	s5 =	simm.s32 $_scs_section_size  }
0x9b: {  	s6 =	simm.s32 $_size__tile_overlayer_lowered;
	s7 =	simm.s32 $_tile_overlayer_lowered  }
0x9c: {  	s22 =	simm.s32 $0x1BFF;
	s21 =	sshll.u32 s7, $0x1;
	s4 =	sadd.s32 s5, s19  }
0x9d: {  	s8 =	simm.s32 $0x0;
	s20 =	sshll.u32 s6, $0x1;
	s6 =	sadd.s32 s21, s4  }
0x9e: {  	[timem:s8], [sflag:s22] =	dma.local [hbm:s6], s20  }
0x9f: {  	_ =	swait.ge [sflag:s22], s20  }
0xa0: {  	s5 =	ssub.s32 $0x0, s20;
	[sflag:s22] =	ssyncset.done $0x0  }
0xa1: {  	[sflag:s22] =	ssyncadd.s32 s5;
	_ =	sdelay $0x1  }
0xa2: {  	s23 =	simm.s32 $0x1B8B  }
0xa3: {  	_ =	swait.ge [sflag:s23], $0x1  }
0xa4: {  	[sflag:s23] =	ssyncset.done $0x0  }
0xa5: {  	s25 =	simm.s32 $0x1B8E;
	s24 =	sld [smem:$0x3FFE];
	[sflag:s23] =	ssyncadd.s32 $0xFFFFFFFF  }
0xa6: {  	s26 =	simm.s32 $execute0_lowered;
	[smem:$0x3FD2] =	sst s25  }
0xa7: {  	s6 =	sshll.u32 s26, $0x1;
	_ =	strace $0x80000046;
	[dreg:$0x1] =	wrdreg $0xFFFFFFFF  }
0xa8: {  	s28 =	simm.s32 $_size_execute0_lowered;
	s4 =	sadd.s32 s4, s6;
	[dreg:$0x0] =	wrdreg $0x0  }
0xa9: {  	s6 =	sshll.u32 s28, $0x1;
	[dreg:$0x2] =	wrdreg s4  }
0xaa: {  	[dreg:$0x3] =	wrdreg s6  }
0xab: {  	[dreg:$0x4] =	wrdreg $0xC0  }
0xac: {  	_ =	task [dreg:s8], $0x5FFFF  }
0xad: {  	[dreg:$0x1] =	wrdreg $0xFFFFFFFF  }
0xae: {  	[dreg:$0x0] =	wrdreg $0x60  }
0xaf: {  	[dreg:$0x2] =	wrdreg s2  }
0xb0: {  	[dreg:$0x3] =	wrdreg s24  }
0xb1: {  	[dreg:$0x4] =	wrdreg s18  }
0xb2: {  	[dreg:$0x5] =	wrdreg $0x9  }
0xb3: {  	_ =	task.clear_ibuf [dreg:s8], $0x6FFFF;
	_ =	strace $0x90000046  }
0xb4: {  	s29 =	simm.s32 $0x9;
	_ =	strace $0x80000048  }
0xb5: {  	_ =	swait.ge [sflag:s29], $0x1  }
0xb6: {  	[sflag:s29] =	ssyncadd.s32 $0xFFFFFFFF  }
0xb7: {  	_ =	strace $0x90000048  }
0xb8: {  	_ =	sfence  }
0xb9: {  	s30 =	sld [smem:$0x0];
	_ =	sdelay $0x2  }
0xba: {  	s31 =	sshll.u32 s1, $0xD;
	s1 =	sshrl.u32 s1, $0x2  }
0xbb: {  	s3 =	sand.u32 $0x4000, s31;
	s1 =	sadd.s32 s1, s30  }
0xbc: {  	s0 =	sor.u32 s3, s0;
	s1 =	sshll.u32 s1, $0x11  }
0xbd: {  	s0 =	sor.u32 s1, s0  }
0xbe: {  	s0 =	sadd.s32 $0x8F2B, s0  }
0xbf: {  	[sflag:s0] =	ssyncadd.remote.s32 $0x1  }
0xc0: {  	_ =	sfence.sel $0xFFFF  }
0xc1: {  	[dreg:$0x0] =	wrdreg $0xFFFFFFFF;
	(pc) =	sbr.abs _section_cstart, $3  }
0xc2: {  	[dreg:$0x1] =	wrdreg $0xFFFFFFFF  }
0xc3: {  	_ =	task.clear_ibuf [dreg:s8], $0x2FFFF;
	_ =	strace $0x9FFFFFFF  }
0xc4: {  	(tm) =	ssettm $0x7FFFFFFF  }
0xc5: {  	_ =	shalt  }
tec
execute0_lowered:
.L_overlay_start_1:
0x0: {  	(tag) =	ssettag $0x1  }
0x1: {  	s6 =	rddreg [dreg:$0x0]  }
0x2: {  	s0 =	rddreg [dreg:$0x1]  }
0x3: {  	s2 =	rddreg [dreg:$0x2];
	s3 =	simm.s32 $0x0;
	s1 =	srdreg.scid  }
0x4: {  	s5 =	stileid.u32;
	s18 =	simm.s32 $0x1000;
	s19 =	simm.s32 $0x200  }
0x5: {  	s20 =	simm.s32 $0x400;
	s28 =	simm.s32 $0x2;
	s29 =	simm.s32 $0x6  }
0x6: {  	s31 =	simm.s32 $0x3;
	s9 =	simm.s32 $0x10000;
	s10 =	simm.s32 $0x0  }
0x7: {  	[smem:$0x7FF] =	sst s3;
	s4 =	sadd.s32 $0xA00, s0;
	s1 =	sand.u32 $0x1, s1  }
0x8: {  	s5 =	sshll.u32 s5, $0x15;
	s0 =	sadd.s32 $0x800, s0;
	s8 =	sadd.s32 $0x40, s6  }
0x9: {  	s30 =	smov.u32 s6;
	s14 =	sadd.s32 $0x40, s2;
	_ =	strace $0x80000047  }
0xa: {  	[dreg:$0x4] =	wrdreg s4;
	s22 =	ssub.s32 $0x2, s1;
	s1 =	sshll.u32 s1, $0x14  }
0xb: {  	[dreg:$0x5] =	wrdreg s0;
	s4 =	simm.s32 $0xE000;
	s7 =	sor.u32 s1, s5  }
0xc: {  	s23 =	sshrl.u32 s22, $0x1;
	s5 =	simm.s32 $0x4;
	s1 =	sshrl.u32 s7, $0x3  }
0xd: {  	s0 =	ssub.s32 s22, s23;
	s13 =	sor.u32 $0x8000, s7;
	s24 =	sadd.s32 s6, s1  }
.Ltmp0:
0xe: {  	s25 =	sadd.s32 s1, s8;
	[dreg:$0x6] =	wrdreg s24;
	(pc) =	sbr.rel .LBB2_1-.Ltmp0, $4  }
0xf: {  	s1 =	sor.u32 $0x800, s1;
	s0 =	smax.u32 s0, $0x1;
	[dreg:$0x7] =	wrdreg s25  }
0x10: {  	s15 =	sor.u32 $0xC000, s7;
	s26 =	sadd.s32 s6, s1;
	[dreg:$0xa] =	wrdreg s0  }
0x11: {  	s1 =	sadd.s32 s1, s8;
	s25 =	simm.s32 $0x1;
	[dreg:$0x8] =	wrdreg s26  }
0x12: {  	s0 =	simm.s32 $0x7;
	s6 =	simm.s32 $0x8;
	[dreg:$0x9] =	wrdreg s1  }
.LBB2_24:
0x13: {  	s1 =	simm.s32 $0x5  }
0x14: {  	_ =	swait.ge [sflag:s1], $0x2000  }
0x15: {  	[sflag:s1] =	ssyncset.done $0x0  }
0x16: {  	[sflag:s1] =	ssyncadd.s32 $0xFFFFE000  }
0x17: {  	_ =	swait.ge [sflag:s29], $0x2000  }
0x18: {  	[sflag:s29] =	ssyncset.done $0x0  }
0x19: {  	[sflag:s29] =	ssyncadd.s32 $0xFFFFE000  }
0x1a: {  	_ =	swait.ge [sflag:s0], $0x2000  }
0x1b: {  	[sflag:s0] =	ssyncset.done $0x0  }
0x1c: {  	[sflag:s0] =	ssyncadd.s32 $0xFFFFE000  }
0x1d: {  	_ =	swait.ge [sflag:s6], $0x2000  }
0x1e: {  	s10 =	rddreg [dreg:$0xb]  }
0x1f: {  	s26 =	rddreg [dreg:$0xa];
	s10 =	sadd.s32 $0x1, s10  }
0x20: {  	p0 =	sne.s32 s10, s26  }
.Ltmp1:
0x21: {  	_ = 	snop;
	(pc) =	sbr.rel @!p0 .LBB2_25-.Ltmp1, $3  }
0x22: {  	_ =	sdelay $0x1  }
0x23: {  	[sflag:s6] =	ssyncset.done $0x0  }
0x24: {  	[sflag:s6] =	ssyncadd.s32 $0xFFFFE000  }
.LBB2_1:
0x25: {  	[dreg:$0xb] =	wrdreg s10  }
0x26: {  	s1 =	rddreg [dreg:$0x4];
	s26 =	simm.s32 $0x9  }
0x27: {  	[tilespmem:s3], [sflag:$0x9] =	stream.linear.gather [hbm4b:s1+s3], $0x1000, $0x38;
	[tilespmem:$0x12000] =	vst v63  }
0x28: {  	_ =	swait.ge [sflag:s26], $0x1000  }
0x29: {  	[sflag:s26] =	ssyncset.done $0x0  }
0x2a: {  	s11 =	rddreg [dreg:$0x5];
	[sflag:s26] =	ssyncadd.s32 $0xFFFFF000  }
0x2b: {  	[tilespmem:s18], [sflag:$0x9] =	stream.linear.gather [hbm4b:s11+s3], $0x1000, $0x38;
	[tilespmem:$0x12000] =	vst v63  }
0x2c: {  	_ =	swait.ge [sflag:s26], $0x1000  }
0x2d: {  	[sflag:s26] =	ssyncset.done $0x0  }
0x2e: {  	s16 =	simm.s32 $0x2000;
	s12 =	rddreg [dreg:$0x6];
	[sflag:s26] =	ssyncadd.s32 $0xFFFFF000  }
0x2f: {  	[tilespmem:s16], [sflag:$0x1] =	stream.strided.gather [hbm4b:s12+s19], $0x2000, s20, s19, $0x38;
	[tilespmem:$0x12000] =	vst v63  }
0x30: {  	s21 =	simm.s32 $0x4000;
	s17 =	rddreg [dreg:$0x7]  }
0x31: {  	[tilespmem:s21], [sflag:$0x2] =	stream.strided.gather [hbm4b:s17+s19], $0x2000, s20, s19, $0x38;
	[tilespmem:$0x12000] =	vst v63  }
0x32: {  	s23 =	simm.s32 $0x6000;
	s22 =	rddreg [dreg:$0x8]  }
0x33: {  	[tilespmem:s23], [sflag:$0x3] =	stream.strided.gather [hbm4b:s22+s19], $0x2000, s20, s19, $0x38;
	[tilespmem:$0x12000] =	vst v63  }
0x34: {  	s24 =	rddreg [dreg:$0x9];
	s26 =	simm.s32 $0x8000;
	s12 =	simm.s32 $0x0  }
0x35: {  	[tilespmem:s26], [sflag:$0x4] =	stream.strided.gather [hbm4b:s24+s19], $0x2000, s20, s19, $0x38;
	[tilespmem:$0x12000] =	vst v63  }
.LBB2_2:
0x36: {  	_ =	swait.ge [sflag:s25], $0x2000  }
0x37: {  	p0 =	seq.s32 s12, $0x0;
	[sflag:s25] =	ssyncset.done $0x0  }
0x38: {  	s1 =	simm.s32 @!p0 $0x5;
	[sflag:s25] =	ssyncadd.s32 $0xFFFFE000  }
0x39: {  	_ =	swait.ge @!p0 [sflag:s1], $0x2000  }
0x3a: {  	[sflag:s1] =	ssyncset.done @!p0 $0x0  }
0x3b: {  	s26 =	simm.s32 $0x2100;
	[sflag:s1] =	ssyncadd.s32 @!p0 $0xFFFFE000  }
0x3c: {  	v0 =	vld [tilespmem:s26+$0xFFFFFF70];
	_ =	sdelay $0x4  }
0x3d: {  	v0 =	vmul.f32 $1.000000000e+03, v0;
	_ =	sdelay $0x1  }
0x3e: {  	v0 =	vadd.f32 $2.048000000e+03, v0;
	_ =	sdelay $0x1  }
0x3f: {  	v1 =	vld [tilespmem:s26+$0xFFFFFF10];
	v0 =	vmax.f32 v0, $0.0e+00  }
0x40: {  	v2 =	vld [tilespmem:s26+$0xFFFFFF20];
	v0 =	vmin.f32 v0, $4.095000000e+03  }
0x41: {  	v6 =	vld [tilespmem:s26+$0xFFFFFF50];
	v4 =	vtrunc.f32 v0  }
0x42: {  	v7 =	vld [tilespmem:s26+$0xFFFFFF00];
	v4 =	vcvt.f32.s32 v4  }
0x43: {  	v8 =	vld [tilespmem:s26+$0xFFFFFF60]  }
0x44: {  	v3 =	vld [tilespmem:s26+$0xFFFFFF30]  }
0x45: {  	v5 =	vld [tilespmem:s26+$0xFFFFFF40]  }
0x46: {  	v1 =	vmul.f32 $1.000000000e+03, v1  }
0x47: {  	v2 =	vmul.f32 $1.000000000e+03, v2;
	v7 =	vmul.f32 $1.000000000e+03, v7  }
0x48: {  	v6 =	vmul.f32 $1.000000000e+03, v6;
	v8 =	vmul.f32 $1.000000000e+03, v8;
	v9 =	vld.idx.msk [tilespmem:v4+s3+$0x0], $0xffff  }
0x49: {  	v3 =	vmul.f32 $1.000000000e+03, v3;
	v2 =	vadd.f32 $2.048000000e+03, v2;
	v7 =	vadd.f32 $2.048000000e+03, v7  }
0x4a: {  	v5 =	vmul.f32 $1.000000000e+03, v5;
	v6 =	vadd.f32 $2.048000000e+03, v6;
	v8 =	vadd.f32 $2.048000000e+03, v8;
	v4 =	vld.idx.msk [tilespmem:v4+s18+$0x0], $0xffff  }
0x4b: {  	v1 =	vadd.f32 $2.048000000e+03, v1;
	v2 =	vmax.f32 v2, $0.0e+00;
	v7 =	vmax.f32 v7, $0.0e+00  }
0x4c: {  	v6 =	vmax.f32 v6, $0.0e+00;
	v8 =	vmax.f32 v8, $0.0e+00;
	v2 =	vmin.f32 v2, $4.095000000e+03  }
0x4d: {  	v6 =	vmin.f32 v6, $4.095000000e+03;
	v10 =	vtrunc.f32 v2;
	v0 =	vmul.f32 v0, v9  }
0x4e: {  	v8 =	vmin.f32 v8, $4.095000000e+03;
	v13 =	vtrunc.f32 v6;
	v10 =	vcvt.f32.s32 v10  }
0x4f: {  	v14 =	vtrunc.f32 v8;
	v13 =	vcvt.f32.s32 v13;
	v0 =	vadd.f32 v0, v4  }
0x50: {  	s10 =	simm.s32 $0xA100;
	v1 =	vmax.f32 v1, $0.0e+00;
	v7 =	vmin.f32 v7, $4.095000000e+03;
	v14 =	vcvt.f32.s32 v14  }
0x51: {  	v3 =	vadd.f32 $2.048000000e+03, v3;
	v1 =	vmin.f32 v1, $4.095000000e+03;
	v9 =	vtrunc.f32 v7;
	[tilespmem:s10+$0xFFFFFF70] =	vst v0  }
0x52: {  	v5 =	vadd.f32 $2.048000000e+03, v5;
	v9 =	vcvt.f32.s32 v9;
	v4 =	vtrunc.f32 v1;
	v11 =	vld [tilespmem:s26+$0xFFFFFFF0]  }
0x53: {  	v3 =	vmax.f32 v3, $0.0e+00;
	v4 =	vcvt.f32.s32 v4  }
0x54: {  	v5 =	vmax.f32 v5, $0.0e+00;
	v3 =	vmin.f32 v3, $4.095000000e+03;
	v17 =	vld.idx.msk [tilespmem:v10+s3+$0x0], $0xffff  }
0x55: {  	v20 =	vld.idx.msk [tilespmem:v13+s3+$0x0], $0xffff;
	v0 =	vmin.f32 v5, $4.095000000e+03;
	v5 =	vtrunc.f32 v3  }
0x56: {  	v21 =	vld.idx.msk [tilespmem:v14+s3+$0x0], $0xffff;
	v5 =	vcvt.f32.s32 v5  }
0x57: {  	v10 =	vld.idx.msk [tilespmem:v10+s18+$0x0], $0xffff;
	v12 =	vtrunc.f32 v0;
	v11 =	vmul.f32 $1.000000000e+03, v11  }
0x58: {  	v12 =	vcvt.f32.s32 v12;
	v15 =	vld.idx.msk [tilespmem:v9+s3+$0x0], $0xffff  }
0x59: {  	v16 =	vld.idx.msk [tilespmem:v4+s3+$0x0], $0xffff;
	v11 =	vadd.f32 $2.048000000e+03, v11  }
0x5a: {  	v9 =	vld.idx.msk [tilespmem:v9+s18+$0x0], $0xffff  }
0x5b: {  	v4 =	vld.idx.msk [tilespmem:v4+s18+$0x0], $0xffff;
	v11 =	vmax.f32 v11, $0.0e+00  }
0x5c: {  	v18 =	vld.idx.msk [tilespmem:v5+s3+$0x0], $0xffff;
	v11 =	vmin.f32 v11, $4.095000000e+03  }
0x5d: {  	v5 =	vld.idx.msk [tilespmem:v5+s18+$0x0], $0xffff;
	v7 =	vmul.f32 v7, v15;
	v22 =	vtrunc.f32 v11  }
0x5e: {  	v19 =	vld.idx.msk [tilespmem:v12+s3+$0x0], $0xffff;
	v1 =	vmul.f32 v1, v16;
	v22 =	vcvt.f32.s32 v22  }
0x5f: {  	v13 =	vld.idx.msk [tilespmem:v13+s18+$0x0], $0xffff;
	v7 =	vadd.f32 v7, v9  }
0x60: {  	v2 =	vmul.f32 v2, v17;
	v12 =	vld.idx.msk [tilespmem:v12+s18+$0x0], $0xffff;
	v1 =	vadd.f32 v1, v4  }
0x61: {  	v9 =	vld.idx.msk [tilespmem:v14+s18+$0x0], $0xffff;
	[tilespmem:s10+$0xFFFFFF00] =	vst v7;
	v3 =	vmul.f32 v3, v18  }
0x62: {  	v2 =	vadd.f32 v2, v10;
	v7 =	vld [tilespmem:s26+$0xFFFFFF80];
	[tilespmem:s10+$0xFFFFFF10] =	vst v1  }
0x63: {  	v0 =	vmul.f32 v0, v19;
	v3 =	vadd.f32 v3, v5;
	v5 =	vld [tilespmem:s26+$0xFFFFFF90]  }
0x64: {  	v6 =	vmul.f32 v6, v20;
	[tilespmem:s10+$0xFFFFFF20] =	vst v2;
	v4 =	vld.idx.msk [tilespmem:v22+s3+$0x0], $0xffff  }
0x65: {  	v2 =	vmul.f32 v8, v21;
	v8 =	vld [tilespmem:s26+$0xFFFFFFA0];
	v0 =	vadd.f32 v0, v12  }
0x66: {  	[tilespmem:s10+$0xFFFFFF30] =	vst v3;
	v3 =	vadd.f32 v6, v13;
	v1 =	vld.idx.msk [tilespmem:v22+s18+$0x0], $0xffff  }
0x67: {  	[tilespmem:s10+$0xFFFFFF40] =	vst v0;
	v0 =	vadd.f32 v2, v9;
	v2 =	vld [tilespmem:s26+$0xFFFFFFB0]  }
0x68: {  	[tilespmem:s10+$0xFFFFFF50] =	vst v3;
	v3 =	vmul.f32 $1.000000000e+03, v7;
	v6 =	vld [tilespmem:s26+$0xFFFFFFC0]  }
0x69: {  	[tilespmem:s10+$0xFFFFFF60] =	vst v0;
	v0 =	vmul.f32 $1.000000000e+03, v5;
	v4 =	vmul.f32 v11, v4  }
0x6a: {  	v3 =	vadd.f32 $2.048000000e+03, v3;
	v5 =	vmul.f32 $1.000000000e+03, v8  }
0x6b: {  	v7 =	vld [tilespmem:s26+$0xFFFFFFE0];
	v0 =	vadd.f32 $2.048000000e+03, v0;
	v1 =	vadd.f32 v4, v1  }
0x6c: {  	v3 =	vmax.f32 v3, $0.0e+00;
	v5 =	vadd.f32 $2.048000000e+03, v5;
	v2 =	vmul.f32 $1.000000000e+03, v2  }
0x6d: {  	v3 =	vmin.f32 v3, $4.095000000e+03;
	v6 =	vmul.f32 $1.000000000e+03, v6;
	v0 =	vmax.f32 v0, $0.0e+00;
	[tilespmem:s10+$0xFFFFFFF0] =	vst v1  }
0x6e: {  	v5 =	vmax.f32 v5, $0.0e+00;
	v2 =	vadd.f32 $2.048000000e+03, v2;
	v8 =	vtrunc.f32 v3;
	v1 =	vld [tilespmem:s26+$0x70]  }
0x6f: {  	v0 =	vmin.f32 v0, $4.095000000e+03;
	v6 =	vadd.f32 $2.048000000e+03, v6;
	v8 =	vcvt.f32.s32 v8  }
0x70: {  	v7 =	vmul.f32 $1.000000000e+03, v7;
	v5 =	vmin.f32 v5, $4.095000000e+03;
	v9 =	vtrunc.f32 v0  }
0x71: {  	v2 =	vmax.f32 v2, $0.0e+00;
	v10 =	vtrunc.f32 v5;
	v9 =	vcvt.f32.s32 v9  }
0x72: {  	v2 =	vmin.f32 v2, $4.095000000e+03;
	v6 =	vmax.f32 v6, $0.0e+00;
	v10 =	vcvt.f32.s32 v10  }
0x73: {  	v7 =	vadd.f32 $2.048000000e+03, v7;
	v11 =	vtrunc.f32 v2;
	v1 =	vmul.f32 $1.000000000e+03, v1  }
0x74: {  	v4 =	vld [tilespmem:s26+$0xFFFFFFD0];
	v6 =	vmin.f32 v6, $4.095000000e+03;
	v11 =	vcvt.f32.s32 v11  }
0x75: {  	v13 =	vtrunc.f32 v6;
	v7 =	vmax.f32 v7, $0.0e+00;
	v15 =	vld.idx.msk [tilespmem:v8+s3+$0x0], $0xffff;
	v1 =	vadd.f32 $2.048000000e+03, v1  }
0x76: {  	v13 =	vcvt.f32.s32 v13;
	v7 =	vmin.f32 v7, $4.095000000e+03;
	v8 =	vld.idx.msk [tilespmem:v8+s18+$0x0], $0xffff  }
0x77: {  	v16 =	vtrunc.f32 v7;
	v17 =	vld.idx.msk [tilespmem:v9+s3+$0x0], $0xffff;
	v1 =	vmax.f32 v1, $0.0e+00  }
0x78: {  	v16 =	vcvt.f32.s32 v16;
	v18 =	vld.idx.msk [tilespmem:v10+s3+$0x0], $0xffff;
	v1 =	vmin.f32 v1, $4.095000000e+03  }
0x79: {  	v4 =	vmul.f32 $1.000000000e+03, v4;
	v9 =	vld.idx.msk [tilespmem:v9+s18+$0x0], $0xffff;
	v12 =	vtrunc.f32 v1  }
0x7a: {  	v10 =	vld.idx.msk [tilespmem:v10+s18+$0x0], $0xffff;
	v12 =	vcvt.f32.s32 v12  }
0x7b: {  	v4 =	vadd.f32 $2.048000000e+03, v4;
	v19 =	vld.idx.msk [tilespmem:v11+s3+$0x0], $0xffff  }
0x7c: {  	s11 =	simm.s32 $0x2300;
	v21 =	vld.idx.msk [tilespmem:v13+s3+$0x0], $0xffff  }
0x7d: {  	v4 =	vmax.f32 v4, $0.0e+00;
	v3 =	vmul.f32 v3, v15;
	v15 =	vld [tilespmem:s11+$0xFFFFFF10]  }
0x7e: {  	v4 =	vmin.f32 v4, $4.095000000e+03;
	v23 =	vld.idx.msk [tilespmem:v16+s3+$0x0], $0xffff  }
0x7f: {  	v14 =	vtrunc.f32 v4;
	v16 =	vld.idx.msk [tilespmem:v16+s18+$0x0], $0xffff  }
0x80: {  	v14 =	vcvt.f32.s32 v14;
	v20 =	vld.idx.msk [tilespmem:v12+s3+$0x0], $0xffff  }
0x81: {  	v0 =	vmul.f32 v0, v17;
	v3 =	vadd.f32 v3, v8;
	v8 =	vld [tilespmem:s11+$0xFFFFFF50]  }
0x82: {  	v2 =	vmul.f32 v2, v19;
	v19 =	vld [tilespmem:s11+$0xFFFFFF40]  }
0x83: {  	v0 =	vadd.f32 v0, v9;
	v9 =	vld [tilespmem:s11+$0xFFFFFF00]  }
0x84: {  	v12 =	vld.idx.msk [tilespmem:v12+s18+$0x0], $0xffff  }
0x85: {  	v1 =	vmul.f32 v1, v20;
	v20 =	vld [tilespmem:s11+$0xFFFFFF70]  }
0x86: {  	v5 =	vmul.f32 v5, v18;
	v22 =	vld.idx.msk [tilespmem:v14+s3+$0x0], $0xffff  }
0x87: {  	v17 =	vld [tilespmem:s11+$0xFFFFFF20];
	v8 =	vmul.f32 $1.000000000e+03, v8  }
0x88: {  	v5 =	vadd.f32 v5, v10;
	v6 =	vmul.f32 v6, v21;
	v7 =	vmul.f32 v7, v23;
	v14 =	vld.idx.msk [tilespmem:v14+s18+$0x0], $0xffff  }
0x89: {  	[tilespmem:s10+$0xFFFFFF80] =	vst v3;
	v9 =	vmul.f32 $1.000000000e+03, v9;
	v3 =	vadd.f32 $2.048000000e+03, v8;
	v1 =	vadd.f32 v1, v12;
	v12 =	vld.idx.msk [tilespmem:v13+s18+$0x0], $0xffff  }
0x8a: {  	v18 =	vld [tilespmem:s11+$0xFFFFFF30];
	v7 =	vadd.f32 v7, v16;
	v16 =	vmul.f32 $1.000000000e+03, v19;
	v13 =	vmul.f32 $1.000000000e+03, v20  }
0x8b: {  	v9 =	vadd.f32 $2.048000000e+03, v9;
	v3 =	vmax.f32 v3, $0.0e+00;
	v4 =	vmul.f32 v4, v22  }
0x8c: {  	v16 =	vadd.f32 $2.048000000e+03, v16;
	v22 =	vmin.f32 v3, $4.095000000e+03;
	v13 =	vadd.f32 $2.048000000e+03, v13  }
0x8d: {  	v9 =	vmax.f32 v9, $0.0e+00;
	v23 =	vtrunc.f32 v22;
	v4 =	vadd.f32 v4, v14;
	[tilespmem:s10+$0x70] =	vst v1  }
0x8e: {  	v14 =	vmul.f32 $1.000000000e+03, v17;
	v1 =	vld [tilespmem:s26+$0xF0];
	v6 =	vadd.f32 v6, v12;
	v13 =	vmax.f32 v13, $0.0e+00  }
0x8f: {  	v12 =	vmul.f32 $1.000000000e+03, v15;
	v15 =	vmul.f32 $1.000000000e+03, v18;
	v13 =	vmin.f32 v13, $4.095000000e+03  }
0x90: {  	v23 =	vcvt.f32.s32 v23;
	v14 =	vadd.f32 $2.048000000e+03, v14;
	v20 =	vtrunc.f32 v13  }
0x91: {  	[tilespmem:s10+$0xFFFFFF90] =	vst v0;
	v12 =	vadd.f32 $2.048000000e+03, v12;
	v15 =	vadd.f32 $2.048000000e+03, v15;
	v20 =	vcvt.f32.s32 v20  }
0x92: {  	[tilespmem:s10+$0xFFFFFFA0] =	vst v5;
	v5 =	vmax.f32 v16, $0.0e+00;
	v9 =	vmin.f32 v9, $4.095000000e+03;
	v0 =	vmax.f32 v14, $0.0e+00  }
0x93: {  	v11 =	vld.idx.msk [tilespmem:v11+s18+$0x0], $0xffff;
	v1 =	vmul.f32 $1.000000000e+03, v1;
	v8 =	vmax.f32 v12, $0.0e+00;
	v14 =	vmax.f32 v15, $0.0e+00  }
0x94: {  	v10 =	vld [tilespmem:s11+$0xFFFFFF60];
	[tilespmem:s10+$0xFFFFFFC0] =	vst v6;
	v6 =	vmin.f32 v8, $4.095000000e+03;
	v8 =	vmin.f32 v0, $4.095000000e+03;
	v0 =	vtrunc.f32 v9  }
0x95: {  	v16 =	vld [tilespmem:s26+$0x20];
	v1 =	vadd.f32 $2.048000000e+03, v1;
	v14 =	vmin.f32 v14, $4.095000000e+03;
	v19 =	vcvt.f32.s32 v0  }
0x96: {  	v21 =	vmin.f32 v5, $4.095000000e+03;
	v30 =	vld.idx.msk [tilespmem:v23+s3+$0x0], $0xffff;
	v5 =	vtrunc.f32 v14  }
0x97: {  	v1 =	vmax.f32 v1, $0.0e+00;
	v3 =	vcvt.f32.s32 v5;
	v17 =	vld.idx.msk [tilespmem:v20+s3+$0x0], $0xffff  }
0x98: {  	v18 =	vld [tilespmem:s26+$0x0];
	v1 =	vmin.f32 v1, $4.095000000e+03  }
0x99: {  	v2 =	vadd.f32 v2, v11;
	v11 =	vtrunc.f32 v1;
	v12 =	vld.idx.msk [tilespmem:v20+s18+$0x0], $0xffff  }
0x9a: {  	v15 =	vld [tilespmem:s26+$0x10];
	v11 =	vcvt.f32.s32 v11  }
0x9b: {  	v25 =	vld.idx.msk [tilespmem:v19+s3+$0x0], $0xffff  }
0x9c: {  	[tilespmem:s10+$0xFFFFFFB0] =	vst v2;
	v10 =	vmul.f32 $1.000000000e+03, v10;
	v19 =	vld.idx.msk [tilespmem:v19+s18+$0x0], $0xffff;
	v2 =	vmul.f32 v13, v17  }
0x9d: {  	v28 =	vld.idx.msk [tilespmem:v3+s3+$0x0], $0xffff  }
0x9e: {  	v10 =	vadd.f32 $2.048000000e+03, v10;
	[tilespmem:s10+$0xFFFFFFE0] =	vst v7;
	v36 =	vld.idx.msk [tilespmem:v3+s18+$0x0], $0xffff;
	v0 =	vadd.f32 v2, v12;
	v2 =	vtrunc.f32 v8  }
0x9f: {  	s17 =	simm.s32 $0xA300;
	[tilespmem:s10+$0xFFFFFFD0] =	vst v4;
	v13 =	vld [tilespmem:s26+$0x30];
	v7 =	vcvt.f32.s32 v2  }
0xa0: {  	v10 =	vmax.f32 v10, $0.0e+00;
	v18 =	vmul.f32 $1.000000000e+03, v18;
	v4 =	vtrunc.f32 v6;
	v2 =	vld.idx.msk [tilespmem:v11+s3+$0x0], $0xffff;
	[tilespmem:s17+$0xFFFFFF70] =	vst v0  }
0xa1: {  	v10 =	vmin.f32 v10, $4.095000000e+03;
	v4 =	vcvt.f32.s32 v4;
	v0 =	vtrunc.f32 v21;
	v5 =	vld [tilespmem:s11+$0xFFFFFFF0]  }
0xa2: {  	v24 =	vcvt.f32.s32 v0;
	v0 =	vld.idx.msk [tilespmem:v11+s18+$0x0], $0xffff;
	v11 =	vtrunc.f32 v10  }
0xa3: {  	v16 =	vmul.f32 $1.000000000e+03, v16;
	v18 =	vadd.f32 $2.048000000e+03, v18;
	v17 =	vld [tilespmem:s26+$0x40];
	v11 =	vcvt.f32.s32 v11  }
0xa4: {  	v12 =	vld [tilespmem:s26+$0x50]  }
0xa5: {  	v16 =	vadd.f32 $2.048000000e+03, v16;
	v15 =	vmul.f32 $1.000000000e+03, v15;
	v18 =	vmax.f32 v18, $0.0e+00;
	v27 =	vld.idx.msk [tilespmem:v7+s3+$0x0], $0xffff  }
0xa6: {  	v18 =	vmin.f32 v18, $4.095000000e+03;
	v20 =	vld [tilespmem:s26+$0x60];
	v9 =	vmul.f32 v9, v25;
	v5 =	vmul.f32 $1.000000000e+03, v5  }
0xa7: {  	v15 =	vadd.f32 $2.048000000e+03, v15;
	v32 =	vtrunc.f32 v18;
	v14 =	vmul.f32 v14, v28;
	v34 =	vld.idx.msk [tilespmem:v7+s18+$0x0], $0xffff  }
0xa8: {  	v26 =	vld.idx.msk [tilespmem:v4+s3+$0x0], $0xffff;
	v9 =	vadd.f32 v9, v19;
	v17 =	vmul.f32 $1.000000000e+03, v17;
	v5 =	vadd.f32 $2.048000000e+03, v5  }
0xa9: {  	v14 =	vadd.f32 v14, v36;
	v13 =	vmul.f32 $1.000000000e+03, v13;
	v12 =	vmul.f32 $1.000000000e+03, v12;
	v31 =	vld.idx.msk [tilespmem:v11+s3+$0x0], $0xffff  }
0xaa: {  	v17 =	vadd.f32 $2.048000000e+03, v17;
	v29 =	vld.idx.msk [tilespmem:v24+s3+$0x0], $0xffff;
	v5 =	vmax.f32 v5, $0.0e+00;
	v8 =	vmul.f32 v8, v27  }
0xab: {  	v12 =	vadd.f32 $2.048000000e+03, v12;
	v11 =	vld.idx.msk [tilespmem:v11+s18+$0x0], $0xffff;
	v33 =	vmin.f32 v5, $4.095000000e+03;
	v5 =	vadd.f32 $2.048000000e+03, v13  }
0xac: {  	v43 =	vld.idx.msk [tilespmem:v4+s18+$0x0], $0xffff;
	v13 =	vcvt.f32.s32 v32;
	v4 =	vtrunc.f32 v33;
	v8 =	vadd.f32 v8, v34  }
0xad: {  	v24 =	vld.idx.msk [tilespmem:v24+s18+$0x0], $0xffff;
	v35 =	vcvt.f32.s32 v4;
	v4 =	vmax.f32 v15, $0.0e+00;
	v15 =	vmax.f32 v16, $0.0e+00  }
0xae: {  	v16 =	vmax.f32 v5, $0.0e+00;
	v10 =	vmul.f32 v10, v31;
	v5 =	vmin.f32 v15, $4.095000000e+03;
	v15 =	vld.idx.msk [tilespmem:v23+s18+$0x0], $0xffff;
	[tilespmem:s17+$0xFFFFFF20] =	vst v8  }
0xaf: {  	[tilespmem:s17+$0xFFFFFF30] =	vst v14;
	v17 =	vmax.f32 v17, $0.0e+00;
	v23 =	vmul.f32 v6, v26;
	v47 =	vld [tilespmem:s11+$0xFFFFFFA0]  }
0xb0: {  	[tilespmem:s17+$0xFFFFFF00] =	vst v9;
	v12 =	vmax.f32 v12, $0.0e+00;
	v21 =	vmul.f32 v21, v29;
	v10 =	vadd.f32 v10, v11;
	v11 =	vld [tilespmem:s11+$0xFFFFFFB0]  }
0xb1: {  	v7 =	vmin.f32 v4, $4.095000000e+03;
	v3 =	vmin.f32 v16, $4.095000000e+03;
	v19 =	vadd.f32 v23, v43;
	v23 =	vld [tilespmem:s11+$0xFFFFFF80]  }
0xb2: {  	v4 =	vmin.f32 v17, $4.095000000e+03;
	v21 =	vadd.f32 v21, v24;
	v16 =	vtrunc.f32 v7;
	v17 =	vld.idx.msk [tilespmem:v13+s3+$0x0], $0xffff  }
0xb3: {  	v6 =	vmin.f32 v12, $4.095000000e+03;
	v45 =	vtrunc.f32 v4;
	v16 =	vcvt.f32.s32 v16;
	[tilespmem:s17+$0xFFFFFF60] =	vst v10;
	v13 =	vld.idx.msk [tilespmem:v13+s18+$0x0], $0xffff  }
0xb4: {  	v8 =	vtrunc.f32 v6;
	[tilespmem:s17+$0xFFFFFF40] =	vst v21;
	v21 =	vcvt.f32.s32 v45;
	v49 =	vld [tilespmem:s11+$0xFFFFFFE0]  }
0xb5: {  	v8 =	vcvt.f32.s32 v8;
	v9 =	vld.idx.msk [tilespmem:v35+s3+$0x0], $0xffff  }
0xb6: {  	v22 =	vmul.f32 v22, v30;
	[tilespmem:s17+$0xFFFFFF10] =	vst v19;
	v19 =	vld.idx.msk [tilespmem:v35+s18+$0x0], $0xffff  }
0xb7: {  	v12 =	vmul.f32 $1.000000000e+03, v20;
	v46 =	vld [tilespmem:s11+$0xFFFFFF90]  }
0xb8: {  	v44 =	vtrunc.f32 v3;
	v14 =	vadd.f32 v22, v15;
	v22 =	vld [tilespmem:s11+$0xFFFFFFC0]  }
0xb9: {  	v1 =	vmul.f32 v1, v2;
	v12 =	vadd.f32 $2.048000000e+03, v12;
	v15 =	vcvt.f32.s32 v44;
	v48 =	vld.idx.msk [tilespmem:v16+s3+$0x0], $0xffff  }
0xba: {  	v20 =	vtrunc.f32 v5;
	v24 =	vmul.f32 $1.000000000e+03, v47;
	v51 =	vld.idx.msk [tilespmem:v21+s3+$0x0], $0xffff  }
0xbb: {  	v20 =	vcvt.f32.s32 v20;
	v12 =	vmax.f32 v12, $0.0e+00;
	v11 =	vmul.f32 $1.000000000e+03, v11;
	v52 =	vld.idx.msk [tilespmem:v8+s3+$0x0], $0xffff  }
0xbc: {  	v12 =	vmin.f32 v12, $4.095000000e+03;
	v24 =	vadd.f32 $2.048000000e+03, v24;
	v16 =	vld.idx.msk [tilespmem:v16+s18+$0x0], $0xffff;
	v9 =	vmul.f32 v33, v9  }
0xbd: {  	[tilespmem:s17+$0xFFFFFF50] =	vst v14;
	v14 =	vmul.f32 $1.000000000e+03, v23;
	v23 =	vtrunc.f32 v12;
	v11 =	vadd.f32 $2.048000000e+03, v11;
	v21 =	vld.idx.msk [tilespmem:v21+s18+$0x0], $0xffff  }
0xbe: {  	v17 =	vmul.f32 v18, v17;
	v8 =	vld.idx.msk [tilespmem:v8+s18+$0x0], $0xffff;
	v24 =	vmax.f32 v24, $0.0e+00;
	v9 =	vadd.f32 v9, v19  }
0xbf: {  	v25 =	vmul.f32 $1.000000000e+03, v49;
	v11 =	vmax.f32 v11, $0.0e+00;
	v50 =	vld.idx.msk [tilespmem:v15+s3+$0x0], $0xffff;
	v24 =	vmin.f32 v24, $4.095000000e+03  }
0xc0: {  	v13 =	vadd.f32 v17, v13;
	v11 =	vmin.f32 v11, $4.095000000e+03;
	v15 =	vld.idx.msk [tilespmem:v15+s18+$0x0], $0xffff;
	v56 =	vtrunc.f32 v24;
	[tilespmem:s17+$0xFFFFFFF0] =	vst v9  }
0xc1: {  	v14 =	vadd.f32 $2.048000000e+03, v14;
	v57 =	vtrunc.f32 v11;
	v17 =	vcvt.f32.s32 v56;
	v18 =	vld [tilespmem:s11+$0x70]  }
0xc2: {  	v19 =	vld [tilespmem:s11+$0xFFFFFFD0];
	[tilespmem:s10+$0x0] =	vst v13;
	v58 =	vcvt.f32.s32 v57;
	v7 =	vmul.f32 v7, v48  }
0xc3: {  	v10 =	vmul.f32 $1.000000000e+03, v46;
	v22 =	vmul.f32 $1.000000000e+03, v22;
	v14 =	vmax.f32 v14, $0.0e+00;
	v62 =	vld [tilespmem:s26+$0x80]  }
0xc4: {  	v25 =	vadd.f32 $2.048000000e+03, v25;
	v9 =	vcvt.f32.s32 v23;
	v23 =	vld.idx.msk [tilespmem:v20+s3+$0x0], $0xffff;
	v7 =	vadd.f32 v7, v16  }
0xc5: {  	s21 =	simm.s32 $0x2500;
	v10 =	vadd.f32 $2.048000000e+03, v10;
	v14 =	vmin.f32 v14, $4.095000000e+03;
	v22 =	vadd.f32 $2.048000000e+03, v22;
	v20 =	vld.idx.msk [tilespmem:v20+s18+$0x0], $0xffff  }
0xc6: {  	v54 =	vtrunc.f32 v14;
	v25 =	vmax.f32 v25, $0.0e+00;
	[tilespmem:s10+$0x10] =	vst v7;
	v7 =	vld [tilespmem:s21+$0xFFFFFF70];
	v18 =	vmul.f32 $1.000000000e+03, v18  }
0xc7: {  	v10 =	vmax.f32 v10, $0.0e+00;
	v22 =	vmax.f32 v22, $0.0e+00;
	v31 =	vcvt.f32.s32 v54;
	v40 =	vld.idx.msk [tilespmem:v17+s3+$0x0], $0xffff  }
0xc8: {  	v25 =	vmin.f32 v25, $4.095000000e+03;
	v10 =	vmin.f32 v10, $4.095000000e+03;
	v41 =	vld.idx.msk [tilespmem:v58+s3+$0x0], $0xffff;
	v18 =	vadd.f32 $2.048000000e+03, v18  }
0xc9: {  	v22 =	vmin.f32 v22, $4.095000000e+03;
	v38 =	vtrunc.f32 v25;
	v55 =	vtrunc.f32 v10;
	v17 =	vld.idx.msk [tilespmem:v17+s18+$0x0], $0xffff  }
0xca: {  	v60 =	vtrunc.f32 v22;
	v38 =	vcvt.f32.s32 v38;
	v33 =	vld.idx.msk [tilespmem:v58+s18+$0x0], $0xffff;
	v18 =	vmax.f32 v18, $0.0e+00  }
0xcb: {  	v19 =	vmul.f32 $1.000000000e+03, v19;
	v32 =	vcvt.f32.s32 v55;
	v53 =	vld.idx.msk [tilespmem:v9+s3+$0x0], $0xffff;
	v18 =	vmin.f32 v18, $4.095000000e+03  }
0xcc: {  	v61 =	vcvt.f32.s32 v60;
	v9 =	vld.idx.msk [tilespmem:v9+s18+$0x0], $0xffff;
	v59 =	vtrunc.f32 v18  }
0xcd: {  	v2 =	vmul.f32 v5, v23;
	v37 =	vld.idx.msk [tilespmem:v31+s3+$0x0], $0xffff;
	v13 =	vcvt.f32.s32 v59  }
0xce: {  	v31 =	vld.idx.msk [tilespmem:v31+s18+$0x0], $0xffff  }
0xcf: {  	v19 =	vadd.f32 $2.048000000e+03, v19;
	v2 =	vadd.f32 v2, v20;
	v20 =	vld [tilespmem:s21+$0xFFFFFF10]  }
0xd0: {  	v45 =	vld.idx.msk [tilespmem:v38+s3+$0x0], $0xffff  }
0xd1: {  	v6 =	vmul.f32 v6, v52;
	v19 =	vmax.f32 v19, $0.0e+00;
	v39 =	vld.idx.msk [tilespmem:v32+s3+$0x0], $0xffff  }
0xd2: {  	v19 =	vmin.f32 v19, $4.095000000e+03;
	v43 =	vld.idx.msk [tilespmem:v61+s3+$0x0], $0xffff  }
0xd3: {  	v6 =	vadd.f32 v6, v8;
	v63 =	vtrunc.f32 v19;
	v8 =	vmul.f32 v11, v41;
	v42 =	vld.idx.msk [tilespmem:v13+s3+$0x0], $0xffff  }
0xd4: {  	v32 =	vld.idx.msk [tilespmem:v32+s18+$0x0], $0xffff;
	v36 =	vcvt.f32.s32 v63;
	v14 =	vmul.f32 v14, v37  }
0xd5: {  	v4 =	vmul.f32 v4, v51;
	v8 =	vadd.f32 v8, v33;
	v13 =	vld.idx.msk [tilespmem:v13+s18+$0x0], $0xffff  }
0xd6: {  	v16 =	vmul.f32 $1.000000000e+03, v62;
	v24 =	vmul.f32 v24, v40;
	v40 =	vld.idx.msk [tilespmem:v38+s18+$0x0], $0xffff;
	v14 =	vadd.f32 v14, v31  }
0xd7: {  	v4 =	vadd.f32 v4, v21;
	v23 =	vmul.f32 v25, v45;
	v45 =	vld [tilespmem:s21+$0xFFFFFF50];
	v10 =	vmul.f32 v10, v39;
	[tilespmem:s17+$0xFFFFFFB0] =	vst v8  }
0xd8: {  	v21 =	vmul.f32 v22, v43;
	v22 =	vld [tilespmem:s21+$0xFFFFFF30];
	[tilespmem:s17+$0xFFFFFF80] =	vst v14;
	v14 =	vadd.f32 v24, v17;
	v18 =	vmul.f32 v18, v42  }
0xd9: {  	v47 =	vld [tilespmem:s11+$0x30];
	v5 =	vadd.f32 v10, v32;
	v10 =	vadd.f32 $2.048000000e+03, v16  }
0xda: {  	v3 =	vmul.f32 v3, v50;
	v44 =	vld.idx.msk [tilespmem:v36+s3+$0x0], $0xffff;
	v13 =	vadd.f32 v18, v13  }
0xdb: {  	v37 =	vld.idx.msk [tilespmem:v36+s18+$0x0], $0xffff;
	[tilespmem:s17+$0xFFFFFFA0] =	vst v14;
	v10 =	vmax.f32 v10, $0.0e+00  }
0xdc: {  	v7 =	vmul.f32 $1.000000000e+03, v7;
	v16 =	vld [tilespmem:s26+$0x90];
	v14 =	vadd.f32 v3, v15;
	v3 =	vmin.f32 v10, $4.095000000e+03;
	[tilespmem:s17+$0x70] =	vst v13  }
0xdd: {  	v10 =	vtrunc.f32 v3;
	v13 =	vld [tilespmem:s11+$0xF0]  }
0xde: {  	v7 =	vadd.f32 $2.048000000e+03, v7;
	v11 =	vcvt.f32.s32 v10;
	v10 =	vld [tilespmem:s21+$0xFFFFFF20]  }
0xdf: {  	v20 =	vmul.f32 $1.000000000e+03, v20;
	[tilespmem:s17+$0xFFFFFF90] =	vst v5;
	v5 =	vmul.f32 v12, v53;
	v18 =	vld.idx.msk [tilespmem:v61+s18+$0x0], $0xffff  }
0xe0: {  	v7 =	vmax.f32 v7, $0.0e+00;
	v19 =	vmul.f32 v19, v44;
	v42 =	vld [tilespmem:s21+$0xFFFFFF40]  }
0xe1: {  	v17 =	vld [tilespmem:s11+$0x0];
	v50 =	vmul.f32 $1.000000000e+03, v45;
	v5 =	vadd.f32 v5, v9;
	v9 =	vadd.f32 $2.048000000e+03, v20  }
0xe2: {  	[tilespmem:s10+$0x40] =	vst v4;
	v7 =	vmin.f32 v7, $4.095000000e+03;
	v15 =	vld [tilespmem:s11+$0x20];
	v8 =	vadd.f32 v19, v37;
	v13 =	vmul.f32 $1.000000000e+03, v13  }
0xe3: {  	v46 =	vtrunc.f32 v7;
	v12 =	vld [tilespmem:s11+$0x10];
	[tilespmem:s10+$0x30] =	vst v14;
	v24 =	vadd.f32 $2.048000000e+03, v50;
	v9 =	vmax.f32 v9, $0.0e+00  }
0xe4: {  	v19 =	vld [tilespmem:s21+$0xFFFFFF60];
	[tilespmem:s17+$0xFFFFFFD0] =	vst v8;
	v8 =	vmul.f32 $1.000000000e+03, v10;
	v18 =	vadd.f32 v21, v18;
	v13 =	vadd.f32 $2.048000000e+03, v13  }
0xe5: {  	v44 =	vld [tilespmem:s21+$0xFFFFFF00];
	v14 =	vmax.f32 v24, $0.0e+00;
	[tilespmem:s10+$0x60] =	vst v5;
	v10 =	vmul.f32 $1.000000000e+03, v22;
	v22 =	vmul.f32 $1.000000000e+03, v42  }
0xe6: {  	v4 =	vld [tilespmem:s26+$0xB0];
	[tilespmem:s17+$0xFFFFFFC0] =	vst v18;
	v18 =	vadd.f32 v23, v40;
	v23 =	vcvt.f32.s32 v46;
	v13 =	vmax.f32 v13, $0.0e+00  }
0xe7: {  	[tilespmem:s10+$0x50] =	vst v6;
	v24 =	vmin.f32 v9, $4.095000000e+03;
	v9 =	vld [tilespmem:s26+$0xE0];
	v8 =	vadd.f32 $2.048000000e+03, v8;
	v13 =	vmin.f32 v13, $4.095000000e+03  }
0xe8: {  	[tilespmem:s10+$0x20] =	vst v2;
	v6 =	vtrunc.f32 v24;
	v49 =	vld [tilespmem:s11+$0x50];
	v22 =	vadd.f32 $2.048000000e+03, v22;
	v43 =	vtrunc.f32 v13  }
0xe9: {  	v2 =	vmul.f32 $1.000000000e+03, v19;
	v19 =	vld [tilespmem:s26+$0xA0];
	v8 =	vmax.f32 v8, $0.0e+00;
	v21 =	vcvt.f32.s32 v43  }
0xea: {  	v26 =	vmin.f32 v8, $4.095000000e+03;
	v8 =	vld [tilespmem:s26+$0xD0];
	v22 =	vmax.f32 v22, $0.0e+00;
	[tilespmem:s17+$0xFFFFFFE0] =	vst v18;
	v18 =	vmul.f32 $1.000000000e+03, v44  }
0xeb: {  	v16 =	vmul.f32 $1.000000000e+03, v16;
	v48 =	vld [tilespmem:s11+$0x40];
	v5 =	vmin.f32 v22, $4.095000000e+03;
	v22 =	vcvt.f32.s32 v6  }
0xec: {  	v0 =	vadd.f32 v1, v0;
	v17 =	vmul.f32 $1.000000000e+03, v17;
	v18 =	vadd.f32 $2.048000000e+03, v18;
	v53 =	vld.idx.msk [tilespmem:v23+s3+$0x0], $0xffff  }
0xed: {  	v30 =	vmin.f32 v14, $4.095000000e+03;
	v16 =	vadd.f32 $2.048000000e+03, v16;
	v15 =	vmul.f32 $1.000000000e+03, v15;
	v20 =	vld [tilespmem:s11+$0x60]  }
0xee: {  	v17 =	vadd.f32 $2.048000000e+03, v17;
	v10 =	vadd.f32 $2.048000000e+03, v10;
	v18 =	vmax.f32 v18, $0.0e+00;
	v23 =	vld.idx.msk [tilespmem:v23+s18+$0x0], $0xffff  }
0xef: {  	v12 =	vmul.f32 $1.000000000e+03, v12;
	v15 =	vadd.f32 $2.048000000e+03, v15;
	v31 =	vmin.f32 v18, $4.095000000e+03;
	v51 =	vld.idx.msk [tilespmem:v21+s3+$0x0], $0xffff  }
0xf0: {  	v52 =	vadd.f32 $2.048000000e+03, v2;
	v2 =	vld.idx.msk [tilespmem:v21+s18+$0x0], $0xffff;
	v21 =	vmax.f32 v10, $0.0e+00;
	v10 =	vtrunc.f32 v31  }
0xf1: {  	v60 =	vld.idx.msk [tilespmem:v22+s3+$0x0], $0xffff;
	v6 =	vmul.f32 v7, v53;
	v54 =	vcvt.f32.s32 v10;
	v33 =	vmin.f32 v21, $4.095000000e+03  }
0xf2: {  	v17 =	vmax.f32 v17, $0.0e+00;
	v22 =	vld.idx.msk [tilespmem:v22+s18+$0x0], $0xffff;
	v21 =	vtrunc.f32 v26;
	v14 =	vtrunc.f32 v33  }
0xf3: {  	v7 =	vld.idx.msk [tilespmem:v11+s3+$0x0], $0xffff;
	v21 =	vcvt.f32.s32 v21;
	v56 =	vcvt.f32.s32 v14;
	v14 =	vadd.f32 v6, v23  }
0xf4: {  	s22 =	simm.s32 $0xA500;
	v16 =	vmax.f32 v16, $0.0e+00;
	v4 =	vmul.f32 $1.000000000e+03, v4;
	v12 =	vadd.f32 $2.048000000e+03, v12;
	v10 =	vld [tilespmem:s26+$0xC0]  }
0xf5: {  	v25 =	vmin.f32 v17, $4.095000000e+03;
	v16 =	vmin.f32 v16, $4.095000000e+03;
	v55 =	vtrunc.f32 v5;
	v6 =	vld.idx.msk [tilespmem:v11+s18+$0x0], $0xffff;
	[tilespmem:s22+$0xFFFFFF70] =	vst v14  }
0xf6: {  	v15 =	vmax.f32 v15, $0.0e+00;
	v18 =	vmax.f32 v52, $0.0e+00;
	v11 =	vcvt.f32.s32 v55;
	v14 =	vld [tilespmem:s21+$0xFFFFFFF0]  }
0xf7: {  	v9 =	vmul.f32 $1.000000000e+03, v9;
	v29 =	vmul.f32 $1.000000000e+03, v49;
	v23 =	vmin.f32 v18, $4.095000000e+03;
	v59 =	vld.idx.msk [tilespmem:v54+s3+$0x0], $0xffff  }
0xf8: {  	v4 =	vadd.f32 $2.048000000e+03, v4;
	v27 =	vmul.f32 $1.000000000e+03, v48;
	v57 =	vtrunc.f32 v23;
	v32 =	vld.idx.msk [tilespmem:v54+s18+$0x0], $0xffff  }
0xf9: {  	v12 =	vmax.f32 v12, $0.0e+00;
	v18 =	vtrunc.f32 v30;
	v34 =	vcvt.f32.s32 v57;
	v61 =	vld.idx.msk [tilespmem:v21+s3+$0x0], $0xffff  }
0xfa: {  	v4 =	vmax.f32 v4, $0.0e+00;
	v27 =	vadd.f32 $2.048000000e+03, v27;
	v58 =	vcvt.f32.s32 v18;
	v52 =	vld.idx.msk [tilespmem:v21+s18+$0x0], $0xffff  }
0xfb: {  	v9 =	vadd.f32 $2.048000000e+03, v9;
	v29 =	vadd.f32 $2.048000000e+03, v29;
	v19 =	vmul.f32 $1.000000000e+03, v19;
	v62 =	vld.idx.msk [tilespmem:v56+s3+$0x0], $0xffff  }
0xfc: {  	v27 =	vmax.f32 v27, $0.0e+00;
	v24 =	vmul.f32 v24, v60;
	v63 =	vld.idx.msk [tilespmem:v11+s3+$0x0], $0xffff;
	v49 =	vmul.f32 $1.000000000e+03, v14  }
0xfd: {  	v13 =	vmul.f32 v13, v51;
	v35 =	vld.idx.msk [tilespmem:v56+s18+$0x0], $0xffff;
	v14 =	vmin.f32 v12, $4.095000000e+03;
	v12 =	vtrunc.f32 v25  }
0xfe: {  	v11 =	vld.idx.msk [tilespmem:v11+s18+$0x0], $0xffff;
	v51 =	vtrunc.f32 v14;
	v44 =	vcvt.f32.s32 v12;
	v17 =	vadd.f32 $2.048000000e+03, v49  }
0xff: {  	v22 =	vadd.f32 v24, v22;
	v50 =	vld.idx.msk [tilespmem:v34+s3+$0x0], $0xffff;
	v12 =	vmax.f32 v29, $0.0e+00;
	v29 =	vcvt.f32.s32 v51  }
0x100: {  	v48 =	vld.idx.msk [tilespmem:v58+s3+$0x0], $0xffff;
	v26 =	vmul.f32 v26, v61;
	v33 =	vmul.f32 v33, v62;
	v21 =	vmax.f32 v17, $0.0e+00  }
0x101: {  	v56 =	vld.idx.msk [tilespmem:v34+s18+$0x0], $0xffff;
	v5 =	vmul.f32 v5, v63;
	v17 =	vmin.f32 v15, $4.095000000e+03;
	v53 =	vmin.f32 v21, $4.095000000e+03  }
0x102: {  	[tilespmem:s22+$0xFFFFFF10] =	vst v22;
	v55 =	vld.idx.msk [tilespmem:v58+s18+$0x0], $0xffff;
	v15 =	vmin.f32 v27, $4.095000000e+03;
	v26 =	vadd.f32 v26, v52;
	v54 =	vtrunc.f32 v53  }
0x103: {  	v63 =	vld [tilespmem:s21+$0xFFFFFF90];
	v21 =	vmul.f32 v31, v59;
	v33 =	vadd.f32 v33, v35;
	v27 =	vcvt.f32.s32 v54  }
0x104: {  	v20 =	vmul.f32 $1.000000000e+03, v20;
	v23 =	vmul.f32 v23, v50;
	v5 =	vadd.f32 v5, v11;
	[tilespmem:s22+$0xFFFFFF20] =	vst v26;
	v58 =	vld.idx.msk [tilespmem:v44+s3+$0x0], $0xffff  }
0x105: {  	v9 =	vmax.f32 v9, $0.0e+00;
	v18 =	vmul.f32 $1.000000000e+03, v47;
	v30 =	vmul.f32 v30, v48;
	v47 =	vld [tilespmem:s21+$0xFFFFFFA0];
	[tilespmem:s22+$0xFFFFFF30] =	vst v33  }
0x106: {  	v1 =	vmul.f32 $1.000000000e+03, v8;
	v21 =	vadd.f32 v21, v32;
	[tilespmem:s22+$0xFFFFFF40] =	vst v5;
	v5 =	vadd.f32 v23, v56;
	v23 =	vld [tilespmem:s21+$0xFFFFFFB0]  }
0x107: {  	v20 =	vadd.f32 $2.048000000e+03, v20;
	v12 =	vmin.f32 v12, $4.095000000e+03;
	v11 =	vadd.f32 v30, v55;
	v51 =	vld [tilespmem:s21+$0xFFFFFFC0]  }
0x108: {  	v19 =	vadd.f32 $2.048000000e+03, v19;
	v1 =	vadd.f32 $2.048000000e+03, v1;
	v61 =	vtrunc.f32 v12;
	[tilespmem:s22+$0xFFFFFF00] =	vst v21;
	v21 =	vld.idx.msk [tilespmem:v29+s3+$0x0], $0xffff  }
0x109: {  	v20 =	vmax.f32 v20, $0.0e+00;
	v18 =	vadd.f32 $2.048000000e+03, v18;
	v50 =	vcvt.f32.s32 v61;
	[tilespmem:s22+$0xFFFFFF50] =	vst v11;
	v46 =	vld.idx.msk [tilespmem:v27+s3+$0x0], $0xffff  }
0x10a: {  	[tilespmem:s10+$0xF0] =	vst v0;
	v0 =	vmax.f32 v1, $0.0e+00;
	v20 =	vmin.f32 v20, $4.095000000e+03;
	v57 =	vtrunc.f32 v17;
	v52 =	vld [tilespmem:s21+$0xFFFFFFD0]  }
0x10b: {  	v18 =	vmax.f32 v18, $0.0e+00;
	v60 =	vtrunc.f32 v15;
	v22 =	vcvt.f32.s32 v57;
	v27 =	vld.idx.msk [tilespmem:v27+s18+$0x0], $0xffff  }
0x10c: {  	v3 =	vmul.f32 v3, v7;
	v18 =	vmin.f32 v18, $4.095000000e+03;
	v48 =	vcvt.f32.s32 v60;
	v29 =	vld.idx.msk [tilespmem:v29+s18+$0x0], $0xffff  }
0x10d: {  	v1 =	vmin.f32 v0, $4.095000000e+03;
	v49 =	vtrunc.f32 v20;
	v59 =	vtrunc.f32 v18;
	[tilespmem:s22+$0xFFFFFF60] =	vst v5;
	v62 =	vld [tilespmem:s21+$0xFFFFFF80]  }
0x10e: {  	v31 =	vcvt.f32.s32 v49;
	v11 =	vmax.f32 v19, $0.0e+00;
	v54 =	vld [tilespmem:s21+$0xFFFFFFE0];
	v5 =	vmul.f32 v53, v46  }
0x10f: {  	v10 =	vmul.f32 $1.000000000e+03, v10;
	v28 =	vcvt.f32.s32 v59;
	v19 =	vmin.f32 v11, $4.095000000e+03;
	v61 =	vld.idx.msk [tilespmem:v50+s3+$0x0], $0xffff  }
0x110: {  	v11 =	vmin.f32 v4, $4.095000000e+03;
	v4 =	vtrunc.f32 v16;
	v32 =	vld.idx.msk [tilespmem:v50+s18+$0x0], $0xffff;
	v5 =	vadd.f32 v5, v27  }
0x111: {  	v2 =	vadd.f32 v13, v2;
	v38 =	vld.idx.msk [tilespmem:v22+s3+$0x0], $0xffff;
	v24 =	vmul.f32 v25, v58;
	v58 =	vmul.f32 $1.000000000e+03, v63  }
0x112: {  	v10 =	vadd.f32 $2.048000000e+03, v10;
	v57 =	vtrunc.f32 v11;
	v60 =	vcvt.f32.s32 v4;
	v59 =	vld.idx.msk [tilespmem:v48+s3+$0x0], $0xffff;
	[tilespmem:s22+$0xFFFFFFF0] =	vst v5  }
0x113: {  	v4 =	vcvt.f32.s32 v57;
	v25 =	vadd.f32 $2.048000000e+03, v58;
	v55 =	vmul.f32 $1.000000000e+03, v62;
	v62 =	vld [tilespmem:s21+$0x70]  }
0x114: {  	v10 =	vmax.f32 v10, $0.0e+00;
	v35 =	vmul.f32 $1.000000000e+03, v47;
	v63 =	vld.idx.msk [tilespmem:v31+s3+$0x0], $0xffff;
	v23 =	vmul.f32 $1.000000000e+03, v23  }
0x115: {  	[tilespmem:s17+$0xF0] =	vst v2;
	v2 =	vmin.f32 v10, $4.095000000e+03;
	v22 =	vld.idx.msk [tilespmem:v22+s18+$0x0], $0xffff;
	v33 =	vmul.f32 $1.000000000e+03, v51;
	v25 =	vmax.f32 v25, $0.0e+00  }
0x116: {  	v30 =	vld.idx.msk [tilespmem:v48+s18+$0x0], $0xffff;
	v35 =	vadd.f32 $2.048000000e+03, v35;
	v23 =	vadd.f32 $2.048000000e+03, v23;
	v25 =	vmin.f32 v25, $4.095000000e+03  }
0x117: {  	v31 =	vld.idx.msk [tilespmem:v31+s18+$0x0], $0xffff;
	v33 =	vadd.f32 $2.048000000e+03, v33;
	v26 =	vadd.f32 $2.048000000e+03, v55;
	v55 =	vtrunc.f32 v25  }
0x118: {  	v23 =	vmax.f32 v23, $0.0e+00;
	v53 =	vld.idx.msk [tilespmem:v44+s18+$0x0], $0xffff;
	v45 =	vcvt.f32.s32 v55;
	v39 =	vmul.f32 $1.000000000e+03, v62  }
0x119: {  	v36 =	vmul.f32 $1.000000000e+03, v52;
	v41 =	vld.idx.msk [tilespmem:v60+s18+$0x0], $0xffff;
	v33 =	vmax.f32 v33, $0.0e+00;
	v23 =	vmin.f32 v23, $4.095000000e+03  }
0x11a: {  	v51 =	vld.idx.msk [tilespmem:v4+s3+$0x0], $0xffff;
	v33 =	vmin.f32 v33, $4.095000000e+03;
	v47 =	vtrunc.f32 v23;
	v39 =	vadd.f32 $2.048000000e+03, v39  }
0x11b: {  	v36 =	vadd.f32 $2.048000000e+03, v36;
	v46 =	vld.idx.msk [tilespmem:v60+s3+$0x0], $0xffff;
	v50 =	vtrunc.f32 v33;
	v47 =	vcvt.f32.s32 v47  }
0x11c: {  	v17 =	vmul.f32 v17, v38;
	v27 =	vld.idx.msk [tilespmem:v28+s3+$0x0], $0xffff;
	v50 =	vcvt.f32.s32 v50;
	v39 =	vmax.f32 v39, $0.0e+00  }
0x11d: {  	v36 =	vmax.f32 v36, $0.0e+00;
	v28 =	vld.idx.msk [tilespmem:v28+s18+$0x0], $0xffff;
	v24 =	vadd.f32 v24, v53;
	v39 =	vmin.f32 v39, $4.095000000e+03  }
0x11e: {  	v26 =	vmax.f32 v26, $0.0e+00;
	v36 =	vmin.f32 v36, $4.095000000e+03;
	v55 =	vld.idx.msk [tilespmem:v45+s3+$0x0], $0xffff;
	v48 =	vtrunc.f32 v39  }
0x11f: {  	v10 =	vadd.f32 v17, v22;
	v52 =	vtrunc.f32 v36;
	[tilespmem:s17+$0x0] =	vst v24;
	v22 =	vld.idx.msk [tilespmem:v45+s18+$0x0], $0xffff;
	v48 =	vcvt.f32.s32 v48  }
0x120: {  	v13 =	vmul.f32 v14, v21;
	v26 =	vmin.f32 v26, $4.095000000e+03;
	v52 =	vcvt.f32.s32 v52;
	v49 =	vld [tilespmem:s11+$0x80]  }
0x121: {  	v37 =	vmul.f32 $1.000000000e+03, v54;
	v35 =	vmax.f32 v35, $0.0e+00;
	v54 =	vtrunc.f32 v26;
	v14 =	vld.idx.msk [tilespmem:v47+s3+$0x0], $0xffff  }
0x122: {  	v56 =	vtrunc.f32 v19;
	v35 =	vmin.f32 v35, $4.095000000e+03;
	v44 =	vcvt.f32.s32 v54;
	v57 =	vld.idx.msk [tilespmem:v50+s3+$0x0], $0xffff  }
0x123: {  	v37 =	vadd.f32 $2.048000000e+03, v37;
	v5 =	vcvt.f32.s32 v56;
	v56 =	vtrunc.f32 v35;
	v7 =	vld.idx.msk [tilespmem:v47+s18+$0x0], $0xffff  }
0x124: {  	v0 =	vmin.f32 v9, $4.095000000e+03;
	v9 =	vmul.f32 v12, v61;
	v43 =	vcvt.f32.s32 v56;
	v61 =	vld.idx.msk [tilespmem:v50+s18+$0x0], $0xffff  }
0x125: {  	v37 =	vmax.f32 v37, $0.0e+00;
	v21 =	vld.idx.msk [tilespmem:v48+s3+$0x0], $0xffff  }
0x126: {  	v15 =	vmul.f32 v15, v59;
	v37 =	vmin.f32 v37, $4.095000000e+03;
	v59 =	vld.idx.msk [tilespmem:v52+s3+$0x0], $0xffff  }
0x127: {  	v13 =	vadd.f32 v13, v29;
	v54 =	vtrunc.f32 v37;
	v58 =	vld.idx.msk [tilespmem:v48+s18+$0x0], $0xffff  }
0x128: {  	v54 =	vcvt.f32.s32 v54;
	v18 =	vmul.f32 v18, v27;
	v53 =	vld.idx.msk [tilespmem:v44+s3+$0x0], $0xffff  }
0x129: {  	v3 =	vadd.f32 v3, v6;
	[tilespmem:s17+$0x10] =	vst v13;
	v15 =	vadd.f32 v15, v30;
	v13 =	vld.idx.msk [tilespmem:v44+s18+$0x0], $0xffff  }
0x12a: {  	[tilespmem:s17+$0x20] =	vst v10;
	v12 =	vadd.f32 v18, v28;
	v8 =	vld.idx.msk [tilespmem:v43+s3+$0x0], $0xffff;
	v10 =	vmul.f32 v39, v21  }
0x12b: {  	v20 =	vmul.f32 v20, v63;
	v9 =	vadd.f32 v9, v32;
	v60 =	vtrunc.f32 v0;
	[tilespmem:s17+$0x40] =	vst v15;
	v24 =	vld.idx.msk [tilespmem:v5+s3+$0x0], $0xffff  }
0x12c: {  	v18 =	vtrunc.f32 v2;
	[tilespmem:s17+$0x30] =	vst v12;
	v12 =	vld.idx.msk [tilespmem:v43+s18+$0x0], $0xffff;
	v25 =	vmul.f32 v25, v55;
	v15 =	vadd.f32 v10, v58  }
0x12d: {  	[tilespmem:s10+$0x80] =	vst v3;
	v6 =	vld.idx.msk [tilespmem:v52+s18+$0x0], $0xffff;
	v10 =	vcvt.f32.s32 v18;
	v18 =	vadd.f32 v20, v31;
	v20 =	vmul.f32 v26, v53  }
0x12e: {  	v17 =	vld.idx.msk [tilespmem:v54+s3+$0x0], $0xffff;
	v62 =	vmul.f32 $1.000000000e+03, v49;
	v14 =	vmul.f32 v23, v14;
	v3 =	vadd.f32 v25, v22;
	[tilespmem:s22+$0x70] =	vst v15  }
0x12f: {  	v22 =	vmul.f32 v33, v57;
	[tilespmem:s17+$0x60] =	vst v18;
	v15 =	vmul.f32 v35, v8;
	v13 =	vadd.f32 v20, v13;
	v18 =	vld [tilespmem:s21+$0xF0]  }
0x130: {  	[tilespmem:s17+$0x50] =	vst v9;
	v23 =	vld [tilespmem:s11+$0x90];
	v14 =	vadd.f32 v14, v7;
	v7 =	vmul.f32 v19, v24;
	v21 =	vtrunc.f32 v1  }
0x131: {  	v9 =	vcvt.f32.s32 v21;
	v21 =	vadd.f32 $2.048000000e+03, v62;
	v20 =	vld.idx.msk [tilespmem:v54+s18+$0x0], $0xffff;
	[tilespmem:s22+$0xFFFFFF80] =	vst v13;
	v12 =	vadd.f32 v15, v12  }
0x132: {  	[tilespmem:s22+$0xFFFFFF90] =	vst v3;
	v19 =	vadd.f32 v22, v61;
	v15 =	vmul.f32 v16, v46;
	v16 =	vmul.f32 v36, v59;
	v63 =	vld [tilespmem:s21+$0x0]  }
0x133: {  	v17 =	vmul.f32 v37, v17;
	v3 =	vmax.f32 v21, $0.0e+00;
	v8 =	vcvt.f32.s32 v60;
	v13 =	vld [tilespmem:s21+$0x10];
	[tilespmem:s22+$0xFFFFFFA0] =	vst v12  }
0x134: {  	[tilespmem:s22+$0xFFFFFFB0] =	vst v14;
	v3 =	vmin.f32 v3, $4.095000000e+03;
	v16 =	vadd.f32 v16, v6;
	v12 =	vld [tilespmem:s21+$0x20];
	v18 =	vmul.f32 $1.000000000e+03, v18  }
0x135: {  	v14 =	vld [tilespmem:s21+$0x30];
	[tilespmem:s22+$0xFFFFFFC0] =	vst v19;
	v21 =	vtrunc.f32 v3;
	v22 =	vadd.f32 v15, v41;
	v6 =	vmul.f32 v11, v51  }
0x136: {  	s16 =	sshll.u32 s12, $0xF;
	s24 =	simm.s32 $0x100;
	v11 =	vld [tilespmem:s21+$0x40];
	[tilespmem:s22+$0xFFFFFFD0] =	vst v16;
	v16 =	vadd.f32 v17, v20;
	v17 =	vmul.f32 $1.000000000e+03, v23;
	v20 =	vadd.f32 $2.048000000e+03, v18  }
0x137: {  	s23 =	sor.u32 s7, s16;
	s1 =	simm.s32 $0xA500;
	s26 =	simm.s32 $0x2700;
	v15 =	vcvt.f32.s32 v21;
	[tilespmem:s10+$0x90] =	vst v22;
	v19 =	vmul.f32 $1.000000000e+03, v63;
	v18 =	vld [tilespmem:s21+$0x50]  }
.LBB2_3:
0x138: {  	v21 =	vld [tilespmem:s26+$0xFFFFFF70];
	s24 =	sadd.s32 $0x80, s24;
	v13 =	vmul.f32 $1.000000000e+03, v13;
	[tilespmem:s22+$0xFFFFFFE0] =	vst v16;
	v16 =	vmax.f32 v20, $0.0e+00;
	v17 =	vadd.f32 $2.048000000e+03, v17  }
0x139: {  	v20 =	vld [tilespmem:s26+$0xFFFFFF10];
	p1 =	slt.u32 s24, $0x780;
	v19 =	vadd.f32 $2.048000000e+03, v19;
	v12 =	vmul.f32 $1.000000000e+03, v12;
	v16 =	vmin.f32 v16, $4.095000000e+03  }
0x13a: {  	v22 =	vld [tilespmem:s26+$0xFFFFFF20];
	v13 =	vadd.f32 $2.048000000e+03, v13;
	v14 =	vmul.f32 $1.000000000e+03, v14;
	v23 =	vtrunc.f32 v16  }
0x13b: {  	v24 =	vld [tilespmem:s26+$0xFFFFFF30];
	v12 =	vadd.f32 $2.048000000e+03, v12;
	v11 =	vmul.f32 $1.000000000e+03, v11;
	v23 =	vcvt.f32.s32 v23  }
0x13c: {  	v19 =	vmax.f32 v19, $0.0e+00;
	v25 =	vld [tilespmem:s26+$0xFFFFFF40];
	v14 =	vadd.f32 $2.048000000e+03, v14;
	v18 =	vmul.f32 $1.000000000e+03, v18  }
0x13d: {  	v27 =	vmax.f32 v13, $0.0e+00;
	v26 =	vld [tilespmem:s26+$0xFFFFFF50];
	v21 =	vmul.f32 $1.000000000e+03, v21;
	v11 =	vadd.f32 $2.048000000e+03, v11  }
0x13e: {  	v28 =	vmax.f32 v12, $0.0e+00;
	v13 =	vmul.f32 $1.000000000e+03, v20;
	v20 =	vld [tilespmem:s26+$0xFFFFFF60];
	v18 =	vadd.f32 $2.048000000e+03, v18  }
0x13f: {  	v29 =	vmax.f32 v14, $0.0e+00;
	v12 =	vld [tilespmem:s26+$0xFFFFFF00];
	v22 =	vmul.f32 $1.000000000e+03, v22;
	v21 =	vadd.f32 $2.048000000e+03, v21  }
0x140: {  	v13 =	vadd.f32 $2.048000000e+03, v13;
	v14 =	vmul.f32 $1.000000000e+03, v24;
	v24 =	vmax.f32 v11, $0.0e+00;
	v30 =	vld [tilespmem:s21+$0x60]  }
0x141: {  	v11 =	vadd.f32 $2.048000000e+03, v22;
	v22 =	vmul.f32 $1.000000000e+03, v25;
	v21 =	vmax.f32 v21, $0.0e+00;
	v25 =	vld.idx.msk [tilespmem:v23+s3+$0x0], $0xffff  }
0x142: {  	v14 =	vadd.f32 $2.048000000e+03, v14;
	v26 =	vmul.f32 $1.000000000e+03, v26;
	v21 =	vmin.f32 v21, $4.095000000e+03;
	v34 =	vld [tilespmem:s11+$0xA0]  }
0x143: {  	v22 =	vadd.f32 $2.048000000e+03, v22;
	v20 =	vmul.f32 $1.000000000e+03, v20;
	v31 =	vtrunc.f32 v21;
	v23 =	vld.idx.msk [tilespmem:v23+s18+$0x0], $0xffff  }
0x144: {  	v12 =	vmul.f32 $1.000000000e+03, v12;
	v26 =	vadd.f32 $2.048000000e+03, v26;
	v31 =	vcvt.f32.s32 v31;
	v35 =	vld [tilespmem:s11+$0xB0]  }
0x145: {  	v13 =	vmax.f32 v13, $0.0e+00;
	v11 =	vmax.f32 v11, $0.0e+00;
	v20 =	vadd.f32 $2.048000000e+03, v20;
	v36 =	vld [tilespmem:s11+$0xC0]  }
0x146: {  	v32 =	vmax.f32 v14, $0.0e+00;
	v22 =	vmax.f32 v22, $0.0e+00;
	v12 =	vadd.f32 $2.048000000e+03, v12;
	v37 =	vld [tilespmem:s11+$0xD0]  }
0x147: {  	v26 =	vmax.f32 v26, $0.0e+00;
	v16 =	vmul.f32 v16, v25;
	v20 =	vmax.f32 v20, $0.0e+00;
	v25 =	vld [tilespmem:s11+$0xE0];
	s11 =	smov.u32 s21;
	s21 =	smov.u32 s26  }
0x148: {  	v38 =	vmin.f32 v13, $4.095000000e+03;
	v39 =	vmin.f32 v11, $4.095000000e+03;
	v12 =	vmax.f32 v12, $0.0e+00;
	v14 =	vld.idx.msk [tilespmem:v15+s3+$0x0], $0xffff  }
0x149: {  	v41 =	vmin.f32 v32, $4.095000000e+03;
	v11 =	vadd.f32 v16, v23;
	v40 =	vmin.f32 v12, $4.095000000e+03;
	v12 =	vld.idx.msk [tilespmem:v10+s3+$0x0], $0xffff  }
0x14a: {  	v42 =	vmin.f32 v22, $4.095000000e+03;
	v26 =	vmin.f32 v26, $4.095000000e+03;
	v43 =	vmin.f32 v20, $4.095000000e+03;
	v16 =	vld.idx.msk [tilespmem:v31+s3+$0x0], $0xffff  }
0x14b: {  	v18 =	vmax.f32 v18, $0.0e+00;
	v22 =	vtrunc.f32 v38;
	v20 =	vtrunc.f32 v40;
	[tilespmem:s22+$0xF0] =	vst v11;
	v13 =	vld.idx.msk [tilespmem:v9+s3+$0x0], $0xffff  }
0x14c: {  	v33 =	vmin.f32 v19, $4.095000000e+03;
	v44 =	vtrunc.f32 v41;
	v23 =	vtrunc.f32 v39;
	v31 =	vld.idx.msk [tilespmem:v31+s18+$0x0], $0xffff  }
0x14d: {  	v32 =	vmin.f32 v27, $4.095000000e+03;
	v45 =	vtrunc.f32 v42;
	v46 =	vtrunc.f32 v26;
	v11 =	vld.idx.msk [tilespmem:v8+s3+$0x0], $0xffff  }
0x14e: {  	v19 =	vmin.f32 v28, $4.095000000e+03;
	v27 =	vtrunc.f32 v43;
	v47 =	vcvt.f32.s32 v20;
	v15 =	vld.idx.msk [tilespmem:v15+s18+$0x0], $0xffff  }
0x14f: {  	v28 =	vcvt.f32.s32 v22;
	v48 =	vcvt.f32.s32 v23;
	v20 =	vmin.f32 v29, $4.095000000e+03;
	v5 =	vld.idx.msk [tilespmem:v5+s18+$0x0], $0xffff  }
0x150: {  	v44 =	vcvt.f32.s32 v44;
	v22 =	vmin.f32 v24, $4.095000000e+03;
	v16 =	vmul.f32 v21, v16;
	v4 =	vld.idx.msk [tilespmem:v4+s18+$0x0], $0xffff  }
0x151: {  	v24 =	vcvt.f32.s32 v45;
	v45 =	vcvt.f32.s32 v46;
	v23 =	vmin.f32 v18, $4.095000000e+03;
	v18 =	vld.idx.msk [tilespmem:v10+s18+$0x0], $0xffff  }
0x152: {  	v46 =	vcvt.f32.s32 v27;
	v21 =	vmul.f32 $1.000000000e+03, v30;
	v10 =	vadd.f32 v16, v31;
	v16 =	vld.idx.msk [tilespmem:v9+s18+$0x0], $0xffff  }
0x153: {  	v27 =	vtrunc.f32 v32;
	s22 =	sadd.s32 $0x200, s22;
	v29 =	vmax.f32 v17, $0.0e+00;
	v9 =	vtrunc.f32 v33;
	v17 =	vld.idx.msk [tilespmem:v8+s18+$0x0], $0xffff  }
0x154: {  	v50 =	vadd.f32 $2.048000000e+03, v21;
	v8 =	vtrunc.f32 v19;
	v49 =	vld.idx.msk [tilespmem:v47+s3+$0x0], $0xffff;
	[tilespmem:s22+$0xFFFFFF70] =	vst v10;
	v10 =	vtrunc.f32 v20  }
0x155: {  	v52 =	vtrunc.f32 v22;
	v53 =	vtrunc.f32 v23;
	v21 =	vmin.f32 v29, $4.095000000e+03;
	v51 =	vld [tilespmem:s26+$0xFFFFFFF0]  }
0x156: {  	v30 =	vcvt.f32.s32 v27;
	v31 =	vcvt.f32.s32 v9;
	v27 =	vmax.f32 v50, $0.0e+00;
	v54 =	vld.idx.msk [tilespmem:v28+s3+$0x0], $0xffff  }
0x157: {  	v29 =	vcvt.f32.s32 v8;
	v8 =	vmin.f32 v27, $4.095000000e+03;
	v9 =	vcvt.f32.s32 v10;
	v50 =	vld.idx.msk [tilespmem:v48+s3+$0x0], $0xffff  }
0x158: {  	v5 =	vadd.f32 v7, v5;
	v10 =	vcvt.f32.s32 v52;
	v52 =	vtrunc.f32 v8;
	v55 =	vld.idx.msk [tilespmem:v44+s3+$0x0], $0xffff  }
0x159: {  	v27 =	vcvt.f32.s32 v53;
	v4 =	vadd.f32 v6, v4;
	v7 =	vcvt.f32.s32 v52;
	v56 =	vld.idx.msk [tilespmem:v24+s3+$0x0], $0xffff  }
0x15a: {  	v6 =	vmul.f32 v40, v49;
	v40 =	vld.idx.msk [tilespmem:v45+s3+$0x0], $0xffff;
	v49 =	vmul.f32 $1.000000000e+03, v51;
	[tilespmem:s10+$0xA0] =	vst v5  }
0x15b: {  	v34 =	vmul.f32 $1.000000000e+03, v34;
	v35 =	vmul.f32 $1.000000000e+03, v35;
	v5 =	vld.idx.msk [tilespmem:v46+s3+$0x0], $0xffff;
	[tilespmem:s10+$0xB0] =	vst v4  }
0x15c: {  	v36 =	vmul.f32 $1.000000000e+03, v36;
	v38 =	vmul.f32 v38, v54;
	v4 =	vld.idx.msk [tilespmem:v47+s18+$0x0], $0xffff;
	v47 =	vadd.f32 $2.048000000e+03, v49  }
0x15d: {  	v34 =	vadd.f32 $2.048000000e+03, v34;
	v37 =	vmul.f32 $1.000000000e+03, v37;
	v39 =	vmul.f32 v39, v50;
	v28 =	vld.idx.msk [tilespmem:v28+s18+$0x0], $0xffff  }
0x15e: {  	v25 =	vmul.f32 $1.000000000e+03, v25;
	v41 =	vmul.f32 v41, v55;
	v48 =	vld.idx.msk [tilespmem:v48+s18+$0x0], $0xffff;
	v47 =	vmax.f32 v47, $0.0e+00  }
0x15f: {  	v35 =	vadd.f32 $2.048000000e+03, v35;
	v42 =	vmul.f32 v42, v56;
	v44 =	vld.idx.msk [tilespmem:v44+s18+$0x0], $0xffff;
	v47 =	vmin.f32 v47, $4.095000000e+03  }
0x160: {  	v36 =	vadd.f32 $2.048000000e+03, v36;
	v40 =	vmul.f32 v26, v40;
	v24 =	vld.idx.msk [tilespmem:v24+s18+$0x0], $0xffff;
	v26 =	vtrunc.f32 v47  }
0x161: {  	v5 =	vmul.f32 v43, v5;
	v45 =	vld.idx.msk [tilespmem:v45+s18+$0x0], $0xffff;
	v43 =	vcvt.f32.s32 v26;
	v26 =	vadd.f32 $2.048000000e+03, v37  }
0x162: {  	v25 =	vadd.f32 $2.048000000e+03, v25;
	v4 =	vadd.f32 v6, v4;
	v6 =	vmax.f32 v34, $0.0e+00;
	v37 =	vld.idx.msk [tilespmem:v46+s18+$0x0], $0xffff  }
0x163: {  	v35 =	vmax.f32 v35, $0.0e+00;
	v36 =	vmax.f32 v36, $0.0e+00;
	v28 =	vadd.f32 v38, v28;
	v34 =	vld.idx.msk [tilespmem:v31+s3+$0x0], $0xffff  }
0x164: {  	v46 =	vmax.f32 v25, $0.0e+00;
	[tilespmem:s22+$0xFFFFFF00] =	vst v4;
	v4 =	vadd.f32 v39, v48;
	v38 =	vld.idx.msk [tilespmem:v30+s3+$0x0], $0xffff;
	v39 =	vmax.f32 v26, $0.0e+00  }
0x165: {  	v6 =	vmin.f32 v6, $4.095000000e+03;
	v41 =	vadd.f32 v41, v44;
	v48 =	vld [tilespmem:s26+$0xFFFFFF80];
	[tilespmem:s22+$0xFFFFFF10] =	vst v28;
	v28 =	vmin.f32 v35, $4.095000000e+03  }
0x166: {  	v26 =	vmin.f32 v36, $4.095000000e+03;
	v25 =	vmin.f32 v39, $4.095000000e+03;
	v35 =	vld [tilespmem:s26+$0xFFFFFF90];
	[tilespmem:s22+$0xFFFFFF20] =	vst v4;
	v4 =	vadd.f32 v42, v24  }
0x167: {  	v36 =	vadd.f32 v40, v45;
	v40 =	vtrunc.f32 v21;
	v24 =	vmin.f32 v46, $4.095000000e+03;
	[tilespmem:s22+$0xFFFFFF30] =	vst v41;
	v39 =	vld.idx.msk [tilespmem:v43+s3+$0x0], $0xffff  }
0x168: {  	v41 =	vld [tilespmem:s26+$0xFFFFFFA0];
	[tilespmem:s22+$0xFFFFFF40] =	vst v4;
	v4 =	vadd.f32 v5, v37;
	v5 =	vtrunc.f32 v6;
	v37 =	vtrunc.f32 v28  }
0x169: {  	v33 =	vmul.f32 v33, v34;
	v34 =	vtrunc.f32 v26;
	[tilespmem:s22+$0xFFFFFF50] =	vst v36;
	v36 =	vld.idx.msk [tilespmem:v43+s18+$0x0], $0xffff  }
0x16a: {  	v32 =	vmul.f32 v32, v38;
	v42 =	vmul.f32 $1.000000000e+03, v48;
	v43 =	vld [tilespmem:s26+$0xFFFFFFB0];
	[tilespmem:s22+$0xFFFFFF60] =	vst v4  }
0x16b: {  	v38 =	vtrunc.f32 v25;
	v4 =	vmul.f32 $1.000000000e+03, v35;
	v35 =	vld [tilespmem:s26+$0xFFFFFFC0]  }
0x16c: {  	v40 =	vcvt.f32.s32 v40;
	v45 =	vtrunc.f32 v24;
	v42 =	vadd.f32 $2.048000000e+03, v42;
	v44 =	vld [tilespmem:s26+$0xFFFFFFD0]  }
0x16d: {  	v39 =	vmul.f32 v47, v39;
	v46 =	vadd.f32 $2.048000000e+03, v4;
	v41 =	vmul.f32 $1.000000000e+03, v41;
	v48 =	vld [tilespmem:s26+$0xFFFFFFE0]  }
0x16e: {  	v5 =	vcvt.f32.s32 v5;
	v4 =	vcvt.f32.s32 v37;
	v42 =	vmax.f32 v42, $0.0e+00;
	v47 =	vld.idx.msk [tilespmem:v29+s3+$0x0], $0xffff  }
0x16f: {  	v36 =	vadd.f32 v39, v36;
	v37 =	vadd.f32 $2.048000000e+03, v41;
	v41 =	vmul.f32 $1.000000000e+03, v43;
	v39 =	vld.idx.msk [tilespmem:v9+s3+$0x0], $0xffff  }
0x170: {  	v42 =	vmin.f32 v42, $4.095000000e+03;
	v43 =	vmax.f32 v46, $0.0e+00;
	v35 =	vmul.f32 $1.000000000e+03, v35;
	v46 =	vld.idx.msk [tilespmem:v10+s3+$0x0], $0xffff  }
0x171: {  	v37 =	vmax.f32 v37, $0.0e+00;
	v41 =	vadd.f32 $2.048000000e+03, v41;
	v44 =	vmul.f32 $1.000000000e+03, v44;
	[tilespmem:s22+$0xFFFFFFF0] =	vst v36;
	v36 =	vld.idx.msk [tilespmem:v27+s3+$0x0], $0xffff  }
0x172: {  	v43 =	vmin.f32 v43, $4.095000000e+03;
	v35 =	vadd.f32 $2.048000000e+03, v35;
	v48 =	vmul.f32 $1.000000000e+03, v48;
	v49 =	vld [tilespmem:s26+$0x70]  }
0x173: {  	v37 =	vmin.f32 v37, $4.095000000e+03;
	v41 =	vmax.f32 v41, $0.0e+00;
	v44 =	vadd.f32 $2.048000000e+03, v44;
	v50 =	vld.idx.msk [tilespmem:v7+s3+$0x0], $0xffff  }
0x174: {  	v41 =	vmin.f32 v41, $4.095000000e+03;
	v35 =	vmax.f32 v35, $0.0e+00;
	v48 =	vadd.f32 $2.048000000e+03, v48;
	v31 =	vld.idx.msk [tilespmem:v31+s18+$0x0], $0xffff  }
0x175: {  	v51 =	vtrunc.f32 v42;
	v35 =	vmin.f32 v35, $4.095000000e+03;
	v44 =	vmax.f32 v44, $0.0e+00;
	v30 =	vld.idx.msk [tilespmem:v30+s18+$0x0], $0xffff  }
0x176: {  	v52 =	vtrunc.f32 v43;
	v44 =	vmin.f32 v44, $4.095000000e+03;
	v48 =	vmax.f32 v48, $0.0e+00;
	v29 =	vld.idx.msk [tilespmem:v29+s18+$0x0], $0xffff  }
0x177: {  	v53 =	vtrunc.f32 v37;
	v48 =	vmin.f32 v48, $4.095000000e+03;
	v49 =	vmul.f32 $1.000000000e+03, v49;
	v9 =	vld.idx.msk [tilespmem:v9+s18+$0x0], $0xffff  }
0x178: {  	v54 =	vtrunc.f32 v41;
	v55 =	vtrunc.f32 v35;
	v10 =	vld.idx.msk [tilespmem:v10+s18+$0x0], $0xffff  }
0x179: {  	v56 =	vtrunc.f32 v44;
	v57 =	vtrunc.f32 v48;
	v49 =	vadd.f32 $2.048000000e+03, v49;
	v27 =	vld.idx.msk [tilespmem:v27+s18+$0x0], $0xffff  }
0x17a: {  	v51 =	vcvt.f32.s32 v51;
	v52 =	vcvt.f32.s32 v52;
	v31 =	vadd.f32 v33, v31;
	v7 =	vld.idx.msk [tilespmem:v7+s18+$0x0], $0xffff  }
0x17b: {  	v33 =	vcvt.f32.s32 v53;
	v53 =	vcvt.f32.s32 v54;
	v49 =	vmax.f32 v49, $0.0e+00;
	v54 =	vld.idx.msk [tilespmem:v40+s3+$0x0], $0xffff  }
0x17c: {  	v55 =	vcvt.f32.s32 v55;
	v56 =	vcvt.f32.s32 v56;
	v49 =	vmin.f32 v49, $4.095000000e+03;
	[tilespmem:s1+$0x0] =	vst v31;
	v31 =	vld.idx.msk [tilespmem:v5+s3+$0x0], $0xffff  }
0x17d: {  	v57 =	vcvt.f32.s32 v57;
	v30 =	vadd.f32 v32, v30;
	v58 =	vtrunc.f32 v49;
	v59 =	vld [tilespmem:s11+$0x80]  }
0x17e: {  	v19 =	vmul.f32 v19, v47;
	v32 =	vcvt.f32.s32 v58;
	v47 =	vld.idx.msk [tilespmem:v4+s3+$0x0], $0xffff  }
0x17f: {  	v20 =	vmul.f32 v20, v39;
	v22 =	vmul.f32 v22, v46;
	[tilespmem:s1+$0x10] =	vst v30;
	v30 =	vld.idx.msk [tilespmem:v40+s18+$0x0], $0xffff  }
0x180: {  	v23 =	vmul.f32 v23, v36;
	v8 =	vmul.f32 v8, v50;
	v19 =	vadd.f32 v19, v29;
	v39 =	vld.idx.msk [tilespmem:v51+s3+$0x0], $0xffff  }
0x181: {  	v9 =	vadd.f32 v20, v9;
	v20 =	vadd.f32 v22, v10;
	v10 =	vcvt.f32.s32 v34;
	v29 =	vld.idx.msk [tilespmem:v52+s3+$0x0], $0xffff  }
0x182: {  	v22 =	vld.idx.msk [tilespmem:v33+s3+$0x0], $0xffff;
	v34 =	vmul.f32 $1.000000000e+03, v59;
	[tilespmem:s1+$0x20] =	vst v19;
	v19 =	vadd.f32 v23, v27;
	v23 =	vadd.f32 v8, v7  }
0x183: {  	v8 =	vcvt.f32.s32 v45;
	v27 =	vld.idx.msk [tilespmem:v53+s3+$0x0], $0xffff;
	[tilespmem:s1+$0x30] =	vst v9;
	v9 =	vcvt.f32.s32 v38  }
0x184: {  	v14 =	vmul.f32 v3, v14;
	v36 =	vld.idx.msk [tilespmem:v32+s3+$0x0], $0xffff;
	v34 =	vadd.f32 $2.048000000e+03, v34;
	[tilespmem:s1+$0x40] =	vst v20;
	v20 =	vmul.f32 v21, v54  }
0x185: {  	v7 =	vmul.f32 v6, v31;
	v6 =	vmul.f32 v28, v47;
	v21 =	vld.idx.msk [tilespmem:v55+s3+$0x0], $0xffff;
	[tilespmem:s1+$0x50] =	vst v19  }
0x186: {  	v12 =	vmul.f32 v2, v12;
	v19 =	vmul.f32 v42, v39;
	v28 =	vld.idx.msk [tilespmem:v32+s18+$0x0], $0xffff;
	v3 =	vmax.f32 v34, $0.0e+00;
	[tilespmem:s1+$0x60] =	vst v23  }
0x187: {  	v13 =	vmul.f32 v1, v13;
	v2 =	vmovc v26;
	v23 =	vmul.f32 v43, v29;
	v29 =	vld.idx.msk [tilespmem:v56+s3+$0x0], $0xffff;
	v3 =	vmin.f32 v3, $4.095000000e+03  }
0x188: {  	v14 =	vadd.f32 v14, v15;
	v1 =	vmovc v25;
	v22 =	vmul.f32 v37, v22;
	v26 =	vld.idx.msk [tilespmem:v57+s3+$0x0], $0xffff;
	v31 =	vtrunc.f32 v3  }
0x189: {  	v20 =	vadd.f32 v20, v30;
	v27 =	vmul.f32 v41, v27;
	v25 =	vld.idx.msk [tilespmem:v51+s18+$0x0], $0xffff;
	v15 =	vcvt.f32.s32 v31  }
0x18a: {  	v11 =	vmul.f32 v0, v11;
	v12 =	vadd.f32 v12, v18;
	v31 =	vmul.f32 v49, v36;
	v30 =	vld.idx.msk [tilespmem:v52+s18+$0x0], $0xffff  }
0x18b: {  	v13 =	vadd.f32 v13, v16;
	v0 =	vmov v24;
	v21 =	vmul.f32 v35, v21;
	v18 =	vld.idx.msk [tilespmem:v33+s18+$0x0], $0xffff;
	[tilespmem:s17+$0x80] =	vst v14  }
0x18c: {  	v11 =	vadd.f32 v11, v17;
	v16 =	vadd.f32 v31, v28;
	v14 =	vld.idx.msk [tilespmem:v53+s18+$0x0], $0xffff;
	[tilespmem:s17+$0x90] =	vst v20  }
0x18d: {  	v20 =	vmul.f32 v44, v29;
	v17 =	vld.idx.msk [tilespmem:v55+s18+$0x0], $0xffff;
	[tilespmem:s10+$0xC0] =	vst v12  }
0x18e: {  	v26 =	vmul.f32 v48, v26;
	v24 =	vld.idx.msk [tilespmem:v56+s18+$0x0], $0xffff;
	[tilespmem:s22+$0x70] =	vst v16  }
0x18f: {  	v12 =	vadd.f32 v19, v25;
	v16 =	vld [tilespmem:s26+$0xF0];
	[tilespmem:s10+$0xD0] =	vst v13  }
0x190: {  	v13 =	vadd.f32 v23, v30;
	v19 =	vld.idx.msk [tilespmem:v57+s18+$0x0], $0xffff;
	[tilespmem:s10+$0xE0] =	vst v11;
	s10 =	smov.u32 s17;
	s17 =	smov.u32 s1;
	s1 =	smov.u32 s22  }
0x191: {  	v11 =	vadd.f32 v22, v18;
	[tilespmem:s22+$0xFFFFFF80] =	vst v12;
	v18 =	vld [tilespmem:s11+$0x90]  }
0x192: {  	v14 =	vadd.f32 v27, v14;
	v22 =	vld [tilespmem:s26+$0x0];
	[tilespmem:s22+$0xFFFFFF90] =	vst v13  }
.Ltmp2:
0x193: {  	v13 =	vld [tilespmem:s26+$0x10];
	[tilespmem:s22+$0xFFFFFFA0] =	vst v11;
	v11 =	vadd.f32 v21, v17;
	(pc) =	sbr.rel @p1 .LBB2_3-.Ltmp2, $4  }
0x194: {  	v17 =	vadd.f32 v20, v24;
	v12 =	vld [tilespmem:s26+$0x20];
	[tilespmem:s22+$0xFFFFFFB0] =	vst v14;
	v20 =	vmul.f32 $1.000000000e+03, v16  }
0x195: {  	v14 =	vld [tilespmem:s26+$0x30];
	[tilespmem:s22+$0xFFFFFFC0] =	vst v11  }
0x196: {  	v16 =	vadd.f32 v26, v19;
	v11 =	vld [tilespmem:s26+$0x40];
	[tilespmem:s22+$0xFFFFFFD0] =	vst v17;
	v20 =	vadd.f32 $2.048000000e+03, v20;
	v17 =	vmul.f32 $1.000000000e+03, v18  }
0x197: {  	s26 =	sadd.s32 $0x200, s26;
	v19 =	vmul.f32 $1.000000000e+03, v22;
	v18 =	vld [tilespmem:s21+$0x50]  }
0x198: {  	v24 =	vld [tilespmem:s11+$0xA0]  }
0x199: {  	v56 =	vld [tilespmem:s11+$0xB0]  }
0x19a: {  	v25 =	vld [tilespmem:s11+$0xC0]  }
0x19b: {  	v27 =	vld [tilespmem:s11+$0xD0]  }
0x19c: {  	v20 =	vmax.f32 v20, $0.0e+00;
	v28 =	vld [tilespmem:s11+$0xE0]  }
0x19d: {  	v13 =	vmul.f32 $1.000000000e+03, v13;
	v29 =	vld.idx.msk [tilespmem:v15+s3+$0x0], $0xffff;
	v17 =	vadd.f32 $2.048000000e+03, v17;
	v20 =	vmin.f32 v20, $4.095000000e+03  }
0x19e: {  	v35 =	vld.idx.msk [tilespmem:v5+s18+$0x0], $0xffff;
	v12 =	vmul.f32 $1.000000000e+03, v12;
	v19 =	vadd.f32 $2.048000000e+03, v19;
	v21 =	vtrunc.f32 v20  }
0x19f: {  	v5 =	vld.idx.msk [tilespmem:v4+s18+$0x0], $0xffff;
	v13 =	vadd.f32 $2.048000000e+03, v13;
	v14 =	vmul.f32 $1.000000000e+03, v14;
	v17 =	vmax.f32 v17, $0.0e+00  }
0x1a0: {  	[tilespmem:s22+$0xFFFFFFE0] =	vst v16;
	v4 =	vld.idx.msk [tilespmem:v10+s18+$0x0], $0xffff;
	v21 =	vcvt.f32.s32 v21;
	v12 =	vadd.f32 $2.048000000e+03, v12;
	v11 =	vmul.f32 $1.000000000e+03, v11  }
0x1a1: {  	v22 =	vld [tilespmem:s21+$0x60];
	v19 =	vmax.f32 v19, $0.0e+00;
	v17 =	vmin.f32 v17, $4.095000000e+03;
	v14 =	vadd.f32 $2.048000000e+03, v14  }
0x1a2: {  	v26 =	vmax.f32 v13, $0.0e+00;
	v19 =	vmin.f32 v19, $4.095000000e+03;
	v13 =	vld.idx.msk [tilespmem:v10+s3+$0x0], $0xffff;
	v12 =	vmax.f32 v12, $0.0e+00  }
0x1a3: {  	v11 =	vadd.f32 $2.048000000e+03, v11;
	v30 =	vtrunc.f32 v19;
	v32 =	vmin.f32 v12, $4.095000000e+03;
	v12 =	vld.idx.msk [tilespmem:v8+s3+$0x0], $0xffff  }
0x1a4: {  	v18 =	vmul.f32 $1.000000000e+03, v18;
	v26 =	vmin.f32 v26, $4.095000000e+03;
	v30 =	vcvt.f32.s32 v30;
	v8 =	vld.idx.msk [tilespmem:v8+s18+$0x0], $0xffff  }
0x1a5: {  	v14 =	vmax.f32 v14, $0.0e+00;
	v34 =	vtrunc.f32 v26;
	v31 =	vmax.f32 v11, $0.0e+00;
	v11 =	vld.idx.msk [tilespmem:v9+s3+$0x0], $0xffff  }
0x1a6: {  	v49 =	vtrunc.f32 v17;
	v33 =	vmin.f32 v14, $4.095000000e+03;
	v14 =	vld.idx.msk [tilespmem:v15+s18+$0x0], $0xffff;
	v34 =	vcvt.f32.s32 v34  }
0x1a7: {  	v24 =	vmul.f32 $1.000000000e+03, v24;
	v57 =	vtrunc.f32 v32;
	v9 =	vld.idx.msk [tilespmem:v9+s18+$0x0], $0xffff  }
0x1a8: {  	v44 =	vmul.f32 $1.000000000e+03, v56;
	v15 =	vcvt.f32.s32 v57;
	v23 =	vld.idx.msk [tilespmem:v21+s3+$0x0], $0xffff  }
0x1a9: {  	v45 =	vmul.f32 $1.000000000e+03, v25;
	v18 =	vadd.f32 $2.048000000e+03, v18;
	v36 =	vtrunc.f32 v33;
	v16 =	vld.idx.msk [tilespmem:v21+s18+$0x0], $0xffff  }
0x1aa: {  	v22 =	vmul.f32 $1.000000000e+03, v22;
	v36 =	vcvt.f32.s32 v36;
	v39 =	vld.idx.msk [tilespmem:v30+s3+$0x0], $0xffff  }
0x1ab: {  	v27 =	vmul.f32 $1.000000000e+03, v27;
	v18 =	vmax.f32 v18, $0.0e+00;
	v31 =	vmin.f32 v31, $4.095000000e+03;
	v60 =	vld.idx.msk [tilespmem:v30+s18+$0x0], $0xffff  }
0x1ac: {  	v22 =	vadd.f32 $2.048000000e+03, v22;
	v58 =	vtrunc.f32 v31;
	v21 =	vcvt.f32.s32 v49;
	v61 =	vld.idx.msk [tilespmem:v34+s3+$0x0], $0xffff  }
0x1ad: {  	v28 =	vmul.f32 $1.000000000e+03, v28;
	v18 =	vmin.f32 v18, $4.095000000e+03;
	v38 =	vcvt.f32.s32 v58;
	v34 =	vld.idx.msk [tilespmem:v34+s18+$0x0], $0xffff  }
0x1ae: {  	v3 =	vmul.f32 v3, v29;
	v22 =	vmax.f32 v22, $0.0e+00;
	v37 =	vtrunc.f32 v18;
	v41 =	vld.idx.msk [tilespmem:v15+s3+$0x0], $0xffff  }
0x1af: {  	v7 =	vadd.f32 v7, v35;
	v22 =	vmin.f32 v22, $4.095000000e+03;
	v37 =	vcvt.f32.s32 v37;
	v15 =	vld.idx.msk [tilespmem:v15+s18+$0x0], $0xffff  }
0x1b0: {  	v5 =	vadd.f32 v6, v5;
	v24 =	vadd.f32 $2.048000000e+03, v24;
	v59 =	vtrunc.f32 v22;
	v62 =	vld.idx.msk [tilespmem:v36+s3+$0x0], $0xffff  }
0x1b1: {  	v27 =	vadd.f32 $2.048000000e+03, v27;
	v28 =	vadd.f32 $2.048000000e+03, v28;
	v40 =	vcvt.f32.s32 v59;
	v36 =	vld.idx.msk [tilespmem:v36+s18+$0x0], $0xffff  }
0x1b2: {  	v47 =	vadd.f32 $2.048000000e+03, v44;
	v48 =	vadd.f32 $2.048000000e+03, v45;
	v24 =	vmax.f32 v24, $0.0e+00;
	v55 =	vld.idx.msk [tilespmem:v21+s3+$0x0], $0xffff  }
0x1b3: {  	v27 =	vmax.f32 v27, $0.0e+00;
	v28 =	vmax.f32 v28, $0.0e+00;
	v2 =	vmul.f32 v2, v13;
	v63 =	vld.idx.msk [tilespmem:v38+s3+$0x0], $0xffff  }
0x1b4: {  	v24 =	vmin.f32 v24, $4.095000000e+03;
	v27 =	vmin.f32 v27, $4.095000000e+03;
	v50 =	vld.idx.msk [tilespmem:v38+s18+$0x0], $0xffff;
	v19 =	vmul.f32 v19, v39  }
0x1b5: {  	v28 =	vmin.f32 v28, $4.095000000e+03;
	v54 =	vtrunc.f32 v24;
	v42 =	vld.idx.msk [tilespmem:v37+s3+$0x0], $0xffff;
	v26 =	vmul.f32 v26, v61  }
0x1b6: {  	v2 =	vadd.f32 v2, v4;
	v51 =	vld.idx.msk [tilespmem:v37+s18+$0x0], $0xffff;
	v10 =	vadd.f32 v19, v60;
	v32 =	vmul.f32 v32, v41  }
0x1b7: {  	v0 =	vmul.f32 v0, v12;
	v20 =	vmul.f32 v20, v23;
	v46 =	vld.idx.msk [tilespmem:v40+s3+$0x0], $0xffff;
	v26 =	vadd.f32 v26, v34  }
0x1b8: {  	v44 =	vtrunc.f32 v27;
	v52 =	vld.idx.msk [tilespmem:v40+s18+$0x0], $0xffff;
	v33 =	vmul.f32 v33, v62;
	[tilespmem:s1+$0x0] =	vst v10;
	v15 =	vadd.f32 v32, v15  }
0x1b9: {  	v1 =	vmul.f32 v1, v11;
	v16 =	vadd.f32 v20, v16;
	v23 =	vmul.f32 v31, v63;
	v43 =	vld [tilespmem:s21+$0x80];
	[tilespmem:s1+$0x10] =	vst v26  }
0x1ba: {  	v60 =	vcvt.f32.s32 v54;
	v18 =	vmul.f32 v18, v42;
	v56 =	vadd.f32 v33, v36;
	[tilespmem:s1+$0x20] =	vst v15;
	v59 =	vld [tilespmem:s21+$0x90]  }
0x1bb: {  	v19 =	vmax.f32 v48, $0.0e+00;
	v34 =	vcvt.f32.s32 v44;
	v23 =	vadd.f32 v23, v50;
	v62 =	vld [tilespmem:s21+$0xA0]  }
0x1bc: {  	v21 =	vld.idx.msk [tilespmem:v21+s18+$0x0], $0xffff;
	v10 =	vmax.f32 v47, $0.0e+00;
	v22 =	vmul.f32 v22, v46;
	v18 =	vadd.f32 v18, v51;
	[tilespmem:s1+$0x30] =	vst v56  }
0x1bd: {  	v17 =	vmul.f32 v17, v55;
	v47 =	vtrunc.f32 v28;
	v38 =	vmin.f32 v10, $4.095000000e+03;
	[tilespmem:s1+$0x40] =	vst v23;
	v40 =	vld [tilespmem:s21+$0xB0]  }
0x1be: {  	v20 =	vcvt.f32.s32 v47;
	v22 =	vadd.f32 v22, v52;
	[tilespmem:s1+$0x50] =	vst v18;
	v53 =	vmul.f32 $1.000000000e+03, v43;
	v43 =	vld [tilespmem:s21+$0xC0]  }
0x1bf: {  	v10 =	vmin.f32 v19, $4.095000000e+03;
	v58 =	vtrunc.f32 v38;
	v45 =	vld [tilespmem:s21+$0xD0];
	v15 =	vmul.f32 $1.000000000e+03, v59  }
0x1c0: {  	v41 =	vtrunc.f32 v10;
	v48 =	vld.idx.msk [tilespmem:v60+s3+$0x0], $0xffff;
	[tilespmem:s1+$0x60] =	vst v22;
	v57 =	vadd.f32 $2.048000000e+03, v53;
	v26 =	vmul.f32 $1.000000000e+03, v62  }
0x1c1: {  	v63 =	vcvt.f32.s32 v58;
	v32 =	vcvt.f32.s32 v41;
	v46 =	vld [tilespmem:s21+$0xE0];
	v15 =	vadd.f32 $2.048000000e+03, v15  }
0x1c2: {  	v25 =	vld.idx.msk [tilespmem:v60+s18+$0x0], $0xffff;
	v23 =	vmul.f32 $1.000000000e+03, v40;
	v61 =	vmax.f32 v57, $0.0e+00;
	v26 =	vadd.f32 $2.048000000e+03, v26  }
0x1c3: {  	v54 =	vld.idx.msk [tilespmem:v34+s3+$0x0], $0xffff;
	v19 =	vmin.f32 v61, $4.095000000e+03;
	v15 =	vmax.f32 v15, $0.0e+00;
	v50 =	vmul.f32 $1.000000000e+03, v43  }
0x1c4: {  	v34 =	vld.idx.msk [tilespmem:v34+s18+$0x0], $0xffff;
	v22 =	vmul.f32 $1.000000000e+03, v45;
	v23 =	vadd.f32 $2.048000000e+03, v23;
	v42 =	vtrunc.f32 v19  }
0x1c5: {  	v55 =	vld.idx.msk [tilespmem:v20+s3+$0x0], $0xffff;
	v15 =	vmin.f32 v15, $4.095000000e+03;
	v26 =	vmax.f32 v26, $0.0e+00;
	v18 =	vcvt.f32.s32 v42  }
0x1c6: {  	v59 =	vld.idx.msk [tilespmem:v20+s18+$0x0], $0xffff;
	v52 =	vmul.f32 $1.000000000e+03, v46;
	v31 =	vadd.f32 $2.048000000e+03, v50;
	v56 =	vtrunc.f32 v15  }
0x1c7: {  	v49 =	vld.idx.msk [tilespmem:v63+s3+$0x0], $0xffff;
	v23 =	vmax.f32 v23, $0.0e+00;
	v26 =	vmin.f32 v26, $4.095000000e+03;
	v41 =	vcvt.f32.s32 v56  }
0x1c8: {  	v53 =	vld.idx.msk [tilespmem:v32+s3+$0x0], $0xffff;
	v22 =	vadd.f32 $2.048000000e+03, v22;
	v23 =	vmin.f32 v23, $4.095000000e+03;
	v57 =	vtrunc.f32 v26  }
0x1c9: {  	v30 =	vld.idx.msk [tilespmem:v63+s18+$0x0], $0xffff;
	v35 =	vadd.f32 $2.048000000e+03, v52;
	v31 =	vmax.f32 v31, $0.0e+00;
	v42 =	vcvt.f32.s32 v57  }
0x1ca: {  	v32 =	vld.idx.msk [tilespmem:v32+s18+$0x0], $0xffff;
	v58 =	vtrunc.f32 v23;
	v22 =	vmax.f32 v22, $0.0e+00;
	v31 =	vmin.f32 v31, $4.095000000e+03  }
0x1cb: {  	[tilespmem:s10+$0xA0] =	vst v7;
	v43 =	vcvt.f32.s32 v58;
	v22 =	vmin.f32 v22, $4.095000000e+03;
	v44 =	vtrunc.f32 v31;
	v51 =	vld.idx.msk [tilespmem:v18+s3+$0x0], $0xffff  }
0x1cc: {  	[tilespmem:s10+$0xB0] =	vst v5;
	v3 =	vadd.f32 v3, v14;
	v45 =	vtrunc.f32 v22;
	v44 =	vcvt.f32.s32 v44;
	v18 =	vld.idx.msk [tilespmem:v18+s18+$0x0], $0xffff  }
0x1cd: {  	[tilespmem:s10+$0xC0] =	vst v2;
	v35 =	vmax.f32 v35, $0.0e+00;
	v61 =	vcvt.f32.s32 v45;
	v62 =	vld.idx.msk [tilespmem:v41+s3+$0x0], $0xffff  }
0x1ce: {  	v0 =	vadd.f32 v0, v8;
	[tilespmem:s17+$0x80] =	vst v3;
	v1 =	vadd.f32 v1, v9;
	v35 =	vmin.f32 v35, $4.095000000e+03;
	v37 =	vld.idx.msk [tilespmem:v41+s18+$0x0], $0xffff  }
0x1cf: {  	[tilespmem:s22+$0xF0] =	vst v16;
	v16 =	vadd.f32 v17, v21;
	v24 =	vmul.f32 v24, v48;
	v60 =	vtrunc.f32 v35;
	v17 =	vld.idx.msk [tilespmem:v42+s3+$0x0], $0xffff  }
0x1d0: {  	[tilespmem:s10+$0xE0] =	vst v0;
	v63 =	vcvt.f32.s32 v60;
	v52 =	vld.idx.msk [tilespmem:v42+s18+$0x0], $0xffff  }
0x1d1: {  	[tilespmem:s10+$0xD0] =	vst v1;
	v55 =	vmul.f32 v28, v55;
	v46 =	vadd.f32 v24, v25;
	v21 =	vld.idx.msk [tilespmem:v43+s3+$0x0], $0xffff  }
0x1d2: {  	[tilespmem:s17+$0x90] =	vst v16;
	v41 =	vmul.f32 v38, v49;
	v45 =	vld.idx.msk [tilespmem:v44+s3+$0x0], $0xffff  }
0x1d3: {  	v6 =	vadd.f32 v55, v59;
	[tilespmem:s17+$0xA0] =	vst v46;
	v47 =	vmul.f32 v19, v51;
	v48 =	vld.idx.msk [tilespmem:v61+s3+$0x0], $0xffff  }
0x1d4: {  	v49 =	vadd.f32 v41, v30;
	v51 =	vmul.f32 v10, v53;
	v53 =	vmul.f32 v27, v54;
	v54 =	vld.idx.msk [tilespmem:v43+s18+$0x0], $0xffff  }
0x1d5: {  	[tilespmem:s17+$0xE0] =	vst v6;
	v56 =	vld.idx.msk [tilespmem:v44+s18+$0x0], $0xffff;
	v4 =	vadd.f32 v47, v18  }
0x1d6: {  	[tilespmem:s17+$0xB0] =	vst v49;
	v7 =	vmul.f32 v15, v62;
	v50 =	vld.idx.msk [tilespmem:v63+s3+$0x0], $0xffff;
	v1 =	vadd.f32 v51, v32  }
0x1d7: {  	v57 =	vld.idx.msk [tilespmem:v61+s18+$0x0], $0xffff;
	v11 =	vmul.f32 v26, v17;
	v0 =	vadd.f32 v53, v34;
	[tilespmem:s1+$0x80] =	vst v4  }
0x1d8: {  	v58 =	vld.idx.msk [tilespmem:v63+s18+$0x0], $0xffff;
	v5 =	vadd.f32 v7, v37;
	v3 =	vmul.f32 v23, v21;
	[tilespmem:s17+$0xC0] =	vst v1  }
0x1d9: {  	[tilespmem:s17+$0xD0] =	vst v0;
	v59 =	vadd.f32 v11, v52;
	v2 =	vmul.f32 v31, v45  }
0x1da: {  	[tilespmem:s1+$0x90] =	vst v5;
	v3 =	vadd.f32 v3, v54;
	v60 =	vmul.f32 v22, v48  }
0x1db: {  	p1 =	sne.s32 s12, $0x1F;
	[tilespmem:s1+$0xA0] =	vst v59;
	v61 =	vadd.f32 v2, v56;
	v62 =	vmul.f32 v35, v50  }
.Ltmp3:
0x1dc: {  	[tilespmem:s1+$0xB0] =	vst v3;
	v63 =	vadd.f32 v60, v57;
	(pc) =	sbr.rel @p1 .LBB2_6-.Ltmp3, $4  }
0x1dd: {  	v1 =	vadd.f32 v62, v58;
	[tilespmem:s1+$0xC0] =	vst v61  }
0x1de: {  	s10 =	sshrl.u32 s23, $0x3;
	[tilespmem:s1+$0xD0] =	vst v63  }
0x1df: {  	s26 =	simm.s32 $0xA000;
	s24 =	sadd.s32 s2, s10;
	[tilespmem:s1+$0xE0] =	vst v1  }
0x1e0: {  	[hbm4b:s24+s19] =	stream.strided.scatter [tilespmem:s26], [sflag:$0x5], $0x2000, s20, s19, $0x38;
	[tilespmem:$0x12000] =	vst v63  }
.Ltmp4:
0x1e1: {  	(pc) =	sbr.rel .LBB2_7-.Ltmp4, $4  }
0x1e2: {  	_ = 	snop  }
0x1e3: {  	_ =	swait.ge [sflag:s28], $0x2000  }
0x1e4: {  	[sflag:s28] =	ssyncset.done $0x0  }
0x1e5: {  	[sflag:s28] =	ssyncadd.s32 $0xFFFFE000  }
.LBB2_6:
0x1e6: {  	s1 =	sadd.s32 s16, s13  }
0x1e7: {  	s1 =	sshrl.u32 s1, $0x3  }
.Ltmp5:
0x1e8: {  	s11 =	simm.s32 $0x2000;
	s1 =	sadd.s32 s30, s1;
	(pc) =	sbr.rel @p0 .LBB2_8-.Ltmp5, $4  }
0x1e9: {  	[tilespmem:s11], [sflag:$0x1] =	stream.strided.gather [hbm4b:s1+s19], $0x2000, s20, s19, $0x38;
	[tilespmem:$0x12000] =	vst v63  }
0x1ea: {  	_ =	swait.ge [sflag:s28], $0x2000  }
0x1eb: {  	[sflag:s28] =	ssyncset.done $0x0  }
0x1ec: {  	[sflag:s28] =	ssyncadd.s32 $0xFFFFE000  }
.LBB2_7:
0x1ed: {  	_ =	swait.ge [sflag:s29], $0x2000  }
0x1ee: {  	[sflag:s29] =	ssyncset.done $0x0  }
0x1ef: {  	[sflag:s29] =	ssyncadd.s32 $0xFFFFE000  }
.LBB2_8:
0x1f0: {  	s1 =	simm.s32 $0x41F0  }
0x1f1: {  	v0 =	vld [tilespmem:s1+$0xFFFFFE80];
	_ =	sdelay $0x4  }
0x1f2: {  	v0 =	vmul.f32 $1.000000000e+03, v0;
	_ =	sdelay $0x1  }
0x1f3: {  	v0 =	vadd.f32 $2.048000000e+03, v0;
	_ =	sdelay $0x1  }
0x1f4: {  	v1 =	vld [tilespmem:s1+$0xFFFFFE20];
	v0 =	vmax.f32 v0, $0.0e+00  }
0x1f5: {  	v2 =	vld [tilespmem:s1+$0xFFFFFE30];
	v0 =	vmin.f32 v0, $4.095000000e+03  }
0x1f6: {  	v6 =	vld [tilespmem:s1+$0xFFFFFE60];
	v4 =	vtrunc.f32 v0  }
0x1f7: {  	v7 =	vld [tilespmem:s1+$0xFFFFFE10];
	v4 =	vcvt.f32.s32 v4  }
0x1f8: {  	v8 =	vld [tilespmem:s1+$0xFFFFFE70]  }
0x1f9: {  	v3 =	vld [tilespmem:s1+$0xFFFFFE40]  }
0x1fa: {  	v5 =	vld [tilespmem:s1+$0xFFFFFE50]  }
0x1fb: {  	v1 =	vmul.f32 $1.000000000e+03, v1  }
0x1fc: {  	v2 =	vmul.f32 $1.000000000e+03, v2;
	v7 =	vmul.f32 $1.000000000e+03, v7  }
0x1fd: {  	v6 =	vmul.f32 $1.000000000e+03, v6;
	v8 =	vmul.f32 $1.000000000e+03, v8;
	v9 =	vld.idx.msk [tilespmem:v4+s3+$0x0], $0xffff  }
0x1fe: {  	v3 =	vmul.f32 $1.000000000e+03, v3;
	v2 =	vadd.f32 $2.048000000e+03, v2;
	v7 =	vadd.f32 $2.048000000e+03, v7  }
0x1ff: {  	v5 =	vmul.f32 $1.000000000e+03, v5;
	v6 =	vadd.f32 $2.048000000e+03, v6;
	v8 =	vadd.f32 $2.048000000e+03, v8;
	v4 =	vld.idx.msk [tilespmem:v4+s18+$0x0], $0xffff  }
0x200: {  	v1 =	vadd.f32 $2.048000000e+03, v1;
	v2 =	vmax.f32 v2, $0.0e+00;
	v7 =	vmax.f32 v7, $0.0e+00  }
0x201: {  	v6 =	vmax.f32 v6, $0.0e+00;
	v8 =	vmax.f32 v8, $0.0e+00;
	v2 =	vmin.f32 v2, $4.095000000e+03  }
0x202: {  	v6 =	vmin.f32 v6, $4.095000000e+03;
	v10 =	vtrunc.f32 v2;
	v0 =	vmul.f32 v0, v9  }
0x203: {  	v8 =	vmin.f32 v8, $4.095000000e+03;
	v13 =	vtrunc.f32 v6;
	v10 =	vcvt.f32.s32 v10  }
0x204: {  	v14 =	vtrunc.f32 v8;
	v13 =	vcvt.f32.s32 v13;
	v0 =	vadd.f32 v0, v4  }
0x205: {  	s17 =	simm.s32 $0xC1F0;
	v1 =	vmax.f32 v1, $0.0e+00;
	v7 =	vmin.f32 v7, $4.095000000e+03;
	v14 =	vcvt.f32.s32 v14  }
0x206: {  	v3 =	vadd.f32 $2.048000000e+03, v3;
	v1 =	vmin.f32 v1, $4.095000000e+03;
	v9 =	vtrunc.f32 v7;
	[tilespmem:s17+$0xFFFFFE80] =	vst v0  }
0x207: {  	v5 =	vadd.f32 $2.048000000e+03, v5;
	v9 =	vcvt.f32.s32 v9;
	v4 =	vtrunc.f32 v1;
	v11 =	vld [tilespmem:s1+$0xFFFFFF00]  }
0x208: {  	v3 =	vmax.f32 v3, $0.0e+00;
	v4 =	vcvt.f32.s32 v4  }
0x209: {  	v5 =	vmax.f32 v5, $0.0e+00;
	v3 =	vmin.f32 v3, $4.095000000e+03;
	v17 =	vld.idx.msk [tilespmem:v10+s3+$0x0], $0xffff  }
0x20a: {  	v20 =	vld.idx.msk [tilespmem:v13+s3+$0x0], $0xffff;
	v0 =	vmin.f32 v5, $4.095000000e+03;
	v5 =	vtrunc.f32 v3  }
0x20b: {  	v21 =	vld.idx.msk [tilespmem:v14+s3+$0x0], $0xffff;
	v5 =	vcvt.f32.s32 v5  }
0x20c: {  	v10 =	vld.idx.msk [tilespmem:v10+s18+$0x0], $0xffff;
	v12 =	vtrunc.f32 v0;
	v11 =	vmul.f32 $1.000000000e+03, v11  }
0x20d: {  	v12 =	vcvt.f32.s32 v12;
	v15 =	vld.idx.msk [tilespmem:v9+s3+$0x0], $0xffff  }
0x20e: {  	v16 =	vld.idx.msk [tilespmem:v4+s3+$0x0], $0xffff;
	v11 =	vadd.f32 $2.048000000e+03, v11  }
0x20f: {  	v9 =	vld.idx.msk [tilespmem:v9+s18+$0x0], $0xffff  }
0x210: {  	v4 =	vld.idx.msk [tilespmem:v4+s18+$0x0], $0xffff;
	v11 =	vmax.f32 v11, $0.0e+00  }
0x211: {  	v18 =	vld.idx.msk [tilespmem:v5+s3+$0x0], $0xffff;
	v11 =	vmin.f32 v11, $4.095000000e+03  }
0x212: {  	v5 =	vld.idx.msk [tilespmem:v5+s18+$0x0], $0xffff;
	v7 =	vmul.f32 v7, v15;
	v22 =	vtrunc.f32 v11  }
0x213: {  	v19 =	vld.idx.msk [tilespmem:v12+s3+$0x0], $0xffff;
	v1 =	vmul.f32 v1, v16;
	v22 =	vcvt.f32.s32 v22  }
0x214: {  	v13 =	vld.idx.msk [tilespmem:v13+s18+$0x0], $0xffff;
	v7 =	vadd.f32 v7, v9  }
0x215: {  	v2 =	vmul.f32 v2, v17;
	v12 =	vld.idx.msk [tilespmem:v12+s18+$0x0], $0xffff;
	v1 =	vadd.f32 v1, v4  }
0x216: {  	v9 =	vld.idx.msk [tilespmem:v14+s18+$0x0], $0xffff;
	[tilespmem:s17+$0xFFFFFE10] =	vst v7;
	v3 =	vmul.f32 v3, v18  }
0x217: {  	v2 =	vadd.f32 v2, v10;
	v7 =	vld [tilespmem:s1+$0xFFFFFE90];
	[tilespmem:s17+$0xFFFFFE20] =	vst v1  }
0x218: {  	v0 =	vmul.f32 v0, v19;
	v3 =	vadd.f32 v3, v5;
	v5 =	vld [tilespmem:s1+$0xFFFFFEA0]  }
0x219: {  	v6 =	vmul.f32 v6, v20;
	[tilespmem:s17+$0xFFFFFE30] =	vst v2;
	v4 =	vld.idx.msk [tilespmem:v22+s3+$0x0], $0xffff  }
0x21a: {  	v2 =	vmul.f32 v8, v21;
	v8 =	vld [tilespmem:s1+$0xFFFFFEB0];
	v0 =	vadd.f32 v0, v12  }
0x21b: {  	[tilespmem:s17+$0xFFFFFE40] =	vst v3;
	v3 =	vadd.f32 v6, v13;
	v1 =	vld.idx.msk [tilespmem:v22+s18+$0x0], $0xffff  }
0x21c: {  	[tilespmem:s17+$0xFFFFFE50] =	vst v0;
	v0 =	vadd.f32 v2, v9;
	v2 =	vld [tilespmem:s1+$0xFFFFFEC0]  }
0x21d: {  	[tilespmem:s17+$0xFFFFFE60] =	vst v3;
	v3 =	vmul.f32 $1.000000000e+03, v7;
	v6 =	vld [tilespmem:s1+$0xFFFFFED0]  }
0x21e: {  	[tilespmem:s17+$0xFFFFFE70] =	vst v0;
	v0 =	vmul.f32 $1.000000000e+03, v5;
	v4 =	vmul.f32 v11, v4  }
0x21f: {  	v3 =	vadd.f32 $2.048000000e+03, v3;
	v5 =	vmul.f32 $1.000000000e+03, v8  }
0x220: {  	v7 =	vld [tilespmem:s1+$0xFFFFFEF0];
	v0 =	vadd.f32 $2.048000000e+03, v0;
	v1 =	vadd.f32 v4, v1  }
0x221: {  	v3 =	vmax.f32 v3, $0.0e+00;
	v5 =	vadd.f32 $2.048000000e+03, v5;
	v2 =	vmul.f32 $1.000000000e+03, v2  }
0x222: {  	v3 =	vmin.f32 v3, $4.095000000e+03;
	v6 =	vmul.f32 $1.000000000e+03, v6;
	v0 =	vmax.f32 v0, $0.0e+00;
	[tilespmem:s17+$0xFFFFFF00] =	vst v1  }
0x223: {  	v5 =	vmax.f32 v5, $0.0e+00;
	v2 =	vadd.f32 $2.048000000e+03, v2;
	v8 =	vtrunc.f32 v3;
	v1 =	vld [tilespmem:s1+$0xFFFFFF80]  }
0x224: {  	v0 =	vmin.f32 v0, $4.095000000e+03;
	v6 =	vadd.f32 $2.048000000e+03, v6;
	v8 =	vcvt.f32.s32 v8  }
0x225: {  	v7 =	vmul.f32 $1.000000000e+03, v7;
	v5 =	vmin.f32 v5, $4.095000000e+03;
	v9 =	vtrunc.f32 v0  }
0x226: {  	v2 =	vmax.f32 v2, $0.0e+00;
	v10 =	vtrunc.f32 v5;
	v9 =	vcvt.f32.s32 v9  }
0x227: {  	v2 =	vmin.f32 v2, $4.095000000e+03;
	v6 =	vmax.f32 v6, $0.0e+00;
	v10 =	vcvt.f32.s32 v10  }
0x228: {  	v7 =	vadd.f32 $2.048000000e+03, v7;
	v11 =	vtrunc.f32 v2;
	v1 =	vmul.f32 $1.000000000e+03, v1  }
0x229: {  	v4 =	vld [tilespmem:s1+$0xFFFFFEE0];
	v6 =	vmin.f32 v6, $4.095000000e+03;
	v11 =	vcvt.f32.s32 v11  }
0x22a: {  	v13 =	vtrunc.f32 v6;
	v7 =	vmax.f32 v7, $0.0e+00;
	v15 =	vld.idx.msk [tilespmem:v8+s3+$0x0], $0xffff;
	v1 =	vadd.f32 $2.048000000e+03, v1  }
0x22b: {  	v13 =	vcvt.f32.s32 v13;
	v7 =	vmin.f32 v7, $4.095000000e+03;
	v8 =	vld.idx.msk [tilespmem:v8+s18+$0x0], $0xffff  }
0x22c: {  	v16 =	vtrunc.f32 v7;
	v17 =	vld.idx.msk [tilespmem:v9+s3+$0x0], $0xffff;
	v1 =	vmax.f32 v1, $0.0e+00  }
0x22d: {  	v16 =	vcvt.f32.s32 v16;
	v18 =	vld.idx.msk [tilespmem:v10+s3+$0x0], $0xffff;
	v1 =	vmin.f32 v1, $4.095000000e+03  }
0x22e: {  	v4 =	vmul.f32 $1.000000000e+03, v4;
	v9 =	vld.idx.msk [tilespmem:v9+s18+$0x0], $0xffff;
	v12 =	vtrunc.f32 v1  }
0x22f: {  	v10 =	vld.idx.msk [tilespmem:v10+s18+$0x0], $0xffff;
	v12 =	vcvt.f32.s32 v12  }
0x230: {  	v4 =	vadd.f32 $2.048000000e+03, v4;
	v19 =	vld.idx.msk [tilespmem:v11+s3+$0x0], $0xffff  }
0x231: {  	s21 =	simm.s32 $0x43F0;
	v21 =	vld.idx.msk [tilespmem:v13+s3+$0x0], $0xffff  }
0x232: {  	v4 =	vmax.f32 v4, $0.0e+00;
	v3 =	vmul.f32 v3, v15;
	v15 =	vld [tilespmem:s21+$0xFFFFFE20]  }
0x233: {  	v4 =	vmin.f32 v4, $4.095000000e+03;
	v23 =	vld.idx.msk [tilespmem:v16+s3+$0x0], $0xffff  }
0x234: {  	v14 =	vtrunc.f32 v4;
	v16 =	vld.idx.msk [tilespmem:v16+s18+$0x0], $0xffff  }
0x235: {  	v14 =	vcvt.f32.s32 v14;
	v20 =	vld.idx.msk [tilespmem:v12+s3+$0x0], $0xffff  }
0x236: {  	v0 =	vmul.f32 v0, v17;
	v3 =	vadd.f32 v3, v8;
	v8 =	vld [tilespmem:s21+$0xFFFFFE60]  }
0x237: {  	v2 =	vmul.f32 v2, v19;
	v19 =	vld [tilespmem:s21+$0xFFFFFE50]  }
0x238: {  	v0 =	vadd.f32 v0, v9;
	v9 =	vld [tilespmem:s21+$0xFFFFFE10]  }
0x239: {  	v12 =	vld.idx.msk [tilespmem:v12+s18+$0x0], $0xffff  }
0x23a: {  	v1 =	vmul.f32 v1, v20;
	v20 =	vld [tilespmem:s21+$0xFFFFFE80]  }
0x23b: {  	v5 =	vmul.f32 v5, v18;
	v22 =	vld.idx.msk [tilespmem:v14+s3+$0x0], $0xffff  }
0x23c: {  	v17 =	vld [tilespmem:s21+$0xFFFFFE30];
	v8 =	vmul.f32 $1.000000000e+03, v8  }
0x23d: {  	v5 =	vadd.f32 v5, v10;
	v6 =	vmul.f32 v6, v21;
	v7 =	vmul.f32 v7, v23;
	v14 =	vld.idx.msk [tilespmem:v14+s18+$0x0], $0xffff  }
0x23e: {  	[tilespmem:s17+$0xFFFFFE90] =	vst v3;
	v9 =	vmul.f32 $1.000000000e+03, v9;
	v3 =	vadd.f32 $2.048000000e+03, v8;
	v1 =	vadd.f32 v1, v12;
	v12 =	vld.idx.msk [tilespmem:v13+s18+$0x0], $0xffff  }
0x23f: {  	v18 =	vld [tilespmem:s21+$0xFFFFFE40];
	v7 =	vadd.f32 v7, v16;
	v16 =	vmul.f32 $1.000000000e+03, v19;
	v13 =	vmul.f32 $1.000000000e+03, v20  }
0x240: {  	v9 =	vadd.f32 $2.048000000e+03, v9;
	v3 =	vmax.f32 v3, $0.0e+00;
	v4 =	vmul.f32 v4, v22  }
0x241: {  	v16 =	vadd.f32 $2.048000000e+03, v16;
	v22 =	vmin.f32 v3, $4.095000000e+03;
	v13 =	vadd.f32 $2.048000000e+03, v13  }
0x242: {  	v9 =	vmax.f32 v9, $0.0e+00;
	v23 =	vtrunc.f32 v22;
	v4 =	vadd.f32 v4, v14;
	[tilespmem:s17+$0xFFFFFF80] =	vst v1  }
0x243: {  	v14 =	vmul.f32 $1.000000000e+03, v17;
	v1 =	vld [tilespmem:s1+$0x0];
	v6 =	vadd.f32 v6, v12;
	v13 =	vmax.f32 v13, $0.0e+00  }
0x244: {  	v12 =	vmul.f32 $1.000000000e+03, v15;
	v15 =	vmul.f32 $1.000000000e+03, v18;
	v13 =	vmin.f32 v13, $4.095000000e+03  }
0x245: {  	v23 =	vcvt.f32.s32 v23;
	v14 =	vadd.f32 $2.048000000e+03, v14;
	v20 =	vtrunc.f32 v13  }
0x246: {  	[tilespmem:s17+$0xFFFFFEA0] =	vst v0;
	v12 =	vadd.f32 $2.048000000e+03, v12;
	v15 =	vadd.f32 $2.048000000e+03, v15;
	v20 =	vcvt.f32.s32 v20  }
0x247: {  	[tilespmem:s17+$0xFFFFFEB0] =	vst v5;
	v5 =	vmax.f32 v16, $0.0e+00;
	v9 =	vmin.f32 v9, $4.095000000e+03;
	v0 =	vmax.f32 v14, $0.0e+00  }
0x248: {  	v11 =	vld.idx.msk [tilespmem:v11+s18+$0x0], $0xffff;
	v1 =	vmul.f32 $1.000000000e+03, v1;
	v8 =	vmax.f32 v12, $0.0e+00;
	v14 =	vmax.f32 v15, $0.0e+00  }
0x249: {  	v10 =	vld [tilespmem:s21+$0xFFFFFE70];
	[tilespmem:s17+$0xFFFFFED0] =	vst v6;
	v6 =	vmin.f32 v8, $4.095000000e+03;
	v8 =	vmin.f32 v0, $4.095000000e+03;
	v0 =	vtrunc.f32 v9  }
0x24a: {  	v16 =	vld [tilespmem:s1+$0xFFFFFF30];
	v1 =	vadd.f32 $2.048000000e+03, v1;
	v14 =	vmin.f32 v14, $4.095000000e+03;
	v19 =	vcvt.f32.s32 v0  }
0x24b: {  	v21 =	vmin.f32 v5, $4.095000000e+03;
	v30 =	vld.idx.msk [tilespmem:v23+s3+$0x0], $0xffff;
	v5 =	vtrunc.f32 v14  }
0x24c: {  	v1 =	vmax.f32 v1, $0.0e+00;
	v3 =	vcvt.f32.s32 v5;
	v17 =	vld.idx.msk [tilespmem:v20+s3+$0x0], $0xffff  }
0x24d: {  	v18 =	vld [tilespmem:s1+$0xFFFFFF10];
	v1 =	vmin.f32 v1, $4.095000000e+03  }
0x24e: {  	v2 =	vadd.f32 v2, v11;
	v11 =	vtrunc.f32 v1;
	v12 =	vld.idx.msk [tilespmem:v20+s18+$0x0], $0xffff  }
0x24f: {  	v15 =	vld [tilespmem:s1+$0xFFFFFF20];
	v11 =	vcvt.f32.s32 v11  }
0x250: {  	v25 =	vld.idx.msk [tilespmem:v19+s3+$0x0], $0xffff  }
0x251: {  	[tilespmem:s17+$0xFFFFFEC0] =	vst v2;
	v10 =	vmul.f32 $1.000000000e+03, v10;
	v19 =	vld.idx.msk [tilespmem:v19+s18+$0x0], $0xffff;
	v2 =	vmul.f32 v13, v17  }
0x252: {  	v28 =	vld.idx.msk [tilespmem:v3+s3+$0x0], $0xffff  }
0x253: {  	v10 =	vadd.f32 $2.048000000e+03, v10;
	[tilespmem:s17+$0xFFFFFEF0] =	vst v7;
	v36 =	vld.idx.msk [tilespmem:v3+s18+$0x0], $0xffff;
	v0 =	vadd.f32 v2, v12;
	v2 =	vtrunc.f32 v8  }
0x254: {  	s11 =	simm.s32 $0xC3F0;
	[tilespmem:s17+$0xFFFFFEE0] =	vst v4;
	v13 =	vld [tilespmem:s1+$0xFFFFFF40];
	v7 =	vcvt.f32.s32 v2  }
0x255: {  	v10 =	vmax.f32 v10, $0.0e+00;
	v18 =	vmul.f32 $1.000000000e+03, v18;
	v4 =	vtrunc.f32 v6;
	v2 =	vld.idx.msk [tilespmem:v11+s3+$0x0], $0xffff;
	[tilespmem:s11+$0xFFFFFE80] =	vst v0  }
0x256: {  	v10 =	vmin.f32 v10, $4.095000000e+03;
	v4 =	vcvt.f32.s32 v4;
	v0 =	vtrunc.f32 v21;
	v5 =	vld [tilespmem:s21+$0xFFFFFF00]  }
0x257: {  	v24 =	vcvt.f32.s32 v0;
	v0 =	vld.idx.msk [tilespmem:v11+s18+$0x0], $0xffff;
	v11 =	vtrunc.f32 v10  }
0x258: {  	v16 =	vmul.f32 $1.000000000e+03, v16;
	v18 =	vadd.f32 $2.048000000e+03, v18;
	v17 =	vld [tilespmem:s1+$0xFFFFFF50];
	v11 =	vcvt.f32.s32 v11  }
0x259: {  	v12 =	vld [tilespmem:s1+$0xFFFFFF60]  }
0x25a: {  	v16 =	vadd.f32 $2.048000000e+03, v16;
	v15 =	vmul.f32 $1.000000000e+03, v15;
	v18 =	vmax.f32 v18, $0.0e+00;
	v27 =	vld.idx.msk [tilespmem:v7+s3+$0x0], $0xffff  }
0x25b: {  	v18 =	vmin.f32 v18, $4.095000000e+03;
	v20 =	vld [tilespmem:s1+$0xFFFFFF70];
	v9 =	vmul.f32 v9, v25;
	v5 =	vmul.f32 $1.000000000e+03, v5  }
0x25c: {  	v15 =	vadd.f32 $2.048000000e+03, v15;
	v32 =	vtrunc.f32 v18;
	v14 =	vmul.f32 v14, v28;
	v34 =	vld.idx.msk [tilespmem:v7+s18+$0x0], $0xffff  }
0x25d: {  	v26 =	vld.idx.msk [tilespmem:v4+s3+$0x0], $0xffff;
	v9 =	vadd.f32 v9, v19;
	v17 =	vmul.f32 $1.000000000e+03, v17;
	v5 =	vadd.f32 $2.048000000e+03, v5  }
0x25e: {  	v14 =	vadd.f32 v14, v36;
	v13 =	vmul.f32 $1.000000000e+03, v13;
	v12 =	vmul.f32 $1.000000000e+03, v12;
	v31 =	vld.idx.msk [tilespmem:v11+s3+$0x0], $0xffff  }
0x25f: {  	v17 =	vadd.f32 $2.048000000e+03, v17;
	v29 =	vld.idx.msk [tilespmem:v24+s3+$0x0], $0xffff;
	v5 =	vmax.f32 v5, $0.0e+00;
	v8 =	vmul.f32 v8, v27  }
0x260: {  	v12 =	vadd.f32 $2.048000000e+03, v12;
	v11 =	vld.idx.msk [tilespmem:v11+s18+$0x0], $0xffff;
	v33 =	vmin.f32 v5, $4.095000000e+03;
	v5 =	vadd.f32 $2.048000000e+03, v13  }
0x261: {  	v43 =	vld.idx.msk [tilespmem:v4+s18+$0x0], $0xffff;
	v13 =	vcvt.f32.s32 v32;
	v4 =	vtrunc.f32 v33;
	v8 =	vadd.f32 v8, v34  }
0x262: {  	v24 =	vld.idx.msk [tilespmem:v24+s18+$0x0], $0xffff;
	v35 =	vcvt.f32.s32 v4;
	v4 =	vmax.f32 v15, $0.0e+00;
	v15 =	vmax.f32 v16, $0.0e+00  }
0x263: {  	v16 =	vmax.f32 v5, $0.0e+00;
	v10 =	vmul.f32 v10, v31;
	v5 =	vmin.f32 v15, $4.095000000e+03;
	v15 =	vld.idx.msk [tilespmem:v23+s18+$0x0], $0xffff;
	[tilespmem:s11+$0xFFFFFE30] =	vst v8  }
0x264: {  	[tilespmem:s11+$0xFFFFFE40] =	vst v14;
	v17 =	vmax.f32 v17, $0.0e+00;
	v23 =	vmul.f32 v6, v26;
	v47 =	vld [tilespmem:s21+$0xFFFFFEB0]  }
0x265: {  	[tilespmem:s11+$0xFFFFFE10] =	vst v9;
	v12 =	vmax.f32 v12, $0.0e+00;
	v21 =	vmul.f32 v21, v29;
	v10 =	vadd.f32 v10, v11;
	v11 =	vld [tilespmem:s21+$0xFFFFFEC0]  }
0x266: {  	v7 =	vmin.f32 v4, $4.095000000e+03;
	v3 =	vmin.f32 v16, $4.095000000e+03;
	v19 =	vadd.f32 v23, v43;
	v23 =	vld [tilespmem:s21+$0xFFFFFE90]  }
0x267: {  	v4 =	vmin.f32 v17, $4.095000000e+03;
	v21 =	vadd.f32 v21, v24;
	v16 =	vtrunc.f32 v7;
	v17 =	vld.idx.msk [tilespmem:v13+s3+$0x0], $0xffff  }
0x268: {  	v6 =	vmin.f32 v12, $4.095000000e+03;
	v45 =	vtrunc.f32 v4;
	v16 =	vcvt.f32.s32 v16;
	[tilespmem:s11+$0xFFFFFE70] =	vst v10;
	v13 =	vld.idx.msk [tilespmem:v13+s18+$0x0], $0xffff  }
0x269: {  	v8 =	vtrunc.f32 v6;
	[tilespmem:s11+$0xFFFFFE50] =	vst v21;
	v21 =	vcvt.f32.s32 v45;
	v49 =	vld [tilespmem:s21+$0xFFFFFEF0]  }
0x26a: {  	v8 =	vcvt.f32.s32 v8;
	v9 =	vld.idx.msk [tilespmem:v35+s3+$0x0], $0xffff  }
0x26b: {  	v22 =	vmul.f32 v22, v30;
	[tilespmem:s11+$0xFFFFFE20] =	vst v19;
	v19 =	vld.idx.msk [tilespmem:v35+s18+$0x0], $0xffff  }
0x26c: {  	v12 =	vmul.f32 $1.000000000e+03, v20;
	v46 =	vld [tilespmem:s21+$0xFFFFFEA0]  }
0x26d: {  	v44 =	vtrunc.f32 v3;
	v14 =	vadd.f32 v22, v15;
	v22 =	vld [tilespmem:s21+$0xFFFFFED0]  }
0x26e: {  	v1 =	vmul.f32 v1, v2;
	v12 =	vadd.f32 $2.048000000e+03, v12;
	v15 =	vcvt.f32.s32 v44;
	v48 =	vld.idx.msk [tilespmem:v16+s3+$0x0], $0xffff  }
0x26f: {  	v20 =	vtrunc.f32 v5;
	v24 =	vmul.f32 $1.000000000e+03, v47;
	v51 =	vld.idx.msk [tilespmem:v21+s3+$0x0], $0xffff  }
0x270: {  	v20 =	vcvt.f32.s32 v20;
	v12 =	vmax.f32 v12, $0.0e+00;
	v11 =	vmul.f32 $1.000000000e+03, v11;
	v52 =	vld.idx.msk [tilespmem:v8+s3+$0x0], $0xffff  }
0x271: {  	v12 =	vmin.f32 v12, $4.095000000e+03;
	v24 =	vadd.f32 $2.048000000e+03, v24;
	v16 =	vld.idx.msk [tilespmem:v16+s18+$0x0], $0xffff;
	v9 =	vmul.f32 v33, v9  }
0x272: {  	[tilespmem:s11+$0xFFFFFE60] =	vst v14;
	v14 =	vmul.f32 $1.000000000e+03, v23;
	v23 =	vtrunc.f32 v12;
	v11 =	vadd.f32 $2.048000000e+03, v11;
	v21 =	vld.idx.msk [tilespmem:v21+s18+$0x0], $0xffff  }
0x273: {  	v17 =	vmul.f32 v18, v17;
	v8 =	vld.idx.msk [tilespmem:v8+s18+$0x0], $0xffff;
	v24 =	vmax.f32 v24, $0.0e+00;
	v9 =	vadd.f32 v9, v19  }
0x274: {  	v25 =	vmul.f32 $1.000000000e+03, v49;
	v11 =	vmax.f32 v11, $0.0e+00;
	v50 =	vld.idx.msk [tilespmem:v15+s3+$0x0], $0xffff;
	v24 =	vmin.f32 v24, $4.095000000e+03  }
0x275: {  	v13 =	vadd.f32 v17, v13;
	v11 =	vmin.f32 v11, $4.095000000e+03;
	v15 =	vld.idx.msk [tilespmem:v15+s18+$0x0], $0xffff;
	v56 =	vtrunc.f32 v24;
	[tilespmem:s11+$0xFFFFFF00] =	vst v9  }
0x276: {  	v14 =	vadd.f32 $2.048000000e+03, v14;
	v57 =	vtrunc.f32 v11;
	v17 =	vcvt.f32.s32 v56;
	v18 =	vld [tilespmem:s21+$0xFFFFFF80]  }
0x277: {  	v19 =	vld [tilespmem:s21+$0xFFFFFEE0];
	[tilespmem:s17+$0xFFFFFF10] =	vst v13;
	v58 =	vcvt.f32.s32 v57;
	v7 =	vmul.f32 v7, v48  }
0x278: {  	v10 =	vmul.f32 $1.000000000e+03, v46;
	v22 =	vmul.f32 $1.000000000e+03, v22;
	v14 =	vmax.f32 v14, $0.0e+00;
	v62 =	vld [tilespmem:s1+$0xFFFFFF90]  }
0x279: {  	v25 =	vadd.f32 $2.048000000e+03, v25;
	v9 =	vcvt.f32.s32 v23;
	v23 =	vld.idx.msk [tilespmem:v20+s3+$0x0], $0xffff;
	v7 =	vadd.f32 v7, v16  }
0x27a: {  	s22 =	simm.s32 $0x45F0;
	v10 =	vadd.f32 $2.048000000e+03, v10;
	v14 =	vmin.f32 v14, $4.095000000e+03;
	v22 =	vadd.f32 $2.048000000e+03, v22;
	v20 =	vld.idx.msk [tilespmem:v20+s18+$0x0], $0xffff  }
0x27b: {  	v54 =	vtrunc.f32 v14;
	v25 =	vmax.f32 v25, $0.0e+00;
	[tilespmem:s17+$0xFFFFFF20] =	vst v7;
	v7 =	vld [tilespmem:s22+$0xFFFFFE80];
	v18 =	vmul.f32 $1.000000000e+03, v18  }
0x27c: {  	v10 =	vmax.f32 v10, $0.0e+00;
	v22 =	vmax.f32 v22, $0.0e+00;
	v31 =	vcvt.f32.s32 v54;
	v40 =	vld.idx.msk [tilespmem:v17+s3+$0x0], $0xffff  }
0x27d: {  	v25 =	vmin.f32 v25, $4.095000000e+03;
	v10 =	vmin.f32 v10, $4.095000000e+03;
	v41 =	vld.idx.msk [tilespmem:v58+s3+$0x0], $0xffff;
	v18 =	vadd.f32 $2.048000000e+03, v18  }
0x27e: {  	v22 =	vmin.f32 v22, $4.095000000e+03;
	v38 =	vtrunc.f32 v25;
	v55 =	vtrunc.f32 v10;
	v17 =	vld.idx.msk [tilespmem:v17+s18+$0x0], $0xffff  }
0x27f: {  	v60 =	vtrunc.f32 v22;
	v38 =	vcvt.f32.s32 v38;
	v33 =	vld.idx.msk [tilespmem:v58+s18+$0x0], $0xffff;
	v18 =	vmax.f32 v18, $0.0e+00  }
0x280: {  	v19 =	vmul.f32 $1.000000000e+03, v19;
	v32 =	vcvt.f32.s32 v55;
	v53 =	vld.idx.msk [tilespmem:v9+s3+$0x0], $0xffff;
	v18 =	vmin.f32 v18, $4.095000000e+03  }
0x281: {  	v61 =	vcvt.f32.s32 v60;
	v9 =	vld.idx.msk [tilespmem:v9+s18+$0x0], $0xffff;
	v59 =	vtrunc.f32 v18  }
0x282: {  	v2 =	vmul.f32 v5, v23;
	v37 =	vld.idx.msk [tilespmem:v31+s3+$0x0], $0xffff;
	v13 =	vcvt.f32.s32 v59  }
0x283: {  	v31 =	vld.idx.msk [tilespmem:v31+s18+$0x0], $0xffff  }
0x284: {  	v19 =	vadd.f32 $2.048000000e+03, v19;
	v2 =	vadd.f32 v2, v20;
	v20 =	vld [tilespmem:s22+$0xFFFFFE20]  }
0x285: {  	v45 =	vld.idx.msk [tilespmem:v38+s3+$0x0], $0xffff  }
0x286: {  	v6 =	vmul.f32 v6, v52;
	v19 =	vmax.f32 v19, $0.0e+00;
	v39 =	vld.idx.msk [tilespmem:v32+s3+$0x0], $0xffff  }
0x287: {  	v19 =	vmin.f32 v19, $4.095000000e+03;
	v43 =	vld.idx.msk [tilespmem:v61+s3+$0x0], $0xffff  }
0x288: {  	v6 =	vadd.f32 v6, v8;
	v63 =	vtrunc.f32 v19;
	v8 =	vmul.f32 v11, v41;
	v42 =	vld.idx.msk [tilespmem:v13+s3+$0x0], $0xffff  }
0x289: {  	v32 =	vld.idx.msk [tilespmem:v32+s18+$0x0], $0xffff;
	v36 =	vcvt.f32.s32 v63;
	v14 =	vmul.f32 v14, v37  }
0x28a: {  	v4 =	vmul.f32 v4, v51;
	v8 =	vadd.f32 v8, v33;
	v13 =	vld.idx.msk [tilespmem:v13+s18+$0x0], $0xffff  }
0x28b: {  	v16 =	vmul.f32 $1.000000000e+03, v62;
	v24 =	vmul.f32 v24, v40;
	v40 =	vld.idx.msk [tilespmem:v38+s18+$0x0], $0xffff;
	v14 =	vadd.f32 v14, v31  }
0x28c: {  	v4 =	vadd.f32 v4, v21;
	v23 =	vmul.f32 v25, v45;
	v45 =	vld [tilespmem:s22+$0xFFFFFE60];
	v10 =	vmul.f32 v10, v39;
	[tilespmem:s11+$0xFFFFFEC0] =	vst v8  }
0x28d: {  	v21 =	vmul.f32 v22, v43;
	v22 =	vld [tilespmem:s22+$0xFFFFFE40];
	[tilespmem:s11+$0xFFFFFE90] =	vst v14;
	v14 =	vadd.f32 v24, v17;
	v18 =	vmul.f32 v18, v42  }
0x28e: {  	v47 =	vld [tilespmem:s21+$0xFFFFFF40];
	v5 =	vadd.f32 v10, v32;
	v10 =	vadd.f32 $2.048000000e+03, v16  }
0x28f: {  	v3 =	vmul.f32 v3, v50;
	v44 =	vld.idx.msk [tilespmem:v36+s3+$0x0], $0xffff;
	v13 =	vadd.f32 v18, v13  }
0x290: {  	v37 =	vld.idx.msk [tilespmem:v36+s18+$0x0], $0xffff;
	[tilespmem:s11+$0xFFFFFEB0] =	vst v14;
	v10 =	vmax.f32 v10, $0.0e+00  }
0x291: {  	v7 =	vmul.f32 $1.000000000e+03, v7;
	v16 =	vld [tilespmem:s1+$0xFFFFFFA0];
	v14 =	vadd.f32 v3, v15;
	v3 =	vmin.f32 v10, $4.095000000e+03;
	[tilespmem:s11+$0xFFFFFF80] =	vst v13  }
0x292: {  	v10 =	vtrunc.f32 v3;
	v13 =	vld [tilespmem:s21+$0x0]  }
0x293: {  	v7 =	vadd.f32 $2.048000000e+03, v7;
	v11 =	vcvt.f32.s32 v10;
	v10 =	vld [tilespmem:s22+$0xFFFFFE30]  }
0x294: {  	v20 =	vmul.f32 $1.000000000e+03, v20;
	[tilespmem:s11+$0xFFFFFEA0] =	vst v5;
	v5 =	vmul.f32 v12, v53;
	v18 =	vld.idx.msk [tilespmem:v61+s18+$0x0], $0xffff  }
0x295: {  	v7 =	vmax.f32 v7, $0.0e+00;
	v19 =	vmul.f32 v19, v44;
	v42 =	vld [tilespmem:s22+$0xFFFFFE50]  }
0x296: {  	v17 =	vld [tilespmem:s21+$0xFFFFFF10];
	v50 =	vmul.f32 $1.000000000e+03, v45;
	v5 =	vadd.f32 v5, v9;
	v9 =	vadd.f32 $2.048000000e+03, v20  }
0x297: {  	[tilespmem:s17+$0xFFFFFF50] =	vst v4;
	v7 =	vmin.f32 v7, $4.095000000e+03;
	v15 =	vld [tilespmem:s21+$0xFFFFFF30];
	v8 =	vadd.f32 v19, v37;
	v13 =	vmul.f32 $1.000000000e+03, v13  }
0x298: {  	v46 =	vtrunc.f32 v7;
	v12 =	vld [tilespmem:s21+$0xFFFFFF20];
	[tilespmem:s17+$0xFFFFFF40] =	vst v14;
	v24 =	vadd.f32 $2.048000000e+03, v50;
	v9 =	vmax.f32 v9, $0.0e+00  }
0x299: {  	v19 =	vld [tilespmem:s22+$0xFFFFFE70];
	[tilespmem:s11+$0xFFFFFEE0] =	vst v8;
	v8 =	vmul.f32 $1.000000000e+03, v10;
	v18 =	vadd.f32 v21, v18;
	v13 =	vadd.f32 $2.048000000e+03, v13  }
0x29a: {  	v44 =	vld [tilespmem:s22+$0xFFFFFE10];
	v14 =	vmax.f32 v24, $0.0e+00;
	[tilespmem:s17+$0xFFFFFF70] =	vst v5;
	v10 =	vmul.f32 $1.000000000e+03, v22;
	v22 =	vmul.f32 $1.000000000e+03, v42  }
0x29b: {  	v4 =	vld [tilespmem:s1+$0xFFFFFFC0];
	[tilespmem:s11+$0xFFFFFED0] =	vst v18;
	v18 =	vadd.f32 v23, v40;
	v23 =	vcvt.f32.s32 v46;
	v13 =	vmax.f32 v13, $0.0e+00  }
0x29c: {  	[tilespmem:s17+$0xFFFFFF60] =	vst v6;
	v24 =	vmin.f32 v9, $4.095000000e+03;
	v9 =	vld [tilespmem:s1+$0xFFFFFFF0];
	v8 =	vadd.f32 $2.048000000e+03, v8;
	v13 =	vmin.f32 v13, $4.095000000e+03  }
0x29d: {  	[tilespmem:s17+$0xFFFFFF30] =	vst v2;
	v6 =	vtrunc.f32 v24;
	v49 =	vld [tilespmem:s21+$0xFFFFFF60];
	v22 =	vadd.f32 $2.048000000e+03, v22;
	v43 =	vtrunc.f32 v13  }
0x29e: {  	v2 =	vmul.f32 $1.000000000e+03, v19;
	v19 =	vld [tilespmem:s1+$0xFFFFFFB0];
	v8 =	vmax.f32 v8, $0.0e+00;
	v21 =	vcvt.f32.s32 v43  }
0x29f: {  	v26 =	vmin.f32 v8, $4.095000000e+03;
	v8 =	vld [tilespmem:s1+$0xFFFFFFE0];
	v22 =	vmax.f32 v22, $0.0e+00;
	[tilespmem:s11+$0xFFFFFEF0] =	vst v18;
	v18 =	vmul.f32 $1.000000000e+03, v44  }
0x2a0: {  	v16 =	vmul.f32 $1.000000000e+03, v16;
	v48 =	vld [tilespmem:s21+$0xFFFFFF50];
	v5 =	vmin.f32 v22, $4.095000000e+03;
	v22 =	vcvt.f32.s32 v6  }
0x2a1: {  	v0 =	vadd.f32 v1, v0;
	v17 =	vmul.f32 $1.000000000e+03, v17;
	v18 =	vadd.f32 $2.048000000e+03, v18;
	v53 =	vld.idx.msk [tilespmem:v23+s3+$0x0], $0xffff  }
0x2a2: {  	v30 =	vmin.f32 v14, $4.095000000e+03;
	v16 =	vadd.f32 $2.048000000e+03, v16;
	v15 =	vmul.f32 $1.000000000e+03, v15;
	v20 =	vld [tilespmem:s21+$0xFFFFFF70]  }
0x2a3: {  	v17 =	vadd.f32 $2.048000000e+03, v17;
	v10 =	vadd.f32 $2.048000000e+03, v10;
	v18 =	vmax.f32 v18, $0.0e+00;
	v23 =	vld.idx.msk [tilespmem:v23+s18+$0x0], $0xffff  }
0x2a4: {  	v12 =	vmul.f32 $1.000000000e+03, v12;
	v15 =	vadd.f32 $2.048000000e+03, v15;
	v31 =	vmin.f32 v18, $4.095000000e+03;
	v51 =	vld.idx.msk [tilespmem:v21+s3+$0x0], $0xffff  }
0x2a5: {  	v52 =	vadd.f32 $2.048000000e+03, v2;
	v2 =	vld.idx.msk [tilespmem:v21+s18+$0x0], $0xffff;
	v21 =	vmax.f32 v10, $0.0e+00;
	v10 =	vtrunc.f32 v31  }
0x2a6: {  	v60 =	vld.idx.msk [tilespmem:v22+s3+$0x0], $0xffff;
	v6 =	vmul.f32 v7, v53;
	v54 =	vcvt.f32.s32 v10;
	v33 =	vmin.f32 v21, $4.095000000e+03  }
0x2a7: {  	v17 =	vmax.f32 v17, $0.0e+00;
	v22 =	vld.idx.msk [tilespmem:v22+s18+$0x0], $0xffff;
	v21 =	vtrunc.f32 v26;
	v14 =	vtrunc.f32 v33  }
0x2a8: {  	v7 =	vld.idx.msk [tilespmem:v11+s3+$0x0], $0xffff;
	v21 =	vcvt.f32.s32 v21;
	v56 =	vcvt.f32.s32 v14;
	v14 =	vadd.f32 v6, v23  }
0x2a9: {  	s23 =	simm.s32 $0xC5F0;
	v16 =	vmax.f32 v16, $0.0e+00;
	v4 =	vmul.f32 $1.000000000e+03, v4;
	v12 =	vadd.f32 $2.048000000e+03, v12;
	v10 =	vld [tilespmem:s1+$0xFFFFFFD0]  }
0x2aa: {  	v25 =	vmin.f32 v17, $4.095000000e+03;
	v16 =	vmin.f32 v16, $4.095000000e+03;
	v55 =	vtrunc.f32 v5;
	v6 =	vld.idx.msk [tilespmem:v11+s18+$0x0], $0xffff;
	[tilespmem:s23+$0xFFFFFE80] =	vst v14  }
0x2ab: {  	v15 =	vmax.f32 v15, $0.0e+00;
	v18 =	vmax.f32 v52, $0.0e+00;
	v11 =	vcvt.f32.s32 v55;
	v14 =	vld [tilespmem:s22+$0xFFFFFF00]  }
0x2ac: {  	v9 =	vmul.f32 $1.000000000e+03, v9;
	v29 =	vmul.f32 $1.000000000e+03, v49;
	v23 =	vmin.f32 v18, $4.095000000e+03;
	v59 =	vld.idx.msk [tilespmem:v54+s3+$0x0], $0xffff  }
0x2ad: {  	v4 =	vadd.f32 $2.048000000e+03, v4;
	v27 =	vmul.f32 $1.000000000e+03, v48;
	v57 =	vtrunc.f32 v23;
	v32 =	vld.idx.msk [tilespmem:v54+s18+$0x0], $0xffff  }
0x2ae: {  	v12 =	vmax.f32 v12, $0.0e+00;
	v18 =	vtrunc.f32 v30;
	v34 =	vcvt.f32.s32 v57;
	v61 =	vld.idx.msk [tilespmem:v21+s3+$0x0], $0xffff  }
0x2af: {  	v4 =	vmax.f32 v4, $0.0e+00;
	v27 =	vadd.f32 $2.048000000e+03, v27;
	v58 =	vcvt.f32.s32 v18;
	v52 =	vld.idx.msk [tilespmem:v21+s18+$0x0], $0xffff  }
0x2b0: {  	v9 =	vadd.f32 $2.048000000e+03, v9;
	v29 =	vadd.f32 $2.048000000e+03, v29;
	v19 =	vmul.f32 $1.000000000e+03, v19;
	v62 =	vld.idx.msk [tilespmem:v56+s3+$0x0], $0xffff  }
0x2b1: {  	v27 =	vmax.f32 v27, $0.0e+00;
	v24 =	vmul.f32 v24, v60;
	v63 =	vld.idx.msk [tilespmem:v11+s3+$0x0], $0xffff;
	v49 =	vmul.f32 $1.000000000e+03, v14  }
0x2b2: {  	v13 =	vmul.f32 v13, v51;
	v35 =	vld.idx.msk [tilespmem:v56+s18+$0x0], $0xffff;
	v14 =	vmin.f32 v12, $4.095000000e+03;
	v12 =	vtrunc.f32 v25  }
0x2b3: {  	v11 =	vld.idx.msk [tilespmem:v11+s18+$0x0], $0xffff;
	v51 =	vtrunc.f32 v14;
	v44 =	vcvt.f32.s32 v12;
	v17 =	vadd.f32 $2.048000000e+03, v49  }
0x2b4: {  	v22 =	vadd.f32 v24, v22;
	v50 =	vld.idx.msk [tilespmem:v34+s3+$0x0], $0xffff;
	v12 =	vmax.f32 v29, $0.0e+00;
	v29 =	vcvt.f32.s32 v51  }
0x2b5: {  	v48 =	vld.idx.msk [tilespmem:v58+s3+$0x0], $0xffff;
	v26 =	vmul.f32 v26, v61;
	v33 =	vmul.f32 v33, v62;
	v21 =	vmax.f32 v17, $0.0e+00  }
0x2b6: {  	v56 =	vld.idx.msk [tilespmem:v34+s18+$0x0], $0xffff;
	v5 =	vmul.f32 v5, v63;
	v17 =	vmin.f32 v15, $4.095000000e+03;
	v53 =	vmin.f32 v21, $4.095000000e+03  }
0x2b7: {  	[tilespmem:s23+$0xFFFFFE20] =	vst v22;
	v55 =	vld.idx.msk [tilespmem:v58+s18+$0x0], $0xffff;
	v15 =	vmin.f32 v27, $4.095000000e+03;
	v26 =	vadd.f32 v26, v52;
	v54 =	vtrunc.f32 v53  }
0x2b8: {  	v63 =	vld [tilespmem:s22+$0xFFFFFEA0];
	v21 =	vmul.f32 v31, v59;
	v33 =	vadd.f32 v33, v35;
	v27 =	vcvt.f32.s32 v54  }
0x2b9: {  	v20 =	vmul.f32 $1.000000000e+03, v20;
	v23 =	vmul.f32 v23, v50;
	v5 =	vadd.f32 v5, v11;
	[tilespmem:s23+$0xFFFFFE30] =	vst v26;
	v58 =	vld.idx.msk [tilespmem:v44+s3+$0x0], $0xffff  }
0x2ba: {  	v9 =	vmax.f32 v9, $0.0e+00;
	v18 =	vmul.f32 $1.000000000e+03, v47;
	v30 =	vmul.f32 v30, v48;
	v47 =	vld [tilespmem:s22+$0xFFFFFEB0];
	[tilespmem:s23+$0xFFFFFE40] =	vst v33  }
0x2bb: {  	v1 =	vmul.f32 $1.000000000e+03, v8;
	v21 =	vadd.f32 v21, v32;
	[tilespmem:s23+$0xFFFFFE50] =	vst v5;
	v5 =	vadd.f32 v23, v56;
	v23 =	vld [tilespmem:s22+$0xFFFFFEC0]  }
0x2bc: {  	v20 =	vadd.f32 $2.048000000e+03, v20;
	v12 =	vmin.f32 v12, $4.095000000e+03;
	v11 =	vadd.f32 v30, v55;
	v51 =	vld [tilespmem:s22+$0xFFFFFED0]  }
0x2bd: {  	v19 =	vadd.f32 $2.048000000e+03, v19;
	v1 =	vadd.f32 $2.048000000e+03, v1;
	v61 =	vtrunc.f32 v12;
	[tilespmem:s23+$0xFFFFFE10] =	vst v21;
	v21 =	vld.idx.msk [tilespmem:v29+s3+$0x0], $0xffff  }
0x2be: {  	v20 =	vmax.f32 v20, $0.0e+00;
	v18 =	vadd.f32 $2.048000000e+03, v18;
	v50 =	vcvt.f32.s32 v61;
	[tilespmem:s23+$0xFFFFFE60] =	vst v11;
	v46 =	vld.idx.msk [tilespmem:v27+s3+$0x0], $0xffff  }
0x2bf: {  	[tilespmem:s17+$0x0] =	vst v0;
	v0 =	vmax.f32 v1, $0.0e+00;
	v20 =	vmin.f32 v20, $4.095000000e+03;
	v57 =	vtrunc.f32 v17;
	v52 =	vld [tilespmem:s22+$0xFFFFFEE0]  }
0x2c0: {  	v18 =	vmax.f32 v18, $0.0e+00;
	v60 =	vtrunc.f32 v15;
	v22 =	vcvt.f32.s32 v57;
	v27 =	vld.idx.msk [tilespmem:v27+s18+$0x0], $0xffff  }
0x2c1: {  	v3 =	vmul.f32 v3, v7;
	v18 =	vmin.f32 v18, $4.095000000e+03;
	v48 =	vcvt.f32.s32 v60;
	v29 =	vld.idx.msk [tilespmem:v29+s18+$0x0], $0xffff  }
0x2c2: {  	v1 =	vmin.f32 v0, $4.095000000e+03;
	v49 =	vtrunc.f32 v20;
	v59 =	vtrunc.f32 v18;
	[tilespmem:s23+$0xFFFFFE70] =	vst v5;
	v62 =	vld [tilespmem:s22+$0xFFFFFE90]  }
0x2c3: {  	v31 =	vcvt.f32.s32 v49;
	v11 =	vmax.f32 v19, $0.0e+00;
	v54 =	vld [tilespmem:s22+$0xFFFFFEF0];
	v5 =	vmul.f32 v53, v46  }
0x2c4: {  	v10 =	vmul.f32 $1.000000000e+03, v10;
	v28 =	vcvt.f32.s32 v59;
	v19 =	vmin.f32 v11, $4.095000000e+03;
	v61 =	vld.idx.msk [tilespmem:v50+s3+$0x0], $0xffff  }
0x2c5: {  	v11 =	vmin.f32 v4, $4.095000000e+03;
	v4 =	vtrunc.f32 v16;
	v32 =	vld.idx.msk [tilespmem:v50+s18+$0x0], $0xffff;
	v5 =	vadd.f32 v5, v27  }
0x2c6: {  	v2 =	vadd.f32 v13, v2;
	v38 =	vld.idx.msk [tilespmem:v22+s3+$0x0], $0xffff;
	v24 =	vmul.f32 v25, v58;
	v58 =	vmul.f32 $1.000000000e+03, v63  }
0x2c7: {  	v10 =	vadd.f32 $2.048000000e+03, v10;
	v57 =	vtrunc.f32 v11;
	v60 =	vcvt.f32.s32 v4;
	v59 =	vld.idx.msk [tilespmem:v48+s3+$0x0], $0xffff;
	[tilespmem:s23+$0xFFFFFF00] =	vst v5  }
0x2c8: {  	v4 =	vcvt.f32.s32 v57;
	v25 =	vadd.f32 $2.048000000e+03, v58;
	v55 =	vmul.f32 $1.000000000e+03, v62;
	v62 =	vld [tilespmem:s22+$0xFFFFFF80]  }
0x2c9: {  	v10 =	vmax.f32 v10, $0.0e+00;
	v35 =	vmul.f32 $1.000000000e+03, v47;
	v63 =	vld.idx.msk [tilespmem:v31+s3+$0x0], $0xffff;
	v23 =	vmul.f32 $1.000000000e+03, v23  }
0x2ca: {  	[tilespmem:s11+$0x0] =	vst v2;
	v2 =	vmin.f32 v10, $4.095000000e+03;
	v22 =	vld.idx.msk [tilespmem:v22+s18+$0x0], $0xffff;
	v33 =	vmul.f32 $1.000000000e+03, v51;
	v25 =	vmax.f32 v25, $0.0e+00  }
0x2cb: {  	v30 =	vld.idx.msk [tilespmem:v48+s18+$0x0], $0xffff;
	v35 =	vadd.f32 $2.048000000e+03, v35;
	v23 =	vadd.f32 $2.048000000e+03, v23;
	v25 =	vmin.f32 v25, $4.095000000e+03  }
0x2cc: {  	v31 =	vld.idx.msk [tilespmem:v31+s18+$0x0], $0xffff;
	v33 =	vadd.f32 $2.048000000e+03, v33;
	v26 =	vadd.f32 $2.048000000e+03, v55;
	v55 =	vtrunc.f32 v25  }
0x2cd: {  	v23 =	vmax.f32 v23, $0.0e+00;
	v53 =	vld.idx.msk [tilespmem:v44+s18+$0x0], $0xffff;
	v45 =	vcvt.f32.s32 v55;
	v39 =	vmul.f32 $1.000000000e+03, v62  }
0x2ce: {  	v36 =	vmul.f32 $1.000000000e+03, v52;
	v41 =	vld.idx.msk [tilespmem:v60+s18+$0x0], $0xffff;
	v33 =	vmax.f32 v33, $0.0e+00;
	v23 =	vmin.f32 v23, $4.095000000e+03  }
0x2cf: {  	v51 =	vld.idx.msk [tilespmem:v4+s3+$0x0], $0xffff;
	v33 =	vmin.f32 v33, $4.095000000e+03;
	v47 =	vtrunc.f32 v23;
	v39 =	vadd.f32 $2.048000000e+03, v39  }
0x2d0: {  	v36 =	vadd.f32 $2.048000000e+03, v36;
	v46 =	vld.idx.msk [tilespmem:v60+s3+$0x0], $0xffff;
	v50 =	vtrunc.f32 v33;
	v47 =	vcvt.f32.s32 v47  }
0x2d1: {  	v17 =	vmul.f32 v17, v38;
	v27 =	vld.idx.msk [tilespmem:v28+s3+$0x0], $0xffff;
	v50 =	vcvt.f32.s32 v50;
	v39 =	vmax.f32 v39, $0.0e+00  }
0x2d2: {  	v36 =	vmax.f32 v36, $0.0e+00;
	v28 =	vld.idx.msk [tilespmem:v28+s18+$0x0], $0xffff;
	v24 =	vadd.f32 v24, v53;
	v39 =	vmin.f32 v39, $4.095000000e+03  }
0x2d3: {  	v26 =	vmax.f32 v26, $0.0e+00;
	v36 =	vmin.f32 v36, $4.095000000e+03;
	v55 =	vld.idx.msk [tilespmem:v45+s3+$0x0], $0xffff;
	v48 =	vtrunc.f32 v39  }
0x2d4: {  	v10 =	vadd.f32 v17, v22;
	v52 =	vtrunc.f32 v36;
	[tilespmem:s11+$0xFFFFFF10] =	vst v24;
	v22 =	vld.idx.msk [tilespmem:v45+s18+$0x0], $0xffff;
	v48 =	vcvt.f32.s32 v48  }
0x2d5: {  	v13 =	vmul.f32 v14, v21;
	v26 =	vmin.f32 v26, $4.095000000e+03;
	v52 =	vcvt.f32.s32 v52;
	v49 =	vld [tilespmem:s21+$0xFFFFFF90]  }
0x2d6: {  	v37 =	vmul.f32 $1.000000000e+03, v54;
	v35 =	vmax.f32 v35, $0.0e+00;
	v54 =	vtrunc.f32 v26;
	v14 =	vld.idx.msk [tilespmem:v47+s3+$0x0], $0xffff  }
0x2d7: {  	v56 =	vtrunc.f32 v19;
	v35 =	vmin.f32 v35, $4.095000000e+03;
	v44 =	vcvt.f32.s32 v54;
	v57 =	vld.idx.msk [tilespmem:v50+s3+$0x0], $0xffff  }
0x2d8: {  	v37 =	vadd.f32 $2.048000000e+03, v37;
	v5 =	vcvt.f32.s32 v56;
	v56 =	vtrunc.f32 v35;
	v7 =	vld.idx.msk [tilespmem:v47+s18+$0x0], $0xffff  }
0x2d9: {  	v0 =	vmin.f32 v9, $4.095000000e+03;
	v9 =	vmul.f32 v12, v61;
	v43 =	vcvt.f32.s32 v56;
	v61 =	vld.idx.msk [tilespmem:v50+s18+$0x0], $0xffff  }
0x2da: {  	v37 =	vmax.f32 v37, $0.0e+00;
	v21 =	vld.idx.msk [tilespmem:v48+s3+$0x0], $0xffff  }
0x2db: {  	v15 =	vmul.f32 v15, v59;
	v37 =	vmin.f32 v37, $4.095000000e+03;
	v59 =	vld.idx.msk [tilespmem:v52+s3+$0x0], $0xffff  }
0x2dc: {  	v13 =	vadd.f32 v13, v29;
	v54 =	vtrunc.f32 v37;
	v58 =	vld.idx.msk [tilespmem:v48+s18+$0x0], $0xffff  }
0x2dd: {  	v54 =	vcvt.f32.s32 v54;
	v18 =	vmul.f32 v18, v27;
	v53 =	vld.idx.msk [tilespmem:v44+s3+$0x0], $0xffff  }
0x2de: {  	v3 =	vadd.f32 v3, v6;
	[tilespmem:s11+$0xFFFFFF20] =	vst v13;
	v15 =	vadd.f32 v15, v30;
	v13 =	vld.idx.msk [tilespmem:v44+s18+$0x0], $0xffff  }
0x2df: {  	[tilespmem:s11+$0xFFFFFF30] =	vst v10;
	v12 =	vadd.f32 v18, v28;
	v8 =	vld.idx.msk [tilespmem:v43+s3+$0x0], $0xffff;
	v10 =	vmul.f32 v39, v21  }
0x2e0: {  	v20 =	vmul.f32 v20, v63;
	v9 =	vadd.f32 v9, v32;
	v60 =	vtrunc.f32 v0;
	[tilespmem:s11+$0xFFFFFF50] =	vst v15;
	v24 =	vld.idx.msk [tilespmem:v5+s3+$0x0], $0xffff  }
0x2e1: {  	v18 =	vtrunc.f32 v2;
	[tilespmem:s11+$0xFFFFFF40] =	vst v12;
	v12 =	vld.idx.msk [tilespmem:v43+s18+$0x0], $0xffff;
	v25 =	vmul.f32 v25, v55;
	v15 =	vadd.f32 v10, v58  }
0x2e2: {  	[tilespmem:s17+$0xFFFFFF90] =	vst v3;
	v6 =	vld.idx.msk [tilespmem:v52+s18+$0x0], $0xffff;
	v10 =	vcvt.f32.s32 v18;
	v18 =	vadd.f32 v20, v31;
	v20 =	vmul.f32 v26, v53  }
0x2e3: {  	v17 =	vld.idx.msk [tilespmem:v54+s3+$0x0], $0xffff;
	v62 =	vmul.f32 $1.000000000e+03, v49;
	v14 =	vmul.f32 v23, v14;
	v3 =	vadd.f32 v25, v22;
	[tilespmem:s23+$0xFFFFFF80] =	vst v15  }
0x2e4: {  	v22 =	vmul.f32 v33, v57;
	[tilespmem:s11+$0xFFFFFF70] =	vst v18;
	v15 =	vmul.f32 v35, v8;
	v13 =	vadd.f32 v20, v13;
	v18 =	vld [tilespmem:s22+$0x0]  }
0x2e5: {  	[tilespmem:s11+$0xFFFFFF60] =	vst v9;
	v23 =	vld [tilespmem:s21+$0xFFFFFFA0];
	v14 =	vadd.f32 v14, v7;
	v7 =	vmul.f32 v19, v24;
	v21 =	vtrunc.f32 v1  }
0x2e6: {  	v9 =	vcvt.f32.s32 v21;
	v21 =	vadd.f32 $2.048000000e+03, v62;
	v20 =	vld.idx.msk [tilespmem:v54+s18+$0x0], $0xffff;
	[tilespmem:s23+$0xFFFFFE90] =	vst v13;
	v12 =	vadd.f32 v15, v12  }
0x2e7: {  	[tilespmem:s23+$0xFFFFFEA0] =	vst v3;
	v19 =	vadd.f32 v22, v61;
	v15 =	vmul.f32 v16, v46;
	v16 =	vmul.f32 v36, v59;
	v63 =	vld [tilespmem:s22+$0xFFFFFF10]  }
0x2e8: {  	v17 =	vmul.f32 v37, v17;
	v3 =	vmax.f32 v21, $0.0e+00;
	v8 =	vcvt.f32.s32 v60;
	v13 =	vld [tilespmem:s22+$0xFFFFFF20];
	[tilespmem:s23+$0xFFFFFEB0] =	vst v12  }
0x2e9: {  	[tilespmem:s23+$0xFFFFFEC0] =	vst v14;
	v3 =	vmin.f32 v3, $4.095000000e+03;
	v16 =	vadd.f32 v16, v6;
	v12 =	vld [tilespmem:s22+$0xFFFFFF30];
	v18 =	vmul.f32 $1.000000000e+03, v18  }
0x2ea: {  	v14 =	vld [tilespmem:s22+$0xFFFFFF40];
	[tilespmem:s23+$0xFFFFFED0] =	vst v19;
	v21 =	vtrunc.f32 v3;
	v22 =	vadd.f32 v15, v41;
	v6 =	vmul.f32 v11, v51  }
0x2eb: {  	v11 =	vld [tilespmem:s22+$0xFFFFFF50];
	[tilespmem:s23+$0xFFFFFEE0] =	vst v16;
	v16 =	vadd.f32 v17, v20;
	v17 =	vmul.f32 $1.000000000e+03, v23;
	v20 =	vadd.f32 $2.048000000e+03, v18  }
0x2ec: {  	s24 =	simm.s32 $0x100;
	s26 =	simm.s32 $0x47F0;
	s1 =	simm.s32 $0xC5F0;
	v15 =	vcvt.f32.s32 v21;
	[tilespmem:s17+$0xFFFFFFA0] =	vst v22;
	v19 =	vmul.f32 $1.000000000e+03, v63;
	v18 =	vld [tilespmem:s22+$0xFFFFFF60]  }
.LBB2_9:
0x2ed: {  	v21 =	vld [tilespmem:s26+$0xFFFFFE80];
	s24 =	sadd.s32 $0x80, s24;
	v13 =	vmul.f32 $1.000000000e+03, v13;
	[tilespmem:s23+$0xFFFFFEF0] =	vst v16;
	v16 =	vmax.f32 v20, $0.0e+00;
	v17 =	vadd.f32 $2.048000000e+03, v17  }
0x2ee: {  	v20 =	vld [tilespmem:s26+$0xFFFFFE20];
	p2 =	slt.u32 s24, $0x780;
	v19 =	vadd.f32 $2.048000000e+03, v19;
	v12 =	vmul.f32 $1.000000000e+03, v12;
	v16 =	vmin.f32 v16, $4.095000000e+03  }
0x2ef: {  	v22 =	vld [tilespmem:s26+$0xFFFFFE30];
	v13 =	vadd.f32 $2.048000000e+03, v13;
	v14 =	vmul.f32 $1.000000000e+03, v14;
	v23 =	vtrunc.f32 v16  }
0x2f0: {  	v24 =	vld [tilespmem:s26+$0xFFFFFE40];
	v12 =	vadd.f32 $2.048000000e+03, v12;
	v11 =	vmul.f32 $1.000000000e+03, v11;
	v23 =	vcvt.f32.s32 v23  }
0x2f1: {  	v19 =	vmax.f32 v19, $0.0e+00;
	v25 =	vld [tilespmem:s26+$0xFFFFFE50];
	v14 =	vadd.f32 $2.048000000e+03, v14;
	v18 =	vmul.f32 $1.000000000e+03, v18  }
0x2f2: {  	v27 =	vmax.f32 v13, $0.0e+00;
	v26 =	vld [tilespmem:s26+$0xFFFFFE60];
	v21 =	vmul.f32 $1.000000000e+03, v21;
	v11 =	vadd.f32 $2.048000000e+03, v11  }
0x2f3: {  	v28 =	vmax.f32 v12, $0.0e+00;
	v13 =	vmul.f32 $1.000000000e+03, v20;
	v20 =	vld [tilespmem:s26+$0xFFFFFE70];
	v18 =	vadd.f32 $2.048000000e+03, v18  }
0x2f4: {  	v29 =	vmax.f32 v14, $0.0e+00;
	v12 =	vld [tilespmem:s26+$0xFFFFFE10];
	v22 =	vmul.f32 $1.000000000e+03, v22;
	v21 =	vadd.f32 $2.048000000e+03, v21  }
0x2f5: {  	v13 =	vadd.f32 $2.048000000e+03, v13;
	v14 =	vmul.f32 $1.000000000e+03, v24;
	v24 =	vmax.f32 v11, $0.0e+00;
	v30 =	vld [tilespmem:s22+$0xFFFFFF70]  }
0x2f6: {  	v11 =	vadd.f32 $2.048000000e+03, v22;
	v22 =	vmul.f32 $1.000000000e+03, v25;
	v21 =	vmax.f32 v21, $0.0e+00;
	v25 =	vld.idx.msk [tilespmem:v23+s3+$0x0], $0xffff  }
0x2f7: {  	v14 =	vadd.f32 $2.048000000e+03, v14;
	v26 =	vmul.f32 $1.000000000e+03, v26;
	v21 =	vmin.f32 v21, $4.095000000e+03;
	v34 =	vld [tilespmem:s21+$0xFFFFFFB0]  }
0x2f8: {  	v22 =	vadd.f32 $2.048000000e+03, v22;
	v20 =	vmul.f32 $1.000000000e+03, v20;
	v31 =	vtrunc.f32 v21;
	v23 =	vld.idx.msk [tilespmem:v23+s18+$0x0], $0xffff  }
0x2f9: {  	v12 =	vmul.f32 $1.000000000e+03, v12;
	v26 =	vadd.f32 $2.048000000e+03, v26;
	v31 =	vcvt.f32.s32 v31;
	v35 =	vld [tilespmem:s21+$0xFFFFFFC0]  }
0x2fa: {  	v13 =	vmax.f32 v13, $0.0e+00;
	v11 =	vmax.f32 v11, $0.0e+00;
	v20 =	vadd.f32 $2.048000000e+03, v20;
	v36 =	vld [tilespmem:s21+$0xFFFFFFD0]  }
0x2fb: {  	v32 =	vmax.f32 v14, $0.0e+00;
	v22 =	vmax.f32 v22, $0.0e+00;
	v12 =	vadd.f32 $2.048000000e+03, v12;
	v37 =	vld [tilespmem:s21+$0xFFFFFFE0]  }
0x2fc: {  	v26 =	vmax.f32 v26, $0.0e+00;
	v16 =	vmul.f32 v16, v25;
	v20 =	vmax.f32 v20, $0.0e+00;
	v25 =	vld [tilespmem:s21+$0xFFFFFFF0];
	s21 =	smov.u32 s22;
	s22 =	smov.u32 s26  }
0x2fd: {  	v38 =	vmin.f32 v13, $4.095000000e+03;
	v39 =	vmin.f32 v11, $4.095000000e+03;
	v12 =	vmax.f32 v12, $0.0e+00;
	v14 =	vld.idx.msk [tilespmem:v15+s3+$0x0], $0xffff  }
0x2fe: {  	v41 =	vmin.f32 v32, $4.095000000e+03;
	v11 =	vadd.f32 v16, v23;
	v40 =	vmin.f32 v12, $4.095000000e+03;
	v12 =	vld.idx.msk [tilespmem:v10+s3+$0x0], $0xffff  }
0x2ff: {  	v42 =	vmin.f32 v22, $4.095000000e+03;
	v26 =	vmin.f32 v26, $4.095000000e+03;
	v43 =	vmin.f32 v20, $4.095000000e+03;
	v16 =	vld.idx.msk [tilespmem:v31+s3+$0x0], $0xffff  }
0x300: {  	v18 =	vmax.f32 v18, $0.0e+00;
	v22 =	vtrunc.f32 v38;
	v20 =	vtrunc.f32 v40;
	[tilespmem:s23+$0x0] =	vst v11;
	v13 =	vld.idx.msk [tilespmem:v9+s3+$0x0], $0xffff  }
0x301: {  	v33 =	vmin.f32 v19, $4.095000000e+03;
	v44 =	vtrunc.f32 v41;
	v23 =	vtrunc.f32 v39;
	v31 =	vld.idx.msk [tilespmem:v31+s18+$0x0], $0xffff  }
0x302: {  	v32 =	vmin.f32 v27, $4.095000000e+03;
	v45 =	vtrunc.f32 v42;
	v46 =	vtrunc.f32 v26;
	v11 =	vld.idx.msk [tilespmem:v8+s3+$0x0], $0xffff  }
0x303: {  	v19 =	vmin.f32 v28, $4.095000000e+03;
	v27 =	vtrunc.f32 v43;
	v47 =	vcvt.f32.s32 v20;
	v15 =	vld.idx.msk [tilespmem:v15+s18+$0x0], $0xffff  }
0x304: {  	v28 =	vcvt.f32.s32 v22;
	v48 =	vcvt.f32.s32 v23;
	v20 =	vmin.f32 v29, $4.095000000e+03;
	v5 =	vld.idx.msk [tilespmem:v5+s18+$0x0], $0xffff  }
0x305: {  	v44 =	vcvt.f32.s32 v44;
	v22 =	vmin.f32 v24, $4.095000000e+03;
	v16 =	vmul.f32 v21, v16;
	v4 =	vld.idx.msk [tilespmem:v4+s18+$0x0], $0xffff  }
0x306: {  	v24 =	vcvt.f32.s32 v45;
	v45 =	vcvt.f32.s32 v46;
	v23 =	vmin.f32 v18, $4.095000000e+03;
	v18 =	vld.idx.msk [tilespmem:v10+s18+$0x0], $0xffff  }
0x307: {  	v46 =	vcvt.f32.s32 v27;
	v21 =	vmul.f32 $1.000000000e+03, v30;
	v10 =	vadd.f32 v16, v31;
	v16 =	vld.idx.msk [tilespmem:v9+s18+$0x0], $0xffff  }
0x308: {  	v27 =	vtrunc.f32 v32;
	s23 =	sadd.s32 $0x200, s23;
	v29 =	vmax.f32 v17, $0.0e+00;
	v9 =	vtrunc.f32 v33;
	v17 =	vld.idx.msk [tilespmem:v8+s18+$0x0], $0xffff  }
0x309: {  	v50 =	vadd.f32 $2.048000000e+03, v21;
	v8 =	vtrunc.f32 v19;
	v49 =	vld.idx.msk [tilespmem:v47+s3+$0x0], $0xffff;
	[tilespmem:s23+$0xFFFFFE80] =	vst v10;
	v10 =	vtrunc.f32 v20  }
0x30a: {  	v52 =	vtrunc.f32 v22;
	v53 =	vtrunc.f32 v23;
	v21 =	vmin.f32 v29, $4.095000000e+03;
	v51 =	vld [tilespmem:s26+$0xFFFFFF00]  }
0x30b: {  	v30 =	vcvt.f32.s32 v27;
	v31 =	vcvt.f32.s32 v9;
	v27 =	vmax.f32 v50, $0.0e+00;
	v54 =	vld.idx.msk [tilespmem:v28+s3+$0x0], $0xffff  }
0x30c: {  	v29 =	vcvt.f32.s32 v8;
	v8 =	vmin.f32 v27, $4.095000000e+03;
	v9 =	vcvt.f32.s32 v10;
	v50 =	vld.idx.msk [tilespmem:v48+s3+$0x0], $0xffff  }
0x30d: {  	v5 =	vadd.f32 v7, v5;
	v10 =	vcvt.f32.s32 v52;
	v52 =	vtrunc.f32 v8;
	v55 =	vld.idx.msk [tilespmem:v44+s3+$0x0], $0xffff  }
0x30e: {  	v27 =	vcvt.f32.s32 v53;
	v4 =	vadd.f32 v6, v4;
	v7 =	vcvt.f32.s32 v52;
	v56 =	vld.idx.msk [tilespmem:v24+s3+$0x0], $0xffff  }
0x30f: {  	v6 =	vmul.f32 v40, v49;
	v40 =	vld.idx.msk [tilespmem:v45+s3+$0x0], $0xffff;
	v49 =	vmul.f32 $1.000000000e+03, v51;
	[tilespmem:s17+$0xFFFFFFB0] =	vst v5  }
0x310: {  	v34 =	vmul.f32 $1.000000000e+03, v34;
	v35 =	vmul.f32 $1.000000000e+03, v35;
	v5 =	vld.idx.msk [tilespmem:v46+s3+$0x0], $0xffff;
	[tilespmem:s17+$0xFFFFFFC0] =	vst v4  }
0x311: {  	v36 =	vmul.f32 $1.000000000e+03, v36;
	v38 =	vmul.f32 v38, v54;
	v4 =	vld.idx.msk [tilespmem:v47+s18+$0x0], $0xffff;
	v47 =	vadd.f32 $2.048000000e+03, v49  }
0x312: {  	v34 =	vadd.f32 $2.048000000e+03, v34;
	v37 =	vmul.f32 $1.000000000e+03, v37;
	v39 =	vmul.f32 v39, v50;
	v28 =	vld.idx.msk [tilespmem:v28+s18+$0x0], $0xffff  }
0x313: {  	v25 =	vmul.f32 $1.000000000e+03, v25;
	v41 =	vmul.f32 v41, v55;
	v48 =	vld.idx.msk [tilespmem:v48+s18+$0x0], $0xffff;
	v47 =	vmax.f32 v47, $0.0e+00  }
0x314: {  	v35 =	vadd.f32 $2.048000000e+03, v35;
	v42 =	vmul.f32 v42, v56;
	v44 =	vld.idx.msk [tilespmem:v44+s18+$0x0], $0xffff;
	v47 =	vmin.f32 v47, $4.095000000e+03  }
0x315: {  	v36 =	vadd.f32 $2.048000000e+03, v36;
	v40 =	vmul.f32 v26, v40;
	v24 =	vld.idx.msk [tilespmem:v24+s18+$0x0], $0xffff;
	v26 =	vtrunc.f32 v47  }
0x316: {  	v5 =	vmul.f32 v43, v5;
	v45 =	vld.idx.msk [tilespmem:v45+s18+$0x0], $0xffff;
	v43 =	vcvt.f32.s32 v26;
	v26 =	vadd.f32 $2.048000000e+03, v37  }
0x317: {  	v25 =	vadd.f32 $2.048000000e+03, v25;
	v4 =	vadd.f32 v6, v4;
	v6 =	vmax.f32 v34, $0.0e+00;
	v37 =	vld.idx.msk [tilespmem:v46+s18+$0x0], $0xffff  }
0x318: {  	v35 =	vmax.f32 v35, $0.0e+00;
	v36 =	vmax.f32 v36, $0.0e+00;
	v28 =	vadd.f32 v38, v28;
	v34 =	vld.idx.msk [tilespmem:v31+s3+$0x0], $0xffff  }
0x319: {  	v46 =	vmax.f32 v25, $0.0e+00;
	[tilespmem:s23+$0xFFFFFE10] =	vst v4;
	v4 =	vadd.f32 v39, v48;
	v38 =	vld.idx.msk [tilespmem:v30+s3+$0x0], $0xffff;
	v39 =	vmax.f32 v26, $0.0e+00  }
0x31a: {  	v6 =	vmin.f32 v6, $4.095000000e+03;
	v41 =	vadd.f32 v41, v44;
	v48 =	vld [tilespmem:s26+$0xFFFFFE90];
	[tilespmem:s23+$0xFFFFFE20] =	vst v28;
	v28 =	vmin.f32 v35, $4.095000000e+03  }
0x31b: {  	v26 =	vmin.f32 v36, $4.095000000e+03;
	v25 =	vmin.f32 v39, $4.095000000e+03;
	v35 =	vld [tilespmem:s26+$0xFFFFFEA0];
	[tilespmem:s23+$0xFFFFFE30] =	vst v4;
	v4 =	vadd.f32 v42, v24  }
0x31c: {  	v36 =	vadd.f32 v40, v45;
	v40 =	vtrunc.f32 v21;
	v24 =	vmin.f32 v46, $4.095000000e+03;
	[tilespmem:s23+$0xFFFFFE40] =	vst v41;
	v39 =	vld.idx.msk [tilespmem:v43+s3+$0x0], $0xffff  }
0x31d: {  	v41 =	vld [tilespmem:s26+$0xFFFFFEB0];
	[tilespmem:s23+$0xFFFFFE50] =	vst v4;
	v4 =	vadd.f32 v5, v37;
	v5 =	vtrunc.f32 v6;
	v37 =	vtrunc.f32 v28  }
0x31e: {  	v33 =	vmul.f32 v33, v34;
	v34 =	vtrunc.f32 v26;
	[tilespmem:s23+$0xFFFFFE60] =	vst v36;
	v36 =	vld.idx.msk [tilespmem:v43+s18+$0x0], $0xffff  }
0x31f: {  	v32 =	vmul.f32 v32, v38;
	v42 =	vmul.f32 $1.000000000e+03, v48;
	v43 =	vld [tilespmem:s26+$0xFFFFFEC0];
	[tilespmem:s23+$0xFFFFFE70] =	vst v4  }
0x320: {  	v38 =	vtrunc.f32 v25;
	v4 =	vmul.f32 $1.000000000e+03, v35;
	v35 =	vld [tilespmem:s26+$0xFFFFFED0]  }
0x321: {  	v40 =	vcvt.f32.s32 v40;
	v45 =	vtrunc.f32 v24;
	v42 =	vadd.f32 $2.048000000e+03, v42;
	v44 =	vld [tilespmem:s26+$0xFFFFFEE0]  }
0x322: {  	v39 =	vmul.f32 v47, v39;
	v46 =	vadd.f32 $2.048000000e+03, v4;
	v41 =	vmul.f32 $1.000000000e+03, v41;
	v48 =	vld [tilespmem:s26+$0xFFFFFEF0]  }
0x323: {  	v5 =	vcvt.f32.s32 v5;
	v4 =	vcvt.f32.s32 v37;
	v42 =	vmax.f32 v42, $0.0e+00;
	v47 =	vld.idx.msk [tilespmem:v29+s3+$0x0], $0xffff  }
0x324: {  	v36 =	vadd.f32 v39, v36;
	v37 =	vadd.f32 $2.048000000e+03, v41;
	v41 =	vmul.f32 $1.000000000e+03, v43;
	v39 =	vld.idx.msk [tilespmem:v9+s3+$0x0], $0xffff  }
0x325: {  	v42 =	vmin.f32 v42, $4.095000000e+03;
	v43 =	vmax.f32 v46, $0.0e+00;
	v35 =	vmul.f32 $1.000000000e+03, v35;
	v46 =	vld.idx.msk [tilespmem:v10+s3+$0x0], $0xffff  }
0x326: {  	v37 =	vmax.f32 v37, $0.0e+00;
	v41 =	vadd.f32 $2.048000000e+03, v41;
	v44 =	vmul.f32 $1.000000000e+03, v44;
	[tilespmem:s23+$0xFFFFFF00] =	vst v36;
	v36 =	vld.idx.msk [tilespmem:v27+s3+$0x0], $0xffff  }
0x327: {  	v43 =	vmin.f32 v43, $4.095000000e+03;
	v35 =	vadd.f32 $2.048000000e+03, v35;
	v48 =	vmul.f32 $1.000000000e+03, v48;
	v49 =	vld [tilespmem:s26+$0xFFFFFF80]  }
0x328: {  	v37 =	vmin.f32 v37, $4.095000000e+03;
	v41 =	vmax.f32 v41, $0.0e+00;
	v44 =	vadd.f32 $2.048000000e+03, v44;
	v50 =	vld.idx.msk [tilespmem:v7+s3+$0x0], $0xffff  }
0x329: {  	v41 =	vmin.f32 v41, $4.095000000e+03;
	v35 =	vmax.f32 v35, $0.0e+00;
	v48 =	vadd.f32 $2.048000000e+03, v48;
	v31 =	vld.idx.msk [tilespmem:v31+s18+$0x0], $0xffff  }
0x32a: {  	v51 =	vtrunc.f32 v42;
	v35 =	vmin.f32 v35, $4.095000000e+03;
	v44 =	vmax.f32 v44, $0.0e+00;
	v30 =	vld.idx.msk [tilespmem:v30+s18+$0x0], $0xffff  }
0x32b: {  	v52 =	vtrunc.f32 v43;
	v44 =	vmin.f32 v44, $4.095000000e+03;
	v48 =	vmax.f32 v48, $0.0e+00;
	v29 =	vld.idx.msk [tilespmem:v29+s18+$0x0], $0xffff  }
0x32c: {  	v53 =	vtrunc.f32 v37;
	v48 =	vmin.f32 v48, $4.095000000e+03;
	v49 =	vmul.f32 $1.000000000e+03, v49;
	v9 =	vld.idx.msk [tilespmem:v9+s18+$0x0], $0xffff  }
0x32d: {  	v54 =	vtrunc.f32 v41;
	v55 =	vtrunc.f32 v35;
	v10 =	vld.idx.msk [tilespmem:v10+s18+$0x0], $0xffff  }
0x32e: {  	v56 =	vtrunc.f32 v44;
	v57 =	vtrunc.f32 v48;
	v49 =	vadd.f32 $2.048000000e+03, v49;
	v27 =	vld.idx.msk [tilespmem:v27+s18+$0x0], $0xffff  }
0x32f: {  	v51 =	vcvt.f32.s32 v51;
	v52 =	vcvt.f32.s32 v52;
	v31 =	vadd.f32 v33, v31;
	v7 =	vld.idx.msk [tilespmem:v7+s18+$0x0], $0xffff  }
0x330: {  	v33 =	vcvt.f32.s32 v53;
	v53 =	vcvt.f32.s32 v54;
	v49 =	vmax.f32 v49, $0.0e+00;
	v54 =	vld.idx.msk [tilespmem:v40+s3+$0x0], $0xffff  }
0x331: {  	v55 =	vcvt.f32.s32 v55;
	v56 =	vcvt.f32.s32 v56;
	v49 =	vmin.f32 v49, $4.095000000e+03;
	[tilespmem:s1+$0xFFFFFF10] =	vst v31;
	v31 =	vld.idx.msk [tilespmem:v5+s3+$0x0], $0xffff  }
0x332: {  	v57 =	vcvt.f32.s32 v57;
	v30 =	vadd.f32 v32, v30;
	v58 =	vtrunc.f32 v49;
	v59 =	vld [tilespmem:s21+$0xFFFFFF90]  }
0x333: {  	v19 =	vmul.f32 v19, v47;
	v32 =	vcvt.f32.s32 v58;
	v47 =	vld.idx.msk [tilespmem:v4+s3+$0x0], $0xffff  }
0x334: {  	v20 =	vmul.f32 v20, v39;
	v22 =	vmul.f32 v22, v46;
	[tilespmem:s1+$0xFFFFFF20] =	vst v30;
	v30 =	vld.idx.msk [tilespmem:v40+s18+$0x0], $0xffff  }
0x335: {  	v23 =	vmul.f32 v23, v36;
	v8 =	vmul.f32 v8, v50;
	v19 =	vadd.f32 v19, v29;
	v39 =	vld.idx.msk [tilespmem:v51+s3+$0x0], $0xffff  }
0x336: {  	v9 =	vadd.f32 v20, v9;
	v20 =	vadd.f32 v22, v10;
	v10 =	vcvt.f32.s32 v34;
	v29 =	vld.idx.msk [tilespmem:v52+s3+$0x0], $0xffff  }
0x337: {  	v22 =	vld.idx.msk [tilespmem:v33+s3+$0x0], $0xffff;
	v34 =	vmul.f32 $1.000000000e+03, v59;
	[tilespmem:s1+$0xFFFFFF30] =	vst v19;
	v19 =	vadd.f32 v23, v27;
	v23 =	vadd.f32 v8, v7  }
0x338: {  	v8 =	vcvt.f32.s32 v45;
	v27 =	vld.idx.msk [tilespmem:v53+s3+$0x0], $0xffff;
	[tilespmem:s1+$0xFFFFFF40] =	vst v9;
	v9 =	vcvt.f32.s32 v38  }
0x339: {  	v14 =	vmul.f32 v3, v14;
	v36 =	vld.idx.msk [tilespmem:v32+s3+$0x0], $0xffff;
	v34 =	vadd.f32 $2.048000000e+03, v34;
	[tilespmem:s1+$0xFFFFFF50] =	vst v20;
	v20 =	vmul.f32 v21, v54  }
0x33a: {  	v7 =	vmul.f32 v6, v31;
	v6 =	vmul.f32 v28, v47;
	v21 =	vld.idx.msk [tilespmem:v55+s3+$0x0], $0xffff;
	[tilespmem:s1+$0xFFFFFF60] =	vst v19  }
0x33b: {  	v12 =	vmul.f32 v2, v12;
	v19 =	vmul.f32 v42, v39;
	v28 =	vld.idx.msk [tilespmem:v32+s18+$0x0], $0xffff;
	v3 =	vmax.f32 v34, $0.0e+00;
	[tilespmem:s1+$0xFFFFFF70] =	vst v23  }
0x33c: {  	v13 =	vmul.f32 v1, v13;
	v2 =	vmovc v26;
	v23 =	vmul.f32 v43, v29;
	v29 =	vld.idx.msk [tilespmem:v56+s3+$0x0], $0xffff;
	v3 =	vmin.f32 v3, $4.095000000e+03  }
0x33d: {  	v14 =	vadd.f32 v14, v15;
	v1 =	vmovc v25;
	v22 =	vmul.f32 v37, v22;
	v26 =	vld.idx.msk [tilespmem:v57+s3+$0x0], $0xffff;
	v31 =	vtrunc.f32 v3  }
0x33e: {  	v20 =	vadd.f32 v20, v30;
	v27 =	vmul.f32 v41, v27;
	v25 =	vld.idx.msk [tilespmem:v51+s18+$0x0], $0xffff;
	v15 =	vcvt.f32.s32 v31  }
0x33f: {  	v11 =	vmul.f32 v0, v11;
	v12 =	vadd.f32 v12, v18;
	v31 =	vmul.f32 v49, v36;
	v30 =	vld.idx.msk [tilespmem:v52+s18+$0x0], $0xffff  }
0x340: {  	v13 =	vadd.f32 v13, v16;
	v0 =	vmov v24;
	v21 =	vmul.f32 v35, v21;
	v18 =	vld.idx.msk [tilespmem:v33+s18+$0x0], $0xffff;
	[tilespmem:s11+$0xFFFFFF90] =	vst v14  }
0x341: {  	v11 =	vadd.f32 v11, v17;
	v16 =	vadd.f32 v31, v28;
	v14 =	vld.idx.msk [tilespmem:v53+s18+$0x0], $0xffff;
	[tilespmem:s11+$0xFFFFFFA0] =	vst v20  }
0x342: {  	v20 =	vmul.f32 v44, v29;
	v17 =	vld.idx.msk [tilespmem:v55+s18+$0x0], $0xffff;
	[tilespmem:s17+$0xFFFFFFD0] =	vst v12  }
0x343: {  	v26 =	vmul.f32 v48, v26;
	v24 =	vld.idx.msk [tilespmem:v56+s18+$0x0], $0xffff;
	[tilespmem:s23+$0xFFFFFF80] =	vst v16  }
0x344: {  	v12 =	vadd.f32 v19, v25;
	v16 =	vld [tilespmem:s26+$0x0];
	[tilespmem:s17+$0xFFFFFFE0] =	vst v13  }
0x345: {  	v13 =	vadd.f32 v23, v30;
	v19 =	vld.idx.msk [tilespmem:v57+s18+$0x0], $0xffff;
	[tilespmem:s17+$0xFFFFFFF0] =	vst v11;
	s17 =	smov.u32 s11;
	s11 =	smov.u32 s1;
	s1 =	smov.u32 s23  }
0x346: {  	v11 =	vadd.f32 v22, v18;
	[tilespmem:s23+$0xFFFFFE90] =	vst v12;
	v18 =	vld [tilespmem:s21+$0xFFFFFFA0]  }
0x347: {  	v14 =	vadd.f32 v27, v14;
	v22 =	vld [tilespmem:s26+$0xFFFFFF10];
	[tilespmem:s23+$0xFFFFFEA0] =	vst v13  }
.Ltmp6:
0x348: {  	v13 =	vld [tilespmem:s26+$0xFFFFFF20];
	[tilespmem:s23+$0xFFFFFEB0] =	vst v11;
	v11 =	vadd.f32 v21, v17;
	(pc) =	sbr.rel @p2 .LBB2_9-.Ltmp6, $4  }
0x349: {  	v17 =	vadd.f32 v20, v24;
	v12 =	vld [tilespmem:s26+$0xFFFFFF30];
	[tilespmem:s23+$0xFFFFFEC0] =	vst v14;
	v20 =	vmul.f32 $1.000000000e+03, v16  }
0x34a: {  	v14 =	vld [tilespmem:s26+$0xFFFFFF40];
	[tilespmem:s23+$0xFFFFFED0] =	vst v11  }
0x34b: {  	v16 =	vadd.f32 v26, v19;
	v11 =	vld [tilespmem:s26+$0xFFFFFF50];
	[tilespmem:s23+$0xFFFFFEE0] =	vst v17;
	v20 =	vadd.f32 $2.048000000e+03, v20;
	v17 =	vmul.f32 $1.000000000e+03, v18  }
0x34c: {  	s26 =	sadd.s32 $0x200, s26;
	v19 =	vmul.f32 $1.000000000e+03, v22;
	v18 =	vld [tilespmem:s22+$0xFFFFFF60]  }
0x34d: {  	v24 =	vld [tilespmem:s21+$0xFFFFFFB0]  }
0x34e: {  	v56 =	vld [tilespmem:s21+$0xFFFFFFC0]  }
0x34f: {  	v25 =	vld [tilespmem:s21+$0xFFFFFFD0]  }
0x350: {  	v27 =	vld [tilespmem:s21+$0xFFFFFFE0]  }
0x351: {  	v20 =	vmax.f32 v20, $0.0e+00;
	v28 =	vld [tilespmem:s21+$0xFFFFFFF0]  }
0x352: {  	v13 =	vmul.f32 $1.000000000e+03, v13;
	v29 =	vld.idx.msk [tilespmem:v15+s3+$0x0], $0xffff;
	v17 =	vadd.f32 $2.048000000e+03, v17;
	v20 =	vmin.f32 v20, $4.095000000e+03  }
0x353: {  	v35 =	vld.idx.msk [tilespmem:v5+s18+$0x0], $0xffff;
	v12 =	vmul.f32 $1.000000000e+03, v12;
	v19 =	vadd.f32 $2.048000000e+03, v19;
	v21 =	vtrunc.f32 v20  }
0x354: {  	v5 =	vld.idx.msk [tilespmem:v4+s18+$0x0], $0xffff;
	v13 =	vadd.f32 $2.048000000e+03, v13;
	v14 =	vmul.f32 $1.000000000e+03, v14;
	v17 =	vmax.f32 v17, $0.0e+00  }
0x355: {  	[tilespmem:s23+$0xFFFFFEF0] =	vst v16;
	v4 =	vld.idx.msk [tilespmem:v10+s18+$0x0], $0xffff;
	v21 =	vcvt.f32.s32 v21;
	v12 =	vadd.f32 $2.048000000e+03, v12;
	v11 =	vmul.f32 $1.000000000e+03, v11  }
0x356: {  	v22 =	vld [tilespmem:s22+$0xFFFFFF70];
	v19 =	vmax.f32 v19, $0.0e+00;
	v17 =	vmin.f32 v17, $4.095000000e+03;
	v14 =	vadd.f32 $2.048000000e+03, v14  }
0x357: {  	v26 =	vmax.f32 v13, $0.0e+00;
	v19 =	vmin.f32 v19, $4.095000000e+03;
	v13 =	vld.idx.msk [tilespmem:v10+s3+$0x0], $0xffff;
	v12 =	vmax.f32 v12, $0.0e+00  }
0x358: {  	v11 =	vadd.f32 $2.048000000e+03, v11;
	v30 =	vtrunc.f32 v19;
	v32 =	vmin.f32 v12, $4.095000000e+03;
	v12 =	vld.idx.msk [tilespmem:v8+s3+$0x0], $0xffff  }
0x359: {  	v18 =	vmul.f32 $1.000000000e+03, v18;
	v26 =	vmin.f32 v26, $4.095000000e+03;
	v30 =	vcvt.f32.s32 v30;
	v8 =	vld.idx.msk [tilespmem:v8+s18+$0x0], $0xffff  }
0x35a: {  	v14 =	vmax.f32 v14, $0.0e+00;
	v34 =	vtrunc.f32 v26;
	v31 =	vmax.f32 v11, $0.0e+00;
	v11 =	vld.idx.msk [tilespmem:v9+s3+$0x0], $0xffff  }
0x35b: {  	v49 =	vtrunc.f32 v17;
	v33 =	vmin.f32 v14, $4.095000000e+03;
	v14 =	vld.idx.msk [tilespmem:v15+s18+$0x0], $0xffff;
	v34 =	vcvt.f32.s32 v34  }
0x35c: {  	v24 =	vmul.f32 $1.000000000e+03, v24;
	v57 =	vtrunc.f32 v32;
	v9 =	vld.idx.msk [tilespmem:v9+s18+$0x0], $0xffff  }
0x35d: {  	v44 =	vmul.f32 $1.000000000e+03, v56;
	v15 =	vcvt.f32.s32 v57;
	v23 =	vld.idx.msk [tilespmem:v21+s3+$0x0], $0xffff  }
0x35e: {  	v45 =	vmul.f32 $1.000000000e+03, v25;
	v18 =	vadd.f32 $2.048000000e+03, v18;
	v36 =	vtrunc.f32 v33;
	v16 =	vld.idx.msk [tilespmem:v21+s18+$0x0], $0xffff  }
0x35f: {  	v22 =	vmul.f32 $1.000000000e+03, v22;
	v36 =	vcvt.f32.s32 v36;
	v39 =	vld.idx.msk [tilespmem:v30+s3+$0x0], $0xffff  }
0x360: {  	v27 =	vmul.f32 $1.000000000e+03, v27;
	v18 =	vmax.f32 v18, $0.0e+00;
	v31 =	vmin.f32 v31, $4.095000000e+03;
	v60 =	vld.idx.msk [tilespmem:v30+s18+$0x0], $0xffff  }
0x361: {  	v22 =	vadd.f32 $2.048000000e+03, v22;
	v58 =	vtrunc.f32 v31;
	v21 =	vcvt.f32.s32 v49;
	v61 =	vld.idx.msk [tilespmem:v34+s3+$0x0], $0xffff  }
0x362: {  	v28 =	vmul.f32 $1.000000000e+03, v28;
	v18 =	vmin.f32 v18, $4.095000000e+03;
	v38 =	vcvt.f32.s32 v58;
	v34 =	vld.idx.msk [tilespmem:v34+s18+$0x0], $0xffff  }
0x363: {  	v3 =	vmul.f32 v3, v29;
	v22 =	vmax.f32 v22, $0.0e+00;
	v37 =	vtrunc.f32 v18;
	v41 =	vld.idx.msk [tilespmem:v15+s3+$0x0], $0xffff  }
0x364: {  	v7 =	vadd.f32 v7, v35;
	v22 =	vmin.f32 v22, $4.095000000e+03;
	v37 =	vcvt.f32.s32 v37;
	v15 =	vld.idx.msk [tilespmem:v15+s18+$0x0], $0xffff  }
0x365: {  	v5 =	vadd.f32 v6, v5;
	v24 =	vadd.f32 $2.048000000e+03, v24;
	v59 =	vtrunc.f32 v22;
	v62 =	vld.idx.msk [tilespmem:v36+s3+$0x0], $0xffff  }
0x366: {  	v27 =	vadd.f32 $2.048000000e+03, v27;
	v28 =	vadd.f32 $2.048000000e+03, v28;
	v40 =	vcvt.f32.s32 v59;
	v36 =	vld.idx.msk [tilespmem:v36+s18+$0x0], $0xffff  }
0x367: {  	v47 =	vadd.f32 $2.048000000e+03, v44;
	v48 =	vadd.f32 $2.048000000e+03, v45;
	v24 =	vmax.f32 v24, $0.0e+00;
	v55 =	vld.idx.msk [tilespmem:v21+s3+$0x0], $0xffff  }
0x368: {  	v27 =	vmax.f32 v27, $0.0e+00;
	v28 =	vmax.f32 v28, $0.0e+00;
	v2 =	vmul.f32 v2, v13;
	v63 =	vld.idx.msk [tilespmem:v38+s3+$0x0], $0xffff  }
0x369: {  	v24 =	vmin.f32 v24, $4.095000000e+03;
	v27 =	vmin.f32 v27, $4.095000000e+03;
	v50 =	vld.idx.msk [tilespmem:v38+s18+$0x0], $0xffff;
	v19 =	vmul.f32 v19, v39  }
0x36a: {  	v28 =	vmin.f32 v28, $4.095000000e+03;
	v54 =	vtrunc.f32 v24;
	v42 =	vld.idx.msk [tilespmem:v37+s3+$0x0], $0xffff;
	v26 =	vmul.f32 v26, v61  }
0x36b: {  	v2 =	vadd.f32 v2, v4;
	v51 =	vld.idx.msk [tilespmem:v37+s18+$0x0], $0xffff;
	v10 =	vadd.f32 v19, v60;
	v32 =	vmul.f32 v32, v41  }
0x36c: {  	v0 =	vmul.f32 v0, v12;
	v20 =	vmul.f32 v20, v23;
	v46 =	vld.idx.msk [tilespmem:v40+s3+$0x0], $0xffff;
	v26 =	vadd.f32 v26, v34  }
0x36d: {  	v44 =	vtrunc.f32 v27;
	v52 =	vld.idx.msk [tilespmem:v40+s18+$0x0], $0xffff;
	v33 =	vmul.f32 v33, v62;
	[tilespmem:s1+$0xFFFFFF10] =	vst v10;
	v15 =	vadd.f32 v32, v15  }
0x36e: {  	v1 =	vmul.f32 v1, v11;
	v16 =	vadd.f32 v20, v16;
	v23 =	vmul.f32 v31, v63;
	v43 =	vld [tilespmem:s22+$0xFFFFFF90];
	[tilespmem:s1+$0xFFFFFF20] =	vst v26  }
0x36f: {  	v60 =	vcvt.f32.s32 v54;
	v18 =	vmul.f32 v18, v42;
	v56 =	vadd.f32 v33, v36;
	[tilespmem:s1+$0xFFFFFF30] =	vst v15;
	v59 =	vld [tilespmem:s22+$0xFFFFFFA0]  }
0x370: {  	v19 =	vmax.f32 v48, $0.0e+00;
	v34 =	vcvt.f32.s32 v44;
	v23 =	vadd.f32 v23, v50;
	v62 =	vld [tilespmem:s22+$0xFFFFFFB0]  }
0x371: {  	v21 =	vld.idx.msk [tilespmem:v21+s18+$0x0], $0xffff;
	v10 =	vmax.f32 v47, $0.0e+00;
	v22 =	vmul.f32 v22, v46;
	v18 =	vadd.f32 v18, v51;
	[tilespmem:s1+$0xFFFFFF40] =	vst v56  }
0x372: {  	v17 =	vmul.f32 v17, v55;
	v47 =	vtrunc.f32 v28;
	v38 =	vmin.f32 v10, $4.095000000e+03;
	[tilespmem:s1+$0xFFFFFF50] =	vst v23;
	v40 =	vld [tilespmem:s22+$0xFFFFFFC0]  }
0x373: {  	v20 =	vcvt.f32.s32 v47;
	v22 =	vadd.f32 v22, v52;
	[tilespmem:s1+$0xFFFFFF60] =	vst v18;
	v53 =	vmul.f32 $1.000000000e+03, v43;
	v43 =	vld [tilespmem:s22+$0xFFFFFFD0]  }
0x374: {  	v10 =	vmin.f32 v19, $4.095000000e+03;
	v58 =	vtrunc.f32 v38;
	v45 =	vld [tilespmem:s22+$0xFFFFFFE0];
	v15 =	vmul.f32 $1.000000000e+03, v59  }
0x375: {  	v41 =	vtrunc.f32 v10;
	v48 =	vld.idx.msk [tilespmem:v60+s3+$0x0], $0xffff;
	[tilespmem:s1+$0xFFFFFF70] =	vst v22;
	v57 =	vadd.f32 $2.048000000e+03, v53;
	v26 =	vmul.f32 $1.000000000e+03, v62  }
0x376: {  	v63 =	vcvt.f32.s32 v58;
	v32 =	vcvt.f32.s32 v41;
	v46 =	vld [tilespmem:s22+$0xFFFFFFF0];
	v15 =	vadd.f32 $2.048000000e+03, v15  }
0x377: {  	v25 =	vld.idx.msk [tilespmem:v60+s18+$0x0], $0xffff;
	v23 =	vmul.f32 $1.000000000e+03, v40;
	v61 =	vmax.f32 v57, $0.0e+00;
	v26 =	vadd.f32 $2.048000000e+03, v26  }
0x378: {  	v54 =	vld.idx.msk [tilespmem:v34+s3+$0x0], $0xffff;
	v19 =	vmin.f32 v61, $4.095000000e+03;
	v15 =	vmax.f32 v15, $0.0e+00;
	v50 =	vmul.f32 $1.000000000e+03, v43  }
0x379: {  	v34 =	vld.idx.msk [tilespmem:v34+s18+$0x0], $0xffff;
	v22 =	vmul.f32 $1.000000000e+03, v45;
	v23 =	vadd.f32 $2.048000000e+03, v23;
	v42 =	vtrunc.f32 v19  }
0x37a: {  	v55 =	vld.idx.msk [tilespmem:v20+s3+$0x0], $0xffff;
	v15 =	vmin.f32 v15, $4.095000000e+03;
	v26 =	vmax.f32 v26, $0.0e+00;
	v18 =	vcvt.f32.s32 v42  }
0x37b: {  	v59 =	vld.idx.msk [tilespmem:v20+s18+$0x0], $0xffff;
	v52 =	vmul.f32 $1.000000000e+03, v46;
	v31 =	vadd.f32 $2.048000000e+03, v50;
	v56 =	vtrunc.f32 v15  }
0x37c: {  	v49 =	vld.idx.msk [tilespmem:v63+s3+$0x0], $0xffff;
	v23 =	vmax.f32 v23, $0.0e+00;
	v26 =	vmin.f32 v26, $4.095000000e+03;
	v41 =	vcvt.f32.s32 v56  }
0x37d: {  	v53 =	vld.idx.msk [tilespmem:v32+s3+$0x0], $0xffff;
	v22 =	vadd.f32 $2.048000000e+03, v22;
	v23 =	vmin.f32 v23, $4.095000000e+03;
	v57 =	vtrunc.f32 v26  }
0x37e: {  	v30 =	vld.idx.msk [tilespmem:v63+s18+$0x0], $0xffff;
	v35 =	vadd.f32 $2.048000000e+03, v52;
	v31 =	vmax.f32 v31, $0.0e+00;
	v42 =	vcvt.f32.s32 v57  }
0x37f: {  	v32 =	vld.idx.msk [tilespmem:v32+s18+$0x0], $0xffff;
	v58 =	vtrunc.f32 v23;
	v22 =	vmax.f32 v22, $0.0e+00;
	v31 =	vmin.f32 v31, $4.095000000e+03  }
0x380: {  	[tilespmem:s17+$0xFFFFFFB0] =	vst v7;
	v43 =	vcvt.f32.s32 v58;
	v22 =	vmin.f32 v22, $4.095000000e+03;
	v44 =	vtrunc.f32 v31;
	v51 =	vld.idx.msk [tilespmem:v18+s3+$0x0], $0xffff  }
0x381: {  	[tilespmem:s17+$0xFFFFFFC0] =	vst v5;
	v3 =	vadd.f32 v3, v14;
	v45 =	vtrunc.f32 v22;
	v44 =	vcvt.f32.s32 v44;
	v18 =	vld.idx.msk [tilespmem:v18+s18+$0x0], $0xffff  }
0x382: {  	[tilespmem:s17+$0xFFFFFFD0] =	vst v2;
	v35 =	vmax.f32 v35, $0.0e+00;
	v61 =	vcvt.f32.s32 v45;
	v62 =	vld.idx.msk [tilespmem:v41+s3+$0x0], $0xffff  }
0x383: {  	v0 =	vadd.f32 v0, v8;
	[tilespmem:s11+$0xFFFFFF90] =	vst v3;
	v1 =	vadd.f32 v1, v9;
	v35 =	vmin.f32 v35, $4.095000000e+03;
	v37 =	vld.idx.msk [tilespmem:v41+s18+$0x0], $0xffff  }
0x384: {  	[tilespmem:s23+$0x0] =	vst v16;
	v16 =	vadd.f32 v17, v21;
	v24 =	vmul.f32 v24, v48;
	v60 =	vtrunc.f32 v35;
	v17 =	vld.idx.msk [tilespmem:v42+s3+$0x0], $0xffff  }
0x385: {  	[tilespmem:s17+$0xFFFFFFF0] =	vst v0;
	v63 =	vcvt.f32.s32 v60;
	v52 =	vld.idx.msk [tilespmem:v42+s18+$0x0], $0xffff  }
0x386: {  	[tilespmem:s17+$0xFFFFFFE0] =	vst v1;
	v55 =	vmul.f32 v28, v55;
	v46 =	vadd.f32 v24, v25;
	v21 =	vld.idx.msk [tilespmem:v43+s3+$0x0], $0xffff  }
0x387: {  	[tilespmem:s11+$0xFFFFFFA0] =	vst v16;
	v41 =	vmul.f32 v38, v49;
	v45 =	vld.idx.msk [tilespmem:v44+s3+$0x0], $0xffff  }
0x388: {  	v6 =	vadd.f32 v55, v59;
	[tilespmem:s11+$0xFFFFFFB0] =	vst v46;
	v47 =	vmul.f32 v19, v51;
	v48 =	vld.idx.msk [tilespmem:v61+s3+$0x0], $0xffff  }
0x389: {  	v49 =	vadd.f32 v41, v30;
	v51 =	vmul.f32 v10, v53;
	v53 =	vmul.f32 v27, v54;
	v54 =	vld.idx.msk [tilespmem:v43+s18+$0x0], $0xffff  }
0x38a: {  	[tilespmem:s11+$0xFFFFFFF0] =	vst v6;
	v56 =	vld.idx.msk [tilespmem:v44+s18+$0x0], $0xffff;
	v4 =	vadd.f32 v47, v18  }
0x38b: {  	[tilespmem:s11+$0xFFFFFFC0] =	vst v49;
	v7 =	vmul.f32 v15, v62;
	v50 =	vld.idx.msk [tilespmem:v63+s3+$0x0], $0xffff;
	v1 =	vadd.f32 v51, v32  }
0x38c: {  	v57 =	vld.idx.msk [tilespmem:v61+s18+$0x0], $0xffff;
	v11 =	vmul.f32 v26, v17;
	v0 =	vadd.f32 v53, v34;
	[tilespmem:s1+$0xFFFFFF90] =	vst v4  }
0x38d: {  	v58 =	vld.idx.msk [tilespmem:v63+s18+$0x0], $0xffff;
	v5 =	vadd.f32 v7, v37;
	v3 =	vmul.f32 v23, v21;
	[tilespmem:s11+$0xFFFFFFD0] =	vst v1  }
0x38e: {  	[tilespmem:s11+$0xFFFFFFE0] =	vst v0;
	v59 =	vadd.f32 v11, v52;
	v2 =	vmul.f32 v31, v45  }
0x38f: {  	[tilespmem:s1+$0xFFFFFFA0] =	vst v5;
	v3 =	vadd.f32 v3, v54;
	v60 =	vmul.f32 v22, v48  }
0x390: {  	[tilespmem:s1+$0xFFFFFFB0] =	vst v59;
	v61 =	vadd.f32 v2, v56;
	v62 =	vmul.f32 v35, v50  }
.Ltmp7:
0x391: {  	[tilespmem:s1+$0xFFFFFFC0] =	vst v3;
	v63 =	vadd.f32 v60, v57;
	(pc) =	sbr.rel @p1 .LBB2_12-.Ltmp7, $4  }
0x392: {  	v1 =	vadd.f32 v62, v58;
	[tilespmem:s1+$0xFFFFFFD0] =	vst v61  }
0x393: {  	[tilespmem:s1+$0xFFFFFFE0] =	vst v63  }
0x394: {  	s24 =	sadd.s32 s10, s14;
	s26 =	simm.s32 $0xC000;
	[tilespmem:s1+$0xFFFFFFF0] =	vst v1  }
0x395: {  	[hbm4b:s24+s19] =	stream.strided.scatter [tilespmem:s26], [sflag:$0x6], $0x2000, s20, s19, $0x38;
	[tilespmem:$0x12000] =	vst v63  }
.Ltmp8:
0x396: {  	(pc) =	sbr.rel .LBB2_13-.Ltmp8, $4  }
0x397: {  	_ = 	snop  }
0x398: {  	_ =	swait.ge [sflag:s31], $0x2000  }
0x399: {  	[sflag:s31] =	ssyncset.done $0x0  }
0x39a: {  	[sflag:s31] =	ssyncadd.s32 $0xFFFFE000  }
.LBB2_12:
0x39b: {  	s1 =	sadd.s32 s16, s13  }
0x39c: {  	s1 =	sshrl.u32 s1, $0x3  }
.Ltmp9:
0x39d: {  	s11 =	simm.s32 $0x4000;
	s1 =	sadd.s32 s1, s8;
	(pc) =	sbr.rel @p0 .LBB2_14-.Ltmp9, $4  }
0x39e: {  	[tilespmem:s11], [sflag:$0x2] =	stream.strided.gather [hbm4b:s1+s19], $0x2000, s20, s19, $0x38;
	[tilespmem:$0x12000] =	vst v63  }
0x39f: {  	_ =	swait.ge [sflag:s31], $0x2000  }
0x3a0: {  	[sflag:s31] =	ssyncset.done $0x0  }
0x3a1: {  	[sflag:s31] =	ssyncadd.s32 $0xFFFFE000  }
.LBB2_13:
0x3a2: {  	_ =	swait.ge [sflag:s0], $0x2000  }
0x3a3: {  	[sflag:s0] =	ssyncset.done $0x0  }
0x3a4: {  	[sflag:s0] =	ssyncadd.s32 $0xFFFFE000  }
.LBB2_14:
0x3a5: {  	s11 =	simm.s32 $0x0  }
0x3a6: {  	v0 =	vld [tilespmem:s11+$0x6070]  }
0x3a7: {  	v1 =	vld [tilespmem:s11+$0x6000]  }
0x3a8: {  	v2 =	vld [tilespmem:s11+$0x6010]  }
0x3a9: {  	v3 =	vld [tilespmem:s11+$0x6020]  }
0x3aa: {  	v4 =	vld [tilespmem:s11+$0x6030]  }
0x3ab: {  	v5 =	vld [tilespmem:s11+$0x6040]  }
0x3ac: {  	v6 =	vld [tilespmem:s11+$0x6050]  }
0x3ad: {  	v7 =	vld [tilespmem:s11+$0x6060]  }
0x3ae: {  	v8 =	vld [tilespmem:s11+$0x6080]  }
0x3af: {  	v9 =	vld [tilespmem:s11+$0x6090]  }
0x3b0: {  	v10 =	vld [tilespmem:s11+$0x60A0]  }
0x3b1: {  	v30 =	vld [tilespmem:s11+$0x6170]  }
0x3b2: {  	v12 =	vld [tilespmem:s11+$0x60F0];
	v0 =	vmul.f32 $1.000000000e+03, v0;
	v1 =	vmul.f32 $1.000000000e+03, v1  }
0x3b3: {  	v14 =	vld [tilespmem:s11+$0x60C0];
	v2 =	vmul.f32 $1.000000000e+03, v2;
	v3 =	vmul.f32 $1.000000000e+03, v3  }
0x3b4: {  	v16 =	vld [tilespmem:s11+$0x60D0];
	v4 =	vmul.f32 $1.000000000e+03, v4;
	v5 =	vmul.f32 $1.000000000e+03, v5  }
0x3b5: {  	v18 =	vld [tilespmem:s11+$0x60E0];
	v6 =	vmul.f32 $1.000000000e+03, v6;
	v7 =	vmul.f32 $1.000000000e+03, v7  }
0x3b6: {  	s17 =	simm.s32 $0x200;
	v26 =	vld [tilespmem:s11+$0x6130];
	v30 =	vmul.f32 $1.000000000e+03, v30;
	v8 =	vmul.f32 $1.000000000e+03, v8  }
0x3b7: {  	v41 =	vld [tilespmem:s17+$0x6090];
	v9 =	vmul.f32 $1.000000000e+03, v9;
	v10 =	vmul.f32 $1.000000000e+03, v10  }
0x3b8: {  	v13 =	vld [tilespmem:s11+$0x60B0];
	v14 =	vmul.f32 $1.000000000e+03, v14;
	v0 =	vadd.f32 $2.048000000e+03, v0;
	v1 =	vadd.f32 $2.048000000e+03, v1  }
0x3b9: {  	v31 =	vld [tilespmem:s11+$0x6140];
	v16 =	vmul.f32 $1.000000000e+03, v16;
	v2 =	vadd.f32 $2.048000000e+03, v2;
	v3 =	vadd.f32 $2.048000000e+03, v3  }
0x3ba: {  	v33 =	vld [tilespmem:s11+$0x6150];
	v18 =	vmul.f32 $1.000000000e+03, v18;
	v4 =	vadd.f32 $2.048000000e+03, v4;
	v5 =	vadd.f32 $2.048000000e+03, v5  }
0x3bb: {  	v34 =	vld [tilespmem:s11+$0x6160];
	v26 =	vmul.f32 $1.000000000e+03, v26;
	v6 =	vadd.f32 $2.048000000e+03, v6;
	v7 =	vadd.f32 $2.048000000e+03, v7  }
0x3bc: {  	v36 =	vld [tilespmem:s11+$0x61F0];
	v41 =	vmul.f32 $1.000000000e+03, v41;
	v30 =	vadd.f32 $2.048000000e+03, v30;
	v8 =	vadd.f32 $2.048000000e+03, v8  }
0x3bd: {  	v53 =	vld [tilespmem:s11+$0x61C0];
	v9 =	vadd.f32 $2.048000000e+03, v9;
	v10 =	vadd.f32 $2.048000000e+03, v10;
	v0 =	vmax.f32 v0, $0.0e+00  }
0x3be: {  	v54 =	vld [tilespmem:s11+$0x61D0];
	v1 =	vmax.f32 v1, $0.0e+00;
	v2 =	vmax.f32 v2, $0.0e+00;
	v15 =	vmax.f32 v3, $0.0e+00  }
0x3bf: {  	v58 =	vld [tilespmem:s17+$0x6000];
	v4 =	vmax.f32 v4, $0.0e+00;
	v6 =	vmax.f32 v6, $0.0e+00;
	v0 =	vmin.f32 v0, $4.095000000e+03  }
0x3c0: {  	v59 =	vld [tilespmem:s17+$0x6010];
	v17 =	vmin.f32 v1, $4.095000000e+03;
	v1 =	vmax.f32 v5, $0.0e+00;
	v11 =	vtrunc.f32 v0  }
0x3c1: {  	v61 =	vld [tilespmem:s17+$0x6020];
	v19 =	vmin.f32 v2, $4.095000000e+03;
	v2 =	vmax.f32 v7, $0.0e+00;
	v11 =	vcvt.f32.s32 v11  }
0x3c2: {  	v62 =	vld [tilespmem:s17+$0x6030];
	v7 =	vmul.f32 $1.000000000e+03, v12;
	v12 =	vmin.f32 v15, $4.095000000e+03;
	v21 =	vtrunc.f32 v17  }
0x3c3: {  	v60 =	vld [tilespmem:s17+$0x6080];
	v22 =	vmin.f32 v2, $4.095000000e+03;
	v2 =	vtrunc.f32 v19;
	v21 =	vcvt.f32.s32 v21  }
0x3c4: {  	v3 =	vld [tilespmem:s11+$0x6100];
	v4 =	vmin.f32 v4, $4.095000000e+03;
	v23 =	vtrunc.f32 v12;
	v32 =	vcvt.f32.s32 v2  }
0x3c5: {  	v5 =	vld [tilespmem:s11+$0x6110];
	v20 =	vmin.f32 v6, $4.095000000e+03;
	v24 =	vtrunc.f32 v4;
	v23 =	vcvt.f32.s32 v23  }
0x3c6: {  	v6 =	vld [tilespmem:s11+$0x6120];
	v27 =	vtrunc.f32 v20;
	v7 =	vadd.f32 $2.048000000e+03, v7;
	v24 =	vcvt.f32.s32 v24  }
0x3c7: {  	v14 =	vadd.f32 $2.048000000e+03, v14;
	v15 =	vmin.f32 v1, $4.095000000e+03;
	v27 =	vcvt.f32.s32 v27;
	v1 =	vld.idx.msk [tilespmem:v11+s3+$0x0], $0xffff  }
0x3c8: {  	v16 =	vadd.f32 $2.048000000e+03, v16;
	v18 =	vadd.f32 $2.048000000e+03, v18;
	v7 =	vmax.f32 v7, $0.0e+00;
	v11 =	vld.idx.msk [tilespmem:v11+s18+$0x0], $0xffff  }
0x3c9: {  	v26 =	vadd.f32 $2.048000000e+03, v26;
	v30 =	vmax.f32 v30, $0.0e+00;
	v7 =	vmin.f32 v7, $4.095000000e+03;
	v35 =	vld.idx.msk [tilespmem:v21+s3+$0x0], $0xffff  }
0x3ca: {  	v8 =	vmax.f32 v8, $0.0e+00;
	v9 =	vmax.f32 v9, $0.0e+00;
	v29 =	vtrunc.f32 v7;
	v37 =	vld.idx.msk [tilespmem:v32+s3+$0x0], $0xffff  }
0x3cb: {  	v10 =	vmax.f32 v10, $0.0e+00;
	v14 =	vmax.f32 v14, $0.0e+00;
	v29 =	vcvt.f32.s32 v29;
	v39 =	vld.idx.msk [tilespmem:v23+s3+$0x0], $0xffff  }
0x3cc: {  	v16 =	vmax.f32 v16, $0.0e+00;
	v18 =	vmax.f32 v18, $0.0e+00;
	v40 =	vld.idx.msk [tilespmem:v24+s3+$0x0], $0xffff;
	v0 =	vmul.f32 v0, v1  }
0x3cd: {  	v30 =	vmin.f32 v30, $4.095000000e+03;
	v8 =	vmin.f32 v8, $4.095000000e+03;
	v28 =	vtrunc.f32 v22;
	v44 =	vld.idx.msk [tilespmem:v27+s3+$0x0], $0xffff  }
0x3ce: {  	v38 =	vtrunc.f32 v30;
	v28 =	vcvt.f32.s32 v28;
	v21 =	vld.idx.msk [tilespmem:v21+s18+$0x0], $0xffff;
	v11 =	vadd.f32 v0, v11  }
0x3cf: {  	v10 =	vmin.f32 v10, $4.095000000e+03;
	v47 =	vtrunc.f32 v8;
	v25 =	vtrunc.f32 v15;
	v23 =	vld.idx.msk [tilespmem:v23+s18+$0x0], $0xffff  }
0x3d0: {  	v16 =	vmin.f32 v16, $4.095000000e+03;
	v49 =	vtrunc.f32 v10;
	v25 =	vcvt.f32.s32 v25;
	v32 =	vld.idx.msk [tilespmem:v32+s18+$0x0], $0xffff;
	[tilespmem:s11+$0xE070] =	vst v11  }
0x3d1: {  	v18 =	vmin.f32 v18, $4.095000000e+03;
	v50 =	vtrunc.f32 v16;
	v11 =	vmul.f32 $1.000000000e+03, v13;
	v13 =	vld.idx.msk [tilespmem:v29+s3+$0x0], $0xffff  }
0x3d2: {  	v9 =	vmin.f32 v9, $4.095000000e+03;
	v52 =	vtrunc.f32 v18;
	v24 =	vld.idx.msk [tilespmem:v24+s18+$0x0], $0xffff;
	v12 =	vmul.f32 v12, v39  }
0x3d3: {  	v14 =	vmin.f32 v14, $4.095000000e+03;
	v38 =	vcvt.f32.s32 v38;
	v3 =	vmul.f32 $1.000000000e+03, v3;
	v29 =	vld.idx.msk [tilespmem:v29+s18+$0x0], $0xffff  }
0x3d4: {  	v5 =	vmul.f32 $1.000000000e+03, v5;
	v45 =	vld.idx.msk [tilespmem:v28+s3+$0x0], $0xffff;
	v12 =	vadd.f32 v12, v23;
	v23 =	vcvt.f32.s32 v49  }
0x3d5: {  	v6 =	vmul.f32 $1.000000000e+03, v6;
	v3 =	vadd.f32 $2.048000000e+03, v3;
	v27 =	vld.idx.msk [tilespmem:v27+s18+$0x0], $0xffff;
	v46 =	vmul.f32 v4, v40  }
0x3d6: {  	v5 =	vadd.f32 $2.048000000e+03, v5;
	v7 =	vmul.f32 v7, v13;
	v13 =	vmul.f32 v17, v35;
	v17 =	vld.idx.msk [tilespmem:v25+s3+$0x0], $0xffff  }
0x3d7: {  	v51 =	vcvt.f32.s32 v47;
	v6 =	vadd.f32 $2.048000000e+03, v6;
	v28 =	vld.idx.msk [tilespmem:v28+s18+$0x0], $0xffff;
	v24 =	vadd.f32 v46, v24  }
0x3d8: {  	v2 =	vld [tilespmem:s11+$0x6180];
	v19 =	vmul.f32 v19, v37;
	v20 =	vmul.f32 v20, v44;
	[tilespmem:s11+$0xE020] =	vst v12;
	v7 =	vadd.f32 v7, v29  }
0x3d9: {  	v6 =	vmax.f32 v6, $0.0e+00;
	v1 =	vld [tilespmem:s11+$0x61A0];
	v22 =	vmul.f32 v22, v45;
	[tilespmem:s11+$0xE030] =	vst v24;
	v29 =	vmul.f32 $1.000000000e+03, v36  }
0x3da: {  	v20 =	vadd.f32 v20, v27;
	v27 =	vmul.f32 $1.000000000e+03, v31;
	v11 =	vadd.f32 $2.048000000e+03, v11;
	v24 =	vld.idx.msk [tilespmem:v23+s3+$0x0], $0xffff;
	[tilespmem:s11+$0xE0F0] =	vst v7  }
0x3db: {  	v7 =	vadd.f32 $2.048000000e+03, v29;
	v29 =	vld.idx.msk [tilespmem:v38+s3+$0x0], $0xffff;
	v15 =	vmul.f32 v15, v17;
	v17 =	vtrunc.f32 v9  }
0x3dc: {  	v0 =	vld [tilespmem:s11+$0x6190];
	v22 =	vadd.f32 v22, v28;
	v11 =	vmax.f32 v11, $0.0e+00;
	v17 =	vcvt.f32.s32 v17  }
0x3dd: {  	v27 =	vadd.f32 $2.048000000e+03, v27;
	v11 =	vmin.f32 v11, $4.095000000e+03;
	v4 =	vmax.f32 v7, $0.0e+00;
	v7 =	vld.idx.msk [tilespmem:v38+s18+$0x0], $0xffff  }
0x3de: {  	v19 =	vadd.f32 v19, v32;
	v13 =	vadd.f32 v13, v21;
	v21 =	vld.idx.msk [tilespmem:v25+s18+$0x0], $0xffff;
	v25 =	vtrunc.f32 v11  }
0x3df: {  	v6 =	vmin.f32 v6, $4.095000000e+03;
	v32 =	vld [tilespmem:s17+$0x60C0];
	[tilespmem:s11+$0xE060] =	vst v22;
	v22 =	vmax.f32 v27, $0.0e+00;
	v25 =	vcvt.f32.s32 v25  }
0x3e0: {  	[tilespmem:s11+$0xE010] =	vst v19;
	v10 =	vmul.f32 v10, v24;
	v24 =	vmin.f32 v22, $4.095000000e+03;
	v22 =	vld.idx.msk [tilespmem:v23+s18+$0x0], $0xffff;
	v29 =	vmul.f32 v30, v29  }
0x3e1: {  	v2 =	vmul.f32 $1.000000000e+03, v2;
	v3 =	vmax.f32 v3, $0.0e+00;
	v56 =	vtrunc.f32 v6;
	[tilespmem:s11+$0xE000] =	vst v13;
	v13 =	vld [tilespmem:s11+$0x61E0]  }
0x3e2: {  	v31 =	vmul.f32 $1.000000000e+03, v34;
	v30 =	vtrunc.f32 v14;
	v7 =	vadd.f32 v29, v7;
	v12 =	vld.idx.msk [tilespmem:v17+s3+$0x0], $0xffff  }
0x3e3: {  	v5 =	vmax.f32 v5, $0.0e+00;
	v28 =	vmul.f32 $1.000000000e+03, v33;
	v19 =	vld.idx.msk [tilespmem:v51+s3+$0x0], $0xffff;
	v30 =	vcvt.f32.s32 v30  }
0x3e4: {  	v33 =	vcvt.f32.s32 v56;
	v4 =	vmin.f32 v4, $4.095000000e+03;
	v29 =	vld [tilespmem:s11+$0x61B0];
	[tilespmem:s11+$0xE170] =	vst v7;
	v7 =	vadd.f32 v15, v21  }
0x3e5: {  	v5 =	vmin.f32 v5, $4.095000000e+03;
	[tilespmem:s11+$0xE050] =	vst v20;
	v48 =	vtrunc.f32 v4;
	v17 =	vld.idx.msk [tilespmem:v17+s18+$0x0], $0xffff;
	v15 =	vcvt.f32.s32 v50  }
0x3e6: {  	v31 =	vadd.f32 $2.048000000e+03, v31;
	v20 =	vmax.f32 v26, $0.0e+00;
	v35 =	vcvt.f32.s32 v48;
	[tilespmem:s11+$0xE040] =	vst v7;
	v7 =	vld.idx.msk [tilespmem:v25+s3+$0x0], $0xffff  }
0x3e7: {  	v28 =	vadd.f32 $2.048000000e+03, v28;
	v20 =	vmin.f32 v20, $4.095000000e+03;
	v9 =	vmul.f32 v9, v12;
	v12 =	vld.idx.msk [tilespmem:v51+s18+$0x0], $0xffff  }
0x3e8: {  	v31 =	vmax.f32 v31, $0.0e+00;
	v57 =	vtrunc.f32 v20;
	v21 =	vcvt.f32.s32 v52;
	v25 =	vld.idx.msk [tilespmem:v25+s18+$0x0], $0xffff  }
0x3e9: {  	v28 =	vmax.f32 v28, $0.0e+00;
	v34 =	vcvt.f32.s32 v57;
	v23 =	vtrunc.f32 v5;
	v26 =	vld.idx.msk [tilespmem:v30+s3+$0x0], $0xffff  }
0x3ea: {  	v28 =	vmin.f32 v28, $4.095000000e+03;
	v23 =	vcvt.f32.s32 v23;
	v8 =	vmul.f32 v8, v19;
	v30 =	vld.idx.msk [tilespmem:v30+s18+$0x0], $0xffff  }
0x3eb: {  	v19 =	vmin.f32 v3, $4.095000000e+03;
	v9 =	vadd.f32 v9, v17;
	v17 =	vtrunc.f32 v28;
	v27 =	vld.idx.msk [tilespmem:v15+s3+$0x0], $0xffff  }
0x3ec: {  	v55 =	vld.idx.msk [tilespmem:v35+s3+$0x0], $0xffff;
	v7 =	vmul.f32 v11, v7;
	v11 =	vtrunc.f32 v19;
	v8 =	vadd.f32 v8, v12  }
0x3ed: {  	v31 =	vmin.f32 v31, $4.095000000e+03;
	v15 =	vld.idx.msk [tilespmem:v15+s18+$0x0], $0xffff;
	v11 =	vcvt.f32.s32 v11;
	v12 =	vtrunc.f32 v24  }
0x3ee: {  	v3 =	vld.idx.msk [tilespmem:v21+s3+$0x0], $0xffff;
	v14 =	vmul.f32 v14, v26;
	v12 =	vcvt.f32.s32 v12;
	[tilespmem:s11+$0xE080] =	vst v8;
	v8 =	vadd.f32 v10, v22  }
0x3ef: {  	v21 =	vld.idx.msk [tilespmem:v21+s18+$0x0], $0xffff;
	[tilespmem:s11+$0xE090] =	vst v9;
	v7 =	vadd.f32 v7, v25;
	v10 =	vcvt.f32.s32 v17;
	v17 =	vtrunc.f32 v31  }
0x3f0: {  	v16 =	vmul.f32 v16, v27;
	[tilespmem:s11+$0xE0A0] =	vst v8;
	v8 =	vadd.f32 v14, v30;
	v14 =	vcvt.f32.s32 v17;
	v17 =	vld.idx.msk [tilespmem:v23+s3+$0x0], $0xffff  }
0x3f1: {  	v41 =	vadd.f32 $2.048000000e+03, v41;
	v23 =	vld.idx.msk [tilespmem:v23+s18+$0x0], $0xffff  }
0x3f2: {  	v2 =	vadd.f32 $2.048000000e+03, v2;
	v40 =	vmul.f32 $1.000000000e+03, v60;
	[tilespmem:s11+$0xE0B0] =	vst v7;
	v7 =	vadd.f32 v16, v15;
	v15 =	vld.idx.msk [tilespmem:v33+s3+$0x0], $0xffff  }
0x3f3: {  	v41 =	vmax.f32 v41, $0.0e+00;
	v1 =	vmul.f32 $1.000000000e+03, v1;
	v9 =	vld.idx.msk [tilespmem:v11+s3+$0x0], $0xffff  }
0x3f4: {  	v2 =	vmax.f32 v2, $0.0e+00;
	v40 =	vadd.f32 $2.048000000e+03, v40;
	v0 =	vmul.f32 $1.000000000e+03, v0;
	[tilespmem:s11+$0xE0C0] =	vst v8;
	v8 =	vld.idx.msk [tilespmem:v34+s3+$0x0], $0xffff  }
0x3f5: {  	v1 =	vadd.f32 $2.048000000e+03, v1;
	v25 =	vmin.f32 v2, $4.095000000e+03;
	v3 =	vmul.f32 v18, v3;
	v2 =	vld.idx.msk [tilespmem:v11+s18+$0x0], $0xffff  }
0x3f6: {  	v41 =	vmin.f32 v41, $4.095000000e+03;
	v40 =	vmax.f32 v40, $0.0e+00;
	v32 =	vmul.f32 $1.000000000e+03, v32;
	[tilespmem:s11+$0xE0D0] =	vst v7;
	v16 =	vld.idx.msk [tilespmem:v12+s3+$0x0], $0xffff  }
0x3f7: {  	v0 =	vadd.f32 $2.048000000e+03, v0;
	v1 =	vmax.f32 v1, $0.0e+00;
	v3 =	vadd.f32 v3, v21;
	v21 =	vld.idx.msk [tilespmem:v10+s3+$0x0], $0xffff  }
0x3f8: {  	v32 =	vadd.f32 $2.048000000e+03, v32;
	v4 =	vmul.f32 v4, v55;
	v22 =	vld.idx.msk [tilespmem:v10+s18+$0x0], $0xffff;
	v10 =	vmul.f32 $1.000000000e+03, v13  }
0x3f9: {  	v0 =	vmax.f32 v0, $0.0e+00;
	[tilespmem:s11+$0xE0E0] =	vst v3;
	v3 =	vtrunc.f32 v25;
	v18 =	vld.idx.msk [tilespmem:v12+s18+$0x0], $0xffff;
	v12 =	vmul.f32 $1.000000000e+03, v54  }
0x3fa: {  	v3 =	vcvt.f32.s32 v3;
	v17 =	vmul.f32 v5, v17;
	v11 =	vld.idx.msk [tilespmem:v14+s3+$0x0], $0xffff;
	v13 =	vadd.f32 $2.048000000e+03, v10  }
0x3fb: {  	v30 =	vld.idx.msk [tilespmem:v14+s18+$0x0], $0xffff;
	v10 =	vmin.f32 v0, $4.095000000e+03;
	v15 =	vmul.f32 v6, v15;
	v7 =	vmul.f32 v19, v9  }
0x3fc: {  	v14 =	vld [tilespmem:s17+$0x6070];
	v9 =	vmul.f32 $1.000000000e+03, v29;
	v20 =	vmul.f32 v20, v8;
	v17 =	vadd.f32 v17, v23  }
0x3fd: {  	v42 =	vld [tilespmem:s17+$0x60A0];
	v0 =	vmax.f32 v13, $0.0e+00;
	v63 =	vmul.f32 v24, v16;
	v2 =	vadd.f32 v7, v2  }
0x3fe: {  	v48 =	vld [tilespmem:s17+$0x6170];
	v7 =	vmul.f32 $1.000000000e+03, v53;
	v9 =	vadd.f32 $2.048000000e+03, v9;
	v0 =	vmin.f32 v0, $4.095000000e+03  }
0x3ff: {  	v38 =	vmul.f32 v28, v21;
	v28 =	vld [tilespmem:s17+$0x6060];
	v16 =	vtrunc.f32 v0;
	v18 =	vadd.f32 v63, v18  }
0x400: {  	v35 =	vld.idx.msk [tilespmem:v35+s18+$0x0], $0xffff;
	[tilespmem:s11+$0xE100] =	vst v2;
	v2 =	vadd.f32 $2.048000000e+03, v7;
	v7 =	vadd.f32 $2.048000000e+03, v12;
	v12 =	vmax.f32 v9, $0.0e+00  }
0x401: {  	v26 =	vld.idx.msk [tilespmem:v34+s18+$0x0], $0xffff;
	v9 =	vmin.f32 v1, $4.095000000e+03;
	v8 =	vmul.f32 $1.000000000e+03, v14;
	v39 =	vmul.f32 v31, v11  }
0x402: {  	v19 =	vld.idx.msk [tilespmem:v33+s18+$0x0], $0xffff;
	v2 =	vmax.f32 v2, $0.0e+00;
	v29 =	vmax.f32 v7, $0.0e+00;
	v7 =	vmin.f32 v12, $4.095000000e+03  }
0x403: {  	v31 =	vld [tilespmem:s17+$0x60F0];
	v8 =	vadd.f32 $2.048000000e+03, v8;
	v1 =	vmin.f32 v2, $4.095000000e+03;
	v12 =	vtrunc.f32 v7  }
0x404: {  	v27 =	vld.idx.msk [tilespmem:v3+s3+$0x0], $0xffff;
	v2 =	vmin.f32 v29, $4.095000000e+03;
	v28 =	vmul.f32 $1.000000000e+03, v28;
	v13 =	vtrunc.f32 v1  }
0x405: {  	v24 =	vld [tilespmem:s17+$0x6040];
	v11 =	vtrunc.f32 v2;
	v8 =	vmax.f32 v8, $0.0e+00;
	v14 =	vcvt.f32.s32 v12  }
0x406: {  	v34 =	vld [tilespmem:s17+$0x60E0];
	v13 =	vcvt.f32.s32 v13;
	v29 =	vmin.f32 v8, $4.095000000e+03;
	v12 =	vcvt.f32.s32 v11  }
0x407: {  	v33 =	vld [tilespmem:s17+$0x60D0];
	v11 =	vcvt.f32.s32 v16;
	v16 =	vadd.f32 v15, v19;
	v19 =	vmul.f32 $1.000000000e+03, v58  }
0x408: {  	v21 =	vld [tilespmem:s17+$0x6050];
	v8 =	vadd.f32 v4, v35;
	v31 =	vmul.f32 $1.000000000e+03, v31;
	v4 =	vtrunc.f32 v29  }
0x409: {  	v35 =	vld [tilespmem:s17+$0x60B0];
	v28 =	vadd.f32 $2.048000000e+03, v28;
	v15 =	vmul.f32 v25, v27;
	v25 =	vmul.f32 $1.000000000e+03, v61  }
0x40a: {  	v27 =	vmul.f32 $1.000000000e+03, v24;
	v24 =	vld [tilespmem:s17+$0x6100];
	v23 =	vcvt.f32.s32 v4;
	v4 =	vadd.f32 v20, v26  }
0x40b: {  	v19 =	vadd.f32 $2.048000000e+03, v19;
	v26 =	vmul.f32 $1.000000000e+03, v62;
	v49 =	vmax.f32 v28, $0.0e+00;
	v28 =	vld [tilespmem:s17+$0x6140]  }
0x40c: {  	v40 =	vmin.f32 v40, $4.095000000e+03;
	v61 =	vadd.f32 $2.048000000e+03, v25;
	v27 =	vadd.f32 $2.048000000e+03, v27;
	v25 =	vld [tilespmem:s17+$0x6110]  }
0x40d: {  	v31 =	vadd.f32 $2.048000000e+03, v31;
	v43 =	vadd.f32 $2.048000000e+03, v26;
	v19 =	vmax.f32 v19, $0.0e+00;
	v26 =	vld [tilespmem:s17+$0x6120]  }
0x40e: {  	v20 =	vmul.f32 $1.000000000e+03, v59;
	v45 =	vmin.f32 v19, $4.095000000e+03;
	v19 =	vmax.f32 v27, $0.0e+00;
	v27 =	vld [tilespmem:s17+$0x6130]  }
0x40f: {  	v48 =	vmul.f32 $1.000000000e+03, v48;
	v31 =	vmax.f32 v31, $0.0e+00;
	v36 =	vmax.f32 v61, $0.0e+00;
	v61 =	vld [tilespmem:s17+$0x61F0]  }
0x410: {  	[tilespmem:s11+$0xE140] =	vst v18;
	v20 =	vadd.f32 $2.048000000e+03, v20;
	v46 =	vmin.f32 v31, $4.095000000e+03;
	v31 =	vtrunc.f32 v45;
	v44 =	vld.idx.msk [tilespmem:v23+s3+$0x0], $0xffff  }
0x411: {  	v32 =	vmax.f32 v32, $0.0e+00;
	v5 =	vtrunc.f32 v10;
	[tilespmem:s11+$0xE120] =	vst v16;
	v16 =	vld.idx.msk [tilespmem:v13+s3+$0x0], $0xffff;
	v51 =	vcvt.f32.s32 v31  }
0x412: {  	v34 =	vmul.f32 $1.000000000e+03, v34;
	v5 =	vcvt.f32.s32 v5;
	v20 =	vmax.f32 v20, $0.0e+00;
	v23 =	vld.idx.msk [tilespmem:v23+s18+$0x0], $0xffff  }
0x413: {  	v21 =	vmul.f32 $1.000000000e+03, v21;
	v47 =	vmin.f32 v20, $4.095000000e+03;
	v20 =	vtrunc.f32 v46;
	v31 =	vld [tilespmem:s17+$0x6150]  }
0x414: {  	v52 =	vmin.f32 v19, $4.095000000e+03;
	v50 =	vcvt.f32.s32 v20;
	v19 =	vtrunc.f32 v47;
	v20 =	vld [tilespmem:s17+$0x6180]  }
0x415: {  	v48 =	vadd.f32 $2.048000000e+03, v48;
	v54 =	vcvt.f32.s32 v19;
	v19 =	vld [tilespmem:s17+$0x6190];
	v44 =	vmul.f32 v29, v44  }
0x416: {  	v21 =	vadd.f32 $2.048000000e+03, v21;
	v43 =	vmax.f32 v43, $0.0e+00;
	v36 =	vmin.f32 v36, $4.095000000e+03;
	v29 =	vld [tilespmem:s17+$0x6160]  }
0x417: {  	v43 =	vmin.f32 v43, $4.095000000e+03;
	v53 =	vtrunc.f32 v36;
	v58 =	vld.idx.msk [tilespmem:v51+s3+$0x0], $0xffff;
	v23 =	vadd.f32 v44, v23  }
0x418: {  	v21 =	vmax.f32 v21, $0.0e+00;
	v55 =	vtrunc.f32 v43;
	v53 =	vcvt.f32.s32 v53;
	v51 =	vld.idx.msk [tilespmem:v51+s18+$0x0], $0xffff  }
0x419: {  	v34 =	vadd.f32 $2.048000000e+03, v34;
	v55 =	vcvt.f32.s32 v55;
	v44 =	vmin.f32 v21, $4.095000000e+03;
	v21 =	vld [tilespmem:s17+$0x61A0];
	[tilespmem:s17+$0xE070] =	vst v23  }
0x41a: {  	v49 =	vmin.f32 v49, $4.095000000e+03;
	v56 =	vtrunc.f32 v52;
	v23 =	vtrunc.f32 v44;
	v57 =	vld.idx.msk [tilespmem:v50+s3+$0x0], $0xffff  }
0x41b: {  	v56 =	vcvt.f32.s32 v56;
	v59 =	vcvt.f32.s32 v23;
	v50 =	vld.idx.msk [tilespmem:v50+s18+$0x0], $0xffff;
	v23 =	vmax.f32 v48, $0.0e+00  }
0x41c: {  	v33 =	vmul.f32 $1.000000000e+03, v33;
	v62 =	vtrunc.f32 v49;
	v48 =	vld.idx.msk [tilespmem:v54+s3+$0x0], $0xffff;
	v60 =	vmin.f32 v23, $4.095000000e+03  }
0x41d: {  	v54 =	vld.idx.msk [tilespmem:v54+s18+$0x0], $0xffff;
	v23 =	vadd.f32 v38, v22;
	v38 =	vmul.f32 $1.000000000e+03, v42;
	v42 =	vtrunc.f32 v60  }
0x41e: {  	v22 =	vadd.f32 v39, v30;
	v30 =	vmul.f32 $1.000000000e+03, v35;
	v35 =	vld.idx.msk [tilespmem:v53+s3+$0x0], $0xffff;
	v39 =	vcvt.f32.s32 v42  }
0x41f: {  	v32 =	vmin.f32 v32, $4.095000000e+03;
	v37 =	vcvt.f32.s32 v62;
	v42 =	vld.idx.msk [tilespmem:v55+s3+$0x0], $0xffff;
	[tilespmem:s11+$0xE150] =	vst v23;
	v46 =	vmul.f32 v46, v57  }
0x420: {  	v34 =	vmax.f32 v34, $0.0e+00;
	v33 =	vadd.f32 $2.048000000e+03, v33;
	v61 =	vmul.f32 $1.000000000e+03, v61;
	v18 =	vld.idx.msk [tilespmem:v12+s3+$0x0], $0xffff  }
0x421: {  	v6 =	vtrunc.f32 v9;
	v34 =	vmin.f32 v34, $4.095000000e+03;
	v57 =	vld.idx.msk [tilespmem:v56+s3+$0x0], $0xffff;
	v46 =	vadd.f32 v46, v50  }
0x422: {  	v6 =	vcvt.f32.s32 v6;
	v33 =	vmax.f32 v33, $0.0e+00;
	v63 =	vadd.f32 $2.048000000e+03, v61;
	v56 =	vld.idx.msk [tilespmem:v56+s18+$0x0], $0xffff  }
0x423: {  	v33 =	vmin.f32 v33, $4.095000000e+03;
	v24 =	vmul.f32 $1.000000000e+03, v24;
	v28 =	vmul.f32 $1.000000000e+03, v28;
	v62 =	vld.idx.msk [tilespmem:v59+s3+$0x0], $0xffff;
	[tilespmem:s17+$0xE0F0] =	vst v46  }
0x424: {  	v25 =	vmul.f32 $1.000000000e+03, v25;
	v45 =	vmul.f32 v45, v58;
	v58 =	vmax.f32 v63, $0.0e+00;
	v46 =	vld.idx.msk [tilespmem:v39+s3+$0x0], $0xffff  }
0x425: {  	v26 =	vmul.f32 $1.000000000e+03, v26;
	v47 =	vmul.f32 v47, v48;
	v48 =	vmin.f32 v58, $4.095000000e+03;
	v50 =	vld.idx.msk [tilespmem:v37+s3+$0x0], $0xffff  }
0x426: {  	v63 =	vtrunc.f32 v40;
	v38 =	vadd.f32 $2.048000000e+03, v38;
	v61 =	vtrunc.f32 v48;
	v39 =	vld.idx.msk [tilespmem:v39+s18+$0x0], $0xffff  }
0x427: {  	v30 =	vadd.f32 $2.048000000e+03, v30;
	v35 =	vmul.f32 v36, v35;
	v36 =	vld.idx.msk [tilespmem:v53+s18+$0x0], $0xffff;
	v53 =	vcvt.f32.s32 v61  }
0x428: {  	v38 =	vmax.f32 v38, $0.0e+00;
	v61 =	vtrunc.f32 v41;
	v37 =	vld.idx.msk [tilespmem:v37+s18+$0x0], $0xffff;
	v42 =	vmul.f32 v43, v42  }
0x429: {  	v30 =	vmax.f32 v30, $0.0e+00;
	v43 =	vld.idx.msk [tilespmem:v55+s18+$0x0], $0xffff;
	v58 =	vcvt.f32.s32 v61;
	v46 =	vmul.f32 v60, v46  }
0x42a: {  	v38 =	vmin.f32 v38, $4.095000000e+03;
	v30 =	vmin.f32 v30, $4.095000000e+03;
	v55 =	vld [tilespmem:s17+$0x61B0];
	v52 =	vmul.f32 v52, v57  }
0x42b: {  	v57 =	vld.idx.msk [tilespmem:v59+s18+$0x0], $0xffff;
	v49 =	vmul.f32 v49, v50;
	v50 =	vcvt.f32.s32 v63;
	v39 =	vadd.f32 v46, v39  }
0x42c: {  	v47 =	vadd.f32 v47, v54;
	v59 =	vld [tilespmem:s17+$0x61C0];
	v44 =	vmul.f32 v44, v62;
	v46 =	vtrunc.f32 v38  }
0x42d: {  	v28 =	vadd.f32 $2.048000000e+03, v28;
	v62 =	vld [tilespmem:s17+$0x61E0];
	v60 =	vtrunc.f32 v30;
	v46 =	vcvt.f32.s32 v46;
	[tilespmem:s17+$0xE170] =	vst v39  }
0x42e: {  	v27 =	vmul.f32 $1.000000000e+03, v27;
	[tilespmem:s17+$0xE010] =	vst v47;
	v39 =	vadd.f32 v45, v51;
	v51 =	vcvt.f32.s32 v60;
	v60 =	vld.idx.msk [tilespmem:v53+s3+$0x0], $0xffff  }
0x42f: {  	v25 =	vadd.f32 $2.048000000e+03, v25;
	v54 =	vtrunc.f32 v33;
	v35 =	vadd.f32 v35, v36;
	v47 =	vld.idx.msk [tilespmem:v58+s3+$0x0], $0xffff  }
0x430: {  	v26 =	vadd.f32 $2.048000000e+03, v26;
	v53 =	vld.idx.msk [tilespmem:v53+s18+$0x0], $0xffff;
	[tilespmem:s17+$0xE000] =	vst v39;
	v39 =	vcvt.f32.s32 v54;
	v54 =	vadd.f32 v49, v37  }
0x431: {  	v28 =	vmax.f32 v28, $0.0e+00;
	v42 =	vadd.f32 v42, v43;
	[tilespmem:s17+$0xE020] =	vst v35;
	v45 =	vtrunc.f32 v32;
	v43 =	vld.idx.msk [tilespmem:v50+s3+$0x0], $0xffff  }
0x432: {  	v31 =	vmul.f32 $1.000000000e+03, v31;
	v56 =	vadd.f32 v52, v56;
	v45 =	vcvt.f32.s32 v45;
	[tilespmem:s17+$0xE060] =	vst v54;
	v54 =	vld.idx.msk [tilespmem:v58+s18+$0x0], $0xffff  }
0x433: {  	v27 =	vadd.f32 $2.048000000e+03, v27;
	v63 =	vtrunc.f32 v34;
	[tilespmem:s17+$0xE030] =	vst v42;
	v52 =	vmul.f32 v48, v60;
	v48 =	vld.idx.msk [tilespmem:v46+s3+$0x0], $0xffff  }
0x434: {  	v36 =	vcvt.f32.s32 v63;
	[tilespmem:s17+$0xE040] =	vst v56;
	v56 =	vadd.f32 $2.048000000e+03, v24;
	v63 =	vadd.f32 v44, v57;
	v57 =	vld.idx.msk [tilespmem:v51+s3+$0x0], $0xffff  }
0x435: {  	v25 =	vmax.f32 v25, $0.0e+00;
	v28 =	vmin.f32 v28, $4.095000000e+03;
	v26 =	vmax.f32 v26, $0.0e+00;
	v46 =	vld.idx.msk [tilespmem:v46+s18+$0x0], $0xffff  }
0x436: {  	[tilespmem:s11+$0xE130] =	vst v4;
	v31 =	vadd.f32 $2.048000000e+03, v31;
	v29 =	vmul.f32 $1.000000000e+03, v29;
	v37 =	vmax.f32 v56, $0.0e+00;
	v56 =	vld.idx.msk [tilespmem:v51+s18+$0x0], $0xffff  }
0x437: {  	v25 =	vmin.f32 v25, $4.095000000e+03;
	v4 =	vtrunc.f32 v28;
	v27 =	vmax.f32 v27, $0.0e+00;
	v51 =	vld.idx.msk [tilespmem:v14+s3+$0x0], $0xffff  }
0x438: {  	[tilespmem:s11+$0xE110] =	vst v17;
	v26 =	vmin.f32 v26, $4.095000000e+03;
	v31 =	vmax.f32 v31, $0.0e+00;
	v29 =	vadd.f32 $2.048000000e+03, v29;
	v60 =	vld.idx.msk [tilespmem:v45+s3+$0x0], $0xffff  }
0x439: {  	v27 =	vmin.f32 v27, $4.095000000e+03;
	v17 =	vtrunc.f32 v26;
	v31 =	vmin.f32 v31, $4.095000000e+03;
	[tilespmem:s17+$0xE050] =	vst v63;
	v45 =	vld.idx.msk [tilespmem:v45+s18+$0x0], $0xffff  }
0x43a: {  	v29 =	vmax.f32 v29, $0.0e+00;
	v41 =	vmul.f32 v41, v47;
	v58 =	vtrunc.f32 v25;
	v63 =	vld.idx.msk [tilespmem:v39+s3+$0x0], $0xffff  }
0x43b: {  	v42 =	vcvt.f32.s32 v58;
	v24 =	vadd.f32 v52, v53;
	v35 =	vmul.f32 v40, v43;
	v52 =	vld.idx.msk [tilespmem:v36+s3+$0x0], $0xffff  }
0x43c: {  	v37 =	vmin.f32 v37, $4.095000000e+03;
	v53 =	vld.idx.msk [tilespmem:v50+s18+$0x0], $0xffff;
	v40 =	vcvt.f32.s32 v4;
	v4 =	vmul.f32 $1.000000000e+03, v20  }
0x43d: {  	v39 =	vld.idx.msk [tilespmem:v39+s18+$0x0], $0xffff;
	v23 =	vadd.f32 v41, v54;
	v54 =	vcvt.f32.s32 v17;
	v38 =	vmul.f32 v38, v48  }
0x43e: {  	v36 =	vld.idx.msk [tilespmem:v36+s18+$0x0], $0xffff;
	v4 =	vadd.f32 $2.048000000e+03, v4;
	v30 =	vmul.f32 v30, v57;
	v57 =	vtrunc.f32 v37  }
0x43f: {  	v29 =	vmin.f32 v29, $4.095000000e+03;
	v43 =	vld.idx.msk [tilespmem:v5+s3+$0x0], $0xffff;
	v32 =	vmul.f32 v32, v60;
	v60 =	vtrunc.f32 v27  }
0x440: {  	v50 =	vld.idx.msk [tilespmem:v6+s3+$0x0], $0xffff;
	v49 =	vcvt.f32.s32 v57;
	v57 =	vmul.f32 $1.000000000e+03, v62;
	v4 =	vmax.f32 v4, $0.0e+00  }
0x441: {  	v61 =	vld [tilespmem:s17+$0x61D0];
	[tilespmem:s17+$0xE090] =	vst v23;
	v33 =	vmul.f32 v33, v63;
	v34 =	vmul.f32 v34, v52;
	v35 =	vadd.f32 v35, v53  }
0x442: {  	[tilespmem:s11+$0xE160] =	vst v22;
	v63 =	vtrunc.f32 v31;
	v22 =	vadd.f32 v38, v46;
	v30 =	vadd.f32 v30, v56;
	v56 =	vld.idx.msk [tilespmem:v42+s3+$0x0], $0xffff  }
0x443: {  	v38 =	vcvt.f32.s32 v60;
	v52 =	vld.idx.msk [tilespmem:v42+s18+$0x0], $0xffff;
	v32 =	vadd.f32 v32, v45;
	v44 =	vcvt.f32.s32 v63;
	[tilespmem:s17+$0xE080] =	vst v35  }
0x444: {  	v20 =	vadd.f32 v33, v39;
	v35 =	vld.idx.msk [tilespmem:v3+s18+$0x0], $0xffff;
	v3 =	vmul.f32 $1.000000000e+03, v19;
	v19 =	vmul.f32 $1.000000000e+03, v21;
	[tilespmem:s17+$0xE0A0] =	vst v22  }
0x445: {  	v21 =	vadd.f32 v34, v36;
	v22 =	vmul.f32 $1.000000000e+03, v55;
	v55 =	vmul.f32 $1.000000000e+03, v59;
	[tilespmem:s17+$0xE0B0] =	vst v30;
	v58 =	vld.idx.msk [tilespmem:v54+s3+$0x0], $0xffff  }
0x446: {  	v30 =	vmul.f32 $1.000000000e+03, v61;
	v39 =	vadd.f32 $2.048000000e+03, v57;
	[tilespmem:s17+$0xE0C0] =	vst v32;
	v54 =	vld.idx.msk [tilespmem:v54+s18+$0x0], $0xffff;
	v3 =	vadd.f32 $2.048000000e+03, v3  }
0x447: {  	v53 =	vtrunc.f32 v29;
	v19 =	vadd.f32 $2.048000000e+03, v19;
	v22 =	vadd.f32 $2.048000000e+03, v22;
	v60 =	vld.idx.msk [tilespmem:v40+s3+$0x0], $0xffff  }
0x448: {  	v33 =	vcvt.f32.s32 v53;
	[tilespmem:s17+$0xE0D0] =	vst v20;
	v20 =	vadd.f32 $2.048000000e+03, v55;
	v30 =	vadd.f32 $2.048000000e+03, v30;
	v57 =	vld.idx.msk [tilespmem:v40+s18+$0x0], $0xffff  }
0x449: {  	[tilespmem:s17+$0xE0E0] =	vst v21;
	v23 =	vld.idx.msk [tilespmem:v49+s3+$0x0], $0xffff;
	v25 =	vmul.f32 v25, v56;
	v3 =	vmax.f32 v3, $0.0e+00;
	v21 =	vmax.f32 v19, $0.0e+00  }
0x44a: {  	v59 =	vld.idx.msk [tilespmem:v38+s3+$0x0], $0xffff;
	v19 =	vmin.f32 v4, $4.095000000e+03;
	v20 =	vmax.f32 v20, $0.0e+00;
	v30 =	vmax.f32 v30, $0.0e+00  }
0x44b: {  	v61 =	vld.idx.msk [tilespmem:v44+s3+$0x0], $0xffff;
	v4 =	vmin.f32 v3, $4.095000000e+03;
	v3 =	vmin.f32 v21, $4.095000000e+03;
	v20 =	vmin.f32 v20, $4.095000000e+03  }
0x44c: {  	v63 =	vld.idx.msk [tilespmem:v49+s18+$0x0], $0xffff;
	v53 =	vtrunc.f32 v19;
	v21 =	vmin.f32 v30, $4.095000000e+03;
	v26 =	vmul.f32 v26, v58  }
0x44d: {  	[tilespmem:s11+$0xE1F0] =	vst v8;
	v55 =	vld.idx.msk [tilespmem:v38+s18+$0x0], $0xffff;
	v8 =	vadd.f32 v15, v35;
	v30 =	vtrunc.f32 v4;
	v56 =	vtrunc.f32 v3  }
0x44e: {  	[tilespmem:s17+$0xE1F0] =	vst v24;
	v39 =	vmax.f32 v39, $0.0e+00;
	v62 =	vld.idx.msk [tilespmem:v33+s3+$0x0], $0xffff;
	v24 =	vtrunc.f32 v20;
	v28 =	vmul.f32 v28, v60  }
0x44f: {  	v22 =	vmax.f32 v22, $0.0e+00;
	[tilespmem:s11+$0xE180] =	vst v8;
	v8 =	vcvt.f32.s32 v53;
	v27 =	vmul.f32 v27, v59;
	v59 =	vld.idx.msk [tilespmem:v44+s18+$0x0], $0xffff  }
0x450: {  	v37 =	vmul.f32 v37, v23;
	v23 =	vmin.f32 v22, $4.095000000e+03;
	v58 =	vmul.f32 v31, v61;
	v61 =	vld.idx.msk [tilespmem:v33+s18+$0x0], $0xffff  }
0x451: {  	v22 =	vmin.f32 v39, $4.095000000e+03;
	v15 =	vtrunc.f32 v23;
	v31 =	vadd.f32 v25, v52;
	v25 =	vld.idx.msk [tilespmem:v5+s18+$0x0], $0xffff  }
0x452: {  	v5 =	vcvt.f32.s32 v30;
	v30 =	vadd.f32 v26, v54;
	v26 =	vld.idx.msk [tilespmem:v6+s18+$0x0], $0xffff;
	v6 =	vcvt.f32.s32 v56  }
0x453: {  	v17 =	vld.idx.msk [tilespmem:v11+s3+$0x0], $0xffff;
	v15 =	vcvt.f32.s32 v15;
	v60 =	vmul.f32 v29, v62;
	v29 =	vadd.f32 v37, v63;
	[tilespmem:s17+$0xE110] =	vst v31  }
0x454: {  	v62 =	vtrunc.f32 v21;
	v63 =	vtrunc.f32 v22;
	v32 =	vadd.f32 v27, v55;
	v27 =	vld.idx.msk [tilespmem:v13+s18+$0x0], $0xffff;
	[tilespmem:s17+$0xE120] =	vst v30  }
0x455: {  	v30 =	vadd.f32 v28, v57;
	v31 =	vmul.f32 v10, v43;
	v13 =	vcvt.f32.s32 v62;
	[tilespmem:s17+$0xE100] =	vst v29;
	v29 =	vld.idx.msk [tilespmem:v14+s18+$0x0], $0xffff  }
0x456: {  	v28 =	vld.idx.msk [tilespmem:v12+s18+$0x0], $0xffff;
	v10 =	vmul.f32 v7, v51;
	v14 =	vcvt.f32.s32 v24;
	[tilespmem:s17+$0xE130] =	vst v32;
	v33 =	vadd.f32 v58, v59  }
0x457: {  	s1 =	simm.s32 $0x80;
	s21 =	simm.s32 $0x1000;
	v32 =	vmul.f32 v9, v50;
	v24 =	vcvt.f32.s32 v63;
	[tilespmem:s17+$0xE140] =	vst v30;
	v30 =	vld.idx.msk [tilespmem:v11+s18+$0x0], $0xffff;
	v12 =	vadd.f32 v60, v61  }
.LBB2_15:
0x458: {  	s22 =	sshra.s32 s21, $0x2;
	s1 =	sadd.s32 $0x80, s1;
	v34 =	vld.idx.msk [tilespmem:v8+s3+$0x0], $0xffff;
	[tilespmem:s17+$0xE150] =	vst v33;
	v33 =	vmul.f32 v1, v16;
	v16 =	vmul.f32 v2, v18;
	v7 =	vmov v23  }
0x459: {  	v31 =	vadd.f32 v31, v25;
	v23 =	vadd.f32 v32, v26;
	v17 =	vmul.f32 v0, v17;
	v18 =	vld [tilespmem:s22+$0x6070];
	p2 =	slt.u32 s1, $0x780;
	[tilespmem:s17+$0xE160] =	vst v12  }
0x45a: {  	v1 =	vmovc v20;
	v2 =	vmovc v21;
	v0 =	vmov v22;
	v26 =	vadd.f32 v10, v29;
	v12 =	vmov v15;
	v25 =	vld [tilespmem:s22+$0x6000]  }
0x45b: {  	v11 =	vmovc v14;
	v9 =	vmov v24;
	v10 =	vmov v13;
	v20 =	vadd.f32 v33, v27;
	v15 =	vld [tilespmem:s22+$0x6010];
	[tilespmem:s11+$0xE190] =	vst v31  }
0x45c: {  	v16 =	vadd.f32 v16, v28;
	v14 =	vld [tilespmem:s22+$0x6020];
	[tilespmem:s11+$0xE1A0] =	vst v23  }
0x45d: {  	v17 =	vadd.f32 v17, v30;
	v21 =	vld [tilespmem:s22+$0x6030];
	[tilespmem:s11+$0xE1B0] =	vst v26  }
0x45e: {  	v13 =	vmul.f32 v19, v34;
	v22 =	vld [tilespmem:s22+$0x6040];
	v18 =	vmul.f32 $1.000000000e+03, v18;
	[tilespmem:s11+$0xE1C0] =	vst v20  }
0x45f: {  	v19 =	vmul.f32 $1.000000000e+03, v25;
	v20 =	vld [tilespmem:s22+$0x6050];
	[tilespmem:s11+$0xE1D0] =	vst v16  }
0x460: {  	v15 =	vmul.f32 $1.000000000e+03, v15;
	v16 =	vld [tilespmem:s22+$0x6060];
	v18 =	vadd.f32 $2.048000000e+03, v18;
	[tilespmem:s11+$0xE1E0] =	vst v17;
	s11 =	smov.u32 s17;
	s17 =	smov.u32 s22  }
0x461: {  	v17 =	vadd.f32 $2.048000000e+03, v19;
	v24 =	vld [tilespmem:s17+$0x6080];
	v14 =	vmul.f32 $1.000000000e+03, v14  }
0x462: {  	v15 =	vadd.f32 $2.048000000e+03, v15;
	v25 =	vld [tilespmem:s17+$0x6090];
	v19 =	vmul.f32 $1.000000000e+03, v21;
	v18 =	vmax.f32 v18, $0.0e+00  }
0x463: {  	v14 =	vadd.f32 $2.048000000e+03, v14;
	v26 =	vld [tilespmem:s17+$0x60A0];
	v21 =	vmul.f32 $1.000000000e+03, v22;
	v22 =	vmin.f32 v18, $4.095000000e+03  }
0x464: {  	v18 =	vadd.f32 $2.048000000e+03, v19;
	v19 =	vmul.f32 $1.000000000e+03, v20;
	v20 =	vtrunc.f32 v22;
	v23 =	vld [tilespmem:s17+$0x60F0]  }
0x465: {  	v27 =	vld [tilespmem:s17+$0x60B0];
	v21 =	vadd.f32 $2.048000000e+03, v21;
	v16 =	vmul.f32 $1.000000000e+03, v16;
	v20 =	vcvt.f32.s32 v20  }
0x466: {  	v17 =	vmax.f32 v17, $0.0e+00;
	v15 =	vmax.f32 v15, $0.0e+00;
	v28 =	vld [tilespmem:s17+$0x60C0];
	v19 =	vadd.f32 $2.048000000e+03, v19  }
0x467: {  	v14 =	vmax.f32 v14, $0.0e+00;
	v29 =	vmax.f32 v18, $0.0e+00;
	v30 =	vld [tilespmem:s17+$0x60D0];
	v18 =	vadd.f32 $2.048000000e+03, v16  }
0x468: {  	v31 =	vmin.f32 v17, $4.095000000e+03;
	v17 =	vmax.f32 v21, $0.0e+00;
	v19 =	vmax.f32 v19, $0.0e+00;
	v32 =	vld [tilespmem:s17+$0x60E0]  }
0x469: {  	v33 =	vmin.f32 v15, $4.095000000e+03;
	v16 =	vld [tilespmem:s17+$0x6100];
	v15 =	vmax.f32 v18, $0.0e+00;
	v21 =	vmul.f32 $1.000000000e+03, v23  }
0x46a: {  	v34 =	vmin.f32 v14, $4.095000000e+03;
	v29 =	vmin.f32 v29, $4.095000000e+03;
	v35 =	vmin.f32 v17, $4.095000000e+03;
	v18 =	vld [tilespmem:s17+$0x6110]  }
0x46b: {  	v36 =	vmin.f32 v19, $4.095000000e+03;
	v37 =	vmin.f32 v15, $4.095000000e+03;
	v14 =	vld.idx.msk [tilespmem:v20+s3+$0x0], $0xffff;
	v15 =	vadd.f32 $2.048000000e+03, v21  }
0x46c: {  	v17 =	vtrunc.f32 v31;
	v23 =	vtrunc.f32 v33;
	v19 =	vld [tilespmem:s17+$0x6120]  }
0x46d: {  	v38 =	vtrunc.f32 v34;
	v39 =	vtrunc.f32 v29;
	v40 =	vld.idx.msk [tilespmem:v20+s18+$0x0], $0xffff;
	v15 =	vmax.f32 v15, $0.0e+00  }
0x46e: {  	v41 =	vtrunc.f32 v35;
	v42 =	vtrunc.f32 v36;
	v20 =	vld [tilespmem:s17+$0x6130];
	v43 =	vmin.f32 v15, $4.095000000e+03  }
0x46f: {  	v44 =	vtrunc.f32 v37;
	v15 =	vtrunc.f32 v43;
	v45 =	vld [tilespmem:s17+$0x6170]  }
0x470: {  	v46 =	vcvt.f32.s32 v17;
	v21 =	vld [tilespmem:s17+$0x6140];
	v47 =	vcvt.f32.s32 v15  }
0x471: {  	v48 =	vcvt.f32.s32 v23;
	v14 =	vmul.f32 v22, v14;
	v23 =	vld [tilespmem:s17+$0x6150]  }
0x472: {  	v38 =	vcvt.f32.s32 v38;
	v39 =	vcvt.f32.s32 v39;
	v22 =	vld [tilespmem:s17+$0x6160]  }
0x473: {  	v41 =	vcvt.f32.s32 v41;
	v42 =	vcvt.f32.s32 v42;
	v40 =	vadd.f32 v14, v40;
	v15 =	vld [tilespmem:s17+$0x6180]  }
0x474: {  	v44 =	vcvt.f32.s32 v44;
	v14 =	vld [tilespmem:s17+$0x6190];
	v45 =	vmul.f32 $1.000000000e+03, v45  }
0x475: {  	v24 =	vmul.f32 $1.000000000e+03, v24;
	v25 =	vmul.f32 $1.000000000e+03, v25;
	v17 =	vld [tilespmem:s17+$0x61A0];
	[tilespmem:s17+$0xE070] =	vst v40  }
0x476: {  	v26 =	vmul.f32 $1.000000000e+03, v26;
	v27 =	vmul.f32 $1.000000000e+03, v27;
	v40 =	vld.idx.msk [tilespmem:v47+s3+$0x0], $0xffff;
	v45 =	vadd.f32 $2.048000000e+03, v45  }
0x477: {  	v24 =	vadd.f32 $2.048000000e+03, v24;
	v28 =	vmul.f32 $1.000000000e+03, v28;
	v30 =	vmul.f32 $1.000000000e+03, v30;
	v49 =	vld.idx.msk [tilespmem:v46+s3+$0x0], $0xffff  }
0x478: {  	v25 =	vadd.f32 $2.048000000e+03, v25;
	v32 =	vmul.f32 $1.000000000e+03, v32;
	v47 =	vld.idx.msk [tilespmem:v47+s18+$0x0], $0xffff;
	v45 =	vmax.f32 v45, $0.0e+00  }
0x479: {  	v26 =	vadd.f32 $2.048000000e+03, v26;
	v27 =	vadd.f32 $2.048000000e+03, v27;
	v50 =	vld.idx.msk [tilespmem:v48+s3+$0x0], $0xffff;
	v45 =	vmin.f32 v45, $4.095000000e+03  }
0x47a: {  	v28 =	vadd.f32 $2.048000000e+03, v28;
	v30 =	vadd.f32 $2.048000000e+03, v30;
	v51 =	vtrunc.f32 v45;
	v52 =	vld [tilespmem:s17+$0x61F0]  }
0x47b: {  	v24 =	vmax.f32 v24, $0.0e+00;
	v32 =	vadd.f32 $2.048000000e+03, v32;
	v53 =	vld.idx.msk [tilespmem:v38+s3+$0x0], $0xffff;
	v51 =	vcvt.f32.s32 v51  }
0x47c: {  	v25 =	vmax.f32 v25, $0.0e+00;
	v26 =	vmax.f32 v26, $0.0e+00;
	v40 =	vmul.f32 v43, v40;
	v54 =	vld.idx.msk [tilespmem:v39+s3+$0x0], $0xffff  }
0x47d: {  	v27 =	vmax.f32 v27, $0.0e+00;
	v28 =	vmax.f32 v28, $0.0e+00;
	v31 =	vmul.f32 v31, v49;
	v43 =	vld.idx.msk [tilespmem:v41+s3+$0x0], $0xffff  }
0x47e: {  	v30 =	vmax.f32 v30, $0.0e+00;
	v32 =	vmax.f32 v32, $0.0e+00;
	v40 =	vadd.f32 v40, v47;
	v49 =	vld.idx.msk [tilespmem:v42+s3+$0x0], $0xffff  }
0x47f: {  	v47 =	vmin.f32 v24, $4.095000000e+03;
	v24 =	vmul.f32 v33, v50;
	v33 =	vld.idx.msk [tilespmem:v44+s3+$0x0], $0xffff;
	v50 =	vmul.f32 $1.000000000e+03, v52  }
0x480: {  	v55 =	vmin.f32 v26, $4.095000000e+03;
	v56 =	vmin.f32 v27, $4.095000000e+03;
	v52 =	vmin.f32 v25, $4.095000000e+03;
	v46 =	vld.idx.msk [tilespmem:v46+s18+$0x0], $0xffff;
	[tilespmem:s17+$0xE0F0] =	vst v40  }
0x481: {  	v28 =	vmin.f32 v28, $4.095000000e+03;
	v25 =	vmul.f32 v34, v53;
	v26 =	vld.idx.msk [tilespmem:v51+s3+$0x0], $0xffff;
	v34 =	vadd.f32 $2.048000000e+03, v50  }
0x482: {  	v30 =	vmin.f32 v30, $4.095000000e+03;
	v27 =	vmin.f32 v32, $4.095000000e+03;
	v29 =	vmul.f32 v29, v54;
	v40 =	vld.idx.msk [tilespmem:v48+s18+$0x0], $0xffff  }
0x483: {  	v32 =	vtrunc.f32 v47;
	v35 =	vmul.f32 v35, v43;
	v43 =	vld.idx.msk [tilespmem:v51+s18+$0x0], $0xffff;
	v34 =	vmax.f32 v34, $0.0e+00  }
0x484: {  	v48 =	vtrunc.f32 v52;
	v36 =	vmul.f32 v36, v49;
	v38 =	vld.idx.msk [tilespmem:v38+s18+$0x0], $0xffff;
	v34 =	vmin.f32 v34, $4.095000000e+03  }
0x485: {  	v33 =	vmul.f32 v37, v33;
	v39 =	vld.idx.msk [tilespmem:v39+s18+$0x0], $0xffff;
	v37 =	vtrunc.f32 v34  }
0x486: {  	v31 =	vadd.f32 v31, v46;
	v46 =	vtrunc.f32 v55;
	v41 =	vld.idx.msk [tilespmem:v41+s18+$0x0], $0xffff;
	v37 =	vcvt.f32.s32 v37  }
0x487: {  	v49 =	vtrunc.f32 v56;
	v26 =	vmul.f32 v45, v26;
	v42 =	vld.idx.msk [tilespmem:v42+s18+$0x0], $0xffff  }
0x488: {  	v45 =	vtrunc.f32 v30;
	[tilespmem:s17+$0xE000] =	vst v31;
	v31 =	vadd.f32 v24, v40;
	v40 =	vtrunc.f32 v28;
	v44 =	vld.idx.msk [tilespmem:v44+s18+$0x0], $0xffff  }
0x489: {  	v32 =	vcvt.f32.s32 v32;
	v50 =	vtrunc.f32 v27;
	v43 =	vadd.f32 v26, v43;
	v24 =	vld [tilespmem:s17+$0x61B0]  }
0x48a: {  	v46 =	vcvt.f32.s32 v46;
	v38 =	vadd.f32 v25, v38;
	[tilespmem:s17+$0xE010] =	vst v31;
	v31 =	vcvt.f32.s32 v48;
	v26 =	vld [tilespmem:s17+$0x61C0]  }
0x48b: {  	v40 =	vcvt.f32.s32 v40;
	v29 =	vadd.f32 v29, v39;
	v39 =	vcvt.f32.s32 v49;
	v25 =	vld [tilespmem:s17+$0x61D0];
	[tilespmem:s17+$0xE170] =	vst v43  }
0x48c: {  	v35 =	vadd.f32 v35, v41;
	v41 =	vcvt.f32.s32 v50;
	[tilespmem:s17+$0xE020] =	vst v38;
	v38 =	vcvt.f32.s32 v45;
	v43 =	vld.idx.msk [tilespmem:v37+s3+$0x0], $0xffff  }
0x48d: {  	v16 =	vmul.f32 $1.000000000e+03, v16;
	v18 =	vmul.f32 $1.000000000e+03, v18;
	[tilespmem:s17+$0xE030] =	vst v29;
	v29 =	vadd.f32 v36, v42;
	v36 =	vld [tilespmem:s17+$0x61E0]  }
0x48e: {  	v19 =	vmul.f32 $1.000000000e+03, v19;
	v20 =	vmul.f32 $1.000000000e+03, v20;
	v33 =	vadd.f32 v33, v44;
	[tilespmem:s17+$0xE040] =	vst v35;
	v35 =	vld.idx.msk [tilespmem:v37+s18+$0x0], $0xffff  }
0x48f: {  	v16 =	vadd.f32 $2.048000000e+03, v16;
	v21 =	vmul.f32 $1.000000000e+03, v21;
	v23 =	vmul.f32 $1.000000000e+03, v23;
	v37 =	vld.idx.msk [tilespmem:v32+s3+$0x0], $0xffff;
	[tilespmem:s17+$0xE050] =	vst v29  }
0x490: {  	v18 =	vadd.f32 $2.048000000e+03, v18;
	v19 =	vadd.f32 $2.048000000e+03, v19;
	v22 =	vmul.f32 $1.000000000e+03, v22;
	v29 =	vld.idx.msk [tilespmem:v31+s3+$0x0], $0xffff;
	[tilespmem:s17+$0xE060] =	vst v33  }
0x491: {  	v16 =	vmax.f32 v16, $0.0e+00;
	v20 =	vadd.f32 $2.048000000e+03, v20;
	v21 =	vadd.f32 $2.048000000e+03, v21;
	v33 =	vld.idx.msk [tilespmem:v46+s3+$0x0], $0xffff  }
0x492: {  	v23 =	vadd.f32 $2.048000000e+03, v23;
	v22 =	vadd.f32 $2.048000000e+03, v22;
	v34 =	vmul.f32 v34, v43;
	v42 =	vld.idx.msk [tilespmem:v39+s3+$0x0], $0xffff  }
0x493: {  	v18 =	vmax.f32 v18, $0.0e+00;
	v19 =	vmax.f32 v19, $0.0e+00;
	v20 =	vmax.f32 v20, $0.0e+00;
	v43 =	vld.idx.msk [tilespmem:v40+s3+$0x0], $0xffff  }
0x494: {  	v21 =	vmax.f32 v21, $0.0e+00;
	v23 =	vmax.f32 v23, $0.0e+00;
	v34 =	vadd.f32 v34, v35;
	v44 =	vld.idx.msk [tilespmem:v38+s3+$0x0], $0xffff  }
0x495: {  	v22 =	vmax.f32 v22, $0.0e+00;
	v35 =	vmul.f32 v47, v37;
	v37 =	vmin.f32 v16, $4.095000000e+03;
	v16 =	vld.idx.msk [tilespmem:v41+s3+$0x0], $0xffff  }
0x496: {  	v45 =	vmin.f32 v18, $4.095000000e+03;
	v47 =	vmin.f32 v19, $4.095000000e+03;
	v29 =	vmul.f32 v52, v29;
	v32 =	vld.idx.msk [tilespmem:v32+s18+$0x0], $0xffff;
	[tilespmem:s17+$0xE1F0] =	vst v34  }
0x497: {  	v19 =	vmul.f32 v55, v33;
	v33 =	vmin.f32 v21, $4.095000000e+03;
	v18 =	vld.idx.msk [tilespmem:v31+s18+$0x0], $0xffff;
	v31 =	vmin.f32 v20, $4.095000000e+03  }
0x498: {  	v34 =	vmin.f32 v23, $4.095000000e+03;
	v21 =	vmul.f32 v56, v42;
	v42 =	vmin.f32 v22, $4.095000000e+03;
	v20 =	vld.idx.msk [tilespmem:v46+s18+$0x0], $0xffff  }
0x499: {  	v22 =	vtrunc.f32 v37;
	v28 =	vmul.f32 v28, v43;
	v23 =	vld.idx.msk [tilespmem:v39+s18+$0x0], $0xffff  }
0x49a: {  	v39 =	vtrunc.f32 v45;
	v30 =	vmul.f32 v30, v44;
	v40 =	vld.idx.msk [tilespmem:v40+s18+$0x0], $0xffff  }
0x49b: {  	v43 =	vtrunc.f32 v47;
	v27 =	vmul.f32 v27, v16;
	v38 =	vld.idx.msk [tilespmem:v38+s18+$0x0], $0xffff  }
0x49c: {  	v16 =	vadd.f32 v35, v32;
	v32 =	vtrunc.f32 v31;
	v35 =	vtrunc.f32 v33;
	v41 =	vld.idx.msk [tilespmem:v41+s18+$0x0], $0xffff  }
0x49d: {  	v44 =	vtrunc.f32 v42;
	v18 =	vadd.f32 v29, v18;
	v29 =	vtrunc.f32 v34;
	v46 =	vld.idx.msk [tilespmem:v5+s3+$0x0], $0xffff  }
0x49e: {  	v22 =	vcvt.f32.s32 v22;
	v39 =	vcvt.f32.s32 v39;
	[tilespmem:s17+$0xE080] =	vst v16;
	v16 =	vadd.f32 v19, v20;
	v48 =	vld.idx.msk [tilespmem:v6+s3+$0x0], $0xffff  }
0x49f: {  	v43 =	vcvt.f32.s32 v43;
	v32 =	vcvt.f32.s32 v32;
	[tilespmem:s17+$0xE090] =	vst v18;
	v18 =	vadd.f32 v21, v23;
	v49 =	vld.idx.msk [tilespmem:v12+s3+$0x0], $0xffff  }
0x4a0: {  	v29 =	vcvt.f32.s32 v29;
	v19 =	vadd.f32 v28, v40;
	v28 =	vcvt.f32.s32 v35;
	[tilespmem:s17+$0xE0A0] =	vst v16;
	v16 =	vld.idx.msk [tilespmem:v11+s3+$0x0], $0xffff  }
0x4a1: {  	v15 =	vmul.f32 $1.000000000e+03, v15;
	v20 =	vadd.f32 v30, v38;
	v30 =	vcvt.f32.s32 v44;
	[tilespmem:s17+$0xE0B0] =	vst v18;
	v18 =	vld.idx.msk [tilespmem:v10+s3+$0x0], $0xffff  }
0x4a2: {  	v14 =	vmul.f32 $1.000000000e+03, v14;
	v21 =	vmul.f32 $1.000000000e+03, v17;
	[tilespmem:s17+$0xE0C0] =	vst v19;
	v19 =	vadd.f32 v27, v41;
	v17 =	vld.idx.msk [tilespmem:v9+s3+$0x0], $0xffff  }
0x4a3: {  	v15 =	vadd.f32 $2.048000000e+03, v15;
	v23 =	vmul.f32 $1.000000000e+03, v24;
	v24 =	vmul.f32 $1.000000000e+03, v26;
	[tilespmem:s17+$0xE0D0] =	vst v20;
	v8 =	vld.idx.msk [tilespmem:v8+s18+$0x0], $0xffff  }
0x4a4: {  	v14 =	vadd.f32 $2.048000000e+03, v14;
	v25 =	vmul.f32 $1.000000000e+03, v25;
	v20 =	vld.idx.msk [tilespmem:v22+s3+$0x0], $0xffff;
	[tilespmem:s17+$0xE0E0] =	vst v19;
	v19 =	vmul.f32 $1.000000000e+03, v36  }
0x4a5: {  	v15 =	vmax.f32 v15, $0.0e+00;
	v21 =	vadd.f32 $2.048000000e+03, v21;
	v23 =	vadd.f32 $2.048000000e+03, v23;
	v26 =	vld.idx.msk [tilespmem:v39+s3+$0x0], $0xffff  }
0x4a6: {  	v14 =	vmax.f32 v14, $0.0e+00;
	v25 =	vadd.f32 $2.048000000e+03, v25;
	v24 =	vadd.f32 $2.048000000e+03, v24;
	v27 =	vld.idx.msk [tilespmem:v43+s3+$0x0], $0xffff  }
0x4a7: {  	v21 =	vmax.f32 v21, $0.0e+00;
	v23 =	vmax.f32 v23, $0.0e+00;
	v36 =	vadd.f32 $2.048000000e+03, v19;
	v35 =	vld.idx.msk [tilespmem:v32+s3+$0x0], $0xffff  }
0x4a8: {  	v25 =	vmax.f32 v25, $0.0e+00;
	v24 =	vmax.f32 v24, $0.0e+00;
	v19 =	vmin.f32 v15, $4.095000000e+03;
	v15 =	vld.idx.msk [tilespmem:v28+s3+$0x0], $0xffff  }
0x4a9: {  	v38 =	vmin.f32 v14, $4.095000000e+03;
	v40 =	vmin.f32 v21, $4.095000000e+03;
	v36 =	vmax.f32 v36, $0.0e+00;
	v14 =	vld.idx.msk [tilespmem:v29+s3+$0x0], $0xffff  }
0x4aa: {  	v23 =	vmin.f32 v23, $4.095000000e+03;
	v37 =	vmul.f32 v37, v20;
	v20 =	vmin.f32 v24, $4.095000000e+03;
	v24 =	vld.idx.msk [tilespmem:v30+s3+$0x0], $0xffff  }
0x4ab: {  	v21 =	vmin.f32 v25, $4.095000000e+03;
	v26 =	vmul.f32 v45, v26;
	v41 =	vld.idx.msk [tilespmem:v22+s18+$0x0], $0xffff;
	v22 =	vmin.f32 v36, $4.095000000e+03  }
0x4ac: {  	v25 =	vtrunc.f32 v19;
	v8 =	vadd.f32 v13, v8;
	v27 =	vmul.f32 v47, v27;
	v36 =	vld.idx.msk [tilespmem:v39+s18+$0x0], $0xffff  }
0x4ad: {  	v13 =	vtrunc.f32 v38;
	v31 =	vmul.f32 v31, v35;
	v39 =	vld.idx.msk [tilespmem:v43+s18+$0x0], $0xffff  }
0x4ae: {  	v35 =	vtrunc.f32 v40;
	v33 =	vmul.f32 v33, v15;
	v32 =	vld.idx.msk [tilespmem:v32+s18+$0x0], $0xffff;
	[tilespmem:s11+$0xE180] =	vst v8  }
0x4af: {  	v15 =	vtrunc.f32 v23;
	v34 =	vmul.f32 v34, v14;
	v28 =	vld.idx.msk [tilespmem:v28+s18+$0x0], $0xffff  }
0x4b0: {  	v14 =	vtrunc.f32 v20;
	v42 =	vmul.f32 v42, v24;
	v43 =	vld.idx.msk [tilespmem:v29+s18+$0x0], $0xffff  }
0x4b1: {  	v24 =	vadd.f32 v37, v41;
	v29 =	vtrunc.f32 v21;
	v37 =	vtrunc.f32 v22;
	v30 =	vld.idx.msk [tilespmem:v30+s18+$0x0], $0xffff  }
0x4b2: {  	v8 =	vcvt.f32.s32 v25;
	v36 =	vadd.f32 v26, v36;
	v25 =	vld.idx.msk [tilespmem:v5+s18+$0x0], $0xffff;
	v5 =	vcvt.f32.s32 v13  }
.Ltmp10:
0x4b3: {  	v15 =	vcvt.f32.s32 v15;
	[tilespmem:s17+$0xE100] =	vst v24;
	v24 =	vadd.f32 v27, v39;
	v26 =	vld.idx.msk [tilespmem:v6+s18+$0x0], $0xffff;
	v6 =	vcvt.f32.s32 v35;
	(pc) =	sbr.rel @p2 .LBB2_15-.Ltmp10, $4  }
0x4b4: {  	v14 =	vcvt.f32.s32 v14;
	v13 =	vcvt.f32.s32 v29;
	v32 =	vadd.f32 v31, v32;
	[tilespmem:s17+$0xE110] =	vst v36;
	v29 =	vld.idx.msk [tilespmem:v12+s18+$0x0], $0xffff  }
0x4b5: {  	v31 =	vmul.f32 v4, v46;
	v12 =	vadd.f32 v33, v28;
	[tilespmem:s17+$0xE120] =	vst v24;
	v24 =	vcvt.f32.s32 v37;
	v27 =	vld.idx.msk [tilespmem:v11+s18+$0x0], $0xffff  }
0x4b6: {  	v4 =	vmov v38;
	v33 =	vadd.f32 v34, v43;
	[tilespmem:s17+$0xE130] =	vst v32;
	v32 =	vmul.f32 v3, v48;
	v28 =	vld.idx.msk [tilespmem:v10+s18+$0x0], $0xffff  }
0x4b7: {  	s21 =	sadd.s32 $0x800, s21;
	v10 =	vmul.f32 v7, v49;
	v3 =	vmov v40;
	[tilespmem:s17+$0xE140] =	vst v12;
	v12 =	vadd.f32 v42, v30;
	v30 =	vld.idx.msk [tilespmem:v9+s18+$0x0], $0xffff  }
0x4b8: {  	_ =	sdelay $0x3  }
0x4b9: {  	v7 =	vld.idx.msk [tilespmem:v8+s3+$0x0], $0xffff  }
0x4ba: {  	v9 =	vld.idx.msk [tilespmem:v5+s3+$0x0], $0xffff  }
0x4bb: {  	v11 =	vld.idx.msk [tilespmem:v6+s3+$0x0], $0xffff  }
0x4bc: {  	v34 =	vld.idx.msk [tilespmem:v15+s3+$0x0], $0xffff  }
0x4bd: {  	v45 =	vld.idx.msk [tilespmem:v14+s3+$0x0], $0xffff  }
0x4be: {  	v49 =	vld.idx.msk [tilespmem:v8+s18+$0x0], $0xffff  }
0x4bf: {  	[tilespmem:s17+$0xE150] =	vst v33;
	v25 =	vadd.f32 v31, v25;
	v50 =	vld.idx.msk [tilespmem:v5+s18+$0x0], $0xffff  }
0x4c0: {  	v1 =	vmul.f32 v1, v16;
	v48 =	vadd.f32 v32, v26;
	v51 =	vld.idx.msk [tilespmem:v6+s18+$0x0], $0xffff;
	[tilespmem:s17+$0xE160] =	vst v12  }
0x4c1: {  	v2 =	vmul.f32 v2, v18;
	v52 =	vld.idx.msk [tilespmem:v15+s18+$0x0], $0xffff;
	v10 =	vadd.f32 v10, v29;
	[tilespmem:s11+$0xE190] =	vst v25  }
0x4c2: {  	v0 =	vmul.f32 v0, v17;
	v54 =	vld.idx.msk [tilespmem:v14+s18+$0x0], $0xffff;
	v1 =	vadd.f32 v1, v27;
	[tilespmem:s11+$0xE1A0] =	vst v48  }
0x4c3: {  	v46 =	vld.idx.msk [tilespmem:v13+s3+$0x0], $0xffff;
	v2 =	vadd.f32 v2, v28;
	[tilespmem:s11+$0xE1B0] =	vst v10;
	v7 =	vmul.f32 v19, v7  }
0x4c4: {  	v47 =	vld.idx.msk [tilespmem:v24+s3+$0x0], $0xffff;
	v0 =	vadd.f32 v0, v30;
	[tilespmem:s11+$0xE1C0] =	vst v1;
	v53 =	vmul.f32 v4, v9  }
0x4c5: {  	v56 =	vld.idx.msk [tilespmem:v13+s18+$0x0], $0xffff;
	[tilespmem:s11+$0xE1D0] =	vst v2;
	v3 =	vmul.f32 v3, v11;
	v55 =	vadd.f32 v7, v49  }
0x4c6: {  	v58 =	vld.idx.msk [tilespmem:v24+s18+$0x0], $0xffff;
	v57 =	vmul.f32 v23, v34;
	[tilespmem:s11+$0xE1E0] =	vst v0;
	v1 =	vadd.f32 v53, v50  }
0x4c7: {  	v59 =	vmul.f32 v20, v45;
	v3 =	vadd.f32 v3, v51;
	[tilespmem:s17+$0xE180] =	vst v55  }
0x4c8: {  	v60 =	vmul.f32 v21, v46;
	v0 =	vadd.f32 v57, v52;
	[tilespmem:s17+$0xE190] =	vst v1  }
0x4c9: {  	v61 =	vmul.f32 v22, v47;
	v2 =	vadd.f32 v59, v54;
	[tilespmem:s17+$0xE1A0] =	vst v3  }
.Ltmp11:
0x4ca: {  	v62 =	vadd.f32 v60, v56;
	[tilespmem:s17+$0xE1B0] =	vst v0;
	(pc) =	sbr.rel @p1 .LBB2_18-.Ltmp11, $4  }
0x4cb: {  	v63 =	vadd.f32 v61, v58;
	[tilespmem:s17+$0xE1C0] =	vst v2  }
0x4cc: {  	s10 =	sor.u32 $0x800, s10;
	[tilespmem:s17+$0xE1D0] =	vst v62  }
0x4cd: {  	s1 =	sadd.s32 s2, s10;
	[tilespmem:s17+$0xE1E0] =	vst v63  }
0x4ce: {  	[hbm4b:s1+s19] =	stream.strided.scatter [tilespmem:s4], [sflag:$0x7], $0x2000, s20, s19, $0x38;
	[tilespmem:$0x12000] =	vst v63  }
.Ltmp12:
0x4cf: {  	(pc) =	sbr.rel .LBB2_19-.Ltmp12, $4  }
0x4d0: {  	_ = 	snop  }
0x4d1: {  	_ =	swait.ge [sflag:s5], $0x2000  }
0x4d2: {  	[sflag:s5] =	ssyncset.done $0x0  }
0x4d3: {  	[sflag:s5] =	ssyncadd.s32 $0xFFFFE000  }
.LBB2_18:
0x4d4: {  	s1 =	sadd.s32 s16, s15  }
0x4d5: {  	s1 =	sshrl.u32 s1, $0x3  }
.Ltmp13:
0x4d6: {  	s11 =	simm.s32 $0x6000;
	s1 =	sadd.s32 s30, s1;
	(pc) =	sbr.rel @p0 .LBB2_20-.Ltmp13, $4  }
0x4d7: {  	[tilespmem:s11], [sflag:$0x3] =	stream.strided.gather [hbm4b:s1+s19], $0x2000, s20, s19, $0x38;
	[tilespmem:$0x12000] =	vst v63  }
0x4d8: {  	_ =	swait.ge [sflag:s5], $0x2000  }
0x4d9: {  	[sflag:s5] =	ssyncset.done $0x0  }
0x4da: {  	[sflag:s5] =	ssyncadd.s32 $0xFFFFE000  }
.LBB2_19:
0x4db: {  	_ =	swait.ge [sflag:s6], $0x2000  }
0x4dc: {  	[sflag:s6] =	ssyncset.done $0x0  }
0x4dd: {  	[sflag:s6] =	ssyncadd.s32 $0xFFFFE000  }
.LBB2_20:
0x4de: {  	s11 =	simm.s32 $0x0  }
0x4df: {  	v0 =	vld [tilespmem:s11+$0x8070]  }
0x4e0: {  	v1 =	vld [tilespmem:s11+$0x8000]  }
0x4e1: {  	v2 =	vld [tilespmem:s11+$0x8010]  }
0x4e2: {  	v3 =	vld [tilespmem:s11+$0x8020]  }
0x4e3: {  	v4 =	vld [tilespmem:s11+$0x8030]  }
0x4e4: {  	v5 =	vld [tilespmem:s11+$0x8040]  }
0x4e5: {  	v6 =	vld [tilespmem:s11+$0x8050]  }
0x4e6: {  	v7 =	vld [tilespmem:s11+$0x8060]  }
0x4e7: {  	v8 =	vld [tilespmem:s11+$0x8080]  }
0x4e8: {  	v9 =	vld [tilespmem:s11+$0x8090]  }
0x4e9: {  	v10 =	vld [tilespmem:s11+$0x80A0]  }
0x4ea: {  	v30 =	vld [tilespmem:s11+$0x8170]  }
0x4eb: {  	v12 =	vld [tilespmem:s11+$0x80F0];
	v0 =	vmul.f32 $1.000000000e+03, v0;
	v1 =	vmul.f32 $1.000000000e+03, v1  }
0x4ec: {  	v14 =	vld [tilespmem:s11+$0x80C0];
	v2 =	vmul.f32 $1.000000000e+03, v2;
	v3 =	vmul.f32 $1.000000000e+03, v3  }
0x4ed: {  	v16 =	vld [tilespmem:s11+$0x80D0];
	v4 =	vmul.f32 $1.000000000e+03, v4;
	v5 =	vmul.f32 $1.000000000e+03, v5  }
0x4ee: {  	v18 =	vld [tilespmem:s11+$0x80E0];
	v6 =	vmul.f32 $1.000000000e+03, v6;
	v7 =	vmul.f32 $1.000000000e+03, v7  }
0x4ef: {  	s17 =	simm.s32 $0x200;
	v26 =	vld [tilespmem:s11+$0x8130];
	v30 =	vmul.f32 $1.000000000e+03, v30;
	v8 =	vmul.f32 $1.000000000e+03, v8  }
0x4f0: {  	v41 =	vld [tilespmem:s17+$0x8090];
	v9 =	vmul.f32 $1.000000000e+03, v9;
	v10 =	vmul.f32 $1.000000000e+03, v10  }
0x4f1: {  	v13 =	vld [tilespmem:s11+$0x80B0];
	v14 =	vmul.f32 $1.000000000e+03, v14;
	v0 =	vadd.f32 $2.048000000e+03, v0;
	v1 =	vadd.f32 $2.048000000e+03, v1  }
0x4f2: {  	v31 =	vld [tilespmem:s11+$0x8140];
	v16 =	vmul.f32 $1.000000000e+03, v16;
	v2 =	vadd.f32 $2.048000000e+03, v2;
	v3 =	vadd.f32 $2.048000000e+03, v3  }
0x4f3: {  	v33 =	vld [tilespmem:s11+$0x8150];
	v18 =	vmul.f32 $1.000000000e+03, v18;
	v4 =	vadd.f32 $2.048000000e+03, v4;
	v5 =	vadd.f32 $2.048000000e+03, v5  }
0x4f4: {  	v34 =	vld [tilespmem:s11+$0x8160];
	v26 =	vmul.f32 $1.000000000e+03, v26;
	v6 =	vadd.f32 $2.048000000e+03, v6;
	v7 =	vadd.f32 $2.048000000e+03, v7  }
0x4f5: {  	v36 =	vld [tilespmem:s11+$0x81F0];
	v41 =	vmul.f32 $1.000000000e+03, v41;
	v30 =	vadd.f32 $2.048000000e+03, v30;
	v8 =	vadd.f32 $2.048000000e+03, v8  }
0x4f6: {  	v53 =	vld [tilespmem:s11+$0x81C0];
	v9 =	vadd.f32 $2.048000000e+03, v9;
	v10 =	vadd.f32 $2.048000000e+03, v10;
	v0 =	vmax.f32 v0, $0.0e+00  }
0x4f7: {  	v54 =	vld [tilespmem:s11+$0x81D0];
	v1 =	vmax.f32 v1, $0.0e+00;
	v2 =	vmax.f32 v2, $0.0e+00;
	v15 =	vmax.f32 v3, $0.0e+00  }
0x4f8: {  	v58 =	vld [tilespmem:s17+$0x8000];
	v4 =	vmax.f32 v4, $0.0e+00;
	v6 =	vmax.f32 v6, $0.0e+00;
	v0 =	vmin.f32 v0, $4.095000000e+03  }
0x4f9: {  	v59 =	vld [tilespmem:s17+$0x8010];
	v17 =	vmin.f32 v1, $4.095000000e+03;
	v1 =	vmax.f32 v5, $0.0e+00;
	v11 =	vtrunc.f32 v0  }
0x4fa: {  	v61 =	vld [tilespmem:s17+$0x8020];
	v19 =	vmin.f32 v2, $4.095000000e+03;
	v2 =	vmax.f32 v7, $0.0e+00;
	v11 =	vcvt.f32.s32 v11  }
0x4fb: {  	v62 =	vld [tilespmem:s17+$0x8030];
	v7 =	vmul.f32 $1.000000000e+03, v12;
	v12 =	vmin.f32 v15, $4.095000000e+03;
	v21 =	vtrunc.f32 v17  }
0x4fc: {  	v60 =	vld [tilespmem:s17+$0x8080];
	v22 =	vmin.f32 v2, $4.095000000e+03;
	v2 =	vtrunc.f32 v19;
	v21 =	vcvt.f32.s32 v21  }
0x4fd: {  	v3 =	vld [tilespmem:s11+$0x8100];
	v4 =	vmin.f32 v4, $4.095000000e+03;
	v23 =	vtrunc.f32 v12;
	v32 =	vcvt.f32.s32 v2  }
0x4fe: {  	v5 =	vld [tilespmem:s11+$0x8110];
	v20 =	vmin.f32 v6, $4.095000000e+03;
	v24 =	vtrunc.f32 v4;
	v23 =	vcvt.f32.s32 v23  }
0x4ff: {  	v6 =	vld [tilespmem:s11+$0x8120];
	v27 =	vtrunc.f32 v20;
	v7 =	vadd.f32 $2.048000000e+03, v7;
	v24 =	vcvt.f32.s32 v24  }
0x500: {  	v14 =	vadd.f32 $2.048000000e+03, v14;
	v15 =	vmin.f32 v1, $4.095000000e+03;
	v27 =	vcvt.f32.s32 v27;
	v1 =	vld.idx.msk [tilespmem:v11+s3+$0x0], $0xffff  }
0x501: {  	v16 =	vadd.f32 $2.048000000e+03, v16;
	v18 =	vadd.f32 $2.048000000e+03, v18;
	v7 =	vmax.f32 v7, $0.0e+00;
	v11 =	vld.idx.msk [tilespmem:v11+s18+$0x0], $0xffff  }
0x502: {  	v26 =	vadd.f32 $2.048000000e+03, v26;
	v30 =	vmax.f32 v30, $0.0e+00;
	v7 =	vmin.f32 v7, $4.095000000e+03;
	v35 =	vld.idx.msk [tilespmem:v21+s3+$0x0], $0xffff  }
0x503: {  	v8 =	vmax.f32 v8, $0.0e+00;
	v9 =	vmax.f32 v9, $0.0e+00;
	v29 =	vtrunc.f32 v7;
	v37 =	vld.idx.msk [tilespmem:v32+s3+$0x0], $0xffff  }
0x504: {  	v10 =	vmax.f32 v10, $0.0e+00;
	v14 =	vmax.f32 v14, $0.0e+00;
	v29 =	vcvt.f32.s32 v29;
	v39 =	vld.idx.msk [tilespmem:v23+s3+$0x0], $0xffff  }
0x505: {  	v16 =	vmax.f32 v16, $0.0e+00;
	v18 =	vmax.f32 v18, $0.0e+00;
	v40 =	vld.idx.msk [tilespmem:v24+s3+$0x0], $0xffff;
	v0 =	vmul.f32 v0, v1  }
0x506: {  	v30 =	vmin.f32 v30, $4.095000000e+03;
	v8 =	vmin.f32 v8, $4.095000000e+03;
	v28 =	vtrunc.f32 v22;
	v44 =	vld.idx.msk [tilespmem:v27+s3+$0x0], $0xffff  }
0x507: {  	v38 =	vtrunc.f32 v30;
	v28 =	vcvt.f32.s32 v28;
	v21 =	vld.idx.msk [tilespmem:v21+s18+$0x0], $0xffff;
	v11 =	vadd.f32 v0, v11  }
0x508: {  	v10 =	vmin.f32 v10, $4.095000000e+03;
	v47 =	vtrunc.f32 v8;
	v25 =	vtrunc.f32 v15;
	v23 =	vld.idx.msk [tilespmem:v23+s18+$0x0], $0xffff  }
0x509: {  	v16 =	vmin.f32 v16, $4.095000000e+03;
	v49 =	vtrunc.f32 v10;
	v25 =	vcvt.f32.s32 v25;
	v32 =	vld.idx.msk [tilespmem:v32+s18+$0x0], $0xffff;
	[tilespmem:s11+$0x10070] =	vst v11  }
0x50a: {  	v18 =	vmin.f32 v18, $4.095000000e+03;
	v50 =	vtrunc.f32 v16;
	v11 =	vmul.f32 $1.000000000e+03, v13;
	v13 =	vld.idx.msk [tilespmem:v29+s3+$0x0], $0xffff  }
0x50b: {  	v9 =	vmin.f32 v9, $4.095000000e+03;
	v52 =	vtrunc.f32 v18;
	v24 =	vld.idx.msk [tilespmem:v24+s18+$0x0], $0xffff;
	v12 =	vmul.f32 v12, v39  }
0x50c: {  	v14 =	vmin.f32 v14, $4.095000000e+03;
	v38 =	vcvt.f32.s32 v38;
	v3 =	vmul.f32 $1.000000000e+03, v3;
	v29 =	vld.idx.msk [tilespmem:v29+s18+$0x0], $0xffff  }
0x50d: {  	v5 =	vmul.f32 $1.000000000e+03, v5;
	v45 =	vld.idx.msk [tilespmem:v28+s3+$0x0], $0xffff;
	v12 =	vadd.f32 v12, v23;
	v23 =	vcvt.f32.s32 v49  }
0x50e: {  	v6 =	vmul.f32 $1.000000000e+03, v6;
	v3 =	vadd.f32 $2.048000000e+03, v3;
	v27 =	vld.idx.msk [tilespmem:v27+s18+$0x0], $0xffff;
	v46 =	vmul.f32 v4, v40  }
0x50f: {  	v5 =	vadd.f32 $2.048000000e+03, v5;
	v7 =	vmul.f32 v7, v13;
	v13 =	vmul.f32 v17, v35;
	v17 =	vld.idx.msk [tilespmem:v25+s3+$0x0], $0xffff  }
0x510: {  	v51 =	vcvt.f32.s32 v47;
	v6 =	vadd.f32 $2.048000000e+03, v6;
	v28 =	vld.idx.msk [tilespmem:v28+s18+$0x0], $0xffff;
	v24 =	vadd.f32 v46, v24  }
0x511: {  	v2 =	vld [tilespmem:s11+$0x8180];
	v19 =	vmul.f32 v19, v37;
	v20 =	vmul.f32 v20, v44;
	[tilespmem:s11+$0x10020] =	vst v12;
	v7 =	vadd.f32 v7, v29  }
0x512: {  	v6 =	vmax.f32 v6, $0.0e+00;
	v1 =	vld [tilespmem:s11+$0x81A0];
	v22 =	vmul.f32 v22, v45;
	[tilespmem:s11+$0x10030] =	vst v24;
	v29 =	vmul.f32 $1.000000000e+03, v36  }
0x513: {  	v20 =	vadd.f32 v20, v27;
	v27 =	vmul.f32 $1.000000000e+03, v31;
	v11 =	vadd.f32 $2.048000000e+03, v11;
	v24 =	vld.idx.msk [tilespmem:v23+s3+$0x0], $0xffff;
	[tilespmem:s11+$0x100F0] =	vst v7  }
0x514: {  	v7 =	vadd.f32 $2.048000000e+03, v29;
	v29 =	vld.idx.msk [tilespmem:v38+s3+$0x0], $0xffff;
	v15 =	vmul.f32 v15, v17;
	v17 =	vtrunc.f32 v9  }
0x515: {  	v0 =	vld [tilespmem:s11+$0x8190];
	v22 =	vadd.f32 v22, v28;
	v11 =	vmax.f32 v11, $0.0e+00;
	v17 =	vcvt.f32.s32 v17  }
0x516: {  	v27 =	vadd.f32 $2.048000000e+03, v27;
	v11 =	vmin.f32 v11, $4.095000000e+03;
	v4 =	vmax.f32 v7, $0.0e+00;
	v7 =	vld.idx.msk [tilespmem:v38+s18+$0x0], $0xffff  }
0x517: {  	v19 =	vadd.f32 v19, v32;
	v13 =	vadd.f32 v13, v21;
	v21 =	vld.idx.msk [tilespmem:v25+s18+$0x0], $0xffff;
	v25 =	vtrunc.f32 v11  }
0x518: {  	v6 =	vmin.f32 v6, $4.095000000e+03;
	v32 =	vld [tilespmem:s17+$0x80C0];
	[tilespmem:s11+$0x10060] =	vst v22;
	v22 =	vmax.f32 v27, $0.0e+00;
	v25 =	vcvt.f32.s32 v25  }
0x519: {  	[tilespmem:s11+$0x10010] =	vst v19;
	v10 =	vmul.f32 v10, v24;
	v24 =	vmin.f32 v22, $4.095000000e+03;
	v22 =	vld.idx.msk [tilespmem:v23+s18+$0x0], $0xffff;
	v29 =	vmul.f32 v30, v29  }
0x51a: {  	v2 =	vmul.f32 $1.000000000e+03, v2;
	v3 =	vmax.f32 v3, $0.0e+00;
	v56 =	vtrunc.f32 v6;
	[tilespmem:s11+$0x10000] =	vst v13;
	v13 =	vld [tilespmem:s11+$0x81E0]  }
0x51b: {  	v31 =	vmul.f32 $1.000000000e+03, v34;
	v30 =	vtrunc.f32 v14;
	v7 =	vadd.f32 v29, v7;
	v12 =	vld.idx.msk [tilespmem:v17+s3+$0x0], $0xffff  }
0x51c: {  	v5 =	vmax.f32 v5, $0.0e+00;
	v28 =	vmul.f32 $1.000000000e+03, v33;
	v19 =	vld.idx.msk [tilespmem:v51+s3+$0x0], $0xffff;
	v30 =	vcvt.f32.s32 v30  }
0x51d: {  	v33 =	vcvt.f32.s32 v56;
	v4 =	vmin.f32 v4, $4.095000000e+03;
	v29 =	vld [tilespmem:s11+$0x81B0];
	[tilespmem:s11+$0x10170] =	vst v7;
	v7 =	vadd.f32 v15, v21  }
0x51e: {  	v5 =	vmin.f32 v5, $4.095000000e+03;
	[tilespmem:s11+$0x10050] =	vst v20;
	v48 =	vtrunc.f32 v4;
	v17 =	vld.idx.msk [tilespmem:v17+s18+$0x0], $0xffff;
	v15 =	vcvt.f32.s32 v50  }
0x51f: {  	v31 =	vadd.f32 $2.048000000e+03, v31;
	v20 =	vmax.f32 v26, $0.0e+00;
	v35 =	vcvt.f32.s32 v48;
	[tilespmem:s11+$0x10040] =	vst v7;
	v7 =	vld.idx.msk [tilespmem:v25+s3+$0x0], $0xffff  }
0x520: {  	v28 =	vadd.f32 $2.048000000e+03, v28;
	v20 =	vmin.f32 v20, $4.095000000e+03;
	v9 =	vmul.f32 v9, v12;
	v12 =	vld.idx.msk [tilespmem:v51+s18+$0x0], $0xffff  }
0x521: {  	v31 =	vmax.f32 v31, $0.0e+00;
	v57 =	vtrunc.f32 v20;
	v21 =	vcvt.f32.s32 v52;
	v25 =	vld.idx.msk [tilespmem:v25+s18+$0x0], $0xffff  }
0x522: {  	v28 =	vmax.f32 v28, $0.0e+00;
	v34 =	vcvt.f32.s32 v57;
	v23 =	vtrunc.f32 v5;
	v26 =	vld.idx.msk [tilespmem:v30+s3+$0x0], $0xffff  }
0x523: {  	v28 =	vmin.f32 v28, $4.095000000e+03;
	v23 =	vcvt.f32.s32 v23;
	v8 =	vmul.f32 v8, v19;
	v30 =	vld.idx.msk [tilespmem:v30+s18+$0x0], $0xffff  }
0x524: {  	v19 =	vmin.f32 v3, $4.095000000e+03;
	v9 =	vadd.f32 v9, v17;
	v17 =	vtrunc.f32 v28;
	v27 =	vld.idx.msk [tilespmem:v15+s3+$0x0], $0xffff  }
0x525: {  	v55 =	vld.idx.msk [tilespmem:v35+s3+$0x0], $0xffff;
	v7 =	vmul.f32 v11, v7;
	v11 =	vtrunc.f32 v19;
	v8 =	vadd.f32 v8, v12  }
0x526: {  	v31 =	vmin.f32 v31, $4.095000000e+03;
	v15 =	vld.idx.msk [tilespmem:v15+s18+$0x0], $0xffff;
	v11 =	vcvt.f32.s32 v11;
	v12 =	vtrunc.f32 v24  }
0x527: {  	v3 =	vld.idx.msk [tilespmem:v21+s3+$0x0], $0xffff;
	v14 =	vmul.f32 v14, v26;
	v12 =	vcvt.f32.s32 v12;
	[tilespmem:s11+$0x10080] =	vst v8;
	v8 =	vadd.f32 v10, v22  }
0x528: {  	v21 =	vld.idx.msk [tilespmem:v21+s18+$0x0], $0xffff;
	[tilespmem:s11+$0x10090] =	vst v9;
	v7 =	vadd.f32 v7, v25;
	v10 =	vcvt.f32.s32 v17;
	v17 =	vtrunc.f32 v31  }
0x529: {  	v16 =	vmul.f32 v16, v27;
	[tilespmem:s11+$0x100A0] =	vst v8;
	v8 =	vadd.f32 v14, v30;
	v14 =	vcvt.f32.s32 v17;
	v17 =	vld.idx.msk [tilespmem:v23+s3+$0x0], $0xffff  }
0x52a: {  	v41 =	vadd.f32 $2.048000000e+03, v41;
	v23 =	vld.idx.msk [tilespmem:v23+s18+$0x0], $0xffff  }
0x52b: {  	v2 =	vadd.f32 $2.048000000e+03, v2;
	v40 =	vmul.f32 $1.000000000e+03, v60;
	[tilespmem:s11+$0x100B0] =	vst v7;
	v7 =	vadd.f32 v16, v15;
	v15 =	vld.idx.msk [tilespmem:v33+s3+$0x0], $0xffff  }
0x52c: {  	v41 =	vmax.f32 v41, $0.0e+00;
	v1 =	vmul.f32 $1.000000000e+03, v1;
	v9 =	vld.idx.msk [tilespmem:v11+s3+$0x0], $0xffff  }
0x52d: {  	v2 =	vmax.f32 v2, $0.0e+00;
	v40 =	vadd.f32 $2.048000000e+03, v40;
	v0 =	vmul.f32 $1.000000000e+03, v0;
	[tilespmem:s11+$0x100C0] =	vst v8;
	v8 =	vld.idx.msk [tilespmem:v34+s3+$0x0], $0xffff  }
0x52e: {  	v1 =	vadd.f32 $2.048000000e+03, v1;
	v25 =	vmin.f32 v2, $4.095000000e+03;
	v3 =	vmul.f32 v18, v3;
	v2 =	vld.idx.msk [tilespmem:v11+s18+$0x0], $0xffff  }
0x52f: {  	v41 =	vmin.f32 v41, $4.095000000e+03;
	v40 =	vmax.f32 v40, $0.0e+00;
	v32 =	vmul.f32 $1.000000000e+03, v32;
	[tilespmem:s11+$0x100D0] =	vst v7;
	v16 =	vld.idx.msk [tilespmem:v12+s3+$0x0], $0xffff  }
0x530: {  	v0 =	vadd.f32 $2.048000000e+03, v0;
	v1 =	vmax.f32 v1, $0.0e+00;
	v3 =	vadd.f32 v3, v21;
	v21 =	vld.idx.msk [tilespmem:v10+s3+$0x0], $0xffff  }
0x531: {  	v32 =	vadd.f32 $2.048000000e+03, v32;
	v4 =	vmul.f32 v4, v55;
	v22 =	vld.idx.msk [tilespmem:v10+s18+$0x0], $0xffff;
	v10 =	vmul.f32 $1.000000000e+03, v13  }
0x532: {  	v0 =	vmax.f32 v0, $0.0e+00;
	[tilespmem:s11+$0x100E0] =	vst v3;
	v3 =	vtrunc.f32 v25;
	v18 =	vld.idx.msk [tilespmem:v12+s18+$0x0], $0xffff;
	v12 =	vmul.f32 $1.000000000e+03, v54  }
0x533: {  	v3 =	vcvt.f32.s32 v3;
	v17 =	vmul.f32 v5, v17;
	v11 =	vld.idx.msk [tilespmem:v14+s3+$0x0], $0xffff;
	v13 =	vadd.f32 $2.048000000e+03, v10  }
0x534: {  	v30 =	vld.idx.msk [tilespmem:v14+s18+$0x0], $0xffff;
	v10 =	vmin.f32 v0, $4.095000000e+03;
	v15 =	vmul.f32 v6, v15;
	v7 =	vmul.f32 v19, v9  }
0x535: {  	v14 =	vld [tilespmem:s17+$0x8070];
	v9 =	vmul.f32 $1.000000000e+03, v29;
	v20 =	vmul.f32 v20, v8;
	v17 =	vadd.f32 v17, v23  }
0x536: {  	v42 =	vld [tilespmem:s17+$0x80A0];
	v0 =	vmax.f32 v13, $0.0e+00;
	v63 =	vmul.f32 v24, v16;
	v2 =	vadd.f32 v7, v2  }
0x537: {  	v48 =	vld [tilespmem:s17+$0x8170];
	v7 =	vmul.f32 $1.000000000e+03, v53;
	v9 =	vadd.f32 $2.048000000e+03, v9;
	v0 =	vmin.f32 v0, $4.095000000e+03  }
0x538: {  	v38 =	vmul.f32 v28, v21;
	v28 =	vld [tilespmem:s17+$0x8060];
	v16 =	vtrunc.f32 v0;
	v18 =	vadd.f32 v63, v18  }
0x539: {  	v35 =	vld.idx.msk [tilespmem:v35+s18+$0x0], $0xffff;
	[tilespmem:s11+$0x10100] =	vst v2;
	v2 =	vadd.f32 $2.048000000e+03, v7;
	v7 =	vadd.f32 $2.048000000e+03, v12;
	v12 =	vmax.f32 v9, $0.0e+00  }
0x53a: {  	v26 =	vld.idx.msk [tilespmem:v34+s18+$0x0], $0xffff;
	v9 =	vmin.f32 v1, $4.095000000e+03;
	v8 =	vmul.f32 $1.000000000e+03, v14;
	v39 =	vmul.f32 v31, v11  }
0x53b: {  	v19 =	vld.idx.msk [tilespmem:v33+s18+$0x0], $0xffff;
	v2 =	vmax.f32 v2, $0.0e+00;
	v29 =	vmax.f32 v7, $0.0e+00;
	v7 =	vmin.f32 v12, $4.095000000e+03  }
0x53c: {  	v31 =	vld [tilespmem:s17+$0x80F0];
	v8 =	vadd.f32 $2.048000000e+03, v8;
	v1 =	vmin.f32 v2, $4.095000000e+03;
	v12 =	vtrunc.f32 v7  }
0x53d: {  	v27 =	vld.idx.msk [tilespmem:v3+s3+$0x0], $0xffff;
	v2 =	vmin.f32 v29, $4.095000000e+03;
	v28 =	vmul.f32 $1.000000000e+03, v28;
	v13 =	vtrunc.f32 v1  }
0x53e: {  	v24 =	vld [tilespmem:s17+$0x8040];
	v11 =	vtrunc.f32 v2;
	v8 =	vmax.f32 v8, $0.0e+00;
	v14 =	vcvt.f32.s32 v12  }
0x53f: {  	v34 =	vld [tilespmem:s17+$0x80E0];
	v13 =	vcvt.f32.s32 v13;
	v29 =	vmin.f32 v8, $4.095000000e+03;
	v12 =	vcvt.f32.s32 v11  }
0x540: {  	v33 =	vld [tilespmem:s17+$0x80D0];
	v11 =	vcvt.f32.s32 v16;
	v16 =	vadd.f32 v15, v19;
	v19 =	vmul.f32 $1.000000000e+03, v58  }
0x541: {  	v21 =	vld [tilespmem:s17+$0x8050];
	v8 =	vadd.f32 v4, v35;
	v31 =	vmul.f32 $1.000000000e+03, v31;
	v4 =	vtrunc.f32 v29  }
0x542: {  	v35 =	vld [tilespmem:s17+$0x80B0];
	v28 =	vadd.f32 $2.048000000e+03, v28;
	v15 =	vmul.f32 v25, v27;
	v25 =	vmul.f32 $1.000000000e+03, v61  }
0x543: {  	v27 =	vmul.f32 $1.000000000e+03, v24;
	v24 =	vld [tilespmem:s17+$0x8100];
	v23 =	vcvt.f32.s32 v4;
	v4 =	vadd.f32 v20, v26  }
0x544: {  	v19 =	vadd.f32 $2.048000000e+03, v19;
	v26 =	vmul.f32 $1.000000000e+03, v62;
	v49 =	vmax.f32 v28, $0.0e+00;
	v28 =	vld [tilespmem:s17+$0x8140]  }
0x545: {  	v40 =	vmin.f32 v40, $4.095000000e+03;
	v61 =	vadd.f32 $2.048000000e+03, v25;
	v27 =	vadd.f32 $2.048000000e+03, v27;
	v25 =	vld [tilespmem:s17+$0x8110]  }
0x546: {  	v31 =	vadd.f32 $2.048000000e+03, v31;
	v43 =	vadd.f32 $2.048000000e+03, v26;
	v19 =	vmax.f32 v19, $0.0e+00;
	v26 =	vld [tilespmem:s17+$0x8120]  }
0x547: {  	v20 =	vmul.f32 $1.000000000e+03, v59;
	v45 =	vmin.f32 v19, $4.095000000e+03;
	v19 =	vmax.f32 v27, $0.0e+00;
	v27 =	vld [tilespmem:s17+$0x8130]  }
0x548: {  	v48 =	vmul.f32 $1.000000000e+03, v48;
	v31 =	vmax.f32 v31, $0.0e+00;
	v36 =	vmax.f32 v61, $0.0e+00;
	v61 =	vld [tilespmem:s17+$0x81F0]  }
0x549: {  	[tilespmem:s11+$0x10140] =	vst v18;
	v20 =	vadd.f32 $2.048000000e+03, v20;
	v46 =	vmin.f32 v31, $4.095000000e+03;
	v31 =	vtrunc.f32 v45;
	v44 =	vld.idx.msk [tilespmem:v23+s3+$0x0], $0xffff  }
0x54a: {  	v32 =	vmax.f32 v32, $0.0e+00;
	v5 =	vtrunc.f32 v10;
	[tilespmem:s11+$0x10120] =	vst v16;
	v16 =	vld.idx.msk [tilespmem:v13+s3+$0x0], $0xffff;
	v51 =	vcvt.f32.s32 v31  }
0x54b: {  	v34 =	vmul.f32 $1.000000000e+03, v34;
	v5 =	vcvt.f32.s32 v5;
	v20 =	vmax.f32 v20, $0.0e+00;
	v23 =	vld.idx.msk [tilespmem:v23+s18+$0x0], $0xffff  }
0x54c: {  	v21 =	vmul.f32 $1.000000000e+03, v21;
	v47 =	vmin.f32 v20, $4.095000000e+03;
	v20 =	vtrunc.f32 v46;
	v31 =	vld [tilespmem:s17+$0x8150]  }
0x54d: {  	v52 =	vmin.f32 v19, $4.095000000e+03;
	v50 =	vcvt.f32.s32 v20;
	v19 =	vtrunc.f32 v47;
	v20 =	vld [tilespmem:s17+$0x8180]  }
0x54e: {  	v48 =	vadd.f32 $2.048000000e+03, v48;
	v54 =	vcvt.f32.s32 v19;
	v19 =	vld [tilespmem:s17+$0x8190];
	v44 =	vmul.f32 v29, v44  }
0x54f: {  	v21 =	vadd.f32 $2.048000000e+03, v21;
	v43 =	vmax.f32 v43, $0.0e+00;
	v36 =	vmin.f32 v36, $4.095000000e+03;
	v29 =	vld [tilespmem:s17+$0x8160]  }
0x550: {  	v43 =	vmin.f32 v43, $4.095000000e+03;
	v53 =	vtrunc.f32 v36;
	v58 =	vld.idx.msk [tilespmem:v51+s3+$0x0], $0xffff;
	v23 =	vadd.f32 v44, v23  }
0x551: {  	v21 =	vmax.f32 v21, $0.0e+00;
	v55 =	vtrunc.f32 v43;
	v53 =	vcvt.f32.s32 v53;
	v51 =	vld.idx.msk [tilespmem:v51+s18+$0x0], $0xffff  }
0x552: {  	v34 =	vadd.f32 $2.048000000e+03, v34;
	v55 =	vcvt.f32.s32 v55;
	v44 =	vmin.f32 v21, $4.095000000e+03;
	v21 =	vld [tilespmem:s17+$0x81A0];
	[tilespmem:s17+$0x10070] =	vst v23  }
0x553: {  	v49 =	vmin.f32 v49, $4.095000000e+03;
	v56 =	vtrunc.f32 v52;
	v23 =	vtrunc.f32 v44;
	v57 =	vld.idx.msk [tilespmem:v50+s3+$0x0], $0xffff  }
0x554: {  	v56 =	vcvt.f32.s32 v56;
	v59 =	vcvt.f32.s32 v23;
	v50 =	vld.idx.msk [tilespmem:v50+s18+$0x0], $0xffff;
	v23 =	vmax.f32 v48, $0.0e+00  }
0x555: {  	v33 =	vmul.f32 $1.000000000e+03, v33;
	v62 =	vtrunc.f32 v49;
	v48 =	vld.idx.msk [tilespmem:v54+s3+$0x0], $0xffff;
	v60 =	vmin.f32 v23, $4.095000000e+03  }
0x556: {  	v54 =	vld.idx.msk [tilespmem:v54+s18+$0x0], $0xffff;
	v23 =	vadd.f32 v38, v22;
	v38 =	vmul.f32 $1.000000000e+03, v42;
	v42 =	vtrunc.f32 v60  }
0x557: {  	v22 =	vadd.f32 v39, v30;
	v30 =	vmul.f32 $1.000000000e+03, v35;
	v35 =	vld.idx.msk [tilespmem:v53+s3+$0x0], $0xffff;
	v39 =	vcvt.f32.s32 v42  }
0x558: {  	v32 =	vmin.f32 v32, $4.095000000e+03;
	v37 =	vcvt.f32.s32 v62;
	v42 =	vld.idx.msk [tilespmem:v55+s3+$0x0], $0xffff;
	[tilespmem:s11+$0x10150] =	vst v23;
	v46 =	vmul.f32 v46, v57  }
0x559: {  	v34 =	vmax.f32 v34, $0.0e+00;
	v33 =	vadd.f32 $2.048000000e+03, v33;
	v61 =	vmul.f32 $1.000000000e+03, v61;
	v18 =	vld.idx.msk [tilespmem:v12+s3+$0x0], $0xffff  }
0x55a: {  	v6 =	vtrunc.f32 v9;
	v34 =	vmin.f32 v34, $4.095000000e+03;
	v57 =	vld.idx.msk [tilespmem:v56+s3+$0x0], $0xffff;
	v46 =	vadd.f32 v46, v50  }
0x55b: {  	v6 =	vcvt.f32.s32 v6;
	v33 =	vmax.f32 v33, $0.0e+00;
	v63 =	vadd.f32 $2.048000000e+03, v61;
	v56 =	vld.idx.msk [tilespmem:v56+s18+$0x0], $0xffff  }
0x55c: {  	v33 =	vmin.f32 v33, $4.095000000e+03;
	v24 =	vmul.f32 $1.000000000e+03, v24;
	v28 =	vmul.f32 $1.000000000e+03, v28;
	v62 =	vld.idx.msk [tilespmem:v59+s3+$0x0], $0xffff;
	[tilespmem:s17+$0x100F0] =	vst v46  }
0x55d: {  	v25 =	vmul.f32 $1.000000000e+03, v25;
	v45 =	vmul.f32 v45, v58;
	v58 =	vmax.f32 v63, $0.0e+00;
	v46 =	vld.idx.msk [tilespmem:v39+s3+$0x0], $0xffff  }
0x55e: {  	v26 =	vmul.f32 $1.000000000e+03, v26;
	v47 =	vmul.f32 v47, v48;
	v48 =	vmin.f32 v58, $4.095000000e+03;
	v50 =	vld.idx.msk [tilespmem:v37+s3+$0x0], $0xffff  }
0x55f: {  	v63 =	vtrunc.f32 v40;
	v38 =	vadd.f32 $2.048000000e+03, v38;
	v61 =	vtrunc.f32 v48;
	v39 =	vld.idx.msk [tilespmem:v39+s18+$0x0], $0xffff  }
0x560: {  	v30 =	vadd.f32 $2.048000000e+03, v30;
	v35 =	vmul.f32 v36, v35;
	v36 =	vld.idx.msk [tilespmem:v53+s18+$0x0], $0xffff;
	v53 =	vcvt.f32.s32 v61  }
0x561: {  	v38 =	vmax.f32 v38, $0.0e+00;
	v61 =	vtrunc.f32 v41;
	v37 =	vld.idx.msk [tilespmem:v37+s18+$0x0], $0xffff;
	v42 =	vmul.f32 v43, v42  }
0x562: {  	v30 =	vmax.f32 v30, $0.0e+00;
	v43 =	vld.idx.msk [tilespmem:v55+s18+$0x0], $0xffff;
	v58 =	vcvt.f32.s32 v61;
	v46 =	vmul.f32 v60, v46  }
0x563: {  	v38 =	vmin.f32 v38, $4.095000000e+03;
	v30 =	vmin.f32 v30, $4.095000000e+03;
	v55 =	vld [tilespmem:s17+$0x81B0];
	v52 =	vmul.f32 v52, v57  }
0x564: {  	v57 =	vld.idx.msk [tilespmem:v59+s18+$0x0], $0xffff;
	v49 =	vmul.f32 v49, v50;
	v50 =	vcvt.f32.s32 v63;
	v39 =	vadd.f32 v46, v39  }
0x565: {  	v47 =	vadd.f32 v47, v54;
	v59 =	vld [tilespmem:s17+$0x81C0];
	v44 =	vmul.f32 v44, v62;
	v46 =	vtrunc.f32 v38  }
0x566: {  	v28 =	vadd.f32 $2.048000000e+03, v28;
	v62 =	vld [tilespmem:s17+$0x81E0];
	v60 =	vtrunc.f32 v30;
	v46 =	vcvt.f32.s32 v46;
	[tilespmem:s17+$0x10170] =	vst v39  }
0x567: {  	v27 =	vmul.f32 $1.000000000e+03, v27;
	[tilespmem:s17+$0x10010] =	vst v47;
	v39 =	vadd.f32 v45, v51;
	v51 =	vcvt.f32.s32 v60;
	v60 =	vld.idx.msk [tilespmem:v53+s3+$0x0], $0xffff  }
0x568: {  	v25 =	vadd.f32 $2.048000000e+03, v25;
	v54 =	vtrunc.f32 v33;
	v35 =	vadd.f32 v35, v36;
	v47 =	vld.idx.msk [tilespmem:v58+s3+$0x0], $0xffff  }
0x569: {  	v26 =	vadd.f32 $2.048000000e+03, v26;
	v53 =	vld.idx.msk [tilespmem:v53+s18+$0x0], $0xffff;
	[tilespmem:s17+$0x10000] =	vst v39;
	v39 =	vcvt.f32.s32 v54;
	v54 =	vadd.f32 v49, v37  }
0x56a: {  	v28 =	vmax.f32 v28, $0.0e+00;
	v42 =	vadd.f32 v42, v43;
	[tilespmem:s17+$0x10020] =	vst v35;
	v45 =	vtrunc.f32 v32;
	v43 =	vld.idx.msk [tilespmem:v50+s3+$0x0], $0xffff  }
0x56b: {  	v31 =	vmul.f32 $1.000000000e+03, v31;
	v56 =	vadd.f32 v52, v56;
	v45 =	vcvt.f32.s32 v45;
	[tilespmem:s17+$0x10060] =	vst v54;
	v54 =	vld.idx.msk [tilespmem:v58+s18+$0x0], $0xffff  }
0x56c: {  	v27 =	vadd.f32 $2.048000000e+03, v27;
	v63 =	vtrunc.f32 v34;
	[tilespmem:s17+$0x10030] =	vst v42;
	v52 =	vmul.f32 v48, v60;
	v48 =	vld.idx.msk [tilespmem:v46+s3+$0x0], $0xffff  }
0x56d: {  	v36 =	vcvt.f32.s32 v63;
	[tilespmem:s17+$0x10040] =	vst v56;
	v56 =	vadd.f32 $2.048000000e+03, v24;
	v63 =	vadd.f32 v44, v57;
	v57 =	vld.idx.msk [tilespmem:v51+s3+$0x0], $0xffff  }
0x56e: {  	v25 =	vmax.f32 v25, $0.0e+00;
	v28 =	vmin.f32 v28, $4.095000000e+03;
	v26 =	vmax.f32 v26, $0.0e+00;
	v46 =	vld.idx.msk [tilespmem:v46+s18+$0x0], $0xffff  }
0x56f: {  	[tilespmem:s11+$0x10130] =	vst v4;
	v31 =	vadd.f32 $2.048000000e+03, v31;
	v29 =	vmul.f32 $1.000000000e+03, v29;
	v37 =	vmax.f32 v56, $0.0e+00;
	v56 =	vld.idx.msk [tilespmem:v51+s18+$0x0], $0xffff  }
0x570: {  	v25 =	vmin.f32 v25, $4.095000000e+03;
	v4 =	vtrunc.f32 v28;
	v27 =	vmax.f32 v27, $0.0e+00;
	v51 =	vld.idx.msk [tilespmem:v14+s3+$0x0], $0xffff  }
0x571: {  	[tilespmem:s11+$0x10110] =	vst v17;
	v26 =	vmin.f32 v26, $4.095000000e+03;
	v31 =	vmax.f32 v31, $0.0e+00;
	v29 =	vadd.f32 $2.048000000e+03, v29;
	v60 =	vld.idx.msk [tilespmem:v45+s3+$0x0], $0xffff  }
0x572: {  	v27 =	vmin.f32 v27, $4.095000000e+03;
	v17 =	vtrunc.f32 v26;
	v31 =	vmin.f32 v31, $4.095000000e+03;
	[tilespmem:s17+$0x10050] =	vst v63;
	v45 =	vld.idx.msk [tilespmem:v45+s18+$0x0], $0xffff  }
0x573: {  	v29 =	vmax.f32 v29, $0.0e+00;
	v41 =	vmul.f32 v41, v47;
	v58 =	vtrunc.f32 v25;
	v63 =	vld.idx.msk [tilespmem:v39+s3+$0x0], $0xffff  }
0x574: {  	v42 =	vcvt.f32.s32 v58;
	v24 =	vadd.f32 v52, v53;
	v35 =	vmul.f32 v40, v43;
	v52 =	vld.idx.msk [tilespmem:v36+s3+$0x0], $0xffff  }
0x575: {  	v37 =	vmin.f32 v37, $4.095000000e+03;
	v53 =	vld.idx.msk [tilespmem:v50+s18+$0x0], $0xffff;
	v40 =	vcvt.f32.s32 v4;
	v4 =	vmul.f32 $1.000000000e+03, v20  }
0x576: {  	v39 =	vld.idx.msk [tilespmem:v39+s18+$0x0], $0xffff;
	v23 =	vadd.f32 v41, v54;
	v54 =	vcvt.f32.s32 v17;
	v38 =	vmul.f32 v38, v48  }
0x577: {  	v36 =	vld.idx.msk [tilespmem:v36+s18+$0x0], $0xffff;
	v4 =	vadd.f32 $2.048000000e+03, v4;
	v30 =	vmul.f32 v30, v57;
	v57 =	vtrunc.f32 v37  }
0x578: {  	v29 =	vmin.f32 v29, $4.095000000e+03;
	v43 =	vld.idx.msk [tilespmem:v5+s3+$0x0], $0xffff;
	v32 =	vmul.f32 v32, v60;
	v60 =	vtrunc.f32 v27  }
0x579: {  	v50 =	vld.idx.msk [tilespmem:v6+s3+$0x0], $0xffff;
	v49 =	vcvt.f32.s32 v57;
	v57 =	vmul.f32 $1.000000000e+03, v62;
	v4 =	vmax.f32 v4, $0.0e+00  }
0x57a: {  	v61 =	vld [tilespmem:s17+$0x81D0];
	[tilespmem:s17+$0x10090] =	vst v23;
	v33 =	vmul.f32 v33, v63;
	v34 =	vmul.f32 v34, v52;
	v35 =	vadd.f32 v35, v53  }
0x57b: {  	[tilespmem:s11+$0x10160] =	vst v22;
	v63 =	vtrunc.f32 v31;
	v22 =	vadd.f32 v38, v46;
	v30 =	vadd.f32 v30, v56;
	v56 =	vld.idx.msk [tilespmem:v42+s3+$0x0], $0xffff  }
0x57c: {  	v38 =	vcvt.f32.s32 v60;
	v52 =	vld.idx.msk [tilespmem:v42+s18+$0x0], $0xffff;
	v32 =	vadd.f32 v32, v45;
	v44 =	vcvt.f32.s32 v63;
	[tilespmem:s17+$0x10080] =	vst v35  }
0x57d: {  	v20 =	vadd.f32 v33, v39;
	v35 =	vld.idx.msk [tilespmem:v3+s18+$0x0], $0xffff;
	v3 =	vmul.f32 $1.000000000e+03, v19;
	v19 =	vmul.f32 $1.000000000e+03, v21;
	[tilespmem:s17+$0x100A0] =	vst v22  }
0x57e: {  	v21 =	vadd.f32 v34, v36;
	v22 =	vmul.f32 $1.000000000e+03, v55;
	v55 =	vmul.f32 $1.000000000e+03, v59;
	[tilespmem:s17+$0x100B0] =	vst v30;
	v58 =	vld.idx.msk [tilespmem:v54+s3+$0x0], $0xffff  }
0x57f: {  	v30 =	vmul.f32 $1.000000000e+03, v61;
	v39 =	vadd.f32 $2.048000000e+03, v57;
	[tilespmem:s17+$0x100C0] =	vst v32;
	v54 =	vld.idx.msk [tilespmem:v54+s18+$0x0], $0xffff;
	v3 =	vadd.f32 $2.048000000e+03, v3  }
0x580: {  	v53 =	vtrunc.f32 v29;
	v19 =	vadd.f32 $2.048000000e+03, v19;
	v22 =	vadd.f32 $2.048000000e+03, v22;
	v60 =	vld.idx.msk [tilespmem:v40+s3+$0x0], $0xffff  }
0x581: {  	v33 =	vcvt.f32.s32 v53;
	[tilespmem:s17+$0x100D0] =	vst v20;
	v20 =	vadd.f32 $2.048000000e+03, v55;
	v30 =	vadd.f32 $2.048000000e+03, v30;
	v57 =	vld.idx.msk [tilespmem:v40+s18+$0x0], $0xffff  }
0x582: {  	[tilespmem:s17+$0x100E0] =	vst v21;
	v23 =	vld.idx.msk [tilespmem:v49+s3+$0x0], $0xffff;
	v25 =	vmul.f32 v25, v56;
	v3 =	vmax.f32 v3, $0.0e+00;
	v21 =	vmax.f32 v19, $0.0e+00  }
0x583: {  	v59 =	vld.idx.msk [tilespmem:v38+s3+$0x0], $0xffff;
	v19 =	vmin.f32 v4, $4.095000000e+03;
	v20 =	vmax.f32 v20, $0.0e+00;
	v30 =	vmax.f32 v30, $0.0e+00  }
0x584: {  	v61 =	vld.idx.msk [tilespmem:v44+s3+$0x0], $0xffff;
	v4 =	vmin.f32 v3, $4.095000000e+03;
	v3 =	vmin.f32 v21, $4.095000000e+03;
	v20 =	vmin.f32 v20, $4.095000000e+03  }
0x585: {  	v63 =	vld.idx.msk [tilespmem:v49+s18+$0x0], $0xffff;
	v53 =	vtrunc.f32 v19;
	v21 =	vmin.f32 v30, $4.095000000e+03;
	v26 =	vmul.f32 v26, v58  }
0x586: {  	[tilespmem:s11+$0x101F0] =	vst v8;
	v55 =	vld.idx.msk [tilespmem:v38+s18+$0x0], $0xffff;
	v8 =	vadd.f32 v15, v35;
	v30 =	vtrunc.f32 v4;
	v56 =	vtrunc.f32 v3  }
0x587: {  	[tilespmem:s17+$0x101F0] =	vst v24;
	v39 =	vmax.f32 v39, $0.0e+00;
	v62 =	vld.idx.msk [tilespmem:v33+s3+$0x0], $0xffff;
	v24 =	vtrunc.f32 v20;
	v28 =	vmul.f32 v28, v60  }
0x588: {  	v22 =	vmax.f32 v22, $0.0e+00;
	[tilespmem:s11+$0x10180] =	vst v8;
	v8 =	vcvt.f32.s32 v53;
	v27 =	vmul.f32 v27, v59;
	v59 =	vld.idx.msk [tilespmem:v44+s18+$0x0], $0xffff  }
0x589: {  	v37 =	vmul.f32 v37, v23;
	v23 =	vmin.f32 v22, $4.095000000e+03;
	v58 =	vmul.f32 v31, v61;
	v61 =	vld.idx.msk [tilespmem:v33+s18+$0x0], $0xffff  }
0x58a: {  	v22 =	vmin.f32 v39, $4.095000000e+03;
	v15 =	vtrunc.f32 v23;
	v31 =	vadd.f32 v25, v52;
	v25 =	vld.idx.msk [tilespmem:v5+s18+$0x0], $0xffff  }
0x58b: {  	v5 =	vcvt.f32.s32 v30;
	v30 =	vadd.f32 v26, v54;
	v26 =	vld.idx.msk [tilespmem:v6+s18+$0x0], $0xffff;
	v6 =	vcvt.f32.s32 v56  }
0x58c: {  	v17 =	vld.idx.msk [tilespmem:v11+s3+$0x0], $0xffff;
	v15 =	vcvt.f32.s32 v15;
	v60 =	vmul.f32 v29, v62;
	v29 =	vadd.f32 v37, v63;
	[tilespmem:s17+$0x10110] =	vst v31  }
0x58d: {  	v62 =	vtrunc.f32 v21;
	v63 =	vtrunc.f32 v22;
	v32 =	vadd.f32 v27, v55;
	v27 =	vld.idx.msk [tilespmem:v13+s18+$0x0], $0xffff;
	[tilespmem:s17+$0x10120] =	vst v30  }
0x58e: {  	v30 =	vadd.f32 v28, v57;
	v31 =	vmul.f32 v10, v43;
	v13 =	vcvt.f32.s32 v62;
	[tilespmem:s17+$0x10100] =	vst v29;
	v29 =	vld.idx.msk [tilespmem:v14+s18+$0x0], $0xffff  }
0x58f: {  	v28 =	vld.idx.msk [tilespmem:v12+s18+$0x0], $0xffff;
	v10 =	vmul.f32 v7, v51;
	v14 =	vcvt.f32.s32 v24;
	[tilespmem:s17+$0x10130] =	vst v32;
	v33 =	vadd.f32 v58, v59  }
0x590: {  	s1 =	simm.s32 $0x80;
	s21 =	simm.s32 $0x1000;
	v32 =	vmul.f32 v9, v50;
	v24 =	vcvt.f32.s32 v63;
	[tilespmem:s17+$0x10140] =	vst v30;
	v30 =	vld.idx.msk [tilespmem:v11+s18+$0x0], $0xffff;
	v12 =	vadd.f32 v60, v61  }
.LBB2_21:
0x591: {  	s22 =	sshra.s32 s21, $0x2;
	s1 =	sadd.s32 $0x80, s1;
	v34 =	vld.idx.msk [tilespmem:v8+s3+$0x0], $0xffff;
	[tilespmem:s17+$0x10150] =	vst v33;
	v33 =	vmul.f32 v1, v16;
	v16 =	vmul.f32 v2, v18;
	v7 =	vmov v23  }
0x592: {  	v31 =	vadd.f32 v31, v25;
	v23 =	vadd.f32 v32, v26;
	v17 =	vmul.f32 v0, v17;
	v18 =	vld [tilespmem:s22+$0x8070];
	p0 =	slt.u32 s1, $0x780;
	[tilespmem:s17+$0x10160] =	vst v12  }
0x593: {  	v1 =	vmovc v20;
	v2 =	vmovc v21;
	v0 =	vmov v22;
	v26 =	vadd.f32 v10, v29;
	v12 =	vmov v15;
	v25 =	vld [tilespmem:s22+$0x8000]  }
0x594: {  	v11 =	vmovc v14;
	v9 =	vmov v24;
	v10 =	vmov v13;
	v20 =	vadd.f32 v33, v27;
	v15 =	vld [tilespmem:s22+$0x8010];
	[tilespmem:s11+$0x10190] =	vst v31  }
0x595: {  	v16 =	vadd.f32 v16, v28;
	v14 =	vld [tilespmem:s22+$0x8020];
	[tilespmem:s11+$0x101A0] =	vst v23  }
0x596: {  	v17 =	vadd.f32 v17, v30;
	v21 =	vld [tilespmem:s22+$0x8030];
	[tilespmem:s11+$0x101B0] =	vst v26  }
0x597: {  	v13 =	vmul.f32 v19, v34;
	v22 =	vld [tilespmem:s22+$0x8040];
	v18 =	vmul.f32 $1.000000000e+03, v18;
	[tilespmem:s11+$0x101C0] =	vst v20  }
0x598: {  	v19 =	vmul.f32 $1.000000000e+03, v25;
	v20 =	vld [tilespmem:s22+$0x8050];
	[tilespmem:s11+$0x101D0] =	vst v16  }
0x599: {  	v15 =	vmul.f32 $1.000000000e+03, v15;
	v16 =	vld [tilespmem:s22+$0x8060];
	v18 =	vadd.f32 $2.048000000e+03, v18;
	[tilespmem:s11+$0x101E0] =	vst v17;
	s11 =	smov.u32 s17;
	s17 =	smov.u32 s22  }
0x59a: {  	v17 =	vadd.f32 $2.048000000e+03, v19;
	v24 =	vld [tilespmem:s17+$0x8080];
	v14 =	vmul.f32 $1.000000000e+03, v14  }
0x59b: {  	v15 =	vadd.f32 $2.048000000e+03, v15;
	v25 =	vld [tilespmem:s17+$0x8090];
	v19 =	vmul.f32 $1.000000000e+03, v21;
	v18 =	vmax.f32 v18, $0.0e+00  }
0x59c: {  	v14 =	vadd.f32 $2.048000000e+03, v14;
	v26 =	vld [tilespmem:s17+$0x80A0];
	v21 =	vmul.f32 $1.000000000e+03, v22;
	v22 =	vmin.f32 v18, $4.095000000e+03  }
0x59d: {  	v18 =	vadd.f32 $2.048000000e+03, v19;
	v19 =	vmul.f32 $1.000000000e+03, v20;
	v20 =	vtrunc.f32 v22;
	v23 =	vld [tilespmem:s17+$0x80F0]  }
0x59e: {  	v27 =	vld [tilespmem:s17+$0x80B0];
	v21 =	vadd.f32 $2.048000000e+03, v21;
	v16 =	vmul.f32 $1.000000000e+03, v16;
	v20 =	vcvt.f32.s32 v20  }
0x59f: {  	v17 =	vmax.f32 v17, $0.0e+00;
	v15 =	vmax.f32 v15, $0.0e+00;
	v28 =	vld [tilespmem:s17+$0x80C0];
	v19 =	vadd.f32 $2.048000000e+03, v19  }
0x5a0: {  	v14 =	vmax.f32 v14, $0.0e+00;
	v29 =	vmax.f32 v18, $0.0e+00;
	v30 =	vld [tilespmem:s17+$0x80D0];
	v18 =	vadd.f32 $2.048000000e+03, v16  }
0x5a1: {  	v31 =	vmin.f32 v17, $4.095000000e+03;
	v17 =	vmax.f32 v21, $0.0e+00;
	v19 =	vmax.f32 v19, $0.0e+00;
	v32 =	vld [tilespmem:s17+$0x80E0]  }
0x5a2: {  	v33 =	vmin.f32 v15, $4.095000000e+03;
	v16 =	vld [tilespmem:s17+$0x8100];
	v15 =	vmax.f32 v18, $0.0e+00;
	v21 =	vmul.f32 $1.000000000e+03, v23  }
0x5a3: {  	v34 =	vmin.f32 v14, $4.095000000e+03;
	v29 =	vmin.f32 v29, $4.095000000e+03;
	v35 =	vmin.f32 v17, $4.095000000e+03;
	v18 =	vld [tilespmem:s17+$0x8110]  }
0x5a4: {  	v36 =	vmin.f32 v19, $4.095000000e+03;
	v37 =	vmin.f32 v15, $4.095000000e+03;
	v14 =	vld.idx.msk [tilespmem:v20+s3+$0x0], $0xffff;
	v15 =	vadd.f32 $2.048000000e+03, v21  }
0x5a5: {  	v17 =	vtrunc.f32 v31;
	v23 =	vtrunc.f32 v33;
	v19 =	vld [tilespmem:s17+$0x8120]  }
0x5a6: {  	v38 =	vtrunc.f32 v34;
	v39 =	vtrunc.f32 v29;
	v40 =	vld.idx.msk [tilespmem:v20+s18+$0x0], $0xffff;
	v15 =	vmax.f32 v15, $0.0e+00  }
0x5a7: {  	v41 =	vtrunc.f32 v35;
	v42 =	vtrunc.f32 v36;
	v20 =	vld [tilespmem:s17+$0x8130];
	v43 =	vmin.f32 v15, $4.095000000e+03  }
0x5a8: {  	v44 =	vtrunc.f32 v37;
	v15 =	vtrunc.f32 v43;
	v45 =	vld [tilespmem:s17+$0x8170]  }
0x5a9: {  	v46 =	vcvt.f32.s32 v17;
	v21 =	vld [tilespmem:s17+$0x8140];
	v47 =	vcvt.f32.s32 v15  }
0x5aa: {  	v48 =	vcvt.f32.s32 v23;
	v14 =	vmul.f32 v22, v14;
	v23 =	vld [tilespmem:s17+$0x8150]  }
0x5ab: {  	v38 =	vcvt.f32.s32 v38;
	v39 =	vcvt.f32.s32 v39;
	v22 =	vld [tilespmem:s17+$0x8160]  }
0x5ac: {  	v41 =	vcvt.f32.s32 v41;
	v42 =	vcvt.f32.s32 v42;
	v40 =	vadd.f32 v14, v40;
	v15 =	vld [tilespmem:s17+$0x8180]  }
0x5ad: {  	v44 =	vcvt.f32.s32 v44;
	v14 =	vld [tilespmem:s17+$0x8190];
	v45 =	vmul.f32 $1.000000000e+03, v45  }
0x5ae: {  	v24 =	vmul.f32 $1.000000000e+03, v24;
	v25 =	vmul.f32 $1.000000000e+03, v25;
	v17 =	vld [tilespmem:s17+$0x81A0];
	[tilespmem:s17+$0x10070] =	vst v40  }
0x5af: {  	v26 =	vmul.f32 $1.000000000e+03, v26;
	v27 =	vmul.f32 $1.000000000e+03, v27;
	v40 =	vld.idx.msk [tilespmem:v47+s3+$0x0], $0xffff;
	v45 =	vadd.f32 $2.048000000e+03, v45  }
0x5b0: {  	v24 =	vadd.f32 $2.048000000e+03, v24;
	v28 =	vmul.f32 $1.000000000e+03, v28;
	v30 =	vmul.f32 $1.000000000e+03, v30;
	v49 =	vld.idx.msk [tilespmem:v46+s3+$0x0], $0xffff  }
0x5b1: {  	v25 =	vadd.f32 $2.048000000e+03, v25;
	v32 =	vmul.f32 $1.000000000e+03, v32;
	v47 =	vld.idx.msk [tilespmem:v47+s18+$0x0], $0xffff;
	v45 =	vmax.f32 v45, $0.0e+00  }
0x5b2: {  	v26 =	vadd.f32 $2.048000000e+03, v26;
	v27 =	vadd.f32 $2.048000000e+03, v27;
	v50 =	vld.idx.msk [tilespmem:v48+s3+$0x0], $0xffff;
	v45 =	vmin.f32 v45, $4.095000000e+03  }
0x5b3: {  	v28 =	vadd.f32 $2.048000000e+03, v28;
	v30 =	vadd.f32 $2.048000000e+03, v30;
	v51 =	vtrunc.f32 v45;
	v52 =	vld [tilespmem:s17+$0x81F0]  }
0x5b4: {  	v24 =	vmax.f32 v24, $0.0e+00;
	v32 =	vadd.f32 $2.048000000e+03, v32;
	v53 =	vld.idx.msk [tilespmem:v38+s3+$0x0], $0xffff;
	v51 =	vcvt.f32.s32 v51  }
0x5b5: {  	v25 =	vmax.f32 v25, $0.0e+00;
	v26 =	vmax.f32 v26, $0.0e+00;
	v40 =	vmul.f32 v43, v40;
	v54 =	vld.idx.msk [tilespmem:v39+s3+$0x0], $0xffff  }
0x5b6: {  	v27 =	vmax.f32 v27, $0.0e+00;
	v28 =	vmax.f32 v28, $0.0e+00;
	v31 =	vmul.f32 v31, v49;
	v43 =	vld.idx.msk [tilespmem:v41+s3+$0x0], $0xffff  }
0x5b7: {  	v30 =	vmax.f32 v30, $0.0e+00;
	v32 =	vmax.f32 v32, $0.0e+00;
	v40 =	vadd.f32 v40, v47;
	v49 =	vld.idx.msk [tilespmem:v42+s3+$0x0], $0xffff  }
0x5b8: {  	v47 =	vmin.f32 v24, $4.095000000e+03;
	v24 =	vmul.f32 v33, v50;
	v33 =	vld.idx.msk [tilespmem:v44+s3+$0x0], $0xffff;
	v50 =	vmul.f32 $1.000000000e+03, v52  }
0x5b9: {  	v55 =	vmin.f32 v26, $4.095000000e+03;
	v56 =	vmin.f32 v27, $4.095000000e+03;
	v52 =	vmin.f32 v25, $4.095000000e+03;
	v46 =	vld.idx.msk [tilespmem:v46+s18+$0x0], $0xffff;
	[tilespmem:s17+$0x100F0] =	vst v40  }
0x5ba: {  	v28 =	vmin.f32 v28, $4.095000000e+03;
	v25 =	vmul.f32 v34, v53;
	v26 =	vld.idx.msk [tilespmem:v51+s3+$0x0], $0xffff;
	v34 =	vadd.f32 $2.048000000e+03, v50  }
0x5bb: {  	v30 =	vmin.f32 v30, $4.095000000e+03;
	v27 =	vmin.f32 v32, $4.095000000e+03;
	v29 =	vmul.f32 v29, v54;
	v40 =	vld.idx.msk [tilespmem:v48+s18+$0x0], $0xffff  }
0x5bc: {  	v32 =	vtrunc.f32 v47;
	v35 =	vmul.f32 v35, v43;
	v43 =	vld.idx.msk [tilespmem:v51+s18+$0x0], $0xffff;
	v34 =	vmax.f32 v34, $0.0e+00  }
0x5bd: {  	v48 =	vtrunc.f32 v52;
	v36 =	vmul.f32 v36, v49;
	v38 =	vld.idx.msk [tilespmem:v38+s18+$0x0], $0xffff;
	v34 =	vmin.f32 v34, $4.095000000e+03  }
0x5be: {  	v33 =	vmul.f32 v37, v33;
	v39 =	vld.idx.msk [tilespmem:v39+s18+$0x0], $0xffff;
	v37 =	vtrunc.f32 v34  }
0x5bf: {  	v31 =	vadd.f32 v31, v46;
	v46 =	vtrunc.f32 v55;
	v41 =	vld.idx.msk [tilespmem:v41+s18+$0x0], $0xffff;
	v37 =	vcvt.f32.s32 v37  }
0x5c0: {  	v49 =	vtrunc.f32 v56;
	v26 =	vmul.f32 v45, v26;
	v42 =	vld.idx.msk [tilespmem:v42+s18+$0x0], $0xffff  }
0x5c1: {  	v45 =	vtrunc.f32 v30;
	[tilespmem:s17+$0x10000] =	vst v31;
	v31 =	vadd.f32 v24, v40;
	v40 =	vtrunc.f32 v28;
	v44 =	vld.idx.msk [tilespmem:v44+s18+$0x0], $0xffff  }
0x5c2: {  	v32 =	vcvt.f32.s32 v32;
	v50 =	vtrunc.f32 v27;
	v43 =	vadd.f32 v26, v43;
	v24 =	vld [tilespmem:s17+$0x81B0]  }
0x5c3: {  	v46 =	vcvt.f32.s32 v46;
	v38 =	vadd.f32 v25, v38;
	[tilespmem:s17+$0x10010] =	vst v31;
	v31 =	vcvt.f32.s32 v48;
	v26 =	vld [tilespmem:s17+$0x81C0]  }
0x5c4: {  	v40 =	vcvt.f32.s32 v40;
	v29 =	vadd.f32 v29, v39;
	v39 =	vcvt.f32.s32 v49;
	v25 =	vld [tilespmem:s17+$0x81D0];
	[tilespmem:s17+$0x10170] =	vst v43  }
0x5c5: {  	v35 =	vadd.f32 v35, v41;
	v41 =	vcvt.f32.s32 v50;
	[tilespmem:s17+$0x10020] =	vst v38;
	v38 =	vcvt.f32.s32 v45;
	v43 =	vld.idx.msk [tilespmem:v37+s3+$0x0], $0xffff  }
0x5c6: {  	v16 =	vmul.f32 $1.000000000e+03, v16;
	v18 =	vmul.f32 $1.000000000e+03, v18;
	[tilespmem:s17+$0x10030] =	vst v29;
	v29 =	vadd.f32 v36, v42;
	v36 =	vld [tilespmem:s17+$0x81E0]  }
0x5c7: {  	v19 =	vmul.f32 $1.000000000e+03, v19;
	v20 =	vmul.f32 $1.000000000e+03, v20;
	v33 =	vadd.f32 v33, v44;
	[tilespmem:s17+$0x10040] =	vst v35;
	v35 =	vld.idx.msk [tilespmem:v37+s18+$0x0], $0xffff  }
0x5c8: {  	v16 =	vadd.f32 $2.048000000e+03, v16;
	v21 =	vmul.f32 $1.000000000e+03, v21;
	v23 =	vmul.f32 $1.000000000e+03, v23;
	v37 =	vld.idx.msk [tilespmem:v32+s3+$0x0], $0xffff;
	[tilespmem:s17+$0x10050] =	vst v29  }
0x5c9: {  	v18 =	vadd.f32 $2.048000000e+03, v18;
	v19 =	vadd.f32 $2.048000000e+03, v19;
	v22 =	vmul.f32 $1.000000000e+03, v22;
	v29 =	vld.idx.msk [tilespmem:v31+s3+$0x0], $0xffff;
	[tilespmem:s17+$0x10060] =	vst v33  }
0x5ca: {  	v16 =	vmax.f32 v16, $0.0e+00;
	v20 =	vadd.f32 $2.048000000e+03, v20;
	v21 =	vadd.f32 $2.048000000e+03, v21;
	v33 =	vld.idx.msk [tilespmem:v46+s3+$0x0], $0xffff  }
0x5cb: {  	v23 =	vadd.f32 $2.048000000e+03, v23;
	v22 =	vadd.f32 $2.048000000e+03, v22;
	v34 =	vmul.f32 v34, v43;
	v42 =	vld.idx.msk [tilespmem:v39+s3+$0x0], $0xffff  }
0x5cc: {  	v18 =	vmax.f32 v18, $0.0e+00;
	v19 =	vmax.f32 v19, $0.0e+00;
	v20 =	vmax.f32 v20, $0.0e+00;
	v43 =	vld.idx.msk [tilespmem:v40+s3+$0x0], $0xffff  }
0x5cd: {  	v21 =	vmax.f32 v21, $0.0e+00;
	v23 =	vmax.f32 v23, $0.0e+00;
	v34 =	vadd.f32 v34, v35;
	v44 =	vld.idx.msk [tilespmem:v38+s3+$0x0], $0xffff  }
0x5ce: {  	v22 =	vmax.f32 v22, $0.0e+00;
	v35 =	vmul.f32 v47, v37;
	v37 =	vmin.f32 v16, $4.095000000e+03;
	v16 =	vld.idx.msk [tilespmem:v41+s3+$0x0], $0xffff  }
0x5cf: {  	v45 =	vmin.f32 v18, $4.095000000e+03;
	v47 =	vmin.f32 v19, $4.095000000e+03;
	v29 =	vmul.f32 v52, v29;
	v32 =	vld.idx.msk [tilespmem:v32+s18+$0x0], $0xffff;
	[tilespmem:s17+$0x101F0] =	vst v34  }
0x5d0: {  	v19 =	vmul.f32 v55, v33;
	v33 =	vmin.f32 v21, $4.095000000e+03;
	v18 =	vld.idx.msk [tilespmem:v31+s18+$0x0], $0xffff;
	v31 =	vmin.f32 v20, $4.095000000e+03  }
0x5d1: {  	v34 =	vmin.f32 v23, $4.095000000e+03;
	v21 =	vmul.f32 v56, v42;
	v42 =	vmin.f32 v22, $4.095000000e+03;
	v20 =	vld.idx.msk [tilespmem:v46+s18+$0x0], $0xffff  }
0x5d2: {  	v22 =	vtrunc.f32 v37;
	v28 =	vmul.f32 v28, v43;
	v23 =	vld.idx.msk [tilespmem:v39+s18+$0x0], $0xffff  }
0x5d3: {  	v39 =	vtrunc.f32 v45;
	v30 =	vmul.f32 v30, v44;
	v40 =	vld.idx.msk [tilespmem:v40+s18+$0x0], $0xffff  }
0x5d4: {  	v43 =	vtrunc.f32 v47;
	v27 =	vmul.f32 v27, v16;
	v38 =	vld.idx.msk [tilespmem:v38+s18+$0x0], $0xffff  }
0x5d5: {  	v16 =	vadd.f32 v35, v32;
	v32 =	vtrunc.f32 v31;
	v35 =	vtrunc.f32 v33;
	v41 =	vld.idx.msk [tilespmem:v41+s18+$0x0], $0xffff  }
0x5d6: {  	v44 =	vtrunc.f32 v42;
	v18 =	vadd.f32 v29, v18;
	v29 =	vtrunc.f32 v34;
	v46 =	vld.idx.msk [tilespmem:v5+s3+$0x0], $0xffff  }
0x5d7: {  	v22 =	vcvt.f32.s32 v22;
	v39 =	vcvt.f32.s32 v39;
	[tilespmem:s17+$0x10080] =	vst v16;
	v16 =	vadd.f32 v19, v20;
	v48 =	vld.idx.msk [tilespmem:v6+s3+$0x0], $0xffff  }
0x5d8: {  	v43 =	vcvt.f32.s32 v43;
	v32 =	vcvt.f32.s32 v32;
	[tilespmem:s17+$0x10090] =	vst v18;
	v18 =	vadd.f32 v21, v23;
	v49 =	vld.idx.msk [tilespmem:v12+s3+$0x0], $0xffff  }
0x5d9: {  	v29 =	vcvt.f32.s32 v29;
	v19 =	vadd.f32 v28, v40;
	v28 =	vcvt.f32.s32 v35;
	[tilespmem:s17+$0x100A0] =	vst v16;
	v16 =	vld.idx.msk [tilespmem:v11+s3+$0x0], $0xffff  }
0x5da: {  	v15 =	vmul.f32 $1.000000000e+03, v15;
	v20 =	vadd.f32 v30, v38;
	v30 =	vcvt.f32.s32 v44;
	[tilespmem:s17+$0x100B0] =	vst v18;
	v18 =	vld.idx.msk [tilespmem:v10+s3+$0x0], $0xffff  }
0x5db: {  	v14 =	vmul.f32 $1.000000000e+03, v14;
	v21 =	vmul.f32 $1.000000000e+03, v17;
	[tilespmem:s17+$0x100C0] =	vst v19;
	v19 =	vadd.f32 v27, v41;
	v17 =	vld.idx.msk [tilespmem:v9+s3+$0x0], $0xffff  }
0x5dc: {  	v15 =	vadd.f32 $2.048000000e+03, v15;
	v23 =	vmul.f32 $1.000000000e+03, v24;
	v24 =	vmul.f32 $1.000000000e+03, v26;
	[tilespmem:s17+$0x100D0] =	vst v20;
	v8 =	vld.idx.msk [tilespmem:v8+s18+$0x0], $0xffff  }
0x5dd: {  	v14 =	vadd.f32 $2.048000000e+03, v14;
	v25 =	vmul.f32 $1.000000000e+03, v25;
	v20 =	vld.idx.msk [tilespmem:v22+s3+$0x0], $0xffff;
	[tilespmem:s17+$0x100E0] =	vst v19;
	v19 =	vmul.f32 $1.000000000e+03, v36  }
0x5de: {  	v15 =	vmax.f32 v15, $0.0e+00;
	v21 =	vadd.f32 $2.048000000e+03, v21;
	v23 =	vadd.f32 $2.048000000e+03, v23;
	v26 =	vld.idx.msk [tilespmem:v39+s3+$0x0], $0xffff  }
0x5df: {  	v14 =	vmax.f32 v14, $0.0e+00;
	v25 =	vadd.f32 $2.048000000e+03, v25;
	v24 =	vadd.f32 $2.048000000e+03, v24;
	v27 =	vld.idx.msk [tilespmem:v43+s3+$0x0], $0xffff  }
0x5e0: {  	v21 =	vmax.f32 v21, $0.0e+00;
	v23 =	vmax.f32 v23, $0.0e+00;
	v36 =	vadd.f32 $2.048000000e+03, v19;
	v35 =	vld.idx.msk [tilespmem:v32+s3+$0x0], $0xffff  }
0x5e1: {  	v25 =	vmax.f32 v25, $0.0e+00;
	v24 =	vmax.f32 v24, $0.0e+00;
	v19 =	vmin.f32 v15, $4.095000000e+03;
	v15 =	vld.idx.msk [tilespmem:v28+s3+$0x0], $0xffff  }
0x5e2: {  	v38 =	vmin.f32 v14, $4.095000000e+03;
	v40 =	vmin.f32 v21, $4.095000000e+03;
	v36 =	vmax.f32 v36, $0.0e+00;
	v14 =	vld.idx.msk [tilespmem:v29+s3+$0x0], $0xffff  }
0x5e3: {  	v23 =	vmin.f32 v23, $4.095000000e+03;
	v37 =	vmul.f32 v37, v20;
	v20 =	vmin.f32 v24, $4.095000000e+03;
	v24 =	vld.idx.msk [tilespmem:v30+s3+$0x0], $0xffff  }
0x5e4: {  	v21 =	vmin.f32 v25, $4.095000000e+03;
	v26 =	vmul.f32 v45, v26;
	v41 =	vld.idx.msk [tilespmem:v22+s18+$0x0], $0xffff;
	v22 =	vmin.f32 v36, $4.095000000e+03  }
0x5e5: {  	v25 =	vtrunc.f32 v19;
	v8 =	vadd.f32 v13, v8;
	v27 =	vmul.f32 v47, v27;
	v36 =	vld.idx.msk [tilespmem:v39+s18+$0x0], $0xffff  }
0x5e6: {  	v13 =	vtrunc.f32 v38;
	v31 =	vmul.f32 v31, v35;
	v39 =	vld.idx.msk [tilespmem:v43+s18+$0x0], $0xffff  }
0x5e7: {  	v35 =	vtrunc.f32 v40;
	v33 =	vmul.f32 v33, v15;
	v32 =	vld.idx.msk [tilespmem:v32+s18+$0x0], $0xffff;
	[tilespmem:s11+$0x10180] =	vst v8  }
0x5e8: {  	v15 =	vtrunc.f32 v23;
	v34 =	vmul.f32 v34, v14;
	v28 =	vld.idx.msk [tilespmem:v28+s18+$0x0], $0xffff  }
0x5e9: {  	v14 =	vtrunc.f32 v20;
	v42 =	vmul.f32 v42, v24;
	v43 =	vld.idx.msk [tilespmem:v29+s18+$0x0], $0xffff  }
0x5ea: {  	v24 =	vadd.f32 v37, v41;
	v29 =	vtrunc.f32 v21;
	v37 =	vtrunc.f32 v22;
	v30 =	vld.idx.msk [tilespmem:v30+s18+$0x0], $0xffff  }
0x5eb: {  	v8 =	vcvt.f32.s32 v25;
	v36 =	vadd.f32 v26, v36;
	v25 =	vld.idx.msk [tilespmem:v5+s18+$0x0], $0xffff;
	v5 =	vcvt.f32.s32 v13  }
.Ltmp14:
0x5ec: {  	v15 =	vcvt.f32.s32 v15;
	[tilespmem:s17+$0x10100] =	vst v24;
	v24 =	vadd.f32 v27, v39;
	v26 =	vld.idx.msk [tilespmem:v6+s18+$0x0], $0xffff;
	v6 =	vcvt.f32.s32 v35;
	(pc) =	sbr.rel @p0 .LBB2_21-.Ltmp14, $4  }
0x5ed: {  	v14 =	vcvt.f32.s32 v14;
	v13 =	vcvt.f32.s32 v29;
	v32 =	vadd.f32 v31, v32;
	[tilespmem:s17+$0x10110] =	vst v36;
	v29 =	vld.idx.msk [tilespmem:v12+s18+$0x0], $0xffff  }
0x5ee: {  	v31 =	vmul.f32 v4, v46;
	v12 =	vadd.f32 v33, v28;
	[tilespmem:s17+$0x10120] =	vst v24;
	v24 =	vcvt.f32.s32 v37;
	v27 =	vld.idx.msk [tilespmem:v11+s18+$0x0], $0xffff  }
0x5ef: {  	v4 =	vmov v38;
	v33 =	vadd.f32 v34, v43;
	[tilespmem:s17+$0x10130] =	vst v32;
	v32 =	vmul.f32 v3, v48;
	v28 =	vld.idx.msk [tilespmem:v10+s18+$0x0], $0xffff  }
0x5f0: {  	s21 =	sadd.s32 $0x800, s21;
	v10 =	vmul.f32 v7, v49;
	v3 =	vmov v40;
	[tilespmem:s17+$0x10140] =	vst v12;
	v12 =	vadd.f32 v42, v30;
	v30 =	vld.idx.msk [tilespmem:v9+s18+$0x0], $0xffff  }
0x5f1: {  	_ =	sdelay $0x3  }
0x5f2: {  	v7 =	vld.idx.msk [tilespmem:v8+s3+$0x0], $0xffff  }
0x5f3: {  	v9 =	vld.idx.msk [tilespmem:v5+s3+$0x0], $0xffff  }
0x5f4: {  	v11 =	vld.idx.msk [tilespmem:v6+s3+$0x0], $0xffff  }
0x5f5: {  	v34 =	vld.idx.msk [tilespmem:v15+s3+$0x0], $0xffff  }
0x5f6: {  	v45 =	vld.idx.msk [tilespmem:v14+s3+$0x0], $0xffff  }
0x5f7: {  	v49 =	vld.idx.msk [tilespmem:v8+s18+$0x0], $0xffff  }
0x5f8: {  	[tilespmem:s17+$0x10150] =	vst v33;
	v25 =	vadd.f32 v31, v25;
	v50 =	vld.idx.msk [tilespmem:v5+s18+$0x0], $0xffff  }
0x5f9: {  	v1 =	vmul.f32 v1, v16;
	v48 =	vadd.f32 v32, v26;
	v51 =	vld.idx.msk [tilespmem:v6+s18+$0x0], $0xffff;
	[tilespmem:s17+$0x10160] =	vst v12  }
0x5fa: {  	v2 =	vmul.f32 v2, v18;
	v52 =	vld.idx.msk [tilespmem:v15+s18+$0x0], $0xffff;
	v10 =	vadd.f32 v10, v29;
	[tilespmem:s11+$0x10190] =	vst v25  }
0x5fb: {  	v0 =	vmul.f32 v0, v17;
	v54 =	vld.idx.msk [tilespmem:v14+s18+$0x0], $0xffff;
	v1 =	vadd.f32 v1, v27;
	[tilespmem:s11+$0x101A0] =	vst v48  }
0x5fc: {  	v46 =	vld.idx.msk [tilespmem:v13+s3+$0x0], $0xffff;
	v2 =	vadd.f32 v2, v28;
	[tilespmem:s11+$0x101B0] =	vst v10;
	v7 =	vmul.f32 v19, v7  }
0x5fd: {  	v47 =	vld.idx.msk [tilespmem:v24+s3+$0x0], $0xffff;
	v0 =	vadd.f32 v0, v30;
	[tilespmem:s11+$0x101C0] =	vst v1;
	v53 =	vmul.f32 v4, v9  }
0x5fe: {  	v56 =	vld.idx.msk [tilespmem:v13+s18+$0x0], $0xffff;
	[tilespmem:s11+$0x101D0] =	vst v2;
	v3 =	vmul.f32 v3, v11;
	v55 =	vadd.f32 v7, v49  }
0x5ff: {  	v58 =	vld.idx.msk [tilespmem:v24+s18+$0x0], $0xffff;
	v57 =	vmul.f32 v23, v34;
	[tilespmem:s11+$0x101E0] =	vst v0;
	v1 =	vadd.f32 v53, v50  }
0x600: {  	v59 =	vmul.f32 v20, v45;
	v3 =	vadd.f32 v3, v51;
	[tilespmem:s17+$0x10180] =	vst v55  }
0x601: {  	v60 =	vmul.f32 v21, v46;
	v0 =	vadd.f32 v57, v52;
	[tilespmem:s17+$0x10190] =	vst v1  }
0x602: {  	p0 =	seq.s32 s12, $0x1F;
	v61 =	vmul.f32 v22, v47;
	v2 =	vadd.f32 v59, v54;
	[tilespmem:s17+$0x101A0] =	vst v3  }
.Ltmp15:
0x603: {  	v62 =	vadd.f32 v60, v56;
	[tilespmem:s17+$0x101B0] =	vst v0;
	(pc) =	sbr.rel @p0 .LBB2_24-.Ltmp15, $4  }
0x604: {  	v63 =	vadd.f32 v61, v58;
	[tilespmem:s17+$0x101C0] =	vst v2  }
0x605: {  	[tilespmem:s17+$0x101D0] =	vst v62  }
0x606: {  	s1 =	sadd.s32 s10, s14;
	[tilespmem:s17+$0x101E0] =	vst v63  }
0x607: {  	[hbm4b:s1+s19] =	stream.strided.scatter [tilespmem:s9], [sflag:$0x8], $0x2000, s20, s19, $0x38;
	[tilespmem:$0x12000] =	vst v63  }
.Ltmp16:
0x608: {  	(pc) =	sbr.rel .LBB2_2-.Ltmp16, $4  }
0x609: {  	s1 =	sadd.s32 s16, s15  }
0x60a: {  	s1 =	sshrl.u32 s1, $0x3  }
0x60b: {  	s10 =	simm.s32 $0x8000;
	s12 =	sadd.s32 $0x1, s12;
	s1 =	sadd.s32 s1, s8  }
0x60c: {  	[tilespmem:s10], [sflag:$0x4] =	stream.strided.gather [hbm4b:s1+s19], $0x2000, s20, s19, $0x38;
	[tilespmem:$0x12000] =	vst v63  }
.LBB2_25:
0x60d: {  	_ =	sfence.sel $0x180000  }
0x60e: {  	[bflag:$0x0] =	sbarrier.arrive $0xFFFF  }
0x60f: {  	_ =	strace $0x90000047  }
0x610: {  	s0 =	stileid.u32;
	[bflag:$0x2] =	sbarrier.arrive $0xFFFF  }
0x611: {  	p0 =	sne.s32 s0, $0x0;
	s0 =	rddreg [dreg:$0x3]  }
0x612: {  	s0 =	sadd.s32 @!p0 $0x100000, s0  }
0x613: {  	[sflag:s0] =	ssyncadd.tile.s32 @!p0 $0x1;
	_ =	shalt  }
.Lfunc_end2:
_tile_overlayer_lowered:
.L_overlay_start_2:
0x614: {  	(tag) =	ssettag $0x2  }
0x615: {  	s0 =	rddreg [dreg:$0x0];
	s2 =	stileid.u32  }
0x616: {  	s1 =	rddreg [dreg:$0x1];
	p0 =	sne.s32 s2, $0x0  }
0x617: {  	s3 =	rddreg [dreg:$0x2];
	[bflag:$0x3] =	sbarrier.arrive $0xFFFF;
	s2 =	simm.s32 @!p0 $0x1C09  }
0x618: {  	[timem:s3], [sflag:s2] =	dma.local @!p0 [hbm:s0], s1  }
0x619: {  	s0 =	simm.s32 @!p0 $0x9  }
0x61a: {  	_ =	swait.ge @!p0 [sflag:s0], s1  }
0x61b: {  	s1 =	ssub.s32 @!p0 $0x0, s1;
	[sflag:s0] =	ssyncset.done @!p0 $0x0  }
0x61c: {  	[sflag:s0] =	ssyncadd.s32 @!p0 s1  }
0x61d: {  	[bflag:$0x3] =	sbarrier.arrive $0xFFFF  }
0x61e: {  	_ =	shalt  }

</sc_bundles>
